<compile_context>
chip_gen: v7x
topology: tpu7x:2x2x1
jax: 0.10.2.dev20260603
libtpu: 0.0.44.dev20260713+nightly
codegen_flags: <defaults>
</compile_context>

<pallas_src>
import functools

import jax
import jax.numpy as jnp
from jax import lax
from jax.experimental import pallas as pl
from jax.experimental.pallas import tpu as pltpu
from jax.experimental.pallas import tpu_sc as plsc

N = 10000
E = 320000
D_IN = 128
HID = 128
NUM_CLASSES = 40

NC = 2
NS = 16
NW = NC * NS
CH = 128
NR = 5
NCHUNK = 80
EPT = CH * NCHUNK
E_PAD = EPT * NW
HW = 64
N_PAD = 10240
C_PAD = 48
ROWS_PT = N_PAD // NS

_mesh = plsc.VectorSubcoreMesh(core_axis_name="c", subcore_axis_name="s")
_sc_params = pltpu.CompilerParams(needs_layout_passes=False, use_tc_tiling_on_sc=False)



@functools.partial(
    pl.kernel,
    out_type=jax.ShapeDtypeStruct((NW, N_PAD), jnp.float32),
    mesh=_mesh,
    compiler_params=_sc_params,
    scratch_types=[
        pltpu.VMEM((N_PAD,), jnp.float32),
        pltpu.VMEM((EPT,), jnp.int32),
    ],
)
def _deg_sc(dst_hbm, out_hbm, hist_v, dstbuf_v):
    c = lax.axis_index("c")
    s = lax.axis_index("s")
    wid = s * NC + c

    def zero(i, _):
        hist_v[pl.ds(i * 16, 16)] = jnp.zeros((16,), jnp.float32)
        return ()

    lax.fori_loop(0, N_PAD // 16, zero, ())
    pltpu.sync_copy(dst_hbm.at[pl.ds(wid * EPT, EPT)], dstbuf_v)
    ones = jnp.ones((16,), jnp.float32)

    def body(i, _):
        idx = dstbuf_v[pl.ds(i * 16, 16)]
        plsc.addupdate_scatter(hist_v, [idx], ones)
        return ()

    lax.fori_loop(0, EPT // 16, body, ())
    pltpu.sync_copy(hist_v, out_hbm.at[wid])


@functools.partial(
    pl.kernel,
    out_type=tuple(jax.ShapeDtypeStruct((N_PAD, HW), jnp.float32)
                   for _ in range(4)),
    mesh=_mesh,
    compiler_params=_sc_params,
    scratch_types=(
        [pltpu.VMEM((2, CH), jnp.int32) for _ in range(NR)]
        + [pltpu.VMEM((CH, HW), jnp.float32) for _ in range(NR)]
        + [pltpu.VMEM_SHARED((N_PAD, HW), jnp.float32)]
        + [pltpu.VMEM_SHARED((N_PAD, HW), jnp.float32)]
        + [pltpu.SemaphoreType.DMA for _ in range(2 * NR)]
    ),
)
def _agg_sc(ei_hbm, ulo_hbm, uhi_hbm, zeros_hbm,
            o0lo, o0hi, o1lo, o1hi, *scr):
    idx_v = scr[:NR]
    rows_v = scr[NR:2 * NR]
    u_sh = scr[2 * NR]
    acc_sh = scr[2 * NR + 1]
    isem = scr[2 * NR + 2:3 * NR + 2]
    gsem = scr[3 * NR + 2:4 * NR + 2]
    c = lax.axis_index("c")
    s = lax.axis_index("s")
    wid = s * NC + c
    rslice = pl.ds(s * ROWS_PT, ROWS_PT)
    cbase = wid * NCHUNK

    for u_hbm, out0, out1 in ((ulo_hbm, o0lo, o1lo), (uhi_hbm, o0hi, o1hi)):
        ucp = pltpu.async_copy(u_hbm.at[rslice], u_sh.at[rslice], isem[0])
        pltpu.sync_copy(zeros_hbm.at[rslice], acc_sh.at[rslice])
        ucp.wait()
        for b in range(NR):
            pltpu.async_copy(ei_hbm.at[cbase + b], idx_v[b], isem[b])
        plsc.subcore_barrier()
        for j in range(NR - 1):
            pltpu.make_async_copy(ei_hbm.at[cbase + j],
                                  idx_v[j], isem[j]).wait()
            pltpu.async_copy(u_sh.at[idx_v[j].at[0]], rows_v[j], gsem[j])

        def body(q, _):
            for b in range(NR):
                i = q * NR + b
                bg = (b + NR - 1) % NR

                @pl.when(i + NR - 1 < NCHUNK)
                def _():
                    pltpu.make_async_copy(ei_hbm.at[cbase + i + NR - 1],
                                          idx_v[bg], isem[bg]).wait()
                    pltpu.async_copy(u_sh.at[idx_v[bg].at[0]],
                                     rows_v[bg], gsem[bg])

                pltpu.make_async_copy(u_sh.at[idx_v[b].at[0]],
                                      rows_v[b], gsem[b]).wait()
                pltpu.sync_copy(rows_v[b], acc_sh.at[idx_v[b].at[1]], add=True)

                @pl.when(i + NR < NCHUNK)
                def _():
                    pltpu.async_copy(ei_hbm.at[cbase + i + NR],
                                     idx_v[b], isem[b])

            return ()

        lax.fori_loop(0, NCHUNK // NR, body, ())
        plsc.subcore_barrier()

        @pl.when(c == 0)
        def _():
            pltpu.sync_copy(acc_sh.at[rslice], out0.at[rslice])

        @pl.when(c == 1)
        def _():
            pltpu.sync_copy(acc_sh.at[rslice], out1.at[rslice])

        plsc.subcore_barrier()



def _dinv_body(part_ref, out_ref):
    deg = jnp.sum(part_ref[...], axis=0) + 1.0
    out_ref[...] = lax.rsqrt(deg)


def _u1_body(x_ref, w_ref, dinv_ref, lo_ref, hi_ref):
    xw = jnp.dot(x_ref[...], w_ref[...], preferred_element_type=jnp.float32)
    u = xw * dinv_ref[...]
    lo_ref[...] = u[:, :HW]
    hi_ref[...] = u[:, HW:]


def _u2_body(a0lo_ref, a0hi_ref, a1lo_ref, a1hi_ref, u1lo_ref, u1hi_ref,
             dinv_ref, b1lo_ref, b1hi_ref, lo_ref, hi_ref):
    dinv = dinv_ref[...]
    hlo = dinv * (a0lo_ref[...] + a1lo_ref[...] + u1lo_ref[...]) + b1lo_ref[...]
    hhi = dinv * (a0hi_ref[...] + a1hi_ref[...] + u1hi_ref[...]) + b1hi_ref[...]
    lo_ref[...] = dinv * jnp.maximum(hlo, 0.0)
    hi_ref[...] = dinv * jnp.maximum(hhi, 0.0)


def _out_body(c0lo_ref, c0hi_ref, c1lo_ref, c1hi_ref, u2lo_ref, u2hi_ref,
              dinv_ref, w2lo_ref, w2hi_ref, b2_ref, out_ref):
    dinv = dinv_ref[...]
    agg_lo = dinv * (c0lo_ref[...] + c1lo_ref[...] + u2lo_ref[...])
    agg_hi = dinv * (c0hi_ref[...] + c1hi_ref[...] + u2hi_ref[...])
    z = (jnp.dot(agg_lo, w2lo_ref[...], preferred_element_type=jnp.float32)
         + jnp.dot(agg_hi, w2hi_ref[...], preferred_element_type=jnp.float32)
         + b2_ref[...])
    col = lax.broadcasted_iota(jnp.int32, z.shape, 1)
    z = jnp.where(col < NUM_CLASSES, z, -jnp.inf)
    m = jnp.max(z, axis=1, keepdims=True)
    e = jnp.exp(z - m)
    lse = jnp.log(jnp.sum(e, axis=1, keepdims=True))
    out_ref[...] = z - m - lse


_R = 1024
_G = N_PAD // _R


def _row_spec(w):
    return pl.BlockSpec((_R, w), lambda i: (i, 0))


def _const_spec(shape):
    return pl.BlockSpec(shape, lambda i: (0, 0))


def kernel(x, edge_index, W1, b1, W2, b2):
    f32 = jnp.float32
    src = edge_index[0]
    dst = edge_index[1]
    pad_idx = jnp.full((E_PAD - E,), N_PAD - 1, dtype=src.dtype)
    src_p = jnp.concatenate([src, pad_idx])
    dst_p = jnp.concatenate([dst, pad_idx])
    ei3 = jnp.stack([jnp.reshape(src_p, (E_PAD // CH, CH)),
                     jnp.reshape(dst_p, (E_PAD // CH, CH))], axis=1)
    x_p = jnp.pad(x, ((0, N_PAD - N), (0, 0)))
    w2_p = jnp.pad(W2, ((0, 0), (0, C_PAD - NUM_CLASSES)))
    b1lo = jnp.reshape(b1[:HW], (1, HW))
    b1hi = jnp.reshape(b1[HW:], (1, HW))
    b2r = jnp.reshape(jnp.pad(b2, (0, C_PAD - NUM_CLASSES)), (1, C_PAD))
    zeros64 = jnp.zeros((N_PAD, HW), f32)

    deg_part = _deg_sc(dst_p)

    dinv = pl.pallas_call(
        _dinv_body,
        out_shape=jax.ShapeDtypeStruct((N_PAD,), f32),
    )(deg_part)
    dinv2 = jnp.reshape(dinv, (N_PAD, 1))

    u1lo, u1hi = pl.pallas_call(
        _u1_body,
        grid=(_G,),
        in_specs=[_row_spec(D_IN), _const_spec((D_IN, HID)), _row_spec(1)],
        out_specs=(_row_spec(HW), _row_spec(HW)),
        out_shape=(jax.ShapeDtypeStruct((N_PAD, HW), f32),
                   jax.ShapeDtypeStruct((N_PAD, HW), f32)),
    )(x_p, W1, dinv2)

    a0lo, a0hi, a1lo, a1hi = _agg_sc(ei3, u1lo, u1hi, zeros64)

    u2lo, u2hi = pl.pallas_call(
        _u2_body,
        grid=(_G,),
        in_specs=[_row_spec(HW)] * 6
        + [_row_spec(1), _const_spec((1, HW)), _const_spec((1, HW))],
        out_specs=(_row_spec(HW), _row_spec(HW)),
        out_shape=(jax.ShapeDtypeStruct((N_PAD, HW), f32),
                   jax.ShapeDtypeStruct((N_PAD, HW), f32)),
    )(a0lo, a0hi, a1lo, a1hi, u1lo, u1hi, dinv2, b1lo, b1hi)

    c0lo, c0hi, c1lo, c1hi = _agg_sc(ei3, u2lo, u2hi, zeros64)

    out = pl.pallas_call(
        _out_body,
        grid=(_G,),
        in_specs=[_row_spec(HW)] * 6
        + [_row_spec(1), _const_spec((HW, C_PAD)), _const_spec((HW, C_PAD)),
           _const_spec((1, C_PAD))],
        out_specs=_row_spec(C_PAD),
        out_shape=jax.ShapeDtypeStruct((N_PAD, C_PAD), f32),
    )(c0lo, c0hi, c1lo, c1hi, u2lo, u2hi, dinv2,
      w2_p[:HW], w2_p[HW:], b2r)

    return out[:N, :NUM_CLASSES]

# --- scband reference (transcript-rebuilt; emitter-appended) ---
"""Pipeline reference for scband-gcn-15917148799233 (READ-ONLY COPY).

The authoritative reference and input builder live on the scoring server;
editing this copy changes nothing except your own understanding.
"""

import jax, jax.numpy as jnp
import numpy as np

N = 10000
E = 320000
D_IN = 128
HID = 128
NUM_CLASSES = 40


def gcn_conv(x, src, dst, W, b):
    # Faithful PyG GCNConv (default settings): add self-loops, symmetric normalization,
    # linear transform, scatter-add aggregation over destination nodes, plus bias.
    n = x.shape[0]
    loop = jnp.arange(n, dtype=src.dtype)
    s = jnp.concatenate([src, loop])
    d = jnp.concatenate([dst, loop])
    xw = x @ W
    deg = jnp.zeros((n,), dtype=x.dtype).at[d].add(1.0)
    dinv = jnp.where(deg > 0, jax.lax.rsqrt(deg), 0.0)
    norm = dinv[s] * dinv[d]
    msg = xw[s] * norm[:, None]
    out = jnp.zeros_like(xw).at[d].add(msg)
    return out + b


def setup_inputs(seed: int = 0) -> dict:
    key = jax.random.key(seed)
    k1, k2, k3, k4 = jax.random.split(key, 4)
    x = jax.random.normal(k1, (N, D_IN), dtype=jnp.float32)
    edge_index = jax.random.randint(k2, (2, E), 0, N, dtype=jnp.int32)
    W1 = jax.random.normal(k3, (D_IN, HID), dtype=jnp.float32) * (1.0 / np.sqrt(D_IN))
    b1 = jnp.zeros((HID,), dtype=jnp.float32)
    W2 = jax.random.normal(k4, (HID, NUM_CLASSES), dtype=jnp.float32) * (1.0 / np.sqrt(HID))
    b2 = jnp.zeros((NUM_CLASSES,), dtype=jnp.float32)
    return {"x": x, "edge_index": edge_index, "W1": W1, "b1": b1, "W2": W2, "b2": b2}


def reference(x, edge_index, W1, b1, W2, b2):
    src = edge_index[0]
    dst = edge_index[1]
    h = gcn_conv(x, src, dst, W1, b1)
    h = jax.nn.relu(h)
    # F.dropout with training=False is the identity (eval mode)
    h = gcn_conv(h, src, dst, W2, b2)
    return jax.nn.log_softmax(h, axis=1)

if __name__ == "__main__":
    import jax
    _d = setup_inputs()
    print(jax.jit(kernel)(*tuple(_d.values())))

</pallas_src>

<mosaic_0001>
#map = affine_map<(d0, d1) -> (0)>
#map1 = affine_map<(d0, d1) -> (0, 0)>
module attributes {stable_mosaic.version = 14 : i64} {
  func.func @_deg_sc(%arg0: i32, %arg1: i32, %arg2: memref<327680xi32, #tpu.memory_space<hbm>>, %arg3: memref<32x10240xf32, #tpu.memory_space<hbm>>, %arg4: memref<10240xf32, #tpu.memory_space<vmem>>, %arg5: memref<10240xi32, #tpu.memory_space<vmem>>) attributes {dimension_semantics = [#tpu.dimension_semantics<core_parallel>, #tpu.dimension_semantics<subcore_parallel>], iteration_bounds = array<i64: 2, 16>, scalar_prefetch = 0 : i64, scratch_operands = 2 : i64, tpu.core_type = #tpu.core_type<sc_vector_subcore>, window_params = [{transform_indices = #map}, {transform_indices = #map1}]} {
    %mul3A = arith.constant 2 : i32
    %mul3A_0 = arith.muli %arg1, %mul3A : i32
    %add3A = arith.addi %mul3A_0, %arg0 : i32
    %scan3A = arith.constant 0 : i32
    %scan3A_1 = arith.constant 640 : i32
    %scan3A_2 = arith.addi %scan3A, %scan3A_1 : i32
    %scan3A_3 = arith.constant 1 : i32
    scf.for %scan3A_13 = %scan3A to %scan3A_2 step %scan3A_3  : i32 {
      %broadcast_in_dim3A_14 = arith.constant 0.000000e+00 : f32
      %broadcast_in_dim3A_15 = vector.broadcast %broadcast_in_dim3A_14 : f32 to vector<16xf32>
      %mul3A_16 = arith.constant 16 : i32
      %mul3A_17 = arith.muli %scan3A_13, %mul3A_16 : i32
      %swap3A = arith.index_cast %mul3A_17 : i32 to index
      %swap3A_18 = tpu.vector_load %arg4[%swap3A] {strides = array<i32>} : memref<10240xf32, #tpu.memory_space<vmem>>, vector<16xf32>,
      tpu.vector_store %arg4[%swap3A], %broadcast_in_dim3A_15 {strides = array<i32>} : memref<10240xf32, #tpu.memory_space<vmem>>, vector<16xf32>,
    }
    %scan3A_4 = arith.constant 640 : i32
    %mul3A_5 = arith.constant 10240 : i32
    %mul3A_6 = arith.muli %add3A, %mul3A_5 : i32
    "tpu.region"() ({
      %run_scoped3A = tpu.sem_alloc : memref<!tpu.dma_semaphore, #tpu.memory_space<semaphore_mem>>
      %dma_start3A = tpu.memref_slice %arg2[%mul3A_6] : memref<327680xi32, #tpu.memory_space<hbm>> -> memref<10240xi32, #tpu.memory_space<hbm>>
      %dma_start3A_13 = tpu.memref_slice %arg2[%mul3A_6] : memref<327680xi32, #tpu.memory_space<hbm>> -> memref<10240xi32, #tpu.memory_space<hbm>>
      tpu.enqueue_dma source(%dma_start3A_13 : memref<10240xi32, #tpu.memory_space<hbm>>) target(%arg5 : memref<10240xi32, #tpu.memory_space<vmem>>) target_semaphore(%run_scoped3A : memref<!tpu.dma_semaphore, #tpu.memory_space<semaphore_mem>>)
      %dma_wait3A = tpu.memref_slice %arg2[%mul3A_6] : memref<327680xi32, #tpu.memory_space<hbm>> -> memref<10240xi32, #tpu.memory_space<hbm>>
      %dma_wait3A_14 = tpu.memref_slice %arg2[%mul3A_6] : memref<327680xi32, #tpu.memory_space<hbm>> -> memref<10240xi32, #tpu.memory_space<hbm>>
      tpu.wait_dma2 semaphore(%run_scoped3A : memref<!tpu.dma_semaphore, #tpu.memory_space<semaphore_mem>>) src(%dma_wait3A_14 : memref<10240xi32, #tpu.memory_space<hbm>>) dst(%arg5 : memref<10240xi32, #tpu.memory_space<vmem>>)
      tpu.yield
    }) : () -> ()
    %broadcast_in_dim3A = arith.constant 1.000000e+00 : f32
    %broadcast_in_dim3A_7 = vector.broadcast %broadcast_in_dim3A : f32 to vector<16xf32>
    %scan3A_8 = arith.constant 0 : i32
    %scan3A_9 = arith.constant 640 : i32
    %scan3A_10 = arith.addi %scan3A_8, %scan3A_9 : i32
    %scan3A_11 = arith.constant 1 : i32
    scf.for %scan3A_13 = %scan3A_8 to %scan3A_10 step %scan3A_11  : i32 {
      %mul3A_14 = arith.constant 16 : i32
      %mul3A_15 = arith.muli %scan3A_13, %mul3A_14 : i32
      %get3A = arith.index_cast %mul3A_15 : i32 to index
      %get3A_16 = tpu.vector_load %arg5[%get3A] {strides = array<i32>} : memref<10240xi32, #tpu.memory_space<vmem>>, vector<16xi32>,
      tpu.vector_store_idx %arg4[%get3A_16], %broadcast_in_dim3A_7 {add = true} : memref<10240xf32, #tpu.memory_space<vmem>>[vector<16xi32>], vector<16xf32>,
    }
    %scan3A_12 = arith.constant 640 : i32
    "tpu.region"() ({
      %run_scoped3A = tpu.sem_alloc : memref<!tpu.dma_semaphore, #tpu.memory_space<semaphore_mem>>
      %dma_start3A = arith.constant 0 : i32
      %dma_start3A_13 = tpu.memref_slice %arg3[%add3A, %dma_start3A] : memref<32x10240xf32, #tpu.memory_space<hbm>> -> memref<1x10240xf32, #tpu.memory_space<hbm>>
      %dma_start3A_14 = tpu.memref_squeeze %dma_start3A_13 : memref<1x10240xf32, #tpu.memory_space<hbm>> -> memref<10240xf32, #tpu.memory_space<hbm>>
      %dma_start3A_15 = arith.constant 0 : i32
      %dma_start3A_16 = tpu.memref_slice %arg3[%add3A, %dma_start3A_15] : memref<32x10240xf32, #tpu.memory_space<hbm>> -> memref<1x10240xf32, #tpu.memory_space<hbm>>
      %dma_start3A_17 = tpu.memref_squeeze %dma_start3A_16 : memref<1x10240xf32, #tpu.memory_space<hbm>> -> memref<10240xf32, #tpu.memory_space<hbm>>
      tpu.enqueue_dma source(%arg4 : memref<10240xf32, #tpu.memory_space<vmem>>) target(%dma_start3A_17 : memref<10240xf32, #tpu.memory_space<hbm>>) target_semaphore(%run_scoped3A : memref<!tpu.dma_semaphore, #tpu.memory_space<semaphore_mem>>)
      %dma_wait3A = arith.constant 0 : i32
      %dma_wait3A_18 = tpu.memref_slice %arg3[%add3A, %dma_wait3A] : memref<32x10240xf32, #tpu.memory_space<hbm>> -> memref<1x10240xf32, #tpu.memory_space<hbm>>
      %dma_wait3A_19 = tpu.memref_squeeze %dma_wait3A_18 : memref<1x10240xf32, #tpu.memory_space<hbm>> -> memref<10240xf32, #tpu.memory_space<hbm>>
      %dma_wait3A_20 = arith.constant 0 : i32
      %dma_wait3A_21 = tpu.memref_slice %arg3[%add3A, %dma_wait3A_20] : memref<32x10240xf32, #tpu.memory_space<hbm>> -> memref<1x10240xf32, #tpu.memory_space<hbm>>
      %dma_wait3A_22 = tpu.memref_squeeze %dma_wait3A_21 : memref<1x10240xf32, #tpu.memory_space<hbm>> -> memref<10240xf32, #tpu.memory_space<hbm>>
      tpu.wait_dma2 semaphore(%run_scoped3A : memref<!tpu.dma_semaphore, #tpu.memory_space<semaphore_mem>>) src(%arg4 : memref<10240xf32, #tpu.memory_space<vmem>>) dst(%dma_wait3A_22 : memref<10240xf32, #tpu.memory_space<hbm>>)
      tpu.yield
    }) : () -> ()
    return
  }
}

#map = affine_map<(d0, d1) -> (0, 0, 0)>
#map1 = affine_map<(d0, d1) -> (0, 0)>
module attributes {stable_mosaic.version = 14 : i64} {
  func.func @_agg_sc(%arg0: i32, %arg1: i32, %arg2: memref<2560x2x128xi32, #tpu.memory_space<hbm>>, %arg3: memref<10240x64xf32, #tpu.memory_space<hbm>>, %arg4: memref<10240x64xf32, #tpu.memory_space<hbm>>, %arg5: memref<10240x64xf32, #tpu.memory_space<hbm>>, %arg6: memref<10240x64xf32, #tpu.memory_space<hbm>>, %arg7: memref<10240x64xf32, #tpu.memory_space<hbm>>, %arg8: memref<10240x64xf32, #tpu.memory_space<hbm>>, %arg9: memref<10240x64xf32, #tpu.memory_space<hbm>>, %arg10: memref<2x128xi32, #tpu.memory_space<vmem>>, %arg11: memref<2x128xi32, #tpu.memory_space<vmem>>, %arg12: memref<2x128xi32, #tpu.memory_space<vmem>>, %arg13: memref<2x128xi32, #tpu.memory_space<vmem>>, %arg14: memref<2x128xi32, #tpu.memory_space<vmem>>, %arg15: memref<128x64xf32, #tpu.memory_space<vmem>>, %arg16: memref<128x64xf32, #tpu.memory_space<vmem>>, %arg17: memref<128x64xf32, #tpu.memory_space<vmem>>, %arg18: memref<128x64xf32, #tpu.memory_space<vmem>>, %arg19: memref<128x64xf32, #tpu.memory_space<vmem>>, %arg20: memref<10240x64xf32, #tpu.memory_space<vmem_shared>>, %arg21: memref<10240x64xf32, #tpu.memory_space<vmem_shared>>, %arg22: memref<!tpu.dma_semaphore, #tpu.memory_space<semaphore_mem>>, %arg23: memref<!tpu.dma_semaphore, #tpu.memory_space<semaphore_mem>>, %arg24: memref<!tpu.dma_semaphore, #tpu.memory_space<semaphore_mem>>, %arg25: memref<!tpu.dma_semaphore, #tpu.memory_space<semaphore_mem>>, %arg26: memref<!tpu.dma_semaphore, #tpu.memory_space<semaphore_mem>>, %arg27: memref<!tpu.dma_semaphore, #tpu.memory_space<semaphore_mem>>, %arg28: memref<!tpu.dma_semaphore, #tpu.memory_space<semaphore_mem>>, %arg29: memref<!tpu.dma_semaphore, #tpu.memory_space<semaphore_mem>>, %arg30: memref<!tpu.dma_semaphore, #tpu.memory_space<semaphore_mem>>, %arg31: memref<!tpu.dma_semaphore, #tpu.memory_space<semaphore_mem>>) attributes {dimension_semantics = [#tpu.dimension_semantics<core_parallel>, #tpu.dimension_semantics<subcore_parallel>], iteration_bounds = array<i64: 2, 16>, scalar_prefetch = 0 : i64, scratch_operands = 22 : i64, tpu.core_type = #tpu.core_type<sc_vector_subcore>, window_params = [{transform_indices = #map}, {transform_indices = #map1}, {transform_indices = #map1}, {transform_indices = #map1}, {transform_indices = #map1}, {transform_indices = #map1}, {transform_indices = #map1}, {transform_indices = #map1}]} {
    %mul3A = arith.constant 2 : i32
    %mul3A_0 = arith.muli %arg1, %mul3A : i32
    %add3A = arith.addi %mul3A_0, %arg0 : i32
    %mul3A_1 = arith.constant 640 : i32
    %mul3A_2 = arith.muli %arg1, %mul3A_1 : i32
    %mul3A_3 = arith.constant 80 : i32
    %mul3A_4 = arith.muli %add3A, %mul3A_3 : i32
    %dma_start3A = arith.constant 0 : i32
    %dma_start3A_5 = tpu.memref_slice %arg20[%mul3A_2, %dma_start3A] : memref<10240x64xf32, #tpu.memory_space<vmem_shared>> -> memref<640x64xf32, #tpu.memory_space<vmem_shared>>
    %dma_start3A_6 = arith.constant 0 : i32
    %dma_start3A_7 = tpu.memref_slice %arg3[%mul3A_2, %dma_start3A_6] : memref<10240x64xf32, #tpu.memory_space<hbm>> -> memref<640x64xf32, #tpu.memory_space<hbm>>
    tpu.enqueue_dma source(%dma_start3A_7 : memref<640x64xf32, #tpu.memory_space<hbm>>) target(%dma_start3A_5 : memref<640x64xf32, #tpu.memory_space<vmem_shared>>) target_semaphore(%arg22 : memref<!tpu.dma_semaphore, #tpu.memory_space<semaphore_mem>>)
    "tpu.region"() ({
      %run_scoped3A = tpu.sem_alloc : memref<!tpu.dma_semaphore, #tpu.memory_space<semaphore_mem>>
      %dma_start3A_286 = arith.constant 0 : i32
      %dma_start3A_287 = tpu.memref_slice %arg21[%mul3A_2, %dma_start3A_286] : memref<10240x64xf32, #tpu.memory_space<vmem_shared>> -> memref<640x64xf32, #tpu.memory_space<vmem_shared>>
      %dma_start3A_288 = arith.constant 0 : i32
      %dma_start3A_289 = tpu.memref_slice %arg5[%mul3A_2, %dma_start3A_288] : memref<10240x64xf32, #tpu.memory_space<hbm>> -> memref<640x64xf32, #tpu.memory_space<hbm>>
      tpu.enqueue_dma source(%dma_start3A_289 : memref<640x64xf32, #tpu.memory_space<hbm>>) target(%dma_start3A_287 : memref<640x64xf32, #tpu.memory_space<vmem_shared>>) target_semaphore(%run_scoped3A : memref<!tpu.dma_semaphore, #tpu.memory_space<semaphore_mem>>)
      %dma_wait3A_290 = arith.constant 0 : i32
      %dma_wait3A_291 = tpu.memref_slice %arg21[%mul3A_2, %dma_wait3A_290] : memref<10240x64xf32, #tpu.memory_space<vmem_shared>> -> memref<640x64xf32, #tpu.memory_space<vmem_shared>>
      %dma_wait3A_292 = arith.constant 0 : i32
      %dma_wait3A_293 = tpu.memref_slice %arg5[%mul3A_2, %dma_wait3A_292] : memref<10240x64xf32, #tpu.memory_space<hbm>> -> memref<640x64xf32, #tpu.memory_space<hbm>>
      tpu.wait_dma2 semaphore(%run_scoped3A : memref<!tpu.dma_semaphore, #tpu.memory_space<semaphore_mem>>) src(%dma_wait3A_293 : memref<640x64xf32, #tpu.memory_space<hbm>>) dst(%dma_wait3A_291 : memref<640x64xf32, #tpu.memory_space<vmem_shared>>)
      tpu.yield
    }) : () -> ()
    %dma_wait3A = arith.constant 0 : i32
    %dma_wait3A_8 = tpu.memref_slice %arg20[%mul3A_2, %dma_wait3A] : memref<10240x64xf32, #tpu.memory_space<vmem_shared>> -> memref<640x64xf32, #tpu.memory_space<vmem_shared>>
    %dma_wait3A_9 = arith.constant 0 : i32
    %dma_wait3A_10 = tpu.memref_slice %arg3[%mul3A_2, %dma_wait3A_9] : memref<10240x64xf32, #tpu.memory_space<hbm>> -> memref<640x64xf32, #tpu.memory_space<hbm>>
    tpu.wait_dma2 semaphore(%arg22 : memref<!tpu.dma_semaphore, #tpu.memory_space<semaphore_mem>>) src(%dma_wait3A_10 : memref<640x64xf32, #tpu.memory_space<hbm>>) dst(%dma_wait3A_8 : memref<640x64xf32, #tpu.memory_space<vmem_shared>>)
    %add3A_11 = arith.constant 0 : i32
    %add3A_12 = arith.addi %mul3A_4, %add3A_11 : i32
    %dma_start3A_13 = arith.constant 0 : i32
    %dma_start3A_14 = arith.constant 0 : i32
    %dma_start3A_15 = tpu.memref_slice %arg2[%add3A_12, %dma_start3A_13, %dma_start3A_14] : memref<2560x2x128xi32, #tpu.memory_space<hbm>> -> memref<1x2x128xi32, #tpu.memory_space<hbm>>
    %dma_start3A_16 = tpu.memref_squeeze %dma_start3A_15 : memref<1x2x128xi32, #tpu.memory_space<hbm>> -> memref<2x128xi32, #tpu.memory_space<hbm>>
    %dma_start3A_17 = arith.constant 0 : i32
    %dma_start3A_18 = arith.constant 0 : i32
    %dma_start3A_19 = tpu.memref_slice %arg2[%add3A_12, %dma_start3A_17, %dma_start3A_18] : memref<2560x2x128xi32, #tpu.memory_space<hbm>> -> memref<1x2x128xi32, #tpu.memory_space<hbm>>
    %dma_start3A_20 = tpu.memref_squeeze %dma_start3A_19 : memref<1x2x128xi32, #tpu.memory_space<hbm>> -> memref<2x128xi32, #tpu.memory_space<hbm>>
    tpu.enqueue_dma source(%dma_start3A_20 : memref<2x128xi32, #tpu.memory_space<hbm>>) target(%arg10 : memref<2x128xi32, #tpu.memory_space<vmem>>) target_semaphore(%arg22 : memref<!tpu.dma_semaphore, #tpu.memory_space<semaphore_mem>>)
    %add3A_21 = arith.constant 1 : i32
    %add3A_22 = arith.addi %mul3A_4, %add3A_21 : i32
    %dma_start3A_23 = arith.constant 0 : i32
    %dma_start3A_24 = arith.constant 0 : i32
    %dma_start3A_25 = tpu.memref_slice %arg2[%add3A_22, %dma_start3A_23, %dma_start3A_24] : memref<2560x2x128xi32, #tpu.memory_space<hbm>> -> memref<1x2x128xi32, #tpu.memory_space<hbm>>
    %dma_start3A_26 = tpu.memref_squeeze %dma_start3A_25 : memref<1x2x128xi32, #tpu.memory_space<hbm>> -> memref<2x128xi32, #tpu.memory_space<hbm>>
    %dma_start3A_27 = arith.constant 0 : i32
    %dma_start3A_28 = arith.constant 0 : i32
    %dma_start3A_29 = tpu.memref_slice %arg2[%add3A_22, %dma_start3A_27, %dma_start3A_28] : memref<2560x2x128xi32, #tpu.memory_space<hbm>> -> memref<1x2x128xi32, #tpu.memory_space<hbm>>
    %dma_start3A_30 = tpu.memref_squeeze %dma_start3A_29 : memref<1x2x128xi32, #tpu.memory_space<hbm>> -> memref<2x128xi32, #tpu.memory_space<hbm>>
    tpu.enqueue_dma source(%dma_start3A_30 : memref<2x128xi32, #tpu.memory_space<hbm>>) target(%arg11 : memref<2x128xi32, #tpu.memory_space<vmem>>) target_semaphore(%arg23 : memref<!tpu.dma_semaphore, #tpu.memory_space<semaphore_mem>>)
    %add3A_31 = arith.constant 2 : i32
    %add3A_32 = arith.addi %mul3A_4, %add3A_31 : i32
    %dma_start3A_33 = arith.constant 0 : i32
    %dma_start3A_34 = arith.constant 0 : i32
    %dma_start3A_35 = tpu.memref_slice %arg2[%add3A_32, %dma_start3A_33, %dma_start3A_34] : memref<2560x2x128xi32, #tpu.memory_space<hbm>> -> memref<1x2x128xi32, #tpu.memory_space<hbm>>
    %dma_start3A_36 = tpu.memref_squeeze %dma_start3A_35 : memref<1x2x128xi32, #tpu.memory_space<hbm>> -> memref<2x128xi32, #tpu.memory_space<hbm>>
    %dma_start3A_37 = arith.constant 0 : i32
    %dma_start3A_38 = arith.constant 0 : i32
    %dma_start3A_39 = tpu.memref_slice %arg2[%add3A_32, %dma_start3A_37, %dma_start3A_38] : memref<2560x2x128xi32, #tpu.memory_space<hbm>> -> memref<1x2x128xi32, #tpu.memory_space<hbm>>
    %dma_start3A_40 = tpu.memref_squeeze %dma_start3A_39 : memref<1x2x128xi32, #tpu.memory_space<hbm>> -> memref<2x128xi32, #tpu.memory_space<hbm>>
    tpu.enqueue_dma source(%dma_start3A_40 : memref<2x128xi32, #tpu.memory_space<hbm>>) target(%arg12 : memref<2x128xi32, #tpu.memory_space<vmem>>) target_semaphore(%arg24 : memref<!tpu.dma_semaphore, #tpu.memory_space<semaphore_mem>>)
    %add3A_41 = arith.constant 3 : i32
    %add3A_42 = arith.addi %mul3A_4, %add3A_41 : i32
    %dma_start3A_43 = arith.constant 0 : i32
    %dma_start3A_44 = arith.constant 0 : i32
    %dma_start3A_45 = tpu.memref_slice %arg2[%add3A_42, %dma_start3A_43, %dma_start3A_44] : memref<2560x2x128xi32, #tpu.memory_space<hbm>> -> memref<1x2x128xi32, #tpu.memory_space<hbm>>
    %dma_start3A_46 = tpu.memref_squeeze %dma_start3A_45 : memref<1x2x128xi32, #tpu.memory_space<hbm>> -> memref<2x128xi32, #tpu.memory_space<hbm>>
    %dma_start3A_47 = arith.constant 0 : i32
    %dma_start3A_48 = arith.constant 0 : i32
    %dma_start3A_49 = tpu.memref_slice %arg2[%add3A_42, %dma_start3A_47, %dma_start3A_48] : memref<2560x2x128xi32, #tpu.memory_space<hbm>> -> memref<1x2x128xi32, #tpu.memory_space<hbm>>
    %dma_start3A_50 = tpu.memref_squeeze %dma_start3A_49 : memref<1x2x128xi32, #tpu.memory_space<hbm>> -> memref<2x128xi32, #tpu.memory_space<hbm>>
    tpu.enqueue_dma source(%dma_start3A_50 : memref<2x128xi32, #tpu.memory_space<hbm>>) target(%arg13 : memref<2x128xi32, #tpu.memory_space<vmem>>) target_semaphore(%arg25 : memref<!tpu.dma_semaphore, #tpu.memory_space<semaphore_mem>>)
    %add3A_51 = arith.constant 4 : i32
    %add3A_52 = arith.addi %mul3A_4, %add3A_51 : i32
    %dma_start3A_53 = arith.constant 0 : i32
    %dma_start3A_54 = arith.constant 0 : i32
    %dma_start3A_55 = tpu.memref_slice %arg2[%add3A_52, %dma_start3A_53, %dma_start3A_54] : memref<2560x2x128xi32, #tpu.memory_space<hbm>> -> memref<1x2x128xi32, #tpu.memory_space<hbm>>
    %dma_start3A_56 = tpu.memref_squeeze %dma_start3A_55 : memref<1x2x128xi32, #tpu.memory_space<hbm>> -> memref<2x128xi32, #tpu.memory_space<hbm>>
    %dma_start3A_57 = arith.constant 0 : i32
    %dma_start3A_58 = arith.constant 0 : i32
    %dma_start3A_59 = tpu.memref_slice %arg2[%add3A_52, %dma_start3A_57, %dma_start3A_58] : memref<2560x2x128xi32, #tpu.memory_space<hbm>> -> memref<1x2x128xi32, #tpu.memory_space<hbm>>
    %dma_start3A_60 = tpu.memref_squeeze %dma_start3A_59 : memref<1x2x128xi32, #tpu.memory_space<hbm>> -> memref<2x128xi32, #tpu.memory_space<hbm>>
    tpu.enqueue_dma source(%dma_start3A_60 : memref<2x128xi32, #tpu.memory_space<hbm>>) target(%arg14 : memref<2x128xi32, #tpu.memory_space<vmem>>) target_semaphore(%arg26 : memref<!tpu.dma_semaphore, #tpu.memory_space<semaphore_mem>>)
    %barrier3A = arith.constant 0 : index
    tpu.barrier barrier_id(%barrier3A)
    %add3A_61 = arith.constant 0 : i32
    %add3A_62 = arith.addi %mul3A_4, %add3A_61 : i32
    %dma_wait3A_63 = arith.constant 0 : i32
    %dma_wait3A_64 = arith.constant 0 : i32
    %dma_wait3A_65 = tpu.memref_slice %arg2[%add3A_62, %dma_wait3A_63, %dma_wait3A_64] : memref<2560x2x128xi32, #tpu.memory_space<hbm>> -> memref<1x2x128xi32, #tpu.memory_space<hbm>>
    %dma_wait3A_66 = tpu.memref_squeeze %dma_wait3A_65 : memref<1x2x128xi32, #tpu.memory_space<hbm>> -> memref<2x128xi32, #tpu.memory_space<hbm>>
    %dma_wait3A_67 = arith.constant 0 : i32
    %dma_wait3A_68 = arith.constant 0 : i32
    %dma_wait3A_69 = tpu.memref_slice %arg2[%add3A_62, %dma_wait3A_67, %dma_wait3A_68] : memref<2560x2x128xi32, #tpu.memory_space<hbm>> -> memref<1x2x128xi32, #tpu.memory_space<hbm>>
    %dma_wait3A_70 = tpu.memref_squeeze %dma_wait3A_69 : memref<1x2x128xi32, #tpu.memory_space<hbm>> -> memref<2x128xi32, #tpu.memory_space<hbm>>
    tpu.wait_dma2 semaphore(%arg22 : memref<!tpu.dma_semaphore, #tpu.memory_space<semaphore_mem>>) src(%dma_wait3A_70 : memref<2x128xi32, #tpu.memory_space<hbm>>) dst(%arg10 : memref<2x128xi32, #tpu.memory_space<vmem>>)
    %dma_start3A_71 = arith.constant 0 : i32
    %dma_start3A_72 = arith.constant 0 : i32
    %dma_start3A_73 = tpu.memref_slice %arg10[%dma_start3A_71, %dma_start3A_72] : memref<2x128xi32, #tpu.memory_space<vmem>> -> memref<1x128xi32, #tpu.memory_space<vmem>>
    %dma_start3A_74 = tpu.memref_squeeze %dma_start3A_73 : memref<1x128xi32, #tpu.memory_space<vmem>> -> memref<128xi32, #tpu.memory_space<vmem>>
    %dma_start3A_75 = arith.constant 0 : i32
    %dma_start3A_76 = arith.constant 0 : i32
    %dma_start3A_77 = tpu.memref_slice %arg20[%dma_start3A_75, %dma_start3A_76] : memref<10240x64xf32, #tpu.memory_space<vmem_shared>> -> memref<10240x64xf32, #tpu.memory_space<vmem_shared>>
    tpu.enqueue_indirect_dma source(%dma_start3A_77 : memref<10240x64xf32, #tpu.memory_space<vmem_shared>>) target(%arg15 : memref<128x64xf32, #tpu.memory_space<vmem>>) offsets(%dma_start3A_74 : memref<128xi32, #tpu.memory_space<vmem>>) semaphore(%arg27 : memref<!tpu.dma_semaphore, #tpu.memory_space<semaphore_mem>>)
    %add3A_78 = arith.constant 1 : i32
    %add3A_79 = arith.addi %mul3A_4, %add3A_78 : i32
    %dma_wait3A_80 = arith.constant 0 : i32
    %dma_wait3A_81 = arith.constant 0 : i32
    %dma_wait3A_82 = tpu.memref_slice %arg2[%add3A_79, %dma_wait3A_80, %dma_wait3A_81] : memref<2560x2x128xi32, #tpu.memory_space<hbm>> -> memref<1x2x128xi32, #tpu.memory_space<hbm>>
    %dma_wait3A_83 = tpu.memref_squeeze %dma_wait3A_82 : memref<1x2x128xi32, #tpu.memory_space<hbm>> -> memref<2x128xi32, #tpu.memory_space<hbm>>
    %dma_wait3A_84 = arith.constant 0 : i32
    %dma_wait3A_85 = arith.constant 0 : i32
    %dma_wait3A_86 = tpu.memref_slice %arg2[%add3A_79, %dma_wait3A_84, %dma_wait3A_85] : memref<2560x2x128xi32, #tpu.memory_space<hbm>> -> memref<1x2x128xi32, #tpu.memory_space<hbm>>
    %dma_wait3A_87 = tpu.memref_squeeze %dma_wait3A_86 : memref<1x2x128xi32, #tpu.memory_space<hbm>> -> memref<2x128xi32, #tpu.memory_space<hbm>>
    tpu.wait_dma2 semaphore(%arg23 : memref<!tpu.dma_semaphore, #tpu.memory_space<semaphore_mem>>) src(%dma_wait3A_87 : memref<2x128xi32, #tpu.memory_space<hbm>>) dst(%arg11 : memref<2x128xi32, #tpu.memory_space<vmem>>)
    %dma_start3A_88 = arith.constant 0 : i32
    %dma_start3A_89 = arith.constant 0 : i32
    %dma_start3A_90 = tpu.memref_slice %arg11[%dma_start3A_88, %dma_start3A_89] : memref<2x128xi32, #tpu.memory_space<vmem>> -> memref<1x128xi32, #tpu.memory_space<vmem>>
    %dma_start3A_91 = tpu.memref_squeeze %dma_start3A_90 : memref<1x128xi32, #tpu.memory_space<vmem>> -> memref<128xi32, #tpu.memory_space<vmem>>
    %dma_start3A_92 = arith.constant 0 : i32
    %dma_start3A_93 = arith.constant 0 : i32
    %dma_start3A_94 = tpu.memref_slice %arg20[%dma_start3A_92, %dma_start3A_93] : memref<10240x64xf32, #tpu.memory_space<vmem_shared>> -> memref<10240x64xf32, #tpu.memory_space<vmem_shared>>
    tpu.enqueue_indirect_dma source(%dma_start3A_94 : memref<10240x64xf32, #tpu.memory_space<vmem_shared>>) target(%arg16 : memref<128x64xf32, #tpu.memory_space<vmem>>) offsets(%dma_start3A_91 : memref<128xi32, #tpu.memory_space<vmem>>) semaphore(%arg28 : memref<!tpu.dma_semaphore, #tpu.memory_space<semaphore_mem>>)
    %add3A_95 = arith.constant 2 : i32
    %add3A_96 = arith.addi %mul3A_4, %add3A_95 : i32
    %dma_wait3A_97 = arith.constant 0 : i32
    %dma_wait3A_98 = arith.constant 0 : i32
    %dma_wait3A_99 = tpu.memref_slice %arg2[%add3A_96, %dma_wait3A_97, %dma_wait3A_98] : memref<2560x2x128xi32, #tpu.memory_space<hbm>> -> memref<1x2x128xi32, #tpu.memory_space<hbm>>
    %dma_wait3A_100 = tpu.memref_squeeze %dma_wait3A_99 : memref<1x2x128xi32, #tpu.memory_space<hbm>> -> memref<2x128xi32, #tpu.memory_space<hbm>>
    %dma_wait3A_101 = arith.constant 0 : i32
    %dma_wait3A_102 = arith.constant 0 : i32
    %dma_wait3A_103 = tpu.memref_slice %arg2[%add3A_96, %dma_wait3A_101, %dma_wait3A_102] : memref<2560x2x128xi32, #tpu.memory_space<hbm>> -> memref<1x2x128xi32, #tpu.memory_space<hbm>>
    %dma_wait3A_104 = tpu.memref_squeeze %dma_wait3A_103 : memref<1x2x128xi32, #tpu.memory_space<hbm>> -> memref<2x128xi32, #tpu.memory_space<hbm>>
    tpu.wait_dma2 semaphore(%arg24 : memref<!tpu.dma_semaphore, #tpu.memory_space<semaphore_mem>>) src(%dma_wait3A_104 : memref<2x128xi32, #tpu.memory_space<hbm>>) dst(%arg12 : memref<2x128xi32, #tpu.memory_space<vmem>>)
    %dma_start3A_105 = arith.constant 0 : i32
    %dma_start3A_106 = arith.constant 0 : i32
    %dma_start3A_107 = tpu.memref_slice %arg12[%dma_start3A_105, %dma_start3A_106] : memref<2x128xi32, #tpu.memory_space<vmem>> -> memref<1x128xi32, #tpu.memory_space<vmem>>
    %dma_start3A_108 = tpu.memref_squeeze %dma_start3A_107 : memref<1x128xi32, #tpu.memory_space<vmem>> -> memref<128xi32, #tpu.memory_space<vmem>>
    %dma_start3A_109 = arith.constant 0 : i32
    %dma_start3A_110 = arith.constant 0 : i32
    %dma_start3A_111 = tpu.memref_slice %arg20[%dma_start3A_109, %dma_start3A_110] : memref<10240x64xf32, #tpu.memory_space<vmem_shared>> -> memref<10240x64xf32, #tpu.memory_space<vmem_shared>>
    tpu.enqueue_indirect_dma source(%dma_start3A_111 : memref<10240x64xf32, #tpu.memory_space<vmem_shared>>) target(%arg17 : memref<128x64xf32, #tpu.memory_space<vmem>>) offsets(%dma_start3A_108 : memref<128xi32, #tpu.memory_space<vmem>>) semaphore(%arg29 : memref<!tpu.dma_semaphore, #tpu.memory_space<semaphore_mem>>)
    %add3A_112 = arith.constant 3 : i32
    %add3A_113 = arith.addi %mul3A_4, %add3A_112 : i32
    %dma_wait3A_114 = arith.constant 0 : i32
    %dma_wait3A_115 = arith.constant 0 : i32
    %dma_wait3A_116 = tpu.memref_slice %arg2[%add3A_113, %dma_wait3A_114, %dma_wait3A_115] : memref<2560x2x128xi32, #tpu.memory_space<hbm>> -> memref<1x2x128xi32, #tpu.memory_space<hbm>>
    %dma_wait3A_117 = tpu.memref_squeeze %dma_wait3A_116 : memref<1x2x128xi32, #tpu.memory_space<hbm>> -> memref<2x128xi32, #tpu.memory_space<hbm>>
    %dma_wait3A_118 = arith.constant 0 : i32
    %dma_wait3A_119 = arith.constant 0 : i32
    %dma_wait3A_120 = tpu.memref_slice %arg2[%add3A_113, %dma_wait3A_118, %dma_wait3A_119] : memref<2560x2x128xi32, #tpu.memory_space<hbm>> -> memref<1x2x128xi32, #tpu.memory_space<hbm>>
    %dma_wait3A_121 = tpu.memref_squeeze %dma_wait3A_120 : memref<1x2x128xi32, #tpu.memory_space<hbm>> -> memref<2x128xi32, #tpu.memory_space<hbm>>
    tpu.wait_dma2 semaphore(%arg25 : memref<!tpu.dma_semaphore, #tpu.memory_space<semaphore_mem>>) src(%dma_wait3A_121 : memref<2x128xi32, #tpu.memory_space<hbm>>) dst(%arg13 : memref<2x128xi32, #tpu.memory_space<vmem>>)
    %dma_start3A_122 = arith.constant 0 : i32
    %dma_start3A_123 = arith.constant 0 : i32
    %dma_start3A_124 = tpu.memref_slice %arg13[%dma_start3A_122, %dma_start3A_123] : memref<2x128xi32, #tpu.memory_space<vmem>> -> memref<1x128xi32, #tpu.memory_space<vmem>>
    %dma_start3A_125 = tpu.memref_squeeze %dma_start3A_124 : memref<1x128xi32, #tpu.memory_space<vmem>> -> memref<128xi32, #tpu.memory_space<vmem>>
    %dma_start3A_126 = arith.constant 0 : i32
    %dma_start3A_127 = arith.constant 0 : i32
    %dma_start3A_128 = tpu.memref_slice %arg20[%dma_start3A_126, %dma_start3A_127] : memref<10240x64xf32, #tpu.memory_space<vmem_shared>> -> memref<10240x64xf32, #tpu.memory_space<vmem_shared>>
    tpu.enqueue_indirect_dma source(%dma_start3A_128 : memref<10240x64xf32, #tpu.memory_space<vmem_shared>>) target(%arg18 : memref<128x64xf32, #tpu.memory_space<vmem>>) offsets(%dma_start3A_125 : memref<128xi32, #tpu.memory_space<vmem>>) semaphore(%arg30 : memref<!tpu.dma_semaphore, #tpu.memory_space<semaphore_mem>>)
    %scan3A = arith.constant 0 : i32
    %scan3A_129 = arith.constant 16 : i32
    %scan3A_130 = arith.addi %scan3A, %scan3A_129 : i32
    %scan3A_131 = arith.constant 1 : i32
    scf.for %scan3A_286 = %scan3A to %scan3A_130 step %scan3A_131  : i32 {
      %mul3A_287 = arith.constant 5 : i32
      %mul3A_288 = arith.muli %scan3A_286, %mul3A_287 : i32
      %add3A_289 = arith.constant 0 : i32
      %add3A_290 = arith.addi %mul3A_288, %add3A_289 : i32
      %add3A_291 = arith.constant 5 : i32
      %add3A_292 = arith.addi %add3A_290, %add3A_291 : i32
      %sub3A = arith.constant 1 : i32
      %sub3A_293 = arith.subi %add3A_292, %sub3A : i32
      %lt3A = arith.constant 80 : i32
      %lt3A_294 = arith.cmpi slt, %sub3A_293, %lt3A : i32
      %convert_element_type3A_295 = arith.extui %lt3A_294 : i1 to i32
      %cond3A_296 = arith.constant 0 : i32
      %cond3A_297 = arith.cmpi ne, %convert_element_type3A_295, %cond3A_296 : i32
      scf.if %cond3A_297 {
        %add3A_424 = arith.addi %mul3A_4, %add3A_290 : i32
        %add3A_425 = arith.constant 5 : i32
        %add3A_426 = arith.addi %add3A_424, %add3A_425 : i32
        %sub3A_427 = arith.constant 1 : i32
        %sub3A_428 = arith.subi %add3A_426, %sub3A_427 : i32
        %dma_wait3A_429 = arith.constant 0 : i32
        %dma_wait3A_430 = arith.constant 0 : i32
        %dma_wait3A_431 = tpu.memref_slice %arg2[%sub3A_428, %dma_wait3A_429, %dma_wait3A_430] : memref<2560x2x128xi32, #tpu.memory_space<hbm>> -> memref<1x2x128xi32, #tpu.memory_space<hbm>>
        %dma_wait3A_432 = tpu.memref_squeeze %dma_wait3A_431 : memref<1x2x128xi32, #tpu.memory_space<hbm>> -> memref<2x128xi32, #tpu.memory_space<hbm>>
        %dma_wait3A_433 = arith.constant 0 : i32
        %dma_wait3A_434 = arith.constant 0 : i32
        %dma_wait3A_435 = tpu.memref_slice %arg2[%sub3A_428, %dma_wait3A_433, %dma_wait3A_434] : memref<2560x2x128xi32, #tpu.memory_space<hbm>> -> memref<1x2x128xi32, #tpu.memory_space<hbm>>
        %dma_wait3A_436 = tpu.memref_squeeze %dma_wait3A_435 : memref<1x2x128xi32, #tpu.memory_space<hbm>> -> memref<2x128xi32, #tpu.memory_space<hbm>>
        tpu.wait_dma2 semaphore(%arg26 : memref<!tpu.dma_semaphore, #tpu.memory_space<semaphore_mem>>) src(%dma_wait3A_436 : memref<2x128xi32, #tpu.memory_space<hbm>>) dst(%arg14 : memref<2x128xi32, #tpu.memory_space<vmem>>)
        %dma_start3A_437 = arith.constant 0 : i32
        %dma_start3A_438 = arith.constant 0 : i32
        %dma_start3A_439 = tpu.memref_slice %arg14[%dma_start3A_437, %dma_start3A_438] : memref<2x128xi32, #tpu.memory_space<vmem>> -> memref<1x128xi32, #tpu.memory_space<vmem>>
        %dma_start3A_440 = tpu.memref_squeeze %dma_start3A_439 : memref<1x128xi32, #tpu.memory_space<vmem>> -> memref<128xi32, #tpu.memory_space<vmem>>
        %dma_start3A_441 = arith.constant 0 : i32
        %dma_start3A_442 = arith.constant 0 : i32
        %dma_start3A_443 = tpu.memref_slice %arg20[%dma_start3A_441, %dma_start3A_442] : memref<10240x64xf32, #tpu.memory_space<vmem_shared>> -> memref<10240x64xf32, #tpu.memory_space<vmem_shared>>
        tpu.enqueue_indirect_dma source(%dma_start3A_443 : memref<10240x64xf32, #tpu.memory_space<vmem_shared>>) target(%arg19 : memref<128x64xf32, #tpu.memory_space<vmem>>) offsets(%dma_start3A_440 : memref<128xi32, #tpu.memory_space<vmem>>) semaphore(%arg31 : memref<!tpu.dma_semaphore, #tpu.memory_space<semaphore_mem>>)
      } else {
      }
      %dma_wait3A_298 = arith.constant 0 : i32
      %dma_wait3A_299 = arith.constant 0 : i32
      %dma_wait3A_300 = tpu.memref_slice %arg10[%dma_wait3A_298, %dma_wait3A_299] : memref<2x128xi32, #tpu.memory_space<vmem>> -> memref<1x128xi32, #tpu.memory_space<vmem>>
      %dma_wait3A_301 = tpu.memref_squeeze %dma_wait3A_300 : memref<1x128xi32, #tpu.memory_space<vmem>> -> memref<128xi32, #tpu.memory_space<vmem>>
      %dma_wait3A_302 = arith.constant 0 : i32
      %dma_wait3A_303 = arith.constant 0 : i32
      %dma_wait3A_304 = tpu.memref_slice %arg20[%dma_wait3A_302, %dma_wait3A_303] : memref<10240x64xf32, #tpu.memory_space<vmem_shared>> -> memref<10240x64xf32, #tpu.memory_space<vmem_shared>>
      tpu.wait_indirect_dma semaphore(%arg27 : memref<!tpu.dma_semaphore, #tpu.memory_space<semaphore_mem>>) src(%dma_wait3A_304 : memref<10240x64xf32, #tpu.memory_space<vmem_shared>>) dst(%arg15 : memref<128x64xf32, #tpu.memory_space<vmem>>)
      %run_scoped3A = arith.constant 1 : i32
      "tpu.region"() ({
        %run_scoped3A_424 = tpu.sem_alloc : memref<!tpu.dma_semaphore, #tpu.memory_space<semaphore_mem>>
        %dma_start3A_425 = arith.constant 0 : i32
        %dma_start3A_426 = tpu.memref_slice %arg10[%run_scoped3A, %dma_start3A_425] : memref<2x128xi32, #tpu.memory_space<vmem>> -> memref<1x128xi32, #tpu.memory_space<vmem>>
        %dma_start3A_427 = tpu.memref_squeeze %dma_start3A_426 : memref<1x128xi32, #tpu.memory_space<vmem>> -> memref<128xi32, #tpu.memory_space<vmem>>
        %dma_start3A_428 = arith.constant 0 : i32
        %dma_start3A_429 = arith.constant 0 : i32
        %dma_start3A_430 = tpu.memref_slice %arg21[%dma_start3A_428, %dma_start3A_429] : memref<10240x64xf32, #tpu.memory_space<vmem_shared>> -> memref<10240x64xf32, #tpu.memory_space<vmem_shared>>
        tpu.enqueue_indirect_dma source(%arg15 : memref<128x64xf32, #tpu.memory_space<vmem>>) target(%dma_start3A_430 : memref<10240x64xf32, #tpu.memory_space<vmem_shared>>) offsets(%dma_start3A_427 : memref<128xi32, #tpu.memory_space<vmem>>) semaphore(%run_scoped3A_424 : memref<!tpu.dma_semaphore, #tpu.memory_space<semaphore_mem>>) {add = true}
        %dma_wait3A_431 = arith.constant 0 : i32
        %dma_wait3A_432 = tpu.memref_slice %arg10[%run_scoped3A, %dma_wait3A_431] : memref<2x128xi32, #tpu.memory_space<vmem>> -> memref<1x128xi32, #tpu.memory_space<vmem>>
        %dma_wait3A_433 = tpu.memref_squeeze %dma_wait3A_432 : memref<1x128xi32, #tpu.memory_space<vmem>> -> memref<128xi32, #tpu.memory_space<vmem>>
        %dma_wait3A_434 = arith.constant 0 : i32
        %dma_wait3A_435 = arith.constant 0 : i32
        %dma_wait3A_436 = tpu.memref_slice %arg21[%dma_wait3A_434, %dma_wait3A_435] : memref<10240x64xf32, #tpu.memory_space<vmem_shared>> -> memref<10240x64xf32, #tpu.memory_space<vmem_shared>>
        tpu.wait_indirect_dma semaphore(%run_scoped3A_424 : memref<!tpu.dma_semaphore, #tpu.memory_space<semaphore_mem>>) src(%arg15 : memref<128x64xf32, #tpu.memory_space<vmem>>) dst(%dma_wait3A_436 : memref<10240x64xf32, #tpu.memory_space<vmem_shared>>)
        tpu.yield
      }) : () -> ()
      %add3A_305 = arith.constant 5 : i32
      %add3A_306 = arith.addi %add3A_290, %add3A_305 : i32
      %lt3A_307 = arith.constant 80 : i32
      %lt3A_308 = arith.cmpi slt, %add3A_306, %lt3A_307 : i32
      %convert_element_type3A_309 = arith.extui %lt3A_308 : i1 to i32
      %cond3A_310 = arith.constant 0 : i32
      %cond3A_311 = arith.cmpi ne, %convert_element_type3A_309, %cond3A_310 : i32
      scf.if %cond3A_311 {
        %add3A_424 = arith.addi %mul3A_4, %add3A_290 : i32
        %add3A_425 = arith.constant 5 : i32
        %add3A_426 = arith.addi %add3A_424, %add3A_425 : i32
        %dma_start3A_427 = arith.constant 0 : i32
        %dma_start3A_428 = arith.constant 0 : i32
        %dma_start3A_429 = tpu.memref_slice %arg2[%add3A_426, %dma_start3A_427, %dma_start3A_428] : memref<2560x2x128xi32, #tpu.memory_space<hbm>> -> memref<1x2x128xi32, #tpu.memory_space<hbm>>
        %dma_start3A_430 = tpu.memref_squeeze %dma_start3A_429 : memref<1x2x128xi32, #tpu.memory_space<hbm>> -> memref<2x128xi32, #tpu.memory_space<hbm>>
        %dma_start3A_431 = arith.constant 0 : i32
        %dma_start3A_432 = arith.constant 0 : i32
        %dma_start3A_433 = tpu.memref_slice %arg2[%add3A_426, %dma_start3A_431, %dma_start3A_432] : memref<2560x2x128xi32, #tpu.memory_space<hbm>> -> memref<1x2x128xi32, #tpu.memory_space<hbm>>
        %dma_start3A_434 = tpu.memref_squeeze %dma_start3A_433 : memref<1x2x128xi32, #tpu.memory_space<hbm>> -> memref<2x128xi32, #tpu.memory_space<hbm>>
        tpu.enqueue_dma source(%dma_start3A_434 : memref<2x128xi32, #tpu.memory_space<hbm>>) target(%arg10 : memref<2x128xi32, #tpu.memory_space<vmem>>) target_semaphore(%arg22 : memref<!tpu.dma_semaphore, #tpu.memory_space<semaphore_mem>>)
      } else {
      }
      %mul3A_312 = arith.constant 5 : i32
      %mul3A_313 = arith.muli %scan3A_286, %mul3A_312 : i32
      %add3A_314 = arith.constant 1 : i32
      %add3A_315 = arith.addi %mul3A_313, %add3A_314 : i32
      %add3A_316 = arith.constant 5 : i32
      %add3A_317 = arith.addi %add3A_315, %add3A_316 : i32
      %sub3A_318 = arith.constant 1 : i32
      %sub3A_319 = arith.subi %add3A_317, %sub3A_318 : i32
      %lt3A_320 = arith.constant 80 : i32
      %lt3A_321 = arith.cmpi slt, %sub3A_319, %lt3A_320 : i32
      %convert_element_type3A_322 = arith.extui %lt3A_321 : i1 to i32
      %cond3A_323 = arith.constant 0 : i32
      %cond3A_324 = arith.cmpi ne, %convert_element_type3A_322, %cond3A_323 : i32
      scf.if %cond3A_324 {
        %add3A_424 = arith.addi %mul3A_4, %add3A_315 : i32
        %add3A_425 = arith.constant 5 : i32
        %add3A_426 = arith.addi %add3A_424, %add3A_425 : i32
        %sub3A_427 = arith.constant 1 : i32
        %sub3A_428 = arith.subi %add3A_426, %sub3A_427 : i32
        %dma_wait3A_429 = arith.constant 0 : i32
        %dma_wait3A_430 = arith.constant 0 : i32
        %dma_wait3A_431 = tpu.memref_slice %arg2[%sub3A_428, %dma_wait3A_429, %dma_wait3A_430] : memref<2560x2x128xi32, #tpu.memory_space<hbm>> -> memref<1x2x128xi32, #tpu.memory_space<hbm>>
        %dma_wait3A_432 = tpu.memref_squeeze %dma_wait3A_431 : memref<1x2x128xi32, #tpu.memory_space<hbm>> -> memref<2x128xi32, #tpu.memory_space<hbm>>
        %dma_wait3A_433 = arith.constant 0 : i32
        %dma_wait3A_434 = arith.constant 0 : i32
        %dma_wait3A_435 = tpu.memref_slice %arg2[%sub3A_428, %dma_wait3A_433, %dma_wait3A_434] : memref<2560x2x128xi32, #tpu.memory_space<hbm>> -> memref<1x2x128xi32, #tpu.memory_space<hbm>>
        %dma_wait3A_436 = tpu.memref_squeeze %dma_wait3A_435 : memref<1x2x128xi32, #tpu.memory_space<hbm>> -> memref<2x128xi32, #tpu.memory_space<hbm>>
        tpu.wait_dma2 semaphore(%arg22 : memref<!tpu.dma_semaphore, #tpu.memory_space<semaphore_mem>>) src(%dma_wait3A_436 : memref<2x128xi32, #tpu.memory_space<hbm>>) dst(%arg10 : memref<2x128xi32, #tpu.memory_space<vmem>>)
        %dma_start3A_437 = arith.constant 0 : i32
        %dma_start3A_438 = arith.constant 0 : i32
        %dma_start3A_439 = tpu.memref_slice %arg10[%dma_start3A_437, %dma_start3A_438] : memref<2x128xi32, #tpu.memory_space<vmem>> -> memref<1x128xi32, #tpu.memory_space<vmem>>
        %dma_start3A_440 = tpu.memref_squeeze %dma_start3A_439 : memref<1x128xi32, #tpu.memory_space<vmem>> -> memref<128xi32, #tpu.memory_space<vmem>>
        %dma_start3A_441 = arith.constant 0 : i32
        %dma_start3A_442 = arith.constant 0 : i32
        %dma_start3A_443 = tpu.memref_slice %arg20[%dma_start3A_441, %dma_start3A_442] : memref<10240x64xf32, #tpu.memory_space<vmem_shared>> -> memref<10240x64xf32, #tpu.memory_space<vmem_shared>>
        tpu.enqueue_indirect_dma source(%dma_start3A_443 : memref<10240x64xf32, #tpu.memory_space<vmem_shared>>) target(%arg15 : memref<128x64xf32, #tpu.memory_space<vmem>>) offsets(%dma_start3A_440 : memref<128xi32, #tpu.memory_space<vmem>>) semaphore(%arg27 : memref<!tpu.dma_semaphore, #tpu.memory_space<semaphore_mem>>)
      } else {
      }
      %dma_wait3A_325 = arith.constant 0 : i32
      %dma_wait3A_326 = arith.constant 0 : i32
      %dma_wait3A_327 = tpu.memref_slice %arg11[%dma_wait3A_325, %dma_wait3A_326] : memref<2x128xi32, #tpu.memory_space<vmem>> -> memref<1x128xi32, #tpu.memory_space<vmem>>
      %dma_wait3A_328 = tpu.memref_squeeze %dma_wait3A_327 : memref<1x128xi32, #tpu.memory_space<vmem>> -> memref<128xi32, #tpu.memory_space<vmem>>
      %dma_wait3A_329 = arith.constant 0 : i32
      %dma_wait3A_330 = arith.constant 0 : i32
      %dma_wait3A_331 = tpu.memref_slice %arg20[%dma_wait3A_329, %dma_wait3A_330] : memref<10240x64xf32, #tpu.memory_space<vmem_shared>> -> memref<10240x64xf32, #tpu.memory_space<vmem_shared>>
      tpu.wait_indirect_dma semaphore(%arg28 : memref<!tpu.dma_semaphore, #tpu.memory_space<semaphore_mem>>) src(%dma_wait3A_331 : memref<10240x64xf32, #tpu.memory_space<vmem_shared>>) dst(%arg16 : memref<128x64xf32, #tpu.memory_space<vmem>>)
      %run_scoped3A_332 = arith.constant 1 : i32
      "tpu.region"() ({
        %run_scoped3A_424 = tpu.sem_alloc : memref<!tpu.dma_semaphore, #tpu.memory_space<semaphore_mem>>
        %dma_start3A_425 = arith.constant 0 : i32
        %dma_start3A_426 = tpu.memref_slice %arg11[%run_scoped3A_332, %dma_start3A_425] : memref<2x128xi32, #tpu.memory_space<vmem>> -> memref<1x128xi32, #tpu.memory_space<vmem>>
        %dma_start3A_427 = tpu.memref_squeeze %dma_start3A_426 : memref<1x128xi32, #tpu.memory_space<vmem>> -> memref<128xi32, #tpu.memory_space<vmem>>
        %dma_start3A_428 = arith.constant 0 : i32
        %dma_start3A_429 = arith.constant 0 : i32
        %dma_start3A_430 = tpu.memref_slice %arg21[%dma_start3A_428, %dma_start3A_429] : memref<10240x64xf32, #tpu.memory_space<vmem_shared>> -> memref<10240x64xf32, #tpu.memory_space<vmem_shared>>
        tpu.enqueue_indirect_dma source(%arg16 : memref<128x64xf32, #tpu.memory_space<vmem>>) target(%dma_start3A_430 : memref<10240x64xf32, #tpu.memory_space<vmem_shared>>) offsets(%dma_start3A_427 : memref<128xi32, #tpu.memory_space<vmem>>) semaphore(%run_scoped3A_424 : memref<!tpu.dma_semaphore, #tpu.memory_space<semaphore_mem>>) {add = true}
        %dma_wait3A_431 = arith.constant 0 : i32
        %dma_wait3A_432 = tpu.memref_slice %arg11[%run_scoped3A_332, %dma_wait3A_431] : memref<2x128xi32, #tpu.memory_space<vmem>> -> memref<1x128xi32, #tpu.memory_space<vmem>>
        %dma_wait3A_433 = tpu.memref_squeeze %dma_wait3A_432 : memref<1x128xi32, #tpu.memory_space<vmem>> -> memref<128xi32, #tpu.memory_space<vmem>>
        %dma_wait3A_434 = arith.constant 0 : i32
        %dma_wait3A_435 = arith.constant 0 : i32
        %dma_wait3A_436 = tpu.memref_slice %arg21[%dma_wait3A_434, %dma_wait3A_435] : memref<10240x64xf32, #tpu.memory_space<vmem_shared>> -> memref<10240x64xf32, #tpu.memory_space<vmem_shared>>
        tpu.wait_indirect_dma semaphore(%run_scoped3A_424 : memref<!tpu.dma_semaphore, #tpu.memory_space<semaphore_mem>>) src(%arg16 : memref<128x64xf32, #tpu.memory_space<vmem>>) dst(%dma_wait3A_436 : memref<10240x64xf32, #tpu.memory_space<vmem_shared>>)
        tpu.yield
      }) : () -> ()
      %add3A_333 = arith.constant 5 : i32
      %add3A_334 = arith.addi %add3A_315, %add3A_333 : i32
      %lt3A_335 = arith.constant 80 : i32
      %lt3A_336 = arith.cmpi slt, %add3A_334, %lt3A_335 : i32
      %convert_element_type3A_337 = arith.extui %lt3A_336 : i1 to i32
      %cond3A_338 = arith.constant 0 : i32
      %cond3A_339 = arith.cmpi ne, %convert_element_type3A_337, %cond3A_338 : i32
      scf.if %cond3A_339 {
        %add3A_424 = arith.addi %mul3A_4, %add3A_315 : i32
        %add3A_425 = arith.constant 5 : i32
        %add3A_426 = arith.addi %add3A_424, %add3A_425 : i32
        %dma_start3A_427 = arith.constant 0 : i32
        %dma_start3A_428 = arith.constant 0 : i32
        %dma_start3A_429 = tpu.memref_slice %arg2[%add3A_426, %dma_start3A_427, %dma_start3A_428] : memref<2560x2x128xi32, #tpu.memory_space<hbm>> -> memref<1x2x128xi32, #tpu.memory_space<hbm>>
        %dma_start3A_430 = tpu.memref_squeeze %dma_start3A_429 : memref<1x2x128xi32, #tpu.memory_space<hbm>> -> memref<2x128xi32, #tpu.memory_space<hbm>>
        %dma_start3A_431 = arith.constant 0 : i32
        %dma_start3A_432 = arith.constant 0 : i32
        %dma_start3A_433 = tpu.memref_slice %arg2[%add3A_426, %dma_start3A_431, %dma_start3A_432] : memref<2560x2x128xi32, #tpu.memory_space<hbm>> -> memref<1x2x128xi32, #tpu.memory_space<hbm>>
        %dma_start3A_434 = tpu.memref_squeeze %dma_start3A_433 : memref<1x2x128xi32, #tpu.memory_space<hbm>> -> memref<2x128xi32, #tpu.memory_space<hbm>>
        tpu.enqueue_dma source(%dma_start3A_434 : memref<2x128xi32, #tpu.memory_space<hbm>>) target(%arg11 : memref<2x128xi32, #tpu.memory_space<vmem>>) target_semaphore(%arg23 : memref<!tpu.dma_semaphore, #tpu.memory_space<semaphore_mem>>)
      } else {
      }
      %mul3A_340 = arith.constant 5 : i32
      %mul3A_341 = arith.muli %scan3A_286, %mul3A_340 : i32
      %add3A_342 = arith.constant 2 : i32
      %add3A_343 = arith.addi %mul3A_341, %add3A_342 : i32
      %add3A_344 = arith.constant 5 : i32
      %add3A_345 = arith.addi %add3A_343, %add3A_344 : i32
      %sub3A_346 = arith.constant 1 : i32
      %sub3A_347 = arith.subi %add3A_345, %sub3A_346 : i32
      %lt3A_348 = arith.constant 80 : i32
      %lt3A_349 = arith.cmpi slt, %sub3A_347, %lt3A_348 : i32
      %convert_element_type3A_350 = arith.extui %lt3A_349 : i1 to i32
      %cond3A_351 = arith.constant 0 : i32
      %cond3A_352 = arith.cmpi ne, %convert_element_type3A_350, %cond3A_351 : i32
      scf.if %cond3A_352 {
        %add3A_424 = arith.addi %mul3A_4, %add3A_343 : i32
        %add3A_425 = arith.constant 5 : i32
        %add3A_426 = arith.addi %add3A_424, %add3A_425 : i32
        %sub3A_427 = arith.constant 1 : i32
        %sub3A_428 = arith.subi %add3A_426, %sub3A_427 : i32
        %dma_wait3A_429 = arith.constant 0 : i32
        %dma_wait3A_430 = arith.constant 0 : i32
        %dma_wait3A_431 = tpu.memref_slice %arg2[%sub3A_428, %dma_wait3A_429, %dma_wait3A_430] : memref<2560x2x128xi32, #tpu.memory_space<hbm>> -> memref<1x2x128xi32, #tpu.memory_space<hbm>>
        %dma_wait3A_432 = tpu.memref_squeeze %dma_wait3A_431 : memref<1x2x128xi32, #tpu.memory_space<hbm>> -> memref<2x128xi32, #tpu.memory_space<hbm>>
        %dma_wait3A_433 = arith.constant 0 : i32
        %dma_wait3A_434 = arith.constant 0 : i32
        %dma_wait3A_435 = tpu.memref_slice %arg2[%sub3A_428, %dma_wait3A_433, %dma_wait3A_434] : memref<2560x2x128xi32, #tpu.memory_space<hbm>> -> memref<1x2x128xi32, #tpu.memory_space<hbm>>
        %dma_wait3A_436 = tpu.memref_squeeze %dma_wait3A_435 : memref<1x2x128xi32, #tpu.memory_space<hbm>> -> memref<2x128xi32, #tpu.memory_space<hbm>>
        tpu.wait_dma2 semaphore(%arg23 : memref<!tpu.dma_semaphore, #tpu.memory_space<semaphore_mem>>) src(%dma_wait3A_436 : memref<2x128xi32, #tpu.memory_space<hbm>>) dst(%arg11 : memref<2x128xi32, #tpu.memory_space<vmem>>)
        %dma_start3A_437 = arith.constant 0 : i32
        %dma_start3A_438 = arith.constant 0 : i32
        %dma_start3A_439 = tpu.memref_slice %arg11[%dma_start3A_437, %dma_start3A_438] : memref<2x128xi32, #tpu.memory_space<vmem>> -> memref<1x128xi32, #tpu.memory_space<vmem>>
        %dma_start3A_440 = tpu.memref_squeeze %dma_start3A_439 : memref<1x128xi32, #tpu.memory_space<vmem>> -> memref<128xi32, #tpu.memory_space<vmem>>
        %dma_start3A_441 = arith.constant 0 : i32
        %dma_start3A_442 = arith.constant 0 : i32
        %dma_start3A_443 = tpu.memref_slice %arg20[%dma_start3A_441, %dma_start3A_442] : memref<10240x64xf32, #tpu.memory_space<vmem_shared>> -> memref<10240x64xf32, #tpu.memory_space<vmem_shared>>
        tpu.enqueue_indirect_dma source(%dma_start3A_443 : memref<10240x64xf32, #tpu.memory_space<vmem_shared>>) target(%arg16 : memref<128x64xf32, #tpu.memory_space<vmem>>) offsets(%dma_start3A_440 : memref<128xi32, #tpu.memory_space<vmem>>) semaphore(%arg28 : memref<!tpu.dma_semaphore, #tpu.memory_space<semaphore_mem>>)
      } else {
      }
      %dma_wait3A_353 = arith.constant 0 : i32
      %dma_wait3A_354 = arith.constant 0 : i32
      %dma_wait3A_355 = tpu.memref_slice %arg12[%dma_wait3A_353, %dma_wait3A_354] : memref<2x128xi32, #tpu.memory_space<vmem>> -> memref<1x128xi32, #tpu.memory_space<vmem>>
      %dma_wait3A_356 = tpu.memref_squeeze %dma_wait3A_355 : memref<1x128xi32, #tpu.memory_space<vmem>> -> memref<128xi32, #tpu.memory_space<vmem>>
      %dma_wait3A_357 = arith.constant 0 : i32
      %dma_wait3A_358 = arith.constant 0 : i32
      %dma_wait3A_359 = tpu.memref_slice %arg20[%dma_wait3A_357, %dma_wait3A_358] : memref<10240x64xf32, #tpu.memory_space<vmem_shared>> -> memref<10240x64xf32, #tpu.memory_space<vmem_shared>>
      tpu.wait_indirect_dma semaphore(%arg29 : memref<!tpu.dma_semaphore, #tpu.memory_space<semaphore_mem>>) src(%dma_wait3A_359 : memref<10240x64xf32, #tpu.memory_space<vmem_shared>>) dst(%arg17 : memref<128x64xf32, #tpu.memory_space<vmem>>)
      %run_scoped3A_360 = arith.constant 1 : i32
      "tpu.region"() ({
        %run_scoped3A_424 = tpu.sem_alloc : memref<!tpu.dma_semaphore, #tpu.memory_space<semaphore_mem>>
        %dma_start3A_425 = arith.constant 0 : i32
        %dma_start3A_426 = tpu.memref_slice %arg12[%run_scoped3A_360, %dma_start3A_425] : memref<2x128xi32, #tpu.memory_space<vmem>> -> memref<1x128xi32, #tpu.memory_space<vmem>>
        %dma_start3A_427 = tpu.memref_squeeze %dma_start3A_426 : memref<1x128xi32, #tpu.memory_space<vmem>> -> memref<128xi32, #tpu.memory_space<vmem>>
        %dma_start3A_428 = arith.constant 0 : i32
        %dma_start3A_429 = arith.constant 0 : i32
        %dma_start3A_430 = tpu.memref_slice %arg21[%dma_start3A_428, %dma_start3A_429] : memref<10240x64xf32, #tpu.memory_space<vmem_shared>> -> memref<10240x64xf32, #tpu.memory_space<vmem_shared>>
        tpu.enqueue_indirect_dma source(%arg17 : memref<128x64xf32, #tpu.memory_space<vmem>>) target(%dma_start3A_430 : memref<10240x64xf32, #tpu.memory_space<vmem_shared>>) offsets(%dma_start3A_427 : memref<128xi32, #tpu.memory_space<vmem>>) semaphore(%run_scoped3A_424 : memref<!tpu.dma_semaphore, #tpu.memory_space<semaphore_mem>>) {add = true}
        %dma_wait3A_431 = arith.constant 0 : i32
        %dma_wait3A_432 = tpu.memref_slice %arg12[%run_scoped3A_360, %dma_wait3A_431] : memref<2x128xi32, #tpu.memory_space<vmem>> -> memref<1x128xi32, #tpu.memory_space<vmem>>
        %dma_wait3A_433 = tpu.memref_squeeze %dma_wait3A_432 : memref<1x128xi32, #tpu.memory_space<vmem>> -> memref<128xi32, #tpu.memory_space<vmem>>
        %dma_wait3A_434 = arith.constant 0 : i32
        %dma_wait3A_435 = arith.constant 0 : i32
        %dma_wait3A_436 = tpu.memref_slice %arg21[%dma_wait3A_434, %dma_wait3A_435] : memref<10240x64xf32, #tpu.memory_space<vmem_shared>> -> memref<10240x64xf32, #tpu.memory_space<vmem_shared>>
        tpu.wait_indirect_dma semaphore(%run_scoped3A_424 : memref<!tpu.dma_semaphore, #tpu.memory_space<semaphore_mem>>) src(%arg17 : memref<128x64xf32, #tpu.memory_space<vmem>>) dst(%dma_wait3A_436 : memref<10240x64xf32, #tpu.memory_space<vmem_shared>>)
        tpu.yield
      }) : () -> ()
      %add3A_361 = arith.constant 5 : i32
      %add3A_362 = arith.addi %add3A_343, %add3A_361 : i32
      %lt3A_363 = arith.constant 80 : i32
      %lt3A_364 = arith.cmpi slt, %add3A_362, %lt3A_363 : i32
      %convert_element_type3A_365 = arith.extui %lt3A_364 : i1 to i32
      %cond3A_366 = arith.constant 0 : i32
      %cond3A_367 = arith.cmpi ne, %convert_element_type3A_365, %cond3A_366 : i32
      scf.if %cond3A_367 {
        %add3A_424 = arith.addi %mul3A_4, %add3A_343 : i32
        %add3A_425 = arith.constant 5 : i32
        %add3A_426 = arith.addi %add3A_424, %add3A_425 : i32
        %dma_start3A_427 = arith.constant 0 : i32
        %dma_start3A_428 = arith.constant 0 : i32
        %dma_start3A_429 = tpu.memref_slice %arg2[%add3A_426, %dma_start3A_427, %dma_start3A_428] : memref<2560x2x128xi32, #tpu.memory_space<hbm>> -> memref<1x2x128xi32, #tpu.memory_space<hbm>>
        %dma_start3A_430 = tpu.memref_squeeze %dma_start3A_429 : memref<1x2x128xi32, #tpu.memory_space<hbm>> -> memref<2x128xi32, #tpu.memory_space<hbm>>
        %dma_start3A_431 = arith.constant 0 : i32
        %dma_start3A_432 = arith.constant 0 : i32
        %dma_start3A_433 = tpu.memref_slice %arg2[%add3A_426, %dma_start3A_431, %dma_start3A_432] : memref<2560x2x128xi32, #tpu.memory_space<hbm>> -> memref<1x2x128xi32, #tpu.memory_space<hbm>>
        %dma_start3A_434 = tpu.memref_squeeze %dma_start3A_433 : memref<1x2x128xi32, #tpu.memory_space<hbm>> -> memref<2x128xi32, #tpu.memory_space<hbm>>
        tpu.enqueue_dma source(%dma_start3A_434 : memref<2x128xi32, #tpu.memory_space<hbm>>) target(%arg12 : memref<2x128xi32, #tpu.memory_space<vmem>>) target_semaphore(%arg24 : memref<!tpu.dma_semaphore, #tpu.memory_space<semaphore_mem>>)
      } else {
      }
      %mul3A_368 = arith.constant 5 : i32
      %mul3A_369 = arith.muli %scan3A_286, %mul3A_368 : i32
      %add3A_370 = arith.constant 3 : i32
      %add3A_371 = arith.addi %mul3A_369, %add3A_370 : i32
      %add3A_372 = arith.constant 5 : i32
      %add3A_373 = arith.addi %add3A_371, %add3A_372 : i32
      %sub3A_374 = arith.constant 1 : i32
      %sub3A_375 = arith.subi %add3A_373, %sub3A_374 : i32
      %lt3A_376 = arith.constant 80 : i32
      %lt3A_377 = arith.cmpi slt, %sub3A_375, %lt3A_376 : i32
      %convert_element_type3A_378 = arith.extui %lt3A_377 : i1 to i32
      %cond3A_379 = arith.constant 0 : i32
      %cond3A_380 = arith.cmpi ne, %convert_element_type3A_378, %cond3A_379 : i32
      scf.if %cond3A_380 {
        %add3A_424 = arith.addi %mul3A_4, %add3A_371 : i32
        %add3A_425 = arith.constant 5 : i32
        %add3A_426 = arith.addi %add3A_424, %add3A_425 : i32
        %sub3A_427 = arith.constant 1 : i32
        %sub3A_428 = arith.subi %add3A_426, %sub3A_427 : i32
        %dma_wait3A_429 = arith.constant 0 : i32
        %dma_wait3A_430 = arith.constant 0 : i32
        %dma_wait3A_431 = tpu.memref_slice %arg2[%sub3A_428, %dma_wait3A_429, %dma_wait3A_430] : memref<2560x2x128xi32, #tpu.memory_space<hbm>> -> memref<1x2x128xi32, #tpu.memory_space<hbm>>
        %dma_wait3A_432 = tpu.memref_squeeze %dma_wait3A_431 : memref<1x2x128xi32, #tpu.memory_space<hbm>> -> memref<2x128xi32, #tpu.memory_space<hbm>>
        %dma_wait3A_433 = arith.constant 0 : i32
        %dma_wait3A_434 = arith.constant 0 : i32
        %dma_wait3A_435 = tpu.memref_slice %arg2[%sub3A_428, %dma_wait3A_433, %dma_wait3A_434] : memref<2560x2x128xi32, #tpu.memory_space<hbm>> -> memref<1x2x128xi32, #tpu.memory_space<hbm>>
        %dma_wait3A_436 = tpu.memref_squeeze %dma_wait3A_435 : memref<1x2x128xi32, #tpu.memory_space<hbm>> -> memref<2x128xi32, #tpu.memory_space<hbm>>
        tpu.wait_dma2 semaphore(%arg24 : memref<!tpu.dma_semaphore, #tpu.memory_space<semaphore_mem>>) src(%dma_wait3A_436 : memref<2x128xi32, #tpu.memory_space<hbm>>) dst(%arg12 : memref<2x128xi32, #tpu.memory_space<vmem>>)
        %dma_start3A_437 = arith.constant 0 : i32
        %dma_start3A_438 = arith.constant 0 : i32
        %dma_start3A_439 = tpu.memref_slice %arg12[%dma_start3A_437, %dma_start3A_438] : memref<2x128xi32, #tpu.memory_space<vmem>> -> memref<1x128xi32, #tpu.memory_space<vmem>>
        %dma_start3A_440 = tpu.memref_squeeze %dma_start3A_439 : memref<1x128xi32, #tpu.memory_space<vmem>> -> memref<128xi32, #tpu.memory_space<vmem>>
        %dma_start3A_441 = arith.constant 0 : i32
        %dma_start3A_442 = arith.constant 0 : i32
        %dma_start3A_443 = tpu.memref_slice %arg20[%dma_start3A_441, %dma_start3A_442] : memref<10240x64xf32, #tpu.memory_space<vmem_shared>> -> memref<10240x64xf32, #tpu.memory_space<vmem_shared>>
        tpu.enqueue_indirect_dma source(%dma_start3A_443 : memref<10240x64xf32, #tpu.memory_space<vmem_shared>>) target(%arg17 : memref<128x64xf32, #tpu.memory_space<vmem>>) offsets(%dma_start3A_440 : memref<128xi32, #tpu.memory_space<vmem>>) semaphore(%arg29 : memref<!tpu.dma_semaphore, #tpu.memory_space<semaphore_mem>>)
      } else {
      }
      %dma_wait3A_381 = arith.constant 0 : i32
      %dma_wait3A_382 = arith.constant 0 : i32
      %dma_wait3A_383 = tpu.memref_slice %arg13[%dma_wait3A_381, %dma_wait3A_382] : memref<2x128xi32, #tpu.memory_space<vmem>> -> memref<1x128xi32, #tpu.memory_space<vmem>>
      %dma_wait3A_384 = tpu.memref_squeeze %dma_wait3A_383 : memref<1x128xi32, #tpu.memory_space<vmem>> -> memref<128xi32, #tpu.memory_space<vmem>>
      %dma_wait3A_385 = arith.constant 0 : i32
      %dma_wait3A_386 = arith.constant 0 : i32
      %dma_wait3A_387 = tpu.memref_slice %arg20[%dma_wait3A_385, %dma_wait3A_386] : memref<10240x64xf32, #tpu.memory_space<vmem_shared>> -> memref<10240x64xf32, #tpu.memory_space<vmem_shared>>
      tpu.wait_indirect_dma semaphore(%arg30 : memref<!tpu.dma_semaphore, #tpu.memory_space<semaphore_mem>>) src(%dma_wait3A_387 : memref<10240x64xf32, #tpu.memory_space<vmem_shared>>) dst(%arg18 : memref<128x64xf32, #tpu.memory_space<vmem>>)
      %run_scoped3A_388 = arith.constant 1 : i32
      "tpu.region"() ({
        %run_scoped3A_424 = tpu.sem_alloc : memref<!tpu.dma_semaphore, #tpu.memory_space<semaphore_mem>>
        %dma_start3A_425 = arith.constant 0 : i32
        %dma_start3A_426 = tpu.memref_slice %arg13[%run_scoped3A_388, %dma_start3A_425] : memref<2x128xi32, #tpu.memory_space<vmem>> -> memref<1x128xi32, #tpu.memory_space<vmem>>
        %dma_start3A_427 = tpu.memref_squeeze %dma_start3A_426 : memref<1x128xi32, #tpu.memory_space<vmem>> -> memref<128xi32, #tpu.memory_space<vmem>>
        %dma_start3A_428 = arith.constant 0 : i32
        %dma_start3A_429 = arith.constant 0 : i32
        %dma_start3A_430 = tpu.memref_slice %arg21[%dma_start3A_428, %dma_start3A_429] : memref<10240x64xf32, #tpu.memory_space<vmem_shared>> -> memref<10240x64xf32, #tpu.memory_space<vmem_shared>>
        tpu.enqueue_indirect_dma source(%arg18 : memref<128x64xf32, #tpu.memory_space<vmem>>) target(%dma_start3A_430 : memref<10240x64xf32, #tpu.memory_space<vmem_shared>>) offsets(%dma_start3A_427 : memref<128xi32, #tpu.memory_space<vmem>>) semaphore(%run_scoped3A_424 : memref<!tpu.dma_semaphore, #tpu.memory_space<semaphore_mem>>) {add = true}
        %dma_wait3A_431 = arith.constant 0 : i32
        %dma_wait3A_432 = tpu.memref_slice %arg13[%run_scoped3A_388, %dma_wait3A_431] : memref<2x128xi32, #tpu.memory_space<vmem>> -> memref<1x128xi32, #tpu.memory_space<vmem>>
        %dma_wait3A_433 = tpu.memref_squeeze %dma_wait3A_432 : memref<1x128xi32, #tpu.memory_space<vmem>> -> memref<128xi32, #tpu.memory_space<vmem>>
        %dma_wait3A_434 = arith.constant 0 : i32
        %dma_wait3A_435 = arith.constant 0 : i32
        %dma_wait3A_436 = tpu.memref_slice %arg21[%dma_wait3A_434, %dma_wait3A_435] : memref<10240x64xf32, #tpu.memory_space<vmem_shared>> -> memref<10240x64xf32, #tpu.memory_space<vmem_shared>>
        tpu.wait_indirect_dma semaphore(%run_scoped3A_424 : memref<!tpu.dma_semaphore, #tpu.memory_space<semaphore_mem>>) src(%arg18 : memref<128x64xf32, #tpu.memory_space<vmem>>) dst(%dma_wait3A_436 : memref<10240x64xf32, #tpu.memory_space<vmem_shared>>)
        tpu.yield
      }) : () -> ()
      %add3A_389 = arith.constant 5 : i32
      %add3A_390 = arith.addi %add3A_371, %add3A_389 : i32
      %lt3A_391 = arith.constant 80 : i32
      %lt3A_392 = arith.cmpi slt, %add3A_390, %lt3A_391 : i32
      %convert_element_type3A_393 = arith.extui %lt3A_392 : i1 to i32
      %cond3A_394 = arith.constant 0 : i32
      %cond3A_395 = arith.cmpi ne, %convert_element_type3A_393, %cond3A_394 : i32
      scf.if %cond3A_395 {
        %add3A_424 = arith.addi %mul3A_4, %add3A_371 : i32
        %add3A_425 = arith.constant 5 : i32
        %add3A_426 = arith.addi %add3A_424, %add3A_425 : i32
        %dma_start3A_427 = arith.constant 0 : i32
        %dma_start3A_428 = arith.constant 0 : i32
        %dma_start3A_429 = tpu.memref_slice %arg2[%add3A_426, %dma_start3A_427, %dma_start3A_428] : memref<2560x2x128xi32, #tpu.memory_space<hbm>> -> memref<1x2x128xi32, #tpu.memory_space<hbm>>
        %dma_start3A_430 = tpu.memref_squeeze %dma_start3A_429 : memref<1x2x128xi32, #tpu.memory_space<hbm>> -> memref<2x128xi32, #tpu.memory_space<hbm>>
        %dma_start3A_431 = arith.constant 0 : i32
        %dma_start3A_432 = arith.constant 0 : i32
        %dma_start3A_433 = tpu.memref_slice %arg2[%add3A_426, %dma_start3A_431, %dma_start3A_432] : memref<2560x2x128xi32, #tpu.memory_space<hbm>> -> memref<1x2x128xi32, #tpu.memory_space<hbm>>
        %dma_start3A_434 = tpu.memref_squeeze %dma_start3A_433 : memref<1x2x128xi32, #tpu.memory_space<hbm>> -> memref<2x128xi32, #tpu.memory_space<hbm>>
        tpu.enqueue_dma source(%dma_start3A_434 : memref<2x128xi32, #tpu.memory_space<hbm>>) target(%arg13 : memref<2x128xi32, #tpu.memory_space<vmem>>) target_semaphore(%arg25 : memref<!tpu.dma_semaphore, #tpu.memory_space<semaphore_mem>>)
      } else {
      }
      %mul3A_396 = arith.constant 5 : i32
      %mul3A_397 = arith.muli %scan3A_286, %mul3A_396 : i32
      %add3A_398 = arith.constant 4 : i32
      %add3A_399 = arith.addi %mul3A_397, %add3A_398 : i32
      %add3A_400 = arith.constant 5 : i32
      %add3A_401 = arith.addi %add3A_399, %add3A_400 : i32
      %sub3A_402 = arith.constant 1 : i32
      %sub3A_403 = arith.subi %add3A_401, %sub3A_402 : i32
      %lt3A_404 = arith.constant 80 : i32
      %lt3A_405 = arith.cmpi slt, %sub3A_403, %lt3A_404 : i32
      %convert_element_type3A_406 = arith.extui %lt3A_405 : i1 to i32
      %cond3A_407 = arith.constant 0 : i32
      %cond3A_408 = arith.cmpi ne, %convert_element_type3A_406, %cond3A_407 : i32
      scf.if %cond3A_408 {
        %add3A_424 = arith.addi %mul3A_4, %add3A_399 : i32
        %add3A_425 = arith.constant 5 : i32
        %add3A_426 = arith.addi %add3A_424, %add3A_425 : i32
        %sub3A_427 = arith.constant 1 : i32
        %sub3A_428 = arith.subi %add3A_426, %sub3A_427 : i32
        %dma_wait3A_429 = arith.constant 0 : i32
        %dma_wait3A_430 = arith.constant 0 : i32
        %dma_wait3A_431 = tpu.memref_slice %arg2[%sub3A_428, %dma_wait3A_429, %dma_wait3A_430] : memref<2560x2x128xi32, #tpu.memory_space<hbm>> -> memref<1x2x128xi32, #tpu.memory_space<hbm>>
        %dma_wait3A_432 = tpu.memref_squeeze %dma_wait3A_431 : memref<1x2x128xi32, #tpu.memory_space<hbm>> -> memref<2x128xi32, #tpu.memory_space<hbm>>
        %dma_wait3A_433 = arith.constant 0 : i32
        %dma_wait3A_434 = arith.constant 0 : i32
        %dma_wait3A_435 = tpu.memref_slice %arg2[%sub3A_428, %dma_wait3A_433, %dma_wait3A_434] : memref<2560x2x128xi32, #tpu.memory_space<hbm>> -> memref<1x2x128xi32, #tpu.memory_space<hbm>>
        %dma_wait3A_436 = tpu.memref_squeeze %dma_wait3A_435 : memref<1x2x128xi32, #tpu.memory_space<hbm>> -> memref<2x128xi32, #tpu.memory_space<hbm>>
        tpu.wait_dma2 semaphore(%arg25 : memref<!tpu.dma_semaphore, #tpu.memory_space<semaphore_mem>>) src(%dma_wait3A_436 : memref<2x128xi32, #tpu.memory_space<hbm>>) dst(%arg13 : memref<2x128xi32, #tpu.memory_space<vmem>>)
        %dma_start3A_437 = arith.constant 0 : i32
        %dma_start3A_438 = arith.constant 0 : i32
        %dma_start3A_439 = tpu.memref_slice %arg13[%dma_start3A_437, %dma_start3A_438] : memref<2x128xi32, #tpu.memory_space<vmem>> -> memref<1x128xi32, #tpu.memory_space<vmem>>
        %dma_start3A_440 = tpu.memref_squeeze %dma_start3A_439 : memref<1x128xi32, #tpu.memory_space<vmem>> -> memref<128xi32, #tpu.memory_space<vmem>>
        %dma_start3A_441 = arith.constant 0 : i32
        %dma_start3A_442 = arith.constant 0 : i32
        %dma_start3A_443 = tpu.memref_slice %arg20[%dma_start3A_441, %dma_start3A_442] : memref<10240x64xf32, #tpu.memory_space<vmem_shared>> -> memref<10240x64xf32, #tpu.memory_space<vmem_shared>>
        tpu.enqueue_indirect_dma source(%dma_start3A_443 : memref<10240x64xf32, #tpu.memory_space<vmem_shared>>) target(%arg18 : memref<128x64xf32, #tpu.memory_space<vmem>>) offsets(%dma_start3A_440 : memref<128xi32, #tpu.memory_space<vmem>>) semaphore(%arg30 : memref<!tpu.dma_semaphore, #tpu.memory_space<semaphore_mem>>)
      } else {
      }
      %dma_wait3A_409 = arith.constant 0 : i32
      %dma_wait3A_410 = arith.constant 0 : i32
      %dma_wait3A_411 = tpu.memref_slice %arg14[%dma_wait3A_409, %dma_wait3A_410] : memref<2x128xi32, #tpu.memory_space<vmem>> -> memref<1x128xi32, #tpu.memory_space<vmem>>
      %dma_wait3A_412 = tpu.memref_squeeze %dma_wait3A_411 : memref<1x128xi32, #tpu.memory_space<vmem>> -> memref<128xi32, #tpu.memory_space<vmem>>
      %dma_wait3A_413 = arith.constant 0 : i32
      %dma_wait3A_414 = arith.constant 0 : i32
      %dma_wait3A_415 = tpu.memref_slice %arg20[%dma_wait3A_413, %dma_wait3A_414] : memref<10240x64xf32, #tpu.memory_space<vmem_shared>> -> memref<10240x64xf32, #tpu.memory_space<vmem_shared>>
      tpu.wait_indirect_dma semaphore(%arg31 : memref<!tpu.dma_semaphore, #tpu.memory_space<semaphore_mem>>) src(%dma_wait3A_415 : memref<10240x64xf32, #tpu.memory_space<vmem_shared>>) dst(%arg19 : memref<128x64xf32, #tpu.memory_space<vmem>>)
      %run_scoped3A_416 = arith.constant 1 : i32
      "tpu.region"() ({
        %run_scoped3A_424 = tpu.sem_alloc : memref<!tpu.dma_semaphore, #tpu.memory_space<semaphore_mem>>
        %dma_start3A_425 = arith.constant 0 : i32
        %dma_start3A_426 = tpu.memref_slice %arg14[%run_scoped3A_416, %dma_start3A_425] : memref<2x128xi32, #tpu.memory_space<vmem>> -> memref<1x128xi32, #tpu.memory_space<vmem>>
        %dma_start3A_427 = tpu.memref_squeeze %dma_start3A_426 : memref<1x128xi32, #tpu.memory_space<vmem>> -> memref<128xi32, #tpu.memory_space<vmem>>
        %dma_start3A_428 = arith.constant 0 : i32
        %dma_start3A_429 = arith.constant 0 : i32
        %dma_start3A_430 = tpu.memref_slice %arg21[%dma_start3A_428, %dma_start3A_429] : memref<10240x64xf32, #tpu.memory_space<vmem_shared>> -> memref<10240x64xf32, #tpu.memory_space<vmem_shared>>
        tpu.enqueue_indirect_dma source(%arg19 : memref<128x64xf32, #tpu.memory_space<vmem>>) target(%dma_start3A_430 : memref<10240x64xf32, #tpu.memory_space<vmem_shared>>) offsets(%dma_start3A_427 : memref<128xi32, #tpu.memory_space<vmem>>) semaphore(%run_scoped3A_424 : memref<!tpu.dma_semaphore, #tpu.memory_space<semaphore_mem>>) {add = true}
        %dma_wait3A_431 = arith.constant 0 : i32
        %dma_wait3A_432 = tpu.memref_slice %arg14[%run_scoped3A_416, %dma_wait3A_431] : memref<2x128xi32, #tpu.memory_space<vmem>> -> memref<1x128xi32, #tpu.memory_space<vmem>>
        %dma_wait3A_433 = tpu.memref_squeeze %dma_wait3A_432 : memref<1x128xi32, #tpu.memory_space<vmem>> -> memref<128xi32, #tpu.memory_space<vmem>>
        %dma_wait3A_434 = arith.constant 0 : i32
        %dma_wait3A_435 = arith.constant 0 : i32
        %dma_wait3A_436 = tpu.memref_slice %arg21[%dma_wait3A_434, %dma_wait3A_435] : memref<10240x64xf32, #tpu.memory_space<vmem_shared>> -> memref<10240x64xf32, #tpu.memory_space<vmem_shared>>
        tpu.wait_indirect_dma semaphore(%run_scoped3A_424 : memref<!tpu.dma_semaphore, #tpu.memory_space<semaphore_mem>>) src(%arg19 : memref<128x64xf32, #tpu.memory_space<vmem>>) dst(%dma_wait3A_436 : memref<10240x64xf32, #tpu.memory_space<vmem_shared>>)
        tpu.yield
      }) : () -> ()
      %add3A_417 = arith.constant 5 : i32
      %add3A_418 = arith.addi %add3A_399, %add3A_417 : i32
      %lt3A_419 = arith.constant 80 : i32
      %lt3A_420 = arith.cmpi slt, %add3A_418, %lt3A_419 : i32
      %convert_element_type3A_421 = arith.extui %lt3A_420 : i1 to i32
      %cond3A_422 = arith.constant 0 : i32
      %cond3A_423 = arith.cmpi ne, %convert_element_type3A_421, %cond3A_422 : i32
      scf.if %cond3A_423 {
        %add3A_424 = arith.addi %mul3A_4, %add3A_399 : i32
        %add3A_425 = arith.constant 5 : i32
        %add3A_426 = arith.addi %add3A_424, %add3A_425 : i32
        %dma_start3A_427 = arith.constant 0 : i32
        %dma_start3A_428 = arith.constant 0 : i32
        %dma_start3A_429 = tpu.memref_slice %arg2[%add3A_426, %dma_start3A_427, %dma_start3A_428] : memref<2560x2x128xi32, #tpu.memory_space<hbm>> -> memref<1x2x128xi32, #tpu.memory_space<hbm>>
        %dma_start3A_430 = tpu.memref_squeeze %dma_start3A_429 : memref<1x2x128xi32, #tpu.memory_space<hbm>> -> memref<2x128xi32, #tpu.memory_space<hbm>>
        %dma_start3A_431 = arith.constant 0 : i32
        %dma_start3A_432 = arith.constant 0 : i32
        %dma_start3A_433 = tpu.memref_slice %arg2[%add3A_426, %dma_start3A_431, %dma_start3A_432] : memref<2560x2x128xi32, #tpu.memory_space<hbm>> -> memref<1x2x128xi32, #tpu.memory_space<hbm>>
        %dma_start3A_434 = tpu.memref_squeeze %dma_start3A_433 : memref<1x2x128xi32, #tpu.memory_space<hbm>> -> memref<2x128xi32, #tpu.memory_space<hbm>>
        tpu.enqueue_dma source(%dma_start3A_434 : memref<2x128xi32, #tpu.memory_space<hbm>>) target(%arg14 : memref<2x128xi32, #tpu.memory_space<vmem>>) target_semaphore(%arg26 : memref<!tpu.dma_semaphore, #tpu.memory_space<semaphore_mem>>)
      } else {
      }
    }
    %scan3A_132 = arith.constant 16 : i32
    %barrier3A_133 = arith.constant 0 : index
    tpu.barrier barrier_id(%barrier3A_133)
    %eq3A = arith.constant 0 : i32
    %eq3A_134 = arith.cmpi eq, %arg0, %eq3A : i32
    %convert_element_type3A = arith.extui %eq3A_134 : i1 to i32
    %cond3A = arith.constant 0 : i32
    %cond3A_135 = arith.cmpi ne, %convert_element_type3A, %cond3A : i32
    scf.if %cond3A_135 {
      "tpu.region"() ({
        %run_scoped3A = tpu.sem_alloc : memref<!tpu.dma_semaphore, #tpu.memory_space<semaphore_mem>>
        %dma_start3A_286 = arith.constant 0 : i32
        %dma_start3A_287 = tpu.memref_slice %arg6[%mul3A_2, %dma_start3A_286] : memref<10240x64xf32, #tpu.memory_space<hbm>> -> memref<640x64xf32, #tpu.memory_space<hbm>>
        %dma_start3A_288 = arith.constant 0 : i32
        %dma_start3A_289 = tpu.memref_slice %arg21[%mul3A_2, %dma_start3A_288] : memref<10240x64xf32, #tpu.memory_space<vmem_shared>> -> memref<640x64xf32, #tpu.memory_space<vmem_shared>>
        tpu.enqueue_dma source(%dma_start3A_289 : memref<640x64xf32, #tpu.memory_space<vmem_shared>>) target(%dma_start3A_287 : memref<640x64xf32, #tpu.memory_space<hbm>>) target_semaphore(%run_scoped3A : memref<!tpu.dma_semaphore, #tpu.memory_space<semaphore_mem>>)
        %dma_wait3A_290 = arith.constant 0 : i32
        %dma_wait3A_291 = tpu.memref_slice %arg6[%mul3A_2, %dma_wait3A_290] : memref<10240x64xf32, #tpu.memory_space<hbm>> -> memref<640x64xf32, #tpu.memory_space<hbm>>
        %dma_wait3A_292 = arith.constant 0 : i32
        %dma_wait3A_293 = tpu.memref_slice %arg21[%mul3A_2, %dma_wait3A_292] : memref<10240x64xf32, #tpu.memory_space<vmem_shared>> -> memref<640x64xf32, #tpu.memory_space<vmem_shared>>
        tpu.wait_dma2 semaphore(%run_scoped3A : memref<!tpu.dma_semaphore, #tpu.memory_space<semaphore_mem>>) src(%dma_wait3A_293 : memref<640x64xf32, #tpu.memory_space<vmem_shared>>) dst(%dma_wait3A_291 : memref<640x64xf32, #tpu.memory_space<hbm>>)
        tpu.yield
      }) : () -> ()
    } else {
    }
    %eq3A_136 = arith.constant 1 : i32
    %eq3A_137 = arith.cmpi eq, %arg0, %eq3A_136 : i32
    %convert_element_type3A_138 = arith.extui %eq3A_137 : i1 to i32
    %cond3A_139 = arith.constant 0 : i32
    %cond3A_140 = arith.cmpi ne, %convert_element_type3A_138, %cond3A_139 : i32
    scf.if %cond3A_140 {
      "tpu.region"() ({
        %run_scoped3A = tpu.sem_alloc : memref<!tpu.dma_semaphore, #tpu.memory_space<semaphore_mem>>
        %dma_start3A_286 = arith.constant 0 : i32
        %dma_start3A_287 = tpu.memref_slice %arg8[%mul3A_2, %dma_start3A_286] : memref<10240x64xf32, #tpu.memory_space<hbm>> -> memref<640x64xf32, #tpu.memory_space<hbm>>
        %dma_start3A_288 = arith.constant 0 : i32
        %dma_start3A_289 = tpu.memref_slice %arg21[%mul3A_2, %dma_start3A_288] : memref<10240x64xf32, #tpu.memory_space<vmem_shared>> -> memref<640x64xf32, #tpu.memory_space<vmem_shared>>
        tpu.enqueue_dma source(%dma_start3A_289 : memref<640x64xf32, #tpu.memory_space<vmem_shared>>) target(%dma_start3A_287 : memref<640x64xf32, #tpu.memory_space<hbm>>) target_semaphore(%run_scoped3A : memref<!tpu.dma_semaphore, #tpu.memory_space<semaphore_mem>>)
        %dma_wait3A_290 = arith.constant 0 : i32
        %dma_wait3A_291 = tpu.memref_slice %arg8[%mul3A_2, %dma_wait3A_290] : memref<10240x64xf32, #tpu.memory_space<hbm>> -> memref<640x64xf32, #tpu.memory_space<hbm>>
        %dma_wait3A_292 = arith.constant 0 : i32
        %dma_wait3A_293 = tpu.memref_slice %arg21[%mul3A_2, %dma_wait3A_292] : memref<10240x64xf32, #tpu.memory_space<vmem_shared>> -> memref<640x64xf32, #tpu.memory_space<vmem_shared>>
        tpu.wait_dma2 semaphore(%run_scoped3A : memref<!tpu.dma_semaphore, #tpu.memory_space<semaphore_mem>>) src(%dma_wait3A_293 : memref<640x64xf32, #tpu.memory_space<vmem_shared>>) dst(%dma_wait3A_291 : memref<640x64xf32, #tpu.memory_space<hbm>>)
        tpu.yield
      }) : () -> ()
    } else {
    }
    %barrier3A_141 = arith.constant 0 : index
    tpu.barrier barrier_id(%barrier3A_141)
    %dma_start3A_142 = arith.constant 0 : i32
    %dma_start3A_143 = tpu.memref_slice %arg20[%mul3A_2, %dma_start3A_142] : memref<10240x64xf32, #tpu.memory_space<vmem_shared>> -> memref<640x64xf32, #tpu.memory_space<vmem_shared>>
    %dma_start3A_144 = arith.constant 0 : i32
    %dma_start3A_145 = tpu.memref_slice %arg4[%mul3A_2, %dma_start3A_144] : memref<10240x64xf32, #tpu.memory_space<hbm>> -> memref<640x64xf32, #tpu.memory_space<hbm>>
    tpu.enqueue_dma source(%dma_start3A_145 : memref<640x64xf32, #tpu.memory_space<hbm>>) target(%dma_start3A_143 : memref<640x64xf32, #tpu.memory_space<vmem_shared>>) target_semaphore(%arg22 : memref<!tpu.dma_semaphore, #tpu.memory_space<semaphore_mem>>)
    "tpu.region"() ({
      %run_scoped3A = tpu.sem_alloc : memref<!tpu.dma_semaphore, #tpu.memory_space<semaphore_mem>>
      %dma_start3A_286 = arith.constant 0 : i32
      %dma_start3A_287 = tpu.memref_slice %arg21[%mul3A_2, %dma_start3A_286] : memref<10240x64xf32, #tpu.memory_space<vmem_shared>> -> memref<640x64xf32, #tpu.memory_space<vmem_shared>>
      %dma_start3A_288 = arith.constant 0 : i32
      %dma_start3A_289 = tpu.memref_slice %arg5[%mul3A_2, %dma_start3A_288] : memref<10240x64xf32, #tpu.memory_space<hbm>> -> memref<640x64xf32, #tpu.memory_space<hbm>>
      tpu.enqueue_dma source(%dma_start3A_289 : memref<640x64xf32, #tpu.memory_space<hbm>>) target(%dma_start3A_287 : memref<640x64xf32, #tpu.memory_space<vmem_shared>>) target_semaphore(%run_scoped3A : memref<!tpu.dma_semaphore, #tpu.memory_space<semaphore_mem>>)
      %dma_wait3A_290 = arith.constant 0 : i32
      %dma_wait3A_291 = tpu.memref_slice %arg21[%mul3A_2, %dma_wait3A_290] : memref<10240x64xf32, #tpu.memory_space<vmem_shared>> -> memref<640x64xf32, #tpu.memory_space<vmem_shared>>
      %dma_wait3A_292 = arith.constant 0 : i32
      %dma_wait3A_293 = tpu.memref_slice %arg5[%mul3A_2, %dma_wait3A_292] : memref<10240x64xf32, #tpu.memory_space<hbm>> -> memref<640x64xf32, #tpu.memory_space<hbm>>
      tpu.wait_dma2 semaphore(%run_scoped3A : memref<!tpu.dma_semaphore, #tpu.memory_space<semaphore_mem>>) src(%dma_wait3A_293 : memref<640x64xf32, #tpu.memory_space<hbm>>) dst(%dma_wait3A_291 : memref<640x64xf32, #tpu.memory_space<vmem_shared>>)
      tpu.yield
    }) : () -> ()
    %dma_wait3A_146 = arith.constant 0 : i32
    %dma_wait3A_147 = tpu.memref_slice %arg20[%mul3A_2, %dma_wait3A_146] : memref<10240x64xf32, #tpu.memory_space<vmem_shared>> -> memref<640x64xf32, #tpu.memory_space<vmem_shared>>
    %dma_wait3A_148 = arith.constant 0 : i32
    %dma_wait3A_149 = tpu.memref_slice %arg4[%mul3A_2, %dma_wait3A_148] : memref<10240x64xf32, #tpu.memory_space<hbm>> -> memref<640x64xf32, #tpu.memory_space<hbm>>
    tpu.wait_dma2 semaphore(%arg22 : memref<!tpu.dma_semaphore, #tpu.memory_space<semaphore_mem>>) src(%dma_wait3A_149 : memref<640x64xf32, #tpu.memory_space<hbm>>) dst(%dma_wait3A_147 : memref<640x64xf32, #tpu.memory_space<vmem_shared>>)
    %add3A_150 = arith.constant 0 : i32
    %add3A_151 = arith.addi %mul3A_4, %add3A_150 : i32
    %dma_start3A_152 = arith.constant 0 : i32
    %dma_start3A_153 = arith.constant 0 : i32
    %dma_start3A_154 = tpu.memref_slice %arg2[%add3A_151, %dma_start3A_152, %dma_start3A_153] : memref<2560x2x128xi32, #tpu.memory_space<hbm>> -> memref<1x2x128xi32, #tpu.memory_space<hbm>>
    %dma_start3A_155 = tpu.memref_squeeze %dma_start3A_154 : memref<1x2x128xi32, #tpu.memory_space<hbm>> -> memref<2x128xi32, #tpu.memory_space<hbm>>
    %dma_start3A_156 = arith.constant 0 : i32
    %dma_start3A_157 = arith.constant 0 : i32
    %dma_start3A_158 = tpu.memref_slice %arg2[%add3A_151, %dma_start3A_156, %dma_start3A_157] : memref<2560x2x128xi32, #tpu.memory_space<hbm>> -> memref<1x2x128xi32, #tpu.memory_space<hbm>>
    %dma_start3A_159 = tpu.memref_squeeze %dma_start3A_158 : memref<1x2x128xi32, #tpu.memory_space<hbm>> -> memref<2x128xi32, #tpu.memory_space<hbm>>
    tpu.enqueue_dma source(%dma_start3A_159 : memref<2x128xi32, #tpu.memory_space<hbm>>) target(%arg10 : memref<2x128xi32, #tpu.memory_space<vmem>>) target_semaphore(%arg22 : memref<!tpu.dma_semaphore, #tpu.memory_space<semaphore_mem>>)
    %add3A_160 = arith.constant 1 : i32
    %add3A_161 = arith.addi %mul3A_4, %add3A_160 : i32
    %dma_start3A_162 = arith.constant 0 : i32
    %dma_start3A_163 = arith.constant 0 : i32
    %dma_start3A_164 = tpu.memref_slice %arg2[%add3A_161, %dma_start3A_162, %dma_start3A_163] : memref<2560x2x128xi32, #tpu.memory_space<hbm>> -> memref<1x2x128xi32, #tpu.memory_space<hbm>>
    %dma_start3A_165 = tpu.memref_squeeze %dma_start3A_164 : memref<1x2x128xi32, #tpu.memory_space<hbm>> -> memref<2x128xi32, #tpu.memory_space<hbm>>
    %dma_start3A_166 = arith.constant 0 : i32
    %dma_start3A_167 = arith.constant 0 : i32
    %dma_start3A_168 = tpu.memref_slice %arg2[%add3A_161, %dma_start3A_166, %dma_start3A_167] : memref<2560x2x128xi32, #tpu.memory_space<hbm>> -> memref<1x2x128xi32, #tpu.memory_space<hbm>>
    %dma_start3A_169 = tpu.memref_squeeze %dma_start3A_168 : memref<1x2x128xi32, #tpu.memory_space<hbm>> -> memref<2x128xi32, #tpu.memory_space<hbm>>
    tpu.enqueue_dma source(%dma_start3A_169 : memref<2x128xi32, #tpu.memory_space<hbm>>) target(%arg11 : memref<2x128xi32, #tpu.memory_space<vmem>>) target_semaphore(%arg23 : memref<!tpu.dma_semaphore, #tpu.memory_space<semaphore_mem>>)
    %add3A_170 = arith.constant 2 : i32
    %add3A_171 = arith.addi %mul3A_4, %add3A_170 : i32
    %dma_start3A_172 = arith.constant 0 : i32
    %dma_start3A_173 = arith.constant 0 : i32
    %dma_start3A_174 = tpu.memref_slice %arg2[%add3A_171, %dma_start3A_172, %dma_start3A_173] : memref<2560x2x128xi32, #tpu.memory_space<hbm>> -> memref<1x2x128xi32, #tpu.memory_space<hbm>>
    %dma_start3A_175 = tpu.memref_squeeze %dma_start3A_174 : memref<1x2x128xi32, #tpu.memory_space<hbm>> -> memref<2x128xi32, #tpu.memory_space<hbm>>
    %dma_start3A_176 = arith.constant 0 : i32
    %dma_start3A_177 = arith.constant 0 : i32
    %dma_start3A_178 = tpu.memref_slice %arg2[%add3A_171, %dma_start3A_176, %dma_start3A_177] : memref<2560x2x128xi32, #tpu.memory_space<hbm>> -> memref<1x2x128xi32, #tpu.memory_space<hbm>>
    %dma_start3A_179 = tpu.memref_squeeze %dma_start3A_178 : memref<1x2x128xi32, #tpu.memory_space<hbm>> -> memref<2x128xi32, #tpu.memory_space<hbm>>
    tpu.enqueue_dma source(%dma_start3A_179 : memref<2x128xi32, #tpu.memory_space<hbm>>) target(%arg12 : memref<2x128xi32, #tpu.memory_space<vmem>>) target_semaphore(%arg24 : memref<!tpu.dma_semaphore, #tpu.memory_space<semaphore_mem>>)
    %add3A_180 = arith.constant 3 : i32
    %add3A_181 = arith.addi %mul3A_4, %add3A_180 : i32
    %dma_start3A_182 = arith.constant 0 : i32
    %dma_start3A_183 = arith.constant 0 : i32
    %dma_start3A_184 = tpu.memref_slice %arg2[%add3A_181, %dma_start3A_182, %dma_start3A_183] : memref<2560x2x128xi32, #tpu.memory_space<hbm>> -> memref<1x2x128xi32, #tpu.memory_space<hbm>>
    %dma_start3A_185 = tpu.memref_squeeze %dma_start3A_184 : memref<1x2x128xi32, #tpu.memory_space<hbm>> -> memref<2x128xi32, #tpu.memory_space<hbm>>
    %dma_start3A_186 = arith.constant 0 : i32
    %dma_start3A_187 = arith.constant 0 : i32
    %dma_start3A_188 = tpu.memref_slice %arg2[%add3A_181, %dma_start3A_186, %dma_start3A_187] : memref<2560x2x128xi32, #tpu.memory_space<hbm>> -> memref<1x2x128xi32, #tpu.memory_space<hbm>>
    %dma_start3A_189 = tpu.memref_squeeze %dma_start3A_188 : memref<1x2x128xi32, #tpu.memory_space<hbm>> -> memref<2x128xi32, #tpu.memory_space<hbm>>
    tpu.enqueue_dma source(%dma_start3A_189 : memref<2x128xi32, #tpu.memory_space<hbm>>) target(%arg13 : memref<2x128xi32, #tpu.memory_space<vmem>>) target_semaphore(%arg25 : memref<!tpu.dma_semaphore, #tpu.memory_space<semaphore_mem>>)
    %add3A_190 = arith.constant 4 : i32
    %add3A_191 = arith.addi %mul3A_4, %add3A_190 : i32
    %dma_start3A_192 = arith.constant 0 : i32
    %dma_start3A_193 = arith.constant 0 : i32
    %dma_start3A_194 = tpu.memref_slice %arg2[%add3A_191, %dma_start3A_192, %dma_start3A_193] : memref<2560x2x128xi32, #tpu.memory_space<hbm>> -> memref<1x2x128xi32, #tpu.memory_space<hbm>>
    %dma_start3A_195 = tpu.memref_squeeze %dma_start3A_194 : memref<1x2x128xi32, #tpu.memory_space<hbm>> -> memref<2x128xi32, #tpu.memory_space<hbm>>
    %dma_start3A_196 = arith.constant 0 : i32
    %dma_start3A_197 = arith.constant 0 : i32
    %dma_start3A_198 = tpu.memref_slice %arg2[%add3A_191, %dma_start3A_196, %dma_start3A_197] : memref<2560x2x128xi32, #tpu.memory_space<hbm>> -> memref<1x2x128xi32, #tpu.memory_space<hbm>>
    %dma_start3A_199 = tpu.memref_squeeze %dma_start3A_198 : memref<1x2x128xi32, #tpu.memory_space<hbm>> -> memref<2x128xi32, #tpu.memory_space<hbm>>
    tpu.enqueue_dma source(%dma_start3A_199 : memref<2x128xi32, #tpu.memory_space<hbm>>) target(%arg14 : memref<2x128xi32, #tpu.memory_space<vmem>>) target_semaphore(%arg26 : memref<!tpu.dma_semaphore, #tpu.memory_space<semaphore_mem>>)
    %barrier3A_200 = arith.constant 0 : index
    tpu.barrier barrier_id(%barrier3A_200)
    %add3A_201 = arith.constant 0 : i32
    %add3A_202 = arith.addi %mul3A_4, %add3A_201 : i32
    %dma_wait3A_203 = arith.constant 0 : i32
    %dma_wait3A_204 = arith.constant 0 : i32
    %dma_wait3A_205 = tpu.memref_slice %arg2[%add3A_202, %dma_wait3A_203, %dma_wait3A_204] : memref<2560x2x128xi32, #tpu.memory_space<hbm>> -> memref<1x2x128xi32, #tpu.memory_space<hbm>>
    %dma_wait3A_206 = tpu.memref_squeeze %dma_wait3A_205 : memref<1x2x128xi32, #tpu.memory_space<hbm>> -> memref<2x128xi32, #tpu.memory_space<hbm>>
    %dma_wait3A_207 = arith.constant 0 : i32
    %dma_wait3A_208 = arith.constant 0 : i32
    %dma_wait3A_209 = tpu.memref_slice %arg2[%add3A_202, %dma_wait3A_207, %dma_wait3A_208] : memref<2560x2x128xi32, #tpu.memory_space<hbm>> -> memref<1x2x128xi32, #tpu.memory_space<hbm>>
    %dma_wait3A_210 = tpu.memref_squeeze %dma_wait3A_209 : memref<1x2x128xi32, #tpu.memory_space<hbm>> -> memref<2x128xi32, #tpu.memory_space<hbm>>
    tpu.wait_dma2 semaphore(%arg22 : memref<!tpu.dma_semaphore, #tpu.memory_space<semaphore_mem>>) src(%dma_wait3A_210 : memref<2x128xi32, #tpu.memory_space<hbm>>) dst(%arg10 : memref<2x128xi32, #tpu.memory_space<vmem>>)
    %dma_start3A_211 = arith.constant 0 : i32
    %dma_start3A_212 = arith.constant 0 : i32
    %dma_start3A_213 = tpu.memref_slice %arg10[%dma_start3A_211, %dma_start3A_212] : memref<2x128xi32, #tpu.memory_space<vmem>> -> memref<1x128xi32, #tpu.memory_space<vmem>>
    %dma_start3A_214 = tpu.memref_squeeze %dma_start3A_213 : memref<1x128xi32, #tpu.memory_space<vmem>> -> memref<128xi32, #tpu.memory_space<vmem>>
    %dma_start3A_215 = arith.constant 0 : i32
    %dma_start3A_216 = arith.constant 0 : i32
    %dma_start3A_217 = tpu.memref_slice %arg20[%dma_start3A_215, %dma_start3A_216] : memref<10240x64xf32, #tpu.memory_space<vmem_shared>> -> memref<10240x64xf32, #tpu.memory_space<vmem_shared>>
    tpu.enqueue_indirect_dma source(%dma_start3A_217 : memref<10240x64xf32, #tpu.memory_space<vmem_shared>>) target(%arg15 : memref<128x64xf32, #tpu.memory_space<vmem>>) offsets(%dma_start3A_214 : memref<128xi32, #tpu.memory_space<vmem>>) semaphore(%arg27 : memref<!tpu.dma_semaphore, #tpu.memory_space<semaphore_mem>>)
    %add3A_218 = arith.constant 1 : i32
    %add3A_219 = arith.addi %mul3A_4, %add3A_218 : i32
    %dma_wait3A_220 = arith.constant 0 : i32
    %dma_wait3A_221 = arith.constant 0 : i32
    %dma_wait3A_222 = tpu.memref_slice %arg2[%add3A_219, %dma_wait3A_220, %dma_wait3A_221] : memref<2560x2x128xi32, #tpu.memory_space<hbm>> -> memref<1x2x128xi32, #tpu.memory_space<hbm>>
    %dma_wait3A_223 = tpu.memref_squeeze %dma_wait3A_222 : memref<1x2x128xi32, #tpu.memory_space<hbm>> -> memref<2x128xi32, #tpu.memory_space<hbm>>
    %dma_wait3A_224 = arith.constant 0 : i32
    %dma_wait3A_225 = arith.constant 0 : i32
    %dma_wait3A_226 = tpu.memref_slice %arg2[%add3A_219, %dma_wait3A_224, %dma_wait3A_225] : memref<2560x2x128xi32, #tpu.memory_space<hbm>> -> memref<1x2x128xi32, #tpu.memory_space<hbm>>
    %dma_wait3A_227 = tpu.memref_squeeze %dma_wait3A_226 : memref<1x2x128xi32, #tpu.memory_space<hbm>> -> memref<2x128xi32, #tpu.memory_space<hbm>>
    tpu.wait_dma2 semaphore(%arg23 : memref<!tpu.dma_semaphore, #tpu.memory_space<semaphore_mem>>) src(%dma_wait3A_227 : memref<2x128xi32, #tpu.memory_space<hbm>>) dst(%arg11 : memref<2x128xi32, #tpu.memory_space<vmem>>)
    %dma_start3A_228 = arith.constant 0 : i32
    %dma_start3A_229 = arith.constant 0 : i32
    %dma_start3A_230 = tpu.memref_slice %arg11[%dma_start3A_228, %dma_start3A_229] : memref<2x128xi32, #tpu.memory_space<vmem>> -> memref<1x128xi32, #tpu.memory_space<vmem>>
    %dma_start3A_231 = tpu.memref_squeeze %dma_start3A_230 : memref<1x128xi32, #tpu.memory_space<vmem>> -> memref<128xi32, #tpu.memory_space<vmem>>
    %dma_start3A_232 = arith.constant 0 : i32
    %dma_start3A_233 = arith.constant 0 : i32
    %dma_start3A_234 = tpu.memref_slice %arg20[%dma_start3A_232, %dma_start3A_233] : memref<10240x64xf32, #tpu.memory_space<vmem_shared>> -> memref<10240x64xf32, #tpu.memory_space<vmem_shared>>
    tpu.enqueue_indirect_dma source(%dma_start3A_234 : memref<10240x64xf32, #tpu.memory_space<vmem_shared>>) target(%arg16 : memref<128x64xf32, #tpu.memory_space<vmem>>) offsets(%dma_start3A_231 : memref<128xi32, #tpu.memory_space<vmem>>) semaphore(%arg28 : memref<!tpu.dma_semaphore, #tpu.memory_space<semaphore_mem>>)
    %add3A_235 = arith.constant 2 : i32
    %add3A_236 = arith.addi %mul3A_4, %add3A_235 : i32
    %dma_wait3A_237 = arith.constant 0 : i32
    %dma_wait3A_238 = arith.constant 0 : i32
    %dma_wait3A_239 = tpu.memref_slice %arg2[%add3A_236, %dma_wait3A_237, %dma_wait3A_238] : memref<2560x2x128xi32, #tpu.memory_space<hbm>> -> memref<1x2x128xi32, #tpu.memory_space<hbm>>
    %dma_wait3A_240 = tpu.memref_squeeze %dma_wait3A_239 : memref<1x2x128xi32, #tpu.memory_space<hbm>> -> memref<2x128xi32, #tpu.memory_space<hbm>>
    %dma_wait3A_241 = arith.constant 0 : i32
    %dma_wait3A_242 = arith.constant 0 : i32
    %dma_wait3A_243 = tpu.memref_slice %arg2[%add3A_236, %dma_wait3A_241, %dma_wait3A_242] : memref<2560x2x128xi32, #tpu.memory_space<hbm>> -> memref<1x2x128xi32, #tpu.memory_space<hbm>>
    %dma_wait3A_244 = tpu.memref_squeeze %dma_wait3A_243 : memref<1x2x128xi32, #tpu.memory_space<hbm>> -> memref<2x128xi32, #tpu.memory_space<hbm>>
    tpu.wait_dma2 semaphore(%arg24 : memref<!tpu.dma_semaphore, #tpu.memory_space<semaphore_mem>>) src(%dma_wait3A_244 : memref<2x128xi32, #tpu.memory_space<hbm>>) dst(%arg12 : memref<2x128xi32, #tpu.memory_space<vmem>>)
    %dma_start3A_245 = arith.constant 0 : i32
    %dma_start3A_246 = arith.constant 0 : i32
    %dma_start3A_247 = tpu.memref_slice %arg12[%dma_start3A_245, %dma_start3A_246] : memref<2x128xi32, #tpu.memory_space<vmem>> -> memref<1x128xi32, #tpu.memory_space<vmem>>
    %dma_start3A_248 = tpu.memref_squeeze %dma_start3A_247 : memref<1x128xi32, #tpu.memory_space<vmem>> -> memref<128xi32, #tpu.memory_space<vmem>>
    %dma_start3A_249 = arith.constant 0 : i32
    %dma_start3A_250 = arith.constant 0 : i32
    %dma_start3A_251 = tpu.memref_slice %arg20[%dma_start3A_249, %dma_start3A_250] : memref<10240x64xf32, #tpu.memory_space<vmem_shared>> -> memref<10240x64xf32, #tpu.memory_space<vmem_shared>>
    tpu.enqueue_indirect_dma source(%dma_start3A_251 : memref<10240x64xf32, #tpu.memory_space<vmem_shared>>) target(%arg17 : memref<128x64xf32, #tpu.memory_space<vmem>>) offsets(%dma_start3A_248 : memref<128xi32, #tpu.memory_space<vmem>>) semaphore(%arg29 : memref<!tpu.dma_semaphore, #tpu.memory_space<semaphore_mem>>)
    %add3A_252 = arith.constant 3 : i32
    %add3A_253 = arith.addi %mul3A_4, %add3A_252 : i32
    %dma_wait3A_254 = arith.constant 0 : i32
    %dma_wait3A_255 = arith.constant 0 : i32
    %dma_wait3A_256 = tpu.memref_slice %arg2[%add3A_253, %dma_wait3A_254, %dma_wait3A_255] : memref<2560x2x128xi32, #tpu.memory_space<hbm>> -> memref<1x2x128xi32, #tpu.memory_space<hbm>>
    %dma_wait3A_257 = tpu.memref_squeeze %dma_wait3A_256 : memref<1x2x128xi32, #tpu.memory_space<hbm>> -> memref<2x128xi32, #tpu.memory_space<hbm>>
    %dma_wait3A_258 = arith.constant 0 : i32
    %dma_wait3A_259 = arith.constant 0 : i32
    %dma_wait3A_260 = tpu.memref_slice %arg2[%add3A_253, %dma_wait3A_258, %dma_wait3A_259] : memref<2560x2x128xi32, #tpu.memory_space<hbm>> -> memref<1x2x128xi32, #tpu.memory_space<hbm>>
    %dma_wait3A_261 = tpu.memref_squeeze %dma_wait3A_260 : memref<1x2x128xi32, #tpu.memory_space<hbm>> -> memref<2x128xi32, #tpu.memory_space<hbm>>
    tpu.wait_dma2 semaphore(%arg25 : memref<!tpu.dma_semaphore, #tpu.memory_space<semaphore_mem>>) src(%dma_wait3A_261 : memref<2x128xi32, #tpu.memory_space<hbm>>) dst(%arg13 : memref<2x128xi32, #tpu.memory_space<vmem>>)
    %dma_start3A_262 = arith.constant 0 : i32
    %dma_start3A_263 = arith.constant 0 : i32
    %dma_start3A_264 = tpu.memref_slice %arg13[%dma_start3A_262, %dma_start3A_263] : memref<2x128xi32, #tpu.memory_space<vmem>> -> memref<1x128xi32, #tpu.memory_space<vmem>>
    %dma_start3A_265 = tpu.memref_squeeze %dma_start3A_264 : memref<1x128xi32, #tpu.memory_space<vmem>> -> memref<128xi32, #tpu.memory_space<vmem>>
    %dma_start3A_266 = arith.constant 0 : i32
    %dma_start3A_267 = arith.constant 0 : i32
    %dma_start3A_268 = tpu.memref_slice %arg20[%dma_start3A_266, %dma_start3A_267] : memref<10240x64xf32, #tpu.memory_space<vmem_shared>> -> memref<10240x64xf32, #tpu.memory_space<vmem_shared>>
    tpu.enqueue_indirect_dma source(%dma_start3A_268 : memref<10240x64xf32, #tpu.memory_space<vmem_shared>>) target(%arg18 : memref<128x64xf32, #tpu.memory_space<vmem>>) offsets(%dma_start3A_265 : memref<128xi32, #tpu.memory_space<vmem>>) semaphore(%arg30 : memref<!tpu.dma_semaphore, #tpu.memory_space<semaphore_mem>>)
    %scan3A_269 = arith.constant 0 : i32
    %scan3A_270 = arith.constant 16 : i32
    %scan3A_271 = arith.addi %scan3A_269, %scan3A_270 : i32
    %scan3A_272 = arith.constant 1 : i32
    scf.for %scan3A_286 = %scan3A_269 to %scan3A_271 step %scan3A_272  : i32 {
      %mul3A_287 = arith.constant 5 : i32
      %mul3A_288 = arith.muli %scan3A_286, %mul3A_287 : i32
      %add3A_289 = arith.constant 0 : i32
      %add3A_290 = arith.addi %mul3A_288, %add3A_289 : i32
      %add3A_291 = arith.constant 5 : i32
      %add3A_292 = arith.addi %add3A_290, %add3A_291 : i32
      %sub3A = arith.constant 1 : i32
      %sub3A_293 = arith.subi %add3A_292, %sub3A : i32
      %lt3A = arith.constant 80 : i32
      %lt3A_294 = arith.cmpi slt, %sub3A_293, %lt3A : i32
      %convert_element_type3A_295 = arith.extui %lt3A_294 : i1 to i32
      %cond3A_296 = arith.constant 0 : i32
      %cond3A_297 = arith.cmpi ne, %convert_element_type3A_295, %cond3A_296 : i32
      scf.if %cond3A_297 {
        %add3A_424 = arith.addi %mul3A_4, %add3A_290 : i32
        %add3A_425 = arith.constant 5 : i32
        %add3A_426 = arith.addi %add3A_424, %add3A_425 : i32
        %sub3A_427 = arith.constant 1 : i32
        %sub3A_428 = arith.subi %add3A_426, %sub3A_427 : i32
        %dma_wait3A_429 = arith.constant 0 : i32
        %dma_wait3A_430 = arith.constant 0 : i32
        %dma_wait3A_431 = tpu.memref_slice %arg2[%sub3A_428, %dma_wait3A_429, %dma_wait3A_430] : memref<2560x2x128xi32, #tpu.memory_space<hbm>> -> memref<1x2x128xi32, #tpu.memory_space<hbm>>
        %dma_wait3A_432 = tpu.memref_squeeze %dma_wait3A_431 : memref<1x2x128xi32, #tpu.memory_space<hbm>> -> memref<2x128xi32, #tpu.memory_space<hbm>>
        %dma_wait3A_433 = arith.constant 0 : i32
        %dma_wait3A_434 = arith.constant 0 : i32
        %dma_wait3A_435 = tpu.memref_slice %arg2[%sub3A_428, %dma_wait3A_433, %dma_wait3A_434] : memref<2560x2x128xi32, #tpu.memory_space<hbm>> -> memref<1x2x128xi32, #tpu.memory_space<hbm>>
        %dma_wait3A_436 = tpu.memref_squeeze %dma_wait3A_435 : memref<1x2x128xi32, #tpu.memory_space<hbm>> -> memref<2x128xi32, #tpu.memory_space<hbm>>
        tpu.wait_dma2 semaphore(%arg26 : memref<!tpu.dma_semaphore, #tpu.memory_space<semaphore_mem>>) src(%dma_wait3A_436 : memref<2x128xi32, #tpu.memory_space<hbm>>) dst(%arg14 : memref<2x128xi32, #tpu.memory_space<vmem>>)
        %dma_start3A_437 = arith.constant 0 : i32
        %dma_start3A_438 = arith.constant 0 : i32
        %dma_start3A_439 = tpu.memref_slice %arg14[%dma_start3A_437, %dma_start3A_438] : memref<2x128xi32, #tpu.memory_space<vmem>> -> memref<1x128xi32, #tpu.memory_space<vmem>>
        %dma_start3A_440 = tpu.memref_squeeze %dma_start3A_439 : memref<1x128xi32, #tpu.memory_space<vmem>> -> memref<128xi32, #tpu.memory_space<vmem>>
        %dma_start3A_441 = arith.constant 0 : i32
        %dma_start3A_442 = arith.constant 0 : i32
        %dma_start3A_443 = tpu.memref_slice %arg20[%dma_start3A_441, %dma_start3A_442] : memref<10240x64xf32, #tpu.memory_space<vmem_shared>> -> memref<10240x64xf32, #tpu.memory_space<vmem_shared>>
        tpu.enqueue_indirect_dma source(%dma_start3A_443 : memref<10240x64xf32, #tpu.memory_space<vmem_shared>>) target(%arg19 : memref<128x64xf32, #tpu.memory_space<vmem>>) offsets(%dma_start3A_440 : memref<128xi32, #tpu.memory_space<vmem>>) semaphore(%arg31 : memref<!tpu.dma_semaphore, #tpu.memory_space<semaphore_mem>>)
      } else {
      }
      %dma_wait3A_298 = arith.constant 0 : i32
      %dma_wait3A_299 = arith.constant 0 : i32
      %dma_wait3A_300 = tpu.memref_slice %arg10[%dma_wait3A_298, %dma_wait3A_299] : memref<2x128xi32, #tpu.memory_space<vmem>> -> memref<1x128xi32, #tpu.memory_space<vmem>>
      %dma_wait3A_301 = tpu.memref_squeeze %dma_wait3A_300 : memref<1x128xi32, #tpu.memory_space<vmem>> -> memref<128xi32, #tpu.memory_space<vmem>>
      %dma_wait3A_302 = arith.constant 0 : i32
      %dma_wait3A_303 = arith.constant 0 : i32
      %dma_wait3A_304 = tpu.memref_slice %arg20[%dma_wait3A_302, %dma_wait3A_303] : memref<10240x64xf32, #tpu.memory_space<vmem_shared>> -> memref<10240x64xf32, #tpu.memory_space<vmem_shared>>
      tpu.wait_indirect_dma semaphore(%arg27 : memref<!tpu.dma_semaphore, #tpu.memory_space<semaphore_mem>>) src(%dma_wait3A_304 : memref<10240x64xf32, #tpu.memory_space<vmem_shared>>) dst(%arg15 : memref<128x64xf32, #tpu.memory_space<vmem>>)
      %run_scoped3A = arith.constant 1 : i32
      "tpu.region"() ({
        %run_scoped3A_424 = tpu.sem_alloc : memref<!tpu.dma_semaphore, #tpu.memory_space<semaphore_mem>>
        %dma_start3A_425 = arith.constant 0 : i32
        %dma_start3A_426 = tpu.memref_slice %arg10[%run_scoped3A, %dma_start3A_425] : memref<2x128xi32, #tpu.memory_space<vmem>> -> memref<1x128xi32, #tpu.memory_space<vmem>>
        %dma_start3A_427 = tpu.memref_squeeze %dma_start3A_426 : memref<1x128xi32, #tpu.memory_space<vmem>> -> memref<128xi32, #tpu.memory_space<vmem>>
        %dma_start3A_428 = arith.constant 0 : i32
        %dma_start3A_429 = arith.constant 0 : i32
        %dma_start3A_430 = tpu.memref_slice %arg21[%dma_start3A_428, %dma_start3A_429] : memref<10240x64xf32, #tpu.memory_space<vmem_shared>> -> memref<10240x64xf32, #tpu.memory_space<vmem_shared>>
        tpu.enqueue_indirect_dma source(%arg15 : memref<128x64xf32, #tpu.memory_space<vmem>>) target(%dma_start3A_430 : memref<10240x64xf32, #tpu.memory_space<vmem_shared>>) offsets(%dma_start3A_427 : memref<128xi32, #tpu.memory_space<vmem>>) semaphore(%run_scoped3A_424 : memref<!tpu.dma_semaphore, #tpu.memory_space<semaphore_mem>>) {add = true}
        %dma_wait3A_431 = arith.constant 0 : i32
        %dma_wait3A_432 = tpu.memref_slice %arg10[%run_scoped3A, %dma_wait3A_431] : memref<2x128xi32, #tpu.memory_space<vmem>> -> memref<1x128xi32, #tpu.memory_space<vmem>>
        %dma_wait3A_433 = tpu.memref_squeeze %dma_wait3A_432 : memref<1x128xi32, #tpu.memory_space<vmem>> -> memref<128xi32, #tpu.memory_space<vmem>>
        %dma_wait3A_434 = arith.constant 0 : i32
        %dma_wait3A_435 = arith.constant 0 : i32
        %dma_wait3A_436 = tpu.memref_slice %arg21[%dma_wait3A_434, %dma_wait3A_435] : memref<10240x64xf32, #tpu.memory_space<vmem_shared>> -> memref<10240x64xf32, #tpu.memory_space<vmem_shared>>
        tpu.wait_indirect_dma semaphore(%run_scoped3A_424 : memref<!tpu.dma_semaphore, #tpu.memory_space<semaphore_mem>>) src(%arg15 : memref<128x64xf32, #tpu.memory_space<vmem>>) dst(%dma_wait3A_436 : memref<10240x64xf32, #tpu.memory_space<vmem_shared>>)
        tpu.yield
      }) : () -> ()
      %add3A_305 = arith.constant 5 : i32
      %add3A_306 = arith.addi %add3A_290, %add3A_305 : i32
      %lt3A_307 = arith.constant 80 : i32
      %lt3A_308 = arith.cmpi slt, %add3A_306, %lt3A_307 : i32
      %convert_element_type3A_309 = arith.extui %lt3A_308 : i1 to i32
      %cond3A_310 = arith.constant 0 : i32
      %cond3A_311 = arith.cmpi ne, %convert_element_type3A_309, %cond3A_310 : i32
      scf.if %cond3A_311 {
        %add3A_424 = arith.addi %mul3A_4, %add3A_290 : i32
        %add3A_425 = arith.constant 5 : i32
        %add3A_426 = arith.addi %add3A_424, %add3A_425 : i32
        %dma_start3A_427 = arith.constant 0 : i32
        %dma_start3A_428 = arith.constant 0 : i32
        %dma_start3A_429 = tpu.memref_slice %arg2[%add3A_426, %dma_start3A_427, %dma_start3A_428] : memref<2560x2x128xi32, #tpu.memory_space<hbm>> -> memref<1x2x128xi32, #tpu.memory_space<hbm>>
        %dma_start3A_430 = tpu.memref_squeeze %dma_start3A_429 : memref<1x2x128xi32, #tpu.memory_space<hbm>> -> memref<2x128xi32, #tpu.memory_space<hbm>>
        %dma_start3A_431 = arith.constant 0 : i32
        %dma_start3A_432 = arith.constant 0 : i32
        %dma_start3A_433 = tpu.memref_slice %arg2[%add3A_426, %dma_start3A_431, %dma_start3A_432] : memref<2560x2x128xi32, #tpu.memory_space<hbm>> -> memref<1x2x128xi32, #tpu.memory_space<hbm>>
        %dma_start3A_434 = tpu.memref_squeeze %dma_start3A_433 : memref<1x2x128xi32, #tpu.memory_space<hbm>> -> memref<2x128xi32, #tpu.memory_space<hbm>>
        tpu.enqueue_dma source(%dma_start3A_434 : memref<2x128xi32, #tpu.memory_space<hbm>>) target(%arg10 : memref<2x128xi32, #tpu.memory_space<vmem>>) target_semaphore(%arg22 : memref<!tpu.dma_semaphore, #tpu.memory_space<semaphore_mem>>)
      } else {
      }
      %mul3A_312 = arith.constant 5 : i32
      %mul3A_313 = arith.muli %scan3A_286, %mul3A_312 : i32
      %add3A_314 = arith.constant 1 : i32
      %add3A_315 = arith.addi %mul3A_313, %add3A_314 : i32
      %add3A_316 = arith.constant 5 : i32
      %add3A_317 = arith.addi %add3A_315, %add3A_316 : i32
      %sub3A_318 = arith.constant 1 : i32
      %sub3A_319 = arith.subi %add3A_317, %sub3A_318 : i32
      %lt3A_320 = arith.constant 80 : i32
      %lt3A_321 = arith.cmpi slt, %sub3A_319, %lt3A_320 : i32
      %convert_element_type3A_322 = arith.extui %lt3A_321 : i1 to i32
      %cond3A_323 = arith.constant 0 : i32
      %cond3A_324 = arith.cmpi ne, %convert_element_type3A_322, %cond3A_323 : i32
      scf.if %cond3A_324 {
        %add3A_424 = arith.addi %mul3A_4, %add3A_315 : i32
        %add3A_425 = arith.constant 5 : i32
        %add3A_426 = arith.addi %add3A_424, %add3A_425 : i32
        %sub3A_427 = arith.constant 1 : i32
        %sub3A_428 = arith.subi %add3A_426, %sub3A_427 : i32
        %dma_wait3A_429 = arith.constant 0 : i32
        %dma_wait3A_430 = arith.constant 0 : i32
        %dma_wait3A_431 = tpu.memref_slice %arg2[%sub3A_428, %dma_wait3A_429, %dma_wait3A_430] : memref<2560x2x128xi32, #tpu.memory_space<hbm>> -> memref<1x2x128xi32, #tpu.memory_space<hbm>>
        %dma_wait3A_432 = tpu.memref_squeeze %dma_wait3A_431 : memref<1x2x128xi32, #tpu.memory_space<hbm>> -> memref<2x128xi32, #tpu.memory_space<hbm>>
        %dma_wait3A_433 = arith.constant 0 : i32
        %dma_wait3A_434 = arith.constant 0 : i32
        %dma_wait3A_435 = tpu.memref_slice %arg2[%sub3A_428, %dma_wait3A_433, %dma_wait3A_434] : memref<2560x2x128xi32, #tpu.memory_space<hbm>> -> memref<1x2x128xi32, #tpu.memory_space<hbm>>
        %dma_wait3A_436 = tpu.memref_squeeze %dma_wait3A_435 : memref<1x2x128xi32, #tpu.memory_space<hbm>> -> memref<2x128xi32, #tpu.memory_space<hbm>>
        tpu.wait_dma2 semaphore(%arg22 : memref<!tpu.dma_semaphore, #tpu.memory_space<semaphore_mem>>) src(%dma_wait3A_436 : memref<2x128xi32, #tpu.memory_space<hbm>>) dst(%arg10 : memref<2x128xi32, #tpu.memory_space<vmem>>)
        %dma_start3A_437 = arith.constant 0 : i32
        %dma_start3A_438 = arith.constant 0 : i32
        %dma_start3A_439 = tpu.memref_slice %arg10[%dma_start3A_437, %dma_start3A_438] : memref<2x128xi32, #tpu.memory_space<vmem>> -> memref<1x128xi32, #tpu.memory_space<vmem>>
        %dma_start3A_440 = tpu.memref_squeeze %dma_start3A_439 : memref<1x128xi32, #tpu.memory_space<vmem>> -> memref<128xi32, #tpu.memory_space<vmem>>
        %dma_start3A_441 = arith.constant 0 : i32
        %dma_start3A_442 = arith.constant 0 : i32
        %dma_start3A_443 = tpu.memref_slice %arg20[%dma_start3A_441, %dma_start3A_442] : memref<10240x64xf32, #tpu.memory_space<vmem_shared>> -> memref<10240x64xf32, #tpu.memory_space<vmem_shared>>
        tpu.enqueue_indirect_dma source(%dma_start3A_443 : memref<10240x64xf32, #tpu.memory_space<vmem_shared>>) target(%arg15 : memref<128x64xf32, #tpu.memory_space<vmem>>) offsets(%dma_start3A_440 : memref<128xi32, #tpu.memory_space<vmem>>) semaphore(%arg27 : memref<!tpu.dma_semaphore, #tpu.memory_space<semaphore_mem>>)
      } else {
      }
      %dma_wait3A_325 = arith.constant 0 : i32
      %dma_wait3A_326 = arith.constant 0 : i32
      %dma_wait3A_327 = tpu.memref_slice %arg11[%dma_wait3A_325, %dma_wait3A_326] : memref<2x128xi32, #tpu.memory_space<vmem>> -> memref<1x128xi32, #tpu.memory_space<vmem>>
      %dma_wait3A_328 = tpu.memref_squeeze %dma_wait3A_327 : memref<1x128xi32, #tpu.memory_space<vmem>> -> memref<128xi32, #tpu.memory_space<vmem>>
      %dma_wait3A_329 = arith.constant 0 : i32
      %dma_wait3A_330 = arith.constant 0 : i32
      %dma_wait3A_331 = tpu.memref_slice %arg20[%dma_wait3A_329, %dma_wait3A_330] : memref<10240x64xf32, #tpu.memory_space<vmem_shared>> -> memref<10240x64xf32, #tpu.memory_space<vmem_shared>>
      tpu.wait_indirect_dma semaphore(%arg28 : memref<!tpu.dma_semaphore, #tpu.memory_space<semaphore_mem>>) src(%dma_wait3A_331 : memref<10240x64xf32, #tpu.memory_space<vmem_shared>>) dst(%arg16 : memref<128x64xf32, #tpu.memory_space<vmem>>)
      %run_scoped3A_332 = arith.constant 1 : i32
      "tpu.region"() ({
        %run_scoped3A_424 = tpu.sem_alloc : memref<!tpu.dma_semaphore, #tpu.memory_space<semaphore_mem>>
        %dma_start3A_425 = arith.constant 0 : i32
        %dma_start3A_426 = tpu.memref_slice %arg11[%run_scoped3A_332, %dma_start3A_425] : memref<2x128xi32, #tpu.memory_space<vmem>> -> memref<1x128xi32, #tpu.memory_space<vmem>>
        %dma_start3A_427 = tpu.memref_squeeze %dma_start3A_426 : memref<1x128xi32, #tpu.memory_space<vmem>> -> memref<128xi32, #tpu.memory_space<vmem>>
        %dma_start3A_428 = arith.constant 0 : i32
        %dma_start3A_429 = arith.constant 0 : i32
        %dma_start3A_430 = tpu.memref_slice %arg21[%dma_start3A_428, %dma_start3A_429] : memref<10240x64xf32, #tpu.memory_space<vmem_shared>> -> memref<10240x64xf32, #tpu.memory_space<vmem_shared>>
        tpu.enqueue_indirect_dma source(%arg16 : memref<128x64xf32, #tpu.memory_space<vmem>>) target(%dma_start3A_430 : memref<10240x64xf32, #tpu.memory_space<vmem_shared>>) offsets(%dma_start3A_427 : memref<128xi32, #tpu.memory_space<vmem>>) semaphore(%run_scoped3A_424 : memref<!tpu.dma_semaphore, #tpu.memory_space<semaphore_mem>>) {add = true}
        %dma_wait3A_431 = arith.constant 0 : i32
        %dma_wait3A_432 = tpu.memref_slice %arg11[%run_scoped3A_332, %dma_wait3A_431] : memref<2x128xi32, #tpu.memory_space<vmem>> -> memref<1x128xi32, #tpu.memory_space<vmem>>
        %dma_wait3A_433 = tpu.memref_squeeze %dma_wait3A_432 : memref<1x128xi32, #tpu.memory_space<vmem>> -> memref<128xi32, #tpu.memory_space<vmem>>
        %dma_wait3A_434 = arith.constant 0 : i32
        %dma_wait3A_435 = arith.constant 0 : i32
        %dma_wait3A_436 = tpu.memref_slice %arg21[%dma_wait3A_434, %dma_wait3A_435] : memref<10240x64xf32, #tpu.memory_space<vmem_shared>> -> memref<10240x64xf32, #tpu.memory_space<vmem_shared>>
        tpu.wait_indirect_dma semaphore(%run_scoped3A_424 : memref<!tpu.dma_semaphore, #tpu.memory_space<semaphore_mem>>) src(%arg16 : memref<128x64xf32, #tpu.memory_space<vmem>>) dst(%dma_wait3A_436 : memref<10240x64xf32, #tpu.memory_space<vmem_shared>>)
        tpu.yield
      }) : () -> ()
      %add3A_333 = arith.constant 5 : i32
      %add3A_334 = arith.addi %add3A_315, %add3A_333 : i32
      %lt3A_335 = arith.constant 80 : i32
      %lt3A_336 = arith.cmpi slt, %add3A_334, %lt3A_335 : i32
      %convert_element_type3A_337 = arith.extui %lt3A_336 : i1 to i32
      %cond3A_338 = arith.constant 0 : i32
      %cond3A_339 = arith.cmpi ne, %convert_element_type3A_337, %cond3A_338 : i32
      scf.if %cond3A_339 {
        %add3A_424 = arith.addi %mul3A_4, %add3A_315 : i32
        %add3A_425 = arith.constant 5 : i32
        %add3A_426 = arith.addi %add3A_424, %add3A_425 : i32
        %dma_start3A_427 = arith.constant 0 : i32
        %dma_start3A_428 = arith.constant 0 : i32
        %dma_start3A_429 = tpu.memref_slice %arg2[%add3A_426, %dma_start3A_427, %dma_start3A_428] : memref<2560x2x128xi32, #tpu.memory_space<hbm>> -> memref<1x2x128xi32, #tpu.memory_space<hbm>>
        %dma_start3A_430 = tpu.memref_squeeze %dma_start3A_429 : memref<1x2x128xi32, #tpu.memory_space<hbm>> -> memref<2x128xi32, #tpu.memory_space<hbm>>
        %dma_start3A_431 = arith.constant 0 : i32
        %dma_start3A_432 = arith.constant 0 : i32
        %dma_start3A_433 = tpu.memref_slice %arg2[%add3A_426, %dma_start3A_431, %dma_start3A_432] : memref<2560x2x128xi32, #tpu.memory_space<hbm>> -> memref<1x2x128xi32, #tpu.memory_space<hbm>>
        %dma_start3A_434 = tpu.memref_squeeze %dma_start3A_433 : memref<1x2x128xi32, #tpu.memory_space<hbm>> -> memref<2x128xi32, #tpu.memory_space<hbm>>
        tpu.enqueue_dma source(%dma_start3A_434 : memref<2x128xi32, #tpu.memory_space<hbm>>) target(%arg11 : memref<2x128xi32, #tpu.memory_space<vmem>>) target_semaphore(%arg23 : memref<!tpu.dma_semaphore, #tpu.memory_space<semaphore_mem>>)
      } else {
      }
      %mul3A_340 = arith.constant 5 : i32
      %mul3A_341 = arith.muli %scan3A_286, %mul3A_340 : i32
      %add3A_342 = arith.constant 2 : i32
      %add3A_343 = arith.addi %mul3A_341, %add3A_342 : i32
      %add3A_344 = arith.constant 5 : i32
      %add3A_345 = arith.addi %add3A_343, %add3A_344 : i32
      %sub3A_346 = arith.constant 1 : i32
      %sub3A_347 = arith.subi %add3A_345, %sub3A_346 : i32
      %lt3A_348 = arith.constant 80 : i32
      %lt3A_349 = arith.cmpi slt, %sub3A_347, %lt3A_348 : i32
      %convert_element_type3A_350 = arith.extui %lt3A_349 : i1 to i32
      %cond3A_351 = arith.constant 0 : i32
      %cond3A_352 = arith.cmpi ne, %convert_element_type3A_350, %cond3A_351 : i32
      scf.if %cond3A_352 {
        %add3A_424 = arith.addi %mul3A_4, %add3A_343 : i32
        %add3A_425 = arith.constant 5 : i32
        %add3A_426 = arith.addi %add3A_424, %add3A_425 : i32
        %sub3A_427 = arith.constant 1 : i32
        %sub3A_428 = arith.subi %add3A_426, %sub3A_427 : i32
        %dma_wait3A_429 = arith.constant 0 : i32
        %dma_wait3A_430 = arith.constant 0 : i32
        %dma_wait3A_431 = tpu.memref_slice %arg2[%sub3A_428, %dma_wait3A_429, %dma_wait3A_430] : memref<2560x2x128xi32, #tpu.memory_space<hbm>> -> memref<1x2x128xi32, #tpu.memory_space<hbm>>
        %dma_wait3A_432 = tpu.memref_squeeze %dma_wait3A_431 : memref<1x2x128xi32, #tpu.memory_space<hbm>> -> memref<2x128xi32, #tpu.memory_space<hbm>>
        %dma_wait3A_433 = arith.constant 0 : i32
        %dma_wait3A_434 = arith.constant 0 : i32
        %dma_wait3A_435 = tpu.memref_slice %arg2[%sub3A_428, %dma_wait3A_433, %dma_wait3A_434] : memref<2560x2x128xi32, #tpu.memory_space<hbm>> -> memref<1x2x128xi32, #tpu.memory_space<hbm>>
        %dma_wait3A_436 = tpu.memref_squeeze %dma_wait3A_435 : memref<1x2x128xi32, #tpu.memory_space<hbm>> -> memref<2x128xi32, #tpu.memory_space<hbm>>
        tpu.wait_dma2 semaphore(%arg23 : memref<!tpu.dma_semaphore, #tpu.memory_space<semaphore_mem>>) src(%dma_wait3A_436 : memref<2x128xi32, #tpu.memory_space<hbm>>) dst(%arg11 : memref<2x128xi32, #tpu.memory_space<vmem>>)
        %dma_start3A_437 = arith.constant 0 : i32
        %dma_start3A_438 = arith.constant 0 : i32
        %dma_start3A_439 = tpu.memref_slice %arg11[%dma_start3A_437, %dma_start3A_438] : memref<2x128xi32, #tpu.memory_space<vmem>> -> memref<1x128xi32, #tpu.memory_space<vmem>>
        %dma_start3A_440 = tpu.memref_squeeze %dma_start3A_439 : memref<1x128xi32, #tpu.memory_space<vmem>> -> memref<128xi32, #tpu.memory_space<vmem>>
        %dma_start3A_441 = arith.constant 0 : i32
        %dma_start3A_442 = arith.constant 0 : i32
        %dma_start3A_443 = tpu.memref_slice %arg20[%dma_start3A_441, %dma_start3A_442] : memref<10240x64xf32, #tpu.memory_space<vmem_shared>> -> memref<10240x64xf32, #tpu.memory_space<vmem_shared>>
        tpu.enqueue_indirect_dma source(%dma_start3A_443 : memref<10240x64xf32, #tpu.memory_space<vmem_shared>>) target(%arg16 : memref<128x64xf32, #tpu.memory_space<vmem>>) offsets(%dma_start3A_440 : memref<128xi32, #tpu.memory_space<vmem>>) semaphore(%arg28 : memref<!tpu.dma_semaphore, #tpu.memory_space<semaphore_mem>>)
      } else {
      }
      %dma_wait3A_353 = arith.constant 0 : i32
      %dma_wait3A_354 = arith.constant 0 : i32
      %dma_wait3A_355 = tpu.memref_slice %arg12[%dma_wait3A_353, %dma_wait3A_354] : memref<2x128xi32, #tpu.memory_space<vmem>> -> memref<1x128xi32, #tpu.memory_space<vmem>>
      %dma_wait3A_356 = tpu.memref_squeeze %dma_wait3A_355 : memref<1x128xi32, #tpu.memory_space<vmem>> -> memref<128xi32, #tpu.memory_space<vmem>>
      %dma_wait3A_357 = arith.constant 0 : i32
      %dma_wait3A_358 = arith.constant 0 : i32
      %dma_wait3A_359 = tpu.memref_slice %arg20[%dma_wait3A_357, %dma_wait3A_358] : memref<10240x64xf32, #tpu.memory_space<vmem_shared>> -> memref<10240x64xf32, #tpu.memory_space<vmem_shared>>
      tpu.wait_indirect_dma semaphore(%arg29 : memref<!tpu.dma_semaphore, #tpu.memory_space<semaphore_mem>>) src(%dma_wait3A_359 : memref<10240x64xf32, #tpu.memory_space<vmem_shared>>) dst(%arg17 : memref<128x64xf32, #tpu.memory_space<vmem>>)
      %run_scoped3A_360 = arith.constant 1 : i32
      "tpu.region"() ({
        %run_scoped3A_424 = tpu.sem_alloc : memref<!tpu.dma_semaphore, #tpu.memory_space<semaphore_mem>>
        %dma_start3A_425 = arith.constant 0 : i32
        %dma_start3A_426 = tpu.memref_slice %arg12[%run_scoped3A_360, %dma_start3A_425] : memref<2x128xi32, #tpu.memory_space<vmem>> -> memref<1x128xi32, #tpu.memory_space<vmem>>
        %dma_start3A_427 = tpu.memref_squeeze %dma_start3A_426 : memref<1x128xi32, #tpu.memory_space<vmem>> -> memref<128xi32, #tpu.memory_space<vmem>>
        %dma_start3A_428 = arith.constant 0 : i32
        %dma_start3A_429 = arith.constant 0 : i32
        %dma_start3A_430 = tpu.memref_slice %arg21[%dma_start3A_428, %dma_start3A_429] : memref<10240x64xf32, #tpu.memory_space<vmem_shared>> -> memref<10240x64xf32, #tpu.memory_space<vmem_shared>>
        tpu.enqueue_indirect_dma source(%arg17 : memref<128x64xf32, #tpu.memory_space<vmem>>) target(%dma_start3A_430 : memref<10240x64xf32, #tpu.memory_space<vmem_shared>>) offsets(%dma_start3A_427 : memref<128xi32, #tpu.memory_space<vmem>>) semaphore(%run_scoped3A_424 : memref<!tpu.dma_semaphore, #tpu.memory_space<semaphore_mem>>) {add = true}
        %dma_wait3A_431 = arith.constant 0 : i32
        %dma_wait3A_432 = tpu.memref_slice %arg12[%run_scoped3A_360, %dma_wait3A_431] : memref<2x128xi32, #tpu.memory_space<vmem>> -> memref<1x128xi32, #tpu.memory_space<vmem>>
        %dma_wait3A_433 = tpu.memref_squeeze %dma_wait3A_432 : memref<1x128xi32, #tpu.memory_space<vmem>> -> memref<128xi32, #tpu.memory_space<vmem>>
        %dma_wait3A_434 = arith.constant 0 : i32
        %dma_wait3A_435 = arith.constant 0 : i32
        %dma_wait3A_436 = tpu.memref_slice %arg21[%dma_wait3A_434, %dma_wait3A_435] : memref<10240x64xf32, #tpu.memory_space<vmem_shared>> -> memref<10240x64xf32, #tpu.memory_space<vmem_shared>>
        tpu.wait_indirect_dma semaphore(%run_scoped3A_424 : memref<!tpu.dma_semaphore, #tpu.memory_space<semaphore_mem>>) src(%arg17 : memref<128x64xf32, #tpu.memory_space<vmem>>) dst(%dma_wait3A_436 : memref<10240x64xf32, #tpu.memory_space<vmem_shared>>)
        tpu.yield
      }) : () -> ()
      %add3A_361 = arith.constant 5 : i32
      %add3A_362 = arith.addi %add3A_343, %add3A_361 : i32
      %lt3A_363 = arith.constant 80 : i32
      %lt3A_364 = arith.cmpi slt, %add3A_362, %lt3A_363 : i32
      %convert_element_type3A_365 = arith.extui %lt3A_364 : i1 to i32
      %cond3A_366 = arith.constant 0 : i32
      %cond3A_367 = arith.cmpi ne, %convert_element_type3A_365, %cond3A_366 : i32
      scf.if %cond3A_367 {
        %add3A_424 = arith.addi %mul3A_4, %add3A_343 : i32
        %add3A_425 = arith.constant 5 : i32
        %add3A_426 = arith.addi %add3A_424, %add3A_425 : i32
        %dma_start3A_427 = arith.constant 0 : i32
        %dma_start3A_428 = arith.constant 0 : i32
        %dma_start3A_429 = tpu.memref_slice %arg2[%add3A_426, %dma_start3A_427, %dma_start3A_428] : memref<2560x2x128xi32, #tpu.memory_space<hbm>> -> memref<1x2x128xi32, #tpu.memory_space<hbm>>
        %dma_start3A_430 = tpu.memref_squeeze %dma_start3A_429 : memref<1x2x128xi32, #tpu.memory_space<hbm>> -> memref<2x128xi32, #tpu.memory_space<hbm>>
        %dma_start3A_431 = arith.constant 0 : i32
        %dma_start3A_432 = arith.constant 0 : i32
        %dma_start3A_433 = tpu.memref_slice %arg2[%add3A_426, %dma_start3A_431, %dma_start3A_432] : memref<2560x2x128xi32, #tpu.memory_space<hbm>> -> memref<1x2x128xi32, #tpu.memory_space<hbm>>
        %dma_start3A_434 = tpu.memref_squeeze %dma_start3A_433 : memref<1x2x128xi32, #tpu.memory_space<hbm>> -> memref<2x128xi32, #tpu.memory_space<hbm>>
        tpu.enqueue_dma source(%dma_start3A_434 : memref<2x128xi32, #tpu.memory_space<hbm>>) target(%arg12 : memref<2x128xi32, #tpu.memory_space<vmem>>) target_semaphore(%arg24 : memref<!tpu.dma_semaphore, #tpu.memory_space<semaphore_mem>>)
      } else {
      }
      %mul3A_368 = arith.constant 5 : i32
      %mul3A_369 = arith.muli %scan3A_286, %mul3A_368 : i32
      %add3A_370 = arith.constant 3 : i32
      %add3A_371 = arith.addi %mul3A_369, %add3A_370 : i32
      %add3A_372 = arith.constant 5 : i32
      %add3A_373 = arith.addi %add3A_371, %add3A_372 : i32
      %sub3A_374 = arith.constant 1 : i32
      %sub3A_375 = arith.subi %add3A_373, %sub3A_374 : i32
      %lt3A_376 = arith.constant 80 : i32
      %lt3A_377 = arith.cmpi slt, %sub3A_375, %lt3A_376 : i32
      %convert_element_type3A_378 = arith.extui %lt3A_377 : i1 to i32
      %cond3A_379 = arith.constant 0 : i32
      %cond3A_380 = arith.cmpi ne, %convert_element_type3A_378, %cond3A_379 : i32
      scf.if %cond3A_380 {
        %add3A_424 = arith.addi %mul3A_4, %add3A_371 : i32
        %add3A_425 = arith.constant 5 : i32
        %add3A_426 = arith.addi %add3A_424, %add3A_425 : i32
        %sub3A_427 = arith.constant 1 : i32
        %sub3A_428 = arith.subi %add3A_426, %sub3A_427 : i32
        %dma_wait3A_429 = arith.constant 0 : i32
        %dma_wait3A_430 = arith.constant 0 : i32
        %dma_wait3A_431 = tpu.memref_slice %arg2[%sub3A_428, %dma_wait3A_429, %dma_wait3A_430] : memref<2560x2x128xi32, #tpu.memory_space<hbm>> -> memref<1x2x128xi32, #tpu.memory_space<hbm>>
        %dma_wait3A_432 = tpu.memref_squeeze %dma_wait3A_431 : memref<1x2x128xi32, #tpu.memory_space<hbm>> -> memref<2x128xi32, #tpu.memory_space<hbm>>
        %dma_wait3A_433 = arith.constant 0 : i32
        %dma_wait3A_434 = arith.constant 0 : i32
        %dma_wait3A_435 = tpu.memref_slice %arg2[%sub3A_428, %dma_wait3A_433, %dma_wait3A_434] : memref<2560x2x128xi32, #tpu.memory_space<hbm>> -> memref<1x2x128xi32, #tpu.memory_space<hbm>>
        %dma_wait3A_436 = tpu.memref_squeeze %dma_wait3A_435 : memref<1x2x128xi32, #tpu.memory_space<hbm>> -> memref<2x128xi32, #tpu.memory_space<hbm>>
        tpu.wait_dma2 semaphore(%arg24 : memref<!tpu.dma_semaphore, #tpu.memory_space<semaphore_mem>>) src(%dma_wait3A_436 : memref<2x128xi32, #tpu.memory_space<hbm>>) dst(%arg12 : memref<2x128xi32, #tpu.memory_space<vmem>>)
        %dma_start3A_437 = arith.constant 0 : i32
        %dma_start3A_438 = arith.constant 0 : i32
        %dma_start3A_439 = tpu.memref_slice %arg12[%dma_start3A_437, %dma_start3A_438] : memref<2x128xi32, #tpu.memory_space<vmem>> -> memref<1x128xi32, #tpu.memory_space<vmem>>
        %dma_start3A_440 = tpu.memref_squeeze %dma_start3A_439 : memref<1x128xi32, #tpu.memory_space<vmem>> -> memref<128xi32, #tpu.memory_space<vmem>>
        %dma_start3A_441 = arith.constant 0 : i32
        %dma_start3A_442 = arith.constant 0 : i32
        %dma_start3A_443 = tpu.memref_slice %arg20[%dma_start3A_441, %dma_start3A_442] : memref<10240x64xf32, #tpu.memory_space<vmem_shared>> -> memref<10240x64xf32, #tpu.memory_space<vmem_shared>>
        tpu.enqueue_indirect_dma source(%dma_start3A_443 : memref<10240x64xf32, #tpu.memory_space<vmem_shared>>) target(%arg17 : memref<128x64xf32, #tpu.memory_space<vmem>>) offsets(%dma_start3A_440 : memref<128xi32, #tpu.memory_space<vmem>>) semaphore(%arg29 : memref<!tpu.dma_semaphore, #tpu.memory_space<semaphore_mem>>)
      } else {
      }
      %dma_wait3A_381 = arith.constant 0 : i32
      %dma_wait3A_382 = arith.constant 0 : i32
      %dma_wait3A_383 = tpu.memref_slice %arg13[%dma_wait3A_381, %dma_wait3A_382] : memref<2x128xi32, #tpu.memory_space<vmem>> -> memref<1x128xi32, #tpu.memory_space<vmem>>
      %dma_wait3A_384 = tpu.memref_squeeze %dma_wait3A_383 : memref<1x128xi32, #tpu.memory_space<vmem>> -> memref<128xi32, #tpu.memory_space<vmem>>
      %dma_wait3A_385 = arith.constant 0 : i32
      %dma_wait3A_386 = arith.constant 0 : i32
      %dma_wait3A_387 = tpu.memref_slice %arg20[%dma_wait3A_385, %dma_wait3A_386] : memref<10240x64xf32, #tpu.memory_space<vmem_shared>> -> memref<10240x64xf32, #tpu.memory_space<vmem_shared>>
      tpu.wait_indirect_dma semaphore(%arg30 : memref<!tpu.dma_semaphore, #tpu.memory_space<semaphore_mem>>) src(%dma_wait3A_387 : memref<10240x64xf32, #tpu.memory_space<vmem_shared>>) dst(%arg18 : memref<128x64xf32, #tpu.memory_space<vmem>>)
      %run_scoped3A_388 = arith.constant 1 : i32
      "tpu.region"() ({
        %run_scoped3A_424 = tpu.sem_alloc : memref<!tpu.dma_semaphore, #tpu.memory_space<semaphore_mem>>
        %dma_start3A_425 = arith.constant 0 : i32
        %dma_start3A_426 = tpu.memref_slice %arg13[%run_scoped3A_388, %dma_start3A_425] : memref<2x128xi32, #tpu.memory_space<vmem>> -> memref<1x128xi32, #tpu.memory_space<vmem>>
        %dma_start3A_427 = tpu.memref_squeeze %dma_start3A_426 : memref<1x128xi32, #tpu.memory_space<vmem>> -> memref<128xi32, #tpu.memory_space<vmem>>
        %dma_start3A_428 = arith.constant 0 : i32
        %dma_start3A_429 = arith.constant 0 : i32
        %dma_start3A_430 = tpu.memref_slice %arg21[%dma_start3A_428, %dma_start3A_429] : memref<10240x64xf32, #tpu.memory_space<vmem_shared>> -> memref<10240x64xf32, #tpu.memory_space<vmem_shared>>
        tpu.enqueue_indirect_dma source(%arg18 : memref<128x64xf32, #tpu.memory_space<vmem>>) target(%dma_start3A_430 : memref<10240x64xf32, #tpu.memory_space<vmem_shared>>) offsets(%dma_start3A_427 : memref<128xi32, #tpu.memory_space<vmem>>) semaphore(%run_scoped3A_424 : memref<!tpu.dma_semaphore, #tpu.memory_space<semaphore_mem>>) {add = true}
        %dma_wait3A_431 = arith.constant 0 : i32
        %dma_wait3A_432 = tpu.memref_slice %arg13[%run_scoped3A_388, %dma_wait3A_431] : memref<2x128xi32, #tpu.memory_space<vmem>> -> memref<1x128xi32, #tpu.memory_space<vmem>>
        %dma_wait3A_433 = tpu.memref_squeeze %dma_wait3A_432 : memref<1x128xi32, #tpu.memory_space<vmem>> -> memref<128xi32, #tpu.memory_space<vmem>>
        %dma_wait3A_434 = arith.constant 0 : i32
        %dma_wait3A_435 = arith.constant 0 : i32
        %dma_wait3A_436 = tpu.memref_slice %arg21[%dma_wait3A_434, %dma_wait3A_435] : memref<10240x64xf32, #tpu.memory_space<vmem_shared>> -> memref<10240x64xf32, #tpu.memory_space<vmem_shared>>
        tpu.wait_indirect_dma semaphore(%run_scoped3A_424 : memref<!tpu.dma_semaphore, #tpu.memory_space<semaphore_mem>>) src(%arg18 : memref<128x64xf32, #tpu.memory_space<vmem>>) dst(%dma_wait3A_436 : memref<10240x64xf32, #tpu.memory_space<vmem_shared>>)
        tpu.yield
      }) : () -> ()
      %add3A_389 = arith.constant 5 : i32
      %add3A_390 = arith.addi %add3A_371, %add3A_389 : i32
      %lt3A_391 = arith.constant 80 : i32
      %lt3A_392 = arith.cmpi slt, %add3A_390, %lt3A_391 : i32
      %convert_element_type3A_393 = arith.extui %lt3A_392 : i1 to i32
      %cond3A_394 = arith.constant 0 : i32
      %cond3A_395 = arith.cmpi ne, %convert_element_type3A_393, %cond3A_394 : i32
      scf.if %cond3A_395 {
        %add3A_424 = arith.addi %mul3A_4, %add3A_371 : i32
        %add3A_425 = arith.constant 5 : i32
        %add3A_426 = arith.addi %add3A_424, %add3A_425 : i32
        %dma_start3A_427 = arith.constant 0 : i32
        %dma_start3A_428 = arith.constant 0 : i32
        %dma_start3A_429 = tpu.memref_slice %arg2[%add3A_426, %dma_start3A_427, %dma_start3A_428] : memref<2560x2x128xi32, #tpu.memory_space<hbm>> -> memref<1x2x128xi32, #tpu.memory_space<hbm>>
        %dma_start3A_430 = tpu.memref_squeeze %dma_start3A_429 : memref<1x2x128xi32, #tpu.memory_space<hbm>> -> memref<2x128xi32, #tpu.memory_space<hbm>>
        %dma_start3A_431 = arith.constant 0 : i32
        %dma_start3A_432 = arith.constant 0 : i32
        %dma_start3A_433 = tpu.memref_slice %arg2[%add3A_426, %dma_start3A_431, %dma_start3A_432] : memref<2560x2x128xi32, #tpu.memory_space<hbm>> -> memref<1x2x128xi32, #tpu.memory_space<hbm>>
        %dma_start3A_434 = tpu.memref_squeeze %dma_start3A_433 : memref<1x2x128xi32, #tpu.memory_space<hbm>> -> memref<2x128xi32, #tpu.memory_space<hbm>>
        tpu.enqueue_dma source(%dma_start3A_434 : memref<2x128xi32, #tpu.memory_space<hbm>>) target(%arg13 : memref<2x128xi32, #tpu.memory_space<vmem>>) target_semaphore(%arg25 : memref<!tpu.dma_semaphore, #tpu.memory_space<semaphore_mem>>)
      } else {
      }
      %mul3A_396 = arith.constant 5 : i32
      %mul3A_397 = arith.muli %scan3A_286, %mul3A_396 : i32
      %add3A_398 = arith.constant 4 : i32
      %add3A_399 = arith.addi %mul3A_397, %add3A_398 : i32
      %add3A_400 = arith.constant 5 : i32
      %add3A_401 = arith.addi %add3A_399, %add3A_400 : i32
      %sub3A_402 = arith.constant 1 : i32
      %sub3A_403 = arith.subi %add3A_401, %sub3A_402 : i32
      %lt3A_404 = arith.constant 80 : i32
      %lt3A_405 = arith.cmpi slt, %sub3A_403, %lt3A_404 : i32
      %convert_element_type3A_406 = arith.extui %lt3A_405 : i1 to i32
      %cond3A_407 = arith.constant 0 : i32
      %cond3A_408 = arith.cmpi ne, %convert_element_type3A_406, %cond3A_407 : i32
      scf.if %cond3A_408 {
        %add3A_424 = arith.addi %mul3A_4, %add3A_399 : i32
        %add3A_425 = arith.constant 5 : i32
        %add3A_426 = arith.addi %add3A_424, %add3A_425 : i32
        %sub3A_427 = arith.constant 1 : i32
        %sub3A_428 = arith.subi %add3A_426, %sub3A_427 : i32
        %dma_wait3A_429 = arith.constant 0 : i32
        %dma_wait3A_430 = arith.constant 0 : i32
        %dma_wait3A_431 = tpu.memref_slice %arg2[%sub3A_428, %dma_wait3A_429, %dma_wait3A_430] : memref<2560x2x128xi32, #tpu.memory_space<hbm>> -> memref<1x2x128xi32, #tpu.memory_space<hbm>>
        %dma_wait3A_432 = tpu.memref_squeeze %dma_wait3A_431 : memref<1x2x128xi32, #tpu.memory_space<hbm>> -> memref<2x128xi32, #tpu.memory_space<hbm>>
        %dma_wait3A_433 = arith.constant 0 : i32
        %dma_wait3A_434 = arith.constant 0 : i32
        %dma_wait3A_435 = tpu.memref_slice %arg2[%sub3A_428, %dma_wait3A_433, %dma_wait3A_434] : memref<2560x2x128xi32, #tpu.memory_space<hbm>> -> memref<1x2x128xi32, #tpu.memory_space<hbm>>
        %dma_wait3A_436 = tpu.memref_squeeze %dma_wait3A_435 : memref<1x2x128xi32, #tpu.memory_space<hbm>> -> memref<2x128xi32, #tpu.memory_space<hbm>>
        tpu.wait_dma2 semaphore(%arg25 : memref<!tpu.dma_semaphore, #tpu.memory_space<semaphore_mem>>) src(%dma_wait3A_436 : memref<2x128xi32, #tpu.memory_space<hbm>>) dst(%arg13 : memref<2x128xi32, #tpu.memory_space<vmem>>)
        %dma_start3A_437 = arith.constant 0 : i32
        %dma_start3A_438 = arith.constant 0 : i32
        %dma_start3A_439 = tpu.memref_slice %arg13[%dma_start3A_437, %dma_start3A_438] : memref<2x128xi32, #tpu.memory_space<vmem>> -> memref<1x128xi32, #tpu.memory_space<vmem>>
        %dma_start3A_440 = tpu.memref_squeeze %dma_start3A_439 : memref<1x128xi32, #tpu.memory_space<vmem>> -> memref<128xi32, #tpu.memory_space<vmem>>
        %dma_start3A_441 = arith.constant 0 : i32
        %dma_start3A_442 = arith.constant 0 : i32
        %dma_start3A_443 = tpu.memref_slice %arg20[%dma_start3A_441, %dma_start3A_442] : memref<10240x64xf32, #tpu.memory_space<vmem_shared>> -> memref<10240x64xf32, #tpu.memory_space<vmem_shared>>
        tpu.enqueue_indirect_dma source(%dma_start3A_443 : memref<10240x64xf32, #tpu.memory_space<vmem_shared>>) target(%arg18 : memref<128x64xf32, #tpu.memory_space<vmem>>) offsets(%dma_start3A_440 : memref<128xi32, #tpu.memory_space<vmem>>) semaphore(%arg30 : memref<!tpu.dma_semaphore, #tpu.memory_space<semaphore_mem>>)
      } else {
      }
      %dma_wait3A_409 = arith.constant 0 : i32
      %dma_wait3A_410 = arith.constant 0 : i32
      %dma_wait3A_411 = tpu.memref_slice %arg14[%dma_wait3A_409, %dma_wait3A_410] : memref<2x128xi32, #tpu.memory_space<vmem>> -> memref<1x128xi32, #tpu.memory_space<vmem>>
      %dma_wait3A_412 = tpu.memref_squeeze %dma_wait3A_411 : memref<1x128xi32, #tpu.memory_space<vmem>> -> memref<128xi32, #tpu.memory_space<vmem>>
      %dma_wait3A_413 = arith.constant 0 : i32
      %dma_wait3A_414 = arith.constant 0 : i32
      %dma_wait3A_415 = tpu.memref_slice %arg20[%dma_wait3A_413, %dma_wait3A_414] : memref<10240x64xf32, #tpu.memory_space<vmem_shared>> -> memref<10240x64xf32, #tpu.memory_space<vmem_shared>>
      tpu.wait_indirect_dma semaphore(%arg31 : memref<!tpu.dma_semaphore, #tpu.memory_space<semaphore_mem>>) src(%dma_wait3A_415 : memref<10240x64xf32, #tpu.memory_space<vmem_shared>>) dst(%arg19 : memref<128x64xf32, #tpu.memory_space<vmem>>)
      %run_scoped3A_416 = arith.constant 1 : i32
      "tpu.region"() ({
        %run_scoped3A_424 = tpu.sem_alloc : memref<!tpu.dma_semaphore, #tpu.memory_space<semaphore_mem>>
        %dma_start3A_425 = arith.constant 0 : i32
        %dma_start3A_426 = tpu.memref_slice %arg14[%run_scoped3A_416, %dma_start3A_425] : memref<2x128xi32, #tpu.memory_space<vmem>> -> memref<1x128xi32, #tpu.memory_space<vmem>>
        %dma_start3A_427 = tpu.memref_squeeze %dma_start3A_426 : memref<1x128xi32, #tpu.memory_space<vmem>> -> memref<128xi32, #tpu.memory_space<vmem>>
        %dma_start3A_428 = arith.constant 0 : i32
        %dma_start3A_429 = arith.constant 0 : i32
        %dma_start3A_430 = tpu.memref_slice %arg21[%dma_start3A_428, %dma_start3A_429] : memref<10240x64xf32, #tpu.memory_space<vmem_shared>> -> memref<10240x64xf32, #tpu.memory_space<vmem_shared>>
        tpu.enqueue_indirect_dma source(%arg19 : memref<128x64xf32, #tpu.memory_space<vmem>>) target(%dma_start3A_430 : memref<10240x64xf32, #tpu.memory_space<vmem_shared>>) offsets(%dma_start3A_427 : memref<128xi32, #tpu.memory_space<vmem>>) semaphore(%run_scoped3A_424 : memref<!tpu.dma_semaphore, #tpu.memory_space<semaphore_mem>>) {add = true}
        %dma_wait3A_431 = arith.constant 0 : i32
        %dma_wait3A_432 = tpu.memref_slice %arg14[%run_scoped3A_416, %dma_wait3A_431] : memref<2x128xi32, #tpu.memory_space<vmem>> -> memref<1x128xi32, #tpu.memory_space<vmem>>
        %dma_wait3A_433 = tpu.memref_squeeze %dma_wait3A_432 : memref<1x128xi32, #tpu.memory_space<vmem>> -> memref<128xi32, #tpu.memory_space<vmem>>
        %dma_wait3A_434 = arith.constant 0 : i32
        %dma_wait3A_435 = arith.constant 0 : i32
        %dma_wait3A_436 = tpu.memref_slice %arg21[%dma_wait3A_434, %dma_wait3A_435] : memref<10240x64xf32, #tpu.memory_space<vmem_shared>> -> memref<10240x64xf32, #tpu.memory_space<vmem_shared>>
        tpu.wait_indirect_dma semaphore(%run_scoped3A_424 : memref<!tpu.dma_semaphore, #tpu.memory_space<semaphore_mem>>) src(%arg19 : memref<128x64xf32, #tpu.memory_space<vmem>>) dst(%dma_wait3A_436 : memref<10240x64xf32, #tpu.memory_space<vmem_shared>>)
        tpu.yield
      }) : () -> ()
      %add3A_417 = arith.constant 5 : i32
      %add3A_418 = arith.addi %add3A_399, %add3A_417 : i32
      %lt3A_419 = arith.constant 80 : i32
      %lt3A_420 = arith.cmpi slt, %add3A_418, %lt3A_419 : i32
      %convert_element_type3A_421 = arith.extui %lt3A_420 : i1 to i32
      %cond3A_422 = arith.constant 0 : i32
      %cond3A_423 = arith.cmpi ne, %convert_element_type3A_421, %cond3A_422 : i32
      scf.if %cond3A_423 {
        %add3A_424 = arith.addi %mul3A_4, %add3A_399 : i32
        %add3A_425 = arith.constant 5 : i32
        %add3A_426 = arith.addi %add3A_424, %add3A_425 : i32
        %dma_start3A_427 = arith.constant 0 : i32
        %dma_start3A_428 = arith.constant 0 : i32
        %dma_start3A_429 = tpu.memref_slice %arg2[%add3A_426, %dma_start3A_427, %dma_start3A_428] : memref<2560x2x128xi32, #tpu.memory_space<hbm>> -> memref<1x2x128xi32, #tpu.memory_space<hbm>>
        %dma_start3A_430 = tpu.memref_squeeze %dma_start3A_429 : memref<1x2x128xi32, #tpu.memory_space<hbm>> -> memref<2x128xi32, #tpu.memory_space<hbm>>
        %dma_start3A_431 = arith.constant 0 : i32
        %dma_start3A_432 = arith.constant 0 : i32
        %dma_start3A_433 = tpu.memref_slice %arg2[%add3A_426, %dma_start3A_431, %dma_start3A_432] : memref<2560x2x128xi32, #tpu.memory_space<hbm>> -> memref<1x2x128xi32, #tpu.memory_space<hbm>>
        %dma_start3A_434 = tpu.memref_squeeze %dma_start3A_433 : memref<1x2x128xi32, #tpu.memory_space<hbm>> -> memref<2x128xi32, #tpu.memory_space<hbm>>
        tpu.enqueue_dma source(%dma_start3A_434 : memref<2x128xi32, #tpu.memory_space<hbm>>) target(%arg14 : memref<2x128xi32, #tpu.memory_space<vmem>>) target_semaphore(%arg26 : memref<!tpu.dma_semaphore, #tpu.memory_space<semaphore_mem>>)
      } else {
      }
    }
    %scan3A_273 = arith.constant 16 : i32
    %barrier3A_274 = arith.constant 0 : index
    tpu.barrier barrier_id(%barrier3A_274)
    %eq3A_275 = arith.constant 0 : i32
    %eq3A_276 = arith.cmpi eq, %arg0, %eq3A_275 : i32
    %convert_element_type3A_277 = arith.extui %eq3A_276 : i1 to i32
    %cond3A_278 = arith.constant 0 : i32
    %cond3A_279 = arith.cmpi ne, %convert_element_type3A_277, %cond3A_278 : i32
    scf.if %cond3A_279 {
      "tpu.region"() ({
        %run_scoped3A = tpu.sem_alloc : memref<!tpu.dma_semaphore, #tpu.memory_space<semaphore_mem>>
        %dma_start3A_286 = arith.constant 0 : i32
        %dma_start3A_287 = tpu.memref_slice %arg7[%mul3A_2, %dma_start3A_286] : memref<10240x64xf32, #tpu.memory_space<hbm>> -> memref<640x64xf32, #tpu.memory_space<hbm>>
        %dma_start3A_288 = arith.constant 0 : i32
        %dma_start3A_289 = tpu.memref_slice %arg21[%mul3A_2, %dma_start3A_288] : memref<10240x64xf32, #tpu.memory_space<vmem_shared>> -> memref<640x64xf32, #tpu.memory_space<vmem_shared>>
        tpu.enqueue_dma source(%dma_start3A_289 : memref<640x64xf32, #tpu.memory_space<vmem_shared>>) target(%dma_start3A_287 : memref<640x64xf32, #tpu.memory_space<hbm>>) target_semaphore(%run_scoped3A : memref<!tpu.dma_semaphore, #tpu.memory_space<semaphore_mem>>)
        %dma_wait3A_290 = arith.constant 0 : i32
        %dma_wait3A_291 = tpu.memref_slice %arg7[%mul3A_2, %dma_wait3A_290] : memref<10240x64xf32, #tpu.memory_space<hbm>> -> memref<640x64xf32, #tpu.memory_space<hbm>>
        %dma_wait3A_292 = arith.constant 0 : i32
        %dma_wait3A_293 = tpu.memref_slice %arg21[%mul3A_2, %dma_wait3A_292] : memref<10240x64xf32, #tpu.memory_space<vmem_shared>> -> memref<640x64xf32, #tpu.memory_space<vmem_shared>>
        tpu.wait_dma2 semaphore(%run_scoped3A : memref<!tpu.dma_semaphore, #tpu.memory_space<semaphore_mem>>) src(%dma_wait3A_293 : memref<640x64xf32, #tpu.memory_space<vmem_shared>>) dst(%dma_wait3A_291 : memref<640x64xf32, #tpu.memory_space<hbm>>)
        tpu.yield
      }) : () -> ()
    } else {
    }
    %eq3A_280 = arith.constant 1 : i32
    %eq3A_281 = arith.cmpi eq, %arg0, %eq3A_280 : i32
    %convert_element_type3A_282 = arith.extui %eq3A_281 : i1 to i32
    %cond3A_283 = arith.constant 0 : i32
    %cond3A_284 = arith.cmpi ne, %convert_element_type3A_282, %cond3A_283 : i32
    scf.if %cond3A_284 {
      "tpu.region"() ({
        %run_scoped3A = tpu.sem_alloc : memref<!tpu.dma_semaphore, #tpu.memory_space<semaphore_mem>>
        %dma_start3A_286 = arith.constant 0 : i32
        %dma_start3A_287 = tpu.memref_slice %arg9[%mul3A_2, %dma_start3A_286] : memref<10240x64xf32, #tpu.memory_space<hbm>> -> memref<640x64xf32, #tpu.memory_space<hbm>>
        %dma_start3A_288 = arith.constant 0 : i32
        %dma_start3A_289 = tpu.memref_slice %arg21[%mul3A_2, %dma_start3A_288] : memref<10240x64xf32, #tpu.memory_space<vmem_shared>> -> memref<640x64xf32, #tpu.memory_space<vmem_shared>>
        tpu.enqueue_dma source(%dma_start3A_289 : memref<640x64xf32, #tpu.memory_space<vmem_shared>>) target(%dma_start3A_287 : memref<640x64xf32, #tpu.memory_space<hbm>>) target_semaphore(%run_scoped3A : memref<!tpu.dma_semaphore, #tpu.memory_space<semaphore_mem>>)
        %dma_wait3A_290 = arith.constant 0 : i32
        %dma_wait3A_291 = tpu.memref_slice %arg9[%mul3A_2, %dma_wait3A_290] : memref<10240x64xf32, #tpu.memory_space<hbm>> -> memref<640x64xf32, #tpu.memory_space<hbm>>
        %dma_wait3A_292 = arith.constant 0 : i32
        %dma_wait3A_293 = tpu.memref_slice %arg21[%mul3A_2, %dma_wait3A_292] : memref<10240x64xf32, #tpu.memory_space<vmem_shared>> -> memref<640x64xf32, #tpu.memory_space<vmem_shared>>
        tpu.wait_dma2 semaphore(%run_scoped3A : memref<!tpu.dma_semaphore, #tpu.memory_space<semaphore_mem>>) src(%dma_wait3A_293 : memref<640x64xf32, #tpu.memory_space<vmem_shared>>) dst(%dma_wait3A_291 : memref<640x64xf32, #tpu.memory_space<hbm>>)
        tpu.yield
      }) : () -> ()
    } else {
    }
    %barrier3A_285 = arith.constant 0 : index
    tpu.barrier barrier_id(%barrier3A_285)
    return
  }
}

#map = affine_map<(d0, d1) -> (0, 0, 0)>
#map1 = affine_map<(d0, d1) -> (0, 0)>
module attributes {stable_mosaic.version = 14 : i64} {
  func.func @_agg_sc(%arg0: i32, %arg1: i32, %arg2: memref<2560x2x128xi32, #tpu.memory_space<hbm>>, %arg3: memref<10240x64xf32, #tpu.memory_space<hbm>>, %arg4: memref<10240x64xf32, #tpu.memory_space<hbm>>, %arg5: memref<10240x64xf32, #tpu.memory_space<hbm>>, %arg6: memref<10240x64xf32, #tpu.memory_space<hbm>>, %arg7: memref<10240x64xf32, #tpu.memory_space<hbm>>, %arg8: memref<10240x64xf32, #tpu.memory_space<hbm>>, %arg9: memref<10240x64xf32, #tpu.memory_space<hbm>>, %arg10: memref<2x128xi32, #tpu.memory_space<vmem>>, %arg11: memref<2x128xi32, #tpu.memory_space<vmem>>, %arg12: memref<2x128xi32, #tpu.memory_space<vmem>>, %arg13: memref<2x128xi32, #tpu.memory_space<vmem>>, %arg14: memref<2x128xi32, #tpu.memory_space<vmem>>, %arg15: memref<128x64xf32, #tpu.memory_space<vmem>>, %arg16: memref<128x64xf32, #tpu.memory_space<vmem>>, %arg17: memref<128x64xf32, #tpu.memory_space<vmem>>, %arg18: memref<128x64xf32, #tpu.memory_space<vmem>>, %arg19: memref<128x64xf32, #tpu.memory_space<vmem>>, %arg20: memref<10240x64xf32, #tpu.memory_space<vmem_shared>>, %arg21: memref<10240x64xf32, #tpu.memory_space<vmem_shared>>, %arg22: memref<!tpu.dma_semaphore, #tpu.memory_space<semaphore_mem>>, %arg23: memref<!tpu.dma_semaphore, #tpu.memory_space<semaphore_mem>>, %arg24: memref<!tpu.dma_semaphore, #tpu.memory_space<semaphore_mem>>, %arg25: memref<!tpu.dma_semaphore, #tpu.memory_space<semaphore_mem>>, %arg26: memref<!tpu.dma_semaphore, #tpu.memory_space<semaphore_mem>>, %arg27: memref<!tpu.dma_semaphore, #tpu.memory_space<semaphore_mem>>, %arg28: memref<!tpu.dma_semaphore, #tpu.memory_space<semaphore_mem>>, %arg29: memref<!tpu.dma_semaphore, #tpu.memory_space<semaphore_mem>>, %arg30: memref<!tpu.dma_semaphore, #tpu.memory_space<semaphore_mem>>, %arg31: memref<!tpu.dma_semaphore, #tpu.memory_space<semaphore_mem>>) attributes {dimension_semantics = [#tpu.dimension_semantics<core_parallel>, #tpu.dimension_semantics<subcore_parallel>], iteration_bounds = array<i64: 2, 16>, scalar_prefetch = 0 : i64, scratch_operands = 22 : i64, tpu.core_type = #tpu.core_type<sc_vector_subcore>, window_params = [{transform_indices = #map}, {transform_indices = #map1}, {transform_indices = #map1}, {transform_indices = #map1}, {transform_indices = #map1}, {transform_indices = #map1}, {transform_indices = #map1}, {transform_indices = #map1}]} {
    %mul3A = arith.constant 2 : i32
    %mul3A_0 = arith.muli %arg1, %mul3A : i32
    %add3A = arith.addi %mul3A_0, %arg0 : i32
    %mul3A_1 = arith.constant 640 : i32
    %mul3A_2 = arith.muli %arg1, %mul3A_1 : i32
    %mul3A_3 = arith.constant 80 : i32
    %mul3A_4 = arith.muli %add3A, %mul3A_3 : i32
    %dma_start3A = arith.constant 0 : i32
    %dma_start3A_5 = tpu.memref_slice %arg20[%mul3A_2, %dma_start3A] : memref<10240x64xf32, #tpu.memory_space<vmem_shared>> -> memref<640x64xf32, #tpu.memory_space<vmem_shared>>
    %dma_start3A_6 = arith.constant 0 : i32
    %dma_start3A_7 = tpu.memref_slice %arg3[%mul3A_2, %dma_start3A_6] : memref<10240x64xf32, #tpu.memory_space<hbm>> -> memref<640x64xf32, #tpu.memory_space<hbm>>
    tpu.enqueue_dma source(%dma_start3A_7 : memref<640x64xf32, #tpu.memory_space<hbm>>) target(%dma_start3A_5 : memref<640x64xf32, #tpu.memory_space<vmem_shared>>) target_semaphore(%arg22 : memref<!tpu.dma_semaphore, #tpu.memory_space<semaphore_mem>>)
    "tpu.region"() ({
      %run_scoped3A = tpu.sem_alloc : memref<!tpu.dma_semaphore, #tpu.memory_space<semaphore_mem>>
      %dma_start3A_286 = arith.constant 0 : i32
      %dma_start3A_287 = tpu.memref_slice %arg21[%mul3A_2, %dma_start3A_286] : memref<10240x64xf32, #tpu.memory_space<vmem_shared>> -> memref<640x64xf32, #tpu.memory_space<vmem_shared>>
      %dma_start3A_288 = arith.constant 0 : i32
      %dma_start3A_289 = tpu.memref_slice %arg5[%mul3A_2, %dma_start3A_288] : memref<10240x64xf32, #tpu.memory_space<hbm>> -> memref<640x64xf32, #tpu.memory_space<hbm>>
      tpu.enqueue_dma source(%dma_start3A_289 : memref<640x64xf32, #tpu.memory_space<hbm>>) target(%dma_start3A_287 : memref<640x64xf32, #tpu.memory_space<vmem_shared>>) target_semaphore(%run_scoped3A : memref<!tpu.dma_semaphore, #tpu.memory_space<semaphore_mem>>)
      %dma_wait3A_290 = arith.constant 0 : i32
      %dma_wait3A_291 = tpu.memref_slice %arg21[%mul3A_2, %dma_wait3A_290] : memref<10240x64xf32, #tpu.memory_space<vmem_shared>> -> memref<640x64xf32, #tpu.memory_space<vmem_shared>>
      %dma_wait3A_292 = arith.constant 0 : i32
      %dma_wait3A_293 = tpu.memref_slice %arg5[%mul3A_2, %dma_wait3A_292] : memref<10240x64xf32, #tpu.memory_space<hbm>> -> memref<640x64xf32, #tpu.memory_space<hbm>>
      tpu.wait_dma2 semaphore(%run_scoped3A : memref<!tpu.dma_semaphore, #tpu.memory_space<semaphore_mem>>) src(%dma_wait3A_293 : memref<640x64xf32, #tpu.memory_space<hbm>>) dst(%dma_wait3A_291 : memref<640x64xf32, #tpu.memory_space<vmem_shared>>)
      tpu.yield
    }) : () -> ()
    %dma_wait3A = arith.constant 0 : i32
    %dma_wait3A_8 = tpu.memref_slice %arg20[%mul3A_2, %dma_wait3A] : memref<10240x64xf32, #tpu.memory_space<vmem_shared>> -> memref<640x64xf32, #tpu.memory_space<vmem_shared>>
    %dma_wait3A_9 = arith.constant 0 : i32
    %dma_wait3A_10 = tpu.memref_slice %arg3[%mul3A_2, %dma_wait3A_9] : memref<10240x64xf32, #tpu.memory_space<hbm>> -> memref<640x64xf32, #tpu.memory_space<hbm>>
    tpu.wait_dma2 semaphore(%arg22 : memref<!tpu.dma_semaphore, #tpu.memory_space<semaphore_mem>>) src(%dma_wait3A_10 : memref<640x64xf32, #tpu.memory_space<hbm>>) dst(%dma_wait3A_8 : memref<640x64xf32, #tpu.memory_space<vmem_shared>>)
    %add3A_11 = arith.constant 0 : i32
    %add3A_12 = arith.addi %mul3A_4, %add3A_11 : i32
    %dma_start3A_13 = arith.constant 0 : i32
    %dma_start3A_14 = arith.constant 0 : i32
    %dma_start3A_15 = tpu.memref_slice %arg2[%add3A_12, %dma_start3A_13, %dma_start3A_14] : memref<2560x2x128xi32, #tpu.memory_space<hbm>> -> memref<1x2x128xi32, #tpu.memory_space<hbm>>
    %dma_start3A_16 = tpu.memref_squeeze %dma_start3A_15 : memref<1x2x128xi32, #tpu.memory_space<hbm>> -> memref<2x128xi32, #tpu.memory_space<hbm>>
    %dma_start3A_17 = arith.constant 0 : i32
    %dma_start3A_18 = arith.constant 0 : i32
    %dma_start3A_19 = tpu.memref_slice %arg2[%add3A_12, %dma_start3A_17, %dma_start3A_18] : memref<2560x2x128xi32, #tpu.memory_space<hbm>> -> memref<1x2x128xi32, #tpu.memory_space<hbm>>
    %dma_start3A_20 = tpu.memref_squeeze %dma_start3A_19 : memref<1x2x128xi32, #tpu.memory_space<hbm>> -> memref<2x128xi32, #tpu.memory_space<hbm>>
    tpu.enqueue_dma source(%dma_start3A_20 : memref<2x128xi32, #tpu.memory_space<hbm>>) target(%arg10 : memref<2x128xi32, #tpu.memory_space<vmem>>) target_semaphore(%arg22 : memref<!tpu.dma_semaphore, #tpu.memory_space<semaphore_mem>>)
    %add3A_21 = arith.constant 1 : i32
    %add3A_22 = arith.addi %mul3A_4, %add3A_21 : i32
    %dma_start3A_23 = arith.constant 0 : i32
    %dma_start3A_24 = arith.constant 0 : i32
    %dma_start3A_25 = tpu.memref_slice %arg2[%add3A_22, %dma_start3A_23, %dma_start3A_24] : memref<2560x2x128xi32, #tpu.memory_space<hbm>> -> memref<1x2x128xi32, #tpu.memory_space<hbm>>
    %dma_start3A_26 = tpu.memref_squeeze %dma_start3A_25 : memref<1x2x128xi32, #tpu.memory_space<hbm>> -> memref<2x128xi32, #tpu.memory_space<hbm>>
    %dma_start3A_27 = arith.constant 0 : i32
    %dma_start3A_28 = arith.constant 0 : i32
    %dma_start3A_29 = tpu.memref_slice %arg2[%add3A_22, %dma_start3A_27, %dma_start3A_28] : memref<2560x2x128xi32, #tpu.memory_space<hbm>> -> memref<1x2x128xi32, #tpu.memory_space<hbm>>
    %dma_start3A_30 = tpu.memref_squeeze %dma_start3A_29 : memref<1x2x128xi32, #tpu.memory_space<hbm>> -> memref<2x128xi32, #tpu.memory_space<hbm>>
    tpu.enqueue_dma source(%dma_start3A_30 : memref<2x128xi32, #tpu.memory_space<hbm>>) target(%arg11 : memref<2x128xi32, #tpu.memory_space<vmem>>) target_semaphore(%arg23 : memref<!tpu.dma_semaphore, #tpu.memory_space<semaphore_mem>>)
    %add3A_31 = arith.constant 2 : i32
    %add3A_32 = arith.addi %mul3A_4, %add3A_31 : i32
    %dma_start3A_33 = arith.constant 0 : i32
    %dma_start3A_34 = arith.constant 0 : i32
    %dma_start3A_35 = tpu.memref_slice %arg2[%add3A_32, %dma_start3A_33, %dma_start3A_34] : memref<2560x2x128xi32, #tpu.memory_space<hbm>> -> memref<1x2x128xi32, #tpu.memory_space<hbm>>
    %dma_start3A_36 = tpu.memref_squeeze %dma_start3A_35 : memref<1x2x128xi32, #tpu.memory_space<hbm>> -> memref<2x128xi32, #tpu.memory_space<hbm>>
    %dma_start3A_37 = arith.constant 0 : i32
    %dma_start3A_38 = arith.constant 0 : i32
    %dma_start3A_39 = tpu.memref_slice %arg2[%add3A_32, %dma_start3A_37, %dma_start3A_38] : memref<2560x2x128xi32, #tpu.memory_space<hbm>> -> memref<1x2x128xi32, #tpu.memory_space<hbm>>
    %dma_start3A_40 = tpu.memref_squeeze %dma_start3A_39 : memref<1x2x128xi32, #tpu.memory_space<hbm>> -> memref<2x128xi32, #tpu.memory_space<hbm>>
    tpu.enqueue_dma source(%dma_start3A_40 : memref<2x128xi32, #tpu.memory_space<hbm>>) target(%arg12 : memref<2x128xi32, #tpu.memory_space<vmem>>) target_semaphore(%arg24 : memref<!tpu.dma_semaphore, #tpu.memory_space<semaphore_mem>>)
    %add3A_41 = arith.constant 3 : i32
    %add3A_42 = arith.addi %mul3A_4, %add3A_41 : i32
    %dma_start3A_43 = arith.constant 0 : i32
    %dma_start3A_44 = arith.constant 0 : i32
    %dma_start3A_45 = tpu.memref_slice %arg2[%add3A_42, %dma_start3A_43, %dma_start3A_44] : memref<2560x2x128xi32, #tpu.memory_space<hbm>> -> memref<1x2x128xi32, #tpu.memory_space<hbm>>
    %dma_start3A_46 = tpu.memref_squeeze %dma_start3A_45 : memref<1x2x128xi32, #tpu.memory_space<hbm>> -> memref<2x128xi32, #tpu.memory_space<hbm>>
    %dma_start3A_47 = arith.constant 0 : i32
    %dma_start3A_48 = arith.constant 0 : i32
    %dma_start3A_49 = tpu.memref_slice %arg2[%add3A_42, %dma_start3A_47, %dma_start3A_48] : memref<2560x2x128xi32, #tpu.memory_space<hbm>> -> memref<1x2x128xi32, #tpu.memory_space<hbm>>
    %dma_start3A_50 = tpu.memref_squeeze %dma_start3A_49 : memref<1x2x128xi32, #tpu.memory_space<hbm>> -> memref<2x128xi32, #tpu.memory_space<hbm>>
    tpu.enqueue_dma source(%dma_start3A_50 : memref<2x128xi32, #tpu.memory_space<hbm>>) target(%arg13 : memref<2x128xi32, #tpu.memory_space<vmem>>) target_semaphore(%arg25 : memref<!tpu.dma_semaphore, #tpu.memory_space<semaphore_mem>>)
    %add3A_51 = arith.constant 4 : i32
    %add3A_52 = arith.addi %mul3A_4, %add3A_51 : i32
    %dma_start3A_53 = arith.constant 0 : i32
    %dma_start3A_54 = arith.constant 0 : i32
    %dma_start3A_55 = tpu.memref_slice %arg2[%add3A_52, %dma_start3A_53, %dma_start3A_54] : memref<2560x2x128xi32, #tpu.memory_space<hbm>> -> memref<1x2x128xi32, #tpu.memory_space<hbm>>
    %dma_start3A_56 = tpu.memref_squeeze %dma_start3A_55 : memref<1x2x128xi32, #tpu.memory_space<hbm>> -> memref<2x128xi32, #tpu.memory_space<hbm>>
    %dma_start3A_57 = arith.constant 0 : i32
    %dma_start3A_58 = arith.constant 0 : i32
    %dma_start3A_59 = tpu.memref_slice %arg2[%add3A_52, %dma_start3A_57, %dma_start3A_58] : memref<2560x2x128xi32, #tpu.memory_space<hbm>> -> memref<1x2x128xi32, #tpu.memory_space<hbm>>
    %dma_start3A_60 = tpu.memref_squeeze %dma_start3A_59 : memref<1x2x128xi32, #tpu.memory_space<hbm>> -> memref<2x128xi32, #tpu.memory_space<hbm>>
    tpu.enqueue_dma source(%dma_start3A_60 : memref<2x128xi32, #tpu.memory_space<hbm>>) target(%arg14 : memref<2x128xi32, #tpu.memory_space<vmem>>) target_semaphore(%arg26 : memref<!tpu.dma_semaphore, #tpu.memory_space<semaphore_mem>>)
    %barrier3A = arith.constant 0 : index
    tpu.barrier barrier_id(%barrier3A)
    %add3A_61 = arith.constant 0 : i32
    %add3A_62 = arith.addi %mul3A_4, %add3A_61 : i32
    %dma_wait3A_63 = arith.constant 0 : i32
    %dma_wait3A_64 = arith.constant 0 : i32
    %dma_wait3A_65 = tpu.memref_slice %arg2[%add3A_62, %dma_wait3A_63, %dma_wait3A_64] : memref<2560x2x128xi32, #tpu.memory_space<hbm>> -> memref<1x2x128xi32, #tpu.memory_space<hbm>>
    %dma_wait3A_66 = tpu.memref_squeeze %dma_wait3A_65 : memref<1x2x128xi32, #tpu.memory_space<hbm>> -> memref<2x128xi32, #tpu.memory_space<hbm>>
    %dma_wait3A_67 = arith.constant 0 : i32
    %dma_wait3A_68 = arith.constant 0 : i32
    %dma_wait3A_69 = tpu.memref_slice %arg2[%add3A_62, %dma_wait3A_67, %dma_wait3A_68] : memref<2560x2x128xi32, #tpu.memory_space<hbm>> -> memref<1x2x128xi32, #tpu.memory_space<hbm>>
    %dma_wait3A_70 = tpu.memref_squeeze %dma_wait3A_69 : memref<1x2x128xi32, #tpu.memory_space<hbm>> -> memref<2x128xi32, #tpu.memory_space<hbm>>
    tpu.wait_dma2 semaphore(%arg22 : memref<!tpu.dma_semaphore, #tpu.memory_space<semaphore_mem>>) src(%dma_wait3A_70 : memref<2x128xi32, #tpu.memory_space<hbm>>) dst(%arg10 : memref<2x128xi32, #tpu.memory_space<vmem>>)
    %dma_start3A_71 = arith.constant 0 : i32
    %dma_start3A_72 = arith.constant 0 : i32
    %dma_start3A_73 = tpu.memref_slice %arg10[%dma_start3A_71, %dma_start3A_72] : memref<2x128xi32, #tpu.memory_space<vmem>> -> memref<1x128xi32, #tpu.memory_space<vmem>>
    %dma_start3A_74 = tpu.memref_squeeze %dma_start3A_73 : memref<1x128xi32, #tpu.memory_space<vmem>> -> memref<128xi32, #tpu.memory_space<vmem>>
    %dma_start3A_75 = arith.constant 0 : i32
    %dma_start3A_76 = arith.constant 0 : i32
    %dma_start3A_77 = tpu.memref_slice %arg20[%dma_start3A_75, %dma_start3A_76] : memref<10240x64xf32, #tpu.memory_space<vmem_shared>> -> memref<10240x64xf32, #tpu.memory_space<vmem_shared>>
    tpu.enqueue_indirect_dma source(%dma_start3A_77 : memref<10240x64xf32, #tpu.memory_space<vmem_shared>>) target(%arg15 : memref<128x64xf32, #tpu.memory_space<vmem>>) offsets(%dma_start3A_74 : memref<128xi32, #tpu.memory_space<vmem>>) semaphore(%arg27 : memref<!tpu.dma_semaphore, #tpu.memory_space<semaphore_mem>>)
    %add3A_78 = arith.constant 1 : i32
    %add3A_79 = arith.addi %mul3A_4, %add3A_78 : i32
    %dma_wait3A_80 = arith.constant 0 : i32
    %dma_wait3A_81 = arith.constant 0 : i32
    %dma_wait3A_82 = tpu.memref_slice %arg2[%add3A_79, %dma_wait3A_80, %dma_wait3A_81] : memref<2560x2x128xi32, #tpu.memory_space<hbm>> -> memref<1x2x128xi32, #tpu.memory_space<hbm>>
    %dma_wait3A_83 = tpu.memref_squeeze %dma_wait3A_82 : memref<1x2x128xi32, #tpu.memory_space<hbm>> -> memref<2x128xi32, #tpu.memory_space<hbm>>
    %dma_wait3A_84 = arith.constant 0 : i32
    %dma_wait3A_85 = arith.constant 0 : i32
    %dma_wait3A_86 = tpu.memref_slice %arg2[%add3A_79, %dma_wait3A_84, %dma_wait3A_85] : memref<2560x2x128xi32, #tpu.memory_space<hbm>> -> memref<1x2x128xi32, #tpu.memory_space<hbm>>
    %dma_wait3A_87 = tpu.memref_squeeze %dma_wait3A_86 : memref<1x2x128xi32, #tpu.memory_space<hbm>> -> memref<2x128xi32, #tpu.memory_space<hbm>>
    tpu.wait_dma2 semaphore(%arg23 : memref<!tpu.dma_semaphore, #tpu.memory_space<semaphore_mem>>) src(%dma_wait3A_87 : memref<2x128xi32, #tpu.memory_space<hbm>>) dst(%arg11 : memref<2x128xi32, #tpu.memory_space<vmem>>)
    %dma_start3A_88 = arith.constant 0 : i32
    %dma_start3A_89 = arith.constant 0 : i32
    %dma_start3A_90 = tpu.memref_slice %arg11[%dma_start3A_88, %dma_start3A_89] : memref<2x128xi32, #tpu.memory_space<vmem>> -> memref<1x128xi32, #tpu.memory_space<vmem>>
    %dma_start3A_91 = tpu.memref_squeeze %dma_start3A_90 : memref<1x128xi32, #tpu.memory_space<vmem>> -> memref<128xi32, #tpu.memory_space<vmem>>
    %dma_start3A_92 = arith.constant 0 : i32
    %dma_start3A_93 = arith.constant 0 : i32
    %dma_start3A_94 = tpu.memref_slice %arg20[%dma_start3A_92, %dma_start3A_93] : memref<10240x64xf32, #tpu.memory_space<vmem_shared>> -> memref<10240x64xf32, #tpu.memory_space<vmem_shared>>
    tpu.enqueue_indirect_dma source(%dma_start3A_94 : memref<10240x64xf32, #tpu.memory_space<vmem_shared>>) target(%arg16 : memref<128x64xf32, #tpu.memory_space<vmem>>) offsets(%dma_start3A_91 : memref<128xi32, #tpu.memory_space<vmem>>) semaphore(%arg28 : memref<!tpu.dma_semaphore, #tpu.memory_space<semaphore_mem>>)
    %add3A_95 = arith.constant 2 : i32
    %add3A_96 = arith.addi %mul3A_4, %add3A_95 : i32
    %dma_wait3A_97 = arith.constant 0 : i32
    %dma_wait3A_98 = arith.constant 0 : i32
    %dma_wait3A_99 = tpu.memref_slice %arg2[%add3A_96, %dma_wait3A_97, %dma_wait3A_98] : memref<2560x2x128xi32, #tpu.memory_space<hbm>> -> memref<1x2x128xi32, #tpu.memory_space<hbm>>
    %dma_wait3A_100 = tpu.memref_squeeze %dma_wait3A_99 : memref<1x2x128xi32, #tpu.memory_space<hbm>> -> memref<2x128xi32, #tpu.memory_space<hbm>>
    %dma_wait3A_101 = arith.constant 0 : i32
    %dma_wait3A_102 = arith.constant 0 : i32
    %dma_wait3A_103 = tpu.memref_slice %arg2[%add3A_96, %dma_wait3A_101, %dma_wait3A_102] : memref<2560x2x128xi32, #tpu.memory_space<hbm>> -> memref<1x2x128xi32, #tpu.memory_space<hbm>>
    %dma_wait3A_104 = tpu.memref_squeeze %dma_wait3A_103 : memref<1x2x128xi32, #tpu.memory_space<hbm>> -> memref<2x128xi32, #tpu.memory_space<hbm>>
    tpu.wait_dma2 semaphore(%arg24 : memref<!tpu.dma_semaphore, #tpu.memory_space<semaphore_mem>>) src(%dma_wait3A_104 : memref<2x128xi32, #tpu.memory_space<hbm>>) dst(%arg12 : memref<2x128xi32, #tpu.memory_space<vmem>>)
    %dma_start3A_105 = arith.constant 0 : i32
    %dma_start3A_106 = arith.constant 0 : i32
    %dma_start3A_107 = tpu.memref_slice %arg12[%dma_start3A_105, %dma_start3A_106] : memref<2x128xi32, #tpu.memory_space<vmem>> -> memref<1x128xi32, #tpu.memory_space<vmem>>
    %dma_start3A_108 = tpu.memref_squeeze %dma_start3A_107 : memref<1x128xi32, #tpu.memory_space<vmem>> -> memref<128xi32, #tpu.memory_space<vmem>>
    %dma_start3A_109 = arith.constant 0 : i32
    %dma_start3A_110 = arith.constant 0 : i32
    %dma_start3A_111 = tpu.memref_slice %arg20[%dma_start3A_109, %dma_start3A_110] : memref<10240x64xf32, #tpu.memory_space<vmem_shared>> -> memref<10240x64xf32, #tpu.memory_space<vmem_shared>>
    tpu.enqueue_indirect_dma source(%dma_start3A_111 : memref<10240x64xf32, #tpu.memory_space<vmem_shared>>) target(%arg17 : memref<128x64xf32, #tpu.memory_space<vmem>>) offsets(%dma_start3A_108 : memref<128xi32, #tpu.memory_space<vmem>>) semaphore(%arg29 : memref<!tpu.dma_semaphore, #tpu.memory_space<semaphore_mem>>)
    %add3A_112 = arith.constant 3 : i32
    %add3A_113 = arith.addi %mul3A_4, %add3A_112 : i32
    %dma_wait3A_114 = arith.constant 0 : i32
    %dma_wait3A_115 = arith.constant 0 : i32
    %dma_wait3A_116 = tpu.memref_slice %arg2[%add3A_113, %dma_wait3A_114, %dma_wait3A_115] : memref<2560x2x128xi32, #tpu.memory_space<hbm>> -> memref<1x2x128xi32, #tpu.memory_space<hbm>>
    %dma_wait3A_117 = tpu.memref_squeeze %dma_wait3A_116 : memref<1x2x128xi32, #tpu.memory_space<hbm>> -> memref<2x128xi32, #tpu.memory_space<hbm>>
    %dma_wait3A_118 = arith.constant 0 : i32
    %dma_wait3A_119 = arith.constant 0 : i32
    %dma_wait3A_120 = tpu.memref_slice %arg2[%add3A_113, %dma_wait3A_118, %dma_wait3A_119] : memref<2560x2x128xi32, #tpu.memory_space<hbm>> -> memref<1x2x128xi32, #tpu.memory_space<hbm>>
    %dma_wait3A_121 = tpu.memref_squeeze %dma_wait3A_120 : memref<1x2x128xi32, #tpu.memory_space<hbm>> -> memref<2x128xi32, #tpu.memory_space<hbm>>
    tpu.wait_dma2 semaphore(%arg25 : memref<!tpu.dma_semaphore, #tpu.memory_space<semaphore_mem>>) src(%dma_wait3A_121 : memref<2x128xi32, #tpu.memory_space<hbm>>) dst(%arg13 : memref<2x128xi32, #tpu.memory_space<vmem>>)
    %dma_start3A_122 = arith.constant 0 : i32
    %dma_start3A_123 = arith.constant 0 : i32
    %dma_start3A_124 = tpu.memref_slice %arg13[%dma_start3A_122, %dma_start3A_123] : memref<2x128xi32, #tpu.memory_space<vmem>> -> memref<1x128xi32, #tpu.memory_space<vmem>>
    %dma_start3A_125 = tpu.memref_squeeze %dma_start3A_124 : memref<1x128xi32, #tpu.memory_space<vmem>> -> memref<128xi32, #tpu.memory_space<vmem>>
    %dma_start3A_126 = arith.constant 0 : i32
    %dma_start3A_127 = arith.constant 0 : i32
    %dma_start3A_128 = tpu.memref_slice %arg20[%dma_start3A_126, %dma_start3A_127] : memref<10240x64xf32, #tpu.memory_space<vmem_shared>> -> memref<10240x64xf32, #tpu.memory_space<vmem_shared>>
    tpu.enqueue_indirect_dma source(%dma_start3A_128 : memref<10240x64xf32, #tpu.memory_space<vmem_shared>>) target(%arg18 : memref<128x64xf32, #tpu.memory_space<vmem>>) offsets(%dma_start3A_125 : memref<128xi32, #tpu.memory_space<vmem>>) semaphore(%arg30 : memref<!tpu.dma_semaphore, #tpu.memory_space<semaphore_mem>>)
    %scan3A = arith.constant 0 : i32
    %scan3A_129 = arith.constant 16 : i32
    %scan3A_130 = arith.addi %scan3A, %scan3A_129 : i32
    %scan3A_131 = arith.constant 1 : i32
    scf.for %scan3A_286 = %scan3A to %scan3A_130 step %scan3A_131  : i32 {
      %mul3A_287 = arith.constant 5 : i32
      %mul3A_288 = arith.muli %scan3A_286, %mul3A_287 : i32
      %add3A_289 = arith.constant 0 : i32
      %add3A_290 = arith.addi %mul3A_288, %add3A_289 : i32
      %add3A_291 = arith.constant 5 : i32
      %add3A_292 = arith.addi %add3A_290, %add3A_291 : i32
      %sub3A = arith.constant 1 : i32
      %sub3A_293 = arith.subi %add3A_292, %sub3A : i32
      %lt3A = arith.constant 80 : i32
      %lt3A_294 = arith.cmpi slt, %sub3A_293, %lt3A : i32
      %convert_element_type3A_295 = arith.extui %lt3A_294 : i1 to i32
      %cond3A_296 = arith.constant 0 : i32
      %cond3A_297 = arith.cmpi ne, %convert_element_type3A_295, %cond3A_296 : i32
      scf.if %cond3A_297 {
        %add3A_424 = arith.addi %mul3A_4, %add3A_290 : i32
        %add3A_425 = arith.constant 5 : i32
        %add3A_426 = arith.addi %add3A_424, %add3A_425 : i32
        %sub3A_427 = arith.constant 1 : i32
        %sub3A_428 = arith.subi %add3A_426, %sub3A_427 : i32
        %dma_wait3A_429 = arith.constant 0 : i32
        %dma_wait3A_430 = arith.constant 0 : i32
        %dma_wait3A_431 = tpu.memref_slice %arg2[%sub3A_428, %dma_wait3A_429, %dma_wait3A_430] : memref<2560x2x128xi32, #tpu.memory_space<hbm>> -> memref<1x2x128xi32, #tpu.memory_space<hbm>>
        %dma_wait3A_432 = tpu.memref_squeeze %dma_wait3A_431 : memref<1x2x128xi32, #tpu.memory_space<hbm>> -> memref<2x128xi32, #tpu.memory_space<hbm>>
        %dma_wait3A_433 = arith.constant 0 : i32
        %dma_wait3A_434 = arith.constant 0 : i32
        %dma_wait3A_435 = tpu.memref_slice %arg2[%sub3A_428, %dma_wait3A_433, %dma_wait3A_434] : memref<2560x2x128xi32, #tpu.memory_space<hbm>> -> memref<1x2x128xi32, #tpu.memory_space<hbm>>
        %dma_wait3A_436 = tpu.memref_squeeze %dma_wait3A_435 : memref<1x2x128xi32, #tpu.memory_space<hbm>> -> memref<2x128xi32, #tpu.memory_space<hbm>>
        tpu.wait_dma2 semaphore(%arg26 : memref<!tpu.dma_semaphore, #tpu.memory_space<semaphore_mem>>) src(%dma_wait3A_436 : memref<2x128xi32, #tpu.memory_space<hbm>>) dst(%arg14 : memref<2x128xi32, #tpu.memory_space<vmem>>)
        %dma_start3A_437 = arith.constant 0 : i32
        %dma_start3A_438 = arith.constant 0 : i32
        %dma_start3A_439 = tpu.memref_slice %arg14[%dma_start3A_437, %dma_start3A_438] : memref<2x128xi32, #tpu.memory_space<vmem>> -> memref<1x128xi32, #tpu.memory_space<vmem>>
        %dma_start3A_440 = tpu.memref_squeeze %dma_start3A_439 : memref<1x128xi32, #tpu.memory_space<vmem>> -> memref<128xi32, #tpu.memory_space<vmem>>
        %dma_start3A_441 = arith.constant 0 : i32
        %dma_start3A_442 = arith.constant 0 : i32
        %dma_start3A_443 = tpu.memref_slice %arg20[%dma_start3A_441, %dma_start3A_442] : memref<10240x64xf32, #tpu.memory_space<vmem_shared>> -> memref<10240x64xf32, #tpu.memory_space<vmem_shared>>
        tpu.enqueue_indirect_dma source(%dma_start3A_443 : memref<10240x64xf32, #tpu.memory_space<vmem_shared>>) target(%arg19 : memref<128x64xf32, #tpu.memory_space<vmem>>) offsets(%dma_start3A_440 : memref<128xi32, #tpu.memory_space<vmem>>) semaphore(%arg31 : memref<!tpu.dma_semaphore, #tpu.memory_space<semaphore_mem>>)
      } else {
      }
      %dma_wait3A_298 = arith.constant 0 : i32
      %dma_wait3A_299 = arith.constant 0 : i32
      %dma_wait3A_300 = tpu.memref_slice %arg10[%dma_wait3A_298, %dma_wait3A_299] : memref<2x128xi32, #tpu.memory_space<vmem>> -> memref<1x128xi32, #tpu.memory_space<vmem>>
      %dma_wait3A_301 = tpu.memref_squeeze %dma_wait3A_300 : memref<1x128xi32, #tpu.memory_space<vmem>> -> memref<128xi32, #tpu.memory_space<vmem>>
      %dma_wait3A_302 = arith.constant 0 : i32
      %dma_wait3A_303 = arith.constant 0 : i32
      %dma_wait3A_304 = tpu.memref_slice %arg20[%dma_wait3A_302, %dma_wait3A_303] : memref<10240x64xf32, #tpu.memory_space<vmem_shared>> -> memref<10240x64xf32, #tpu.memory_space<vmem_shared>>
      tpu.wait_indirect_dma semaphore(%arg27 : memref<!tpu.dma_semaphore, #tpu.memory_space<semaphore_mem>>) src(%dma_wait3A_304 : memref<10240x64xf32, #tpu.memory_space<vmem_shared>>) dst(%arg15 : memref<128x64xf32, #tpu.memory_space<vmem>>)
      %run_scoped3A = arith.constant 1 : i32
      "tpu.region"() ({
        %run_scoped3A_424 = tpu.sem_alloc : memref<!tpu.dma_semaphore, #tpu.memory_space<semaphore_mem>>
        %dma_start3A_425 = arith.constant 0 : i32
        %dma_start3A_426 = tpu.memref_slice %arg10[%run_scoped3A, %dma_start3A_425] : memref<2x128xi32, #tpu.memory_space<vmem>> -> memref<1x128xi32, #tpu.memory_space<vmem>>
        %dma_start3A_427 = tpu.memref_squeeze %dma_start3A_426 : memref<1x128xi32, #tpu.memory_space<vmem>> -> memref<128xi32, #tpu.memory_space<vmem>>
        %dma_start3A_428 = arith.constant 0 : i32
        %dma_start3A_429 = arith.constant 0 : i32
        %dma_start3A_430 = tpu.memref_slice %arg21[%dma_start3A_428, %dma_start3A_429] : memref<10240x64xf32, #tpu.memory_space<vmem_shared>> -> memref<10240x64xf32, #tpu.memory_space<vmem_shared>>
        tpu.enqueue_indirect_dma source(%arg15 : memref<128x64xf32, #tpu.memory_space<vmem>>) target(%dma_start3A_430 : memref<10240x64xf32, #tpu.memory_space<vmem_shared>>) offsets(%dma_start3A_427 : memref<128xi32, #tpu.memory_space<vmem>>) semaphore(%run_scoped3A_424 : memref<!tpu.dma_semaphore, #tpu.memory_space<semaphore_mem>>) {add = true}
        %dma_wait3A_431 = arith.constant 0 : i32
        %dma_wait3A_432 = tpu.memref_slice %arg10[%run_scoped3A, %dma_wait3A_431] : memref<2x128xi32, #tpu.memory_space<vmem>> -> memref<1x128xi32, #tpu.memory_space<vmem>>
        %dma_wait3A_433 = tpu.memref_squeeze %dma_wait3A_432 : memref<1x128xi32, #tpu.memory_space<vmem>> -> memref<128xi32, #tpu.memory_space<vmem>>
        %dma_wait3A_434 = arith.constant 0 : i32
        %dma_wait3A_435 = arith.constant 0 : i32
        %dma_wait3A_436 = tpu.memref_slice %arg21[%dma_wait3A_434, %dma_wait3A_435] : memref<10240x64xf32, #tpu.memory_space<vmem_shared>> -> memref<10240x64xf32, #tpu.memory_space<vmem_shared>>
        tpu.wait_indirect_dma semaphore(%run_scoped3A_424 : memref<!tpu.dma_semaphore, #tpu.memory_space<semaphore_mem>>) src(%arg15 : memref<128x64xf32, #tpu.memory_space<vmem>>) dst(%dma_wait3A_436 : memref<10240x64xf32, #tpu.memory_space<vmem_shared>>)
        tpu.yield
      }) : () -> ()
      %add3A_305 = arith.constant 5 : i32
      %add3A_306 = arith.addi %add3A_290, %add3A_305 : i32
      %lt3A_307 = arith.constant 80 : i32
      %lt3A_308 = arith.cmpi slt, %add3A_306, %lt3A_307 : i32
      %convert_element_type3A_309 = arith.extui %lt3A_308 : i1 to i32
      %cond3A_310 = arith.constant 0 : i32
      %cond3A_311 = arith.cmpi ne, %convert_element_type3A_309, %cond3A_310 : i32
      scf.if %cond3A_311 {
        %add3A_424 = arith.addi %mul3A_4, %add3A_290 : i32
        %add3A_425 = arith.constant 5 : i32
        %add3A_426 = arith.addi %add3A_424, %add3A_425 : i32
        %dma_start3A_427 = arith.constant 0 : i32
        %dma_start3A_428 = arith.constant 0 : i32
        %dma_start3A_429 = tpu.memref_slice %arg2[%add3A_426, %dma_start3A_427, %dma_start3A_428] : memref<2560x2x128xi32, #tpu.memory_space<hbm>> -> memref<1x2x128xi32, #tpu.memory_space<hbm>>
        %dma_start3A_430 = tpu.memref_squeeze %dma_start3A_429 : memref<1x2x128xi32, #tpu.memory_space<hbm>> -> memref<2x128xi32, #tpu.memory_space<hbm>>
        %dma_start3A_431 = arith.constant 0 : i32
        %dma_start3A_432 = arith.constant 0 : i32
        %dma_start3A_433 = tpu.memref_slice %arg2[%add3A_426, %dma_start3A_431, %dma_start3A_432] : memref<2560x2x128xi32, #tpu.memory_space<hbm>> -> memref<1x2x128xi32, #tpu.memory_space<hbm>>
        %dma_start3A_434 = tpu.memref_squeeze %dma_start3A_433 : memref<1x2x128xi32, #tpu.memory_space<hbm>> -> memref<2x128xi32, #tpu.memory_space<hbm>>
        tpu.enqueue_dma source(%dma_start3A_434 : memref<2x128xi32, #tpu.memory_space<hbm>>) target(%arg10 : memref<2x128xi32, #tpu.memory_space<vmem>>) target_semaphore(%arg22 : memref<!tpu.dma_semaphore, #tpu.memory_space<semaphore_mem>>)
      } else {
      }
      %mul3A_312 = arith.constant 5 : i32
      %mul3A_313 = arith.muli %scan3A_286, %mul3A_312 : i32
      %add3A_314 = arith.constant 1 : i32
      %add3A_315 = arith.addi %mul3A_313, %add3A_314 : i32
      %add3A_316 = arith.constant 5 : i32
      %add3A_317 = arith.addi %add3A_315, %add3A_316 : i32
      %sub3A_318 = arith.constant 1 : i32
      %sub3A_319 = arith.subi %add3A_317, %sub3A_318 : i32
      %lt3A_320 = arith.constant 80 : i32
      %lt3A_321 = arith.cmpi slt, %sub3A_319, %lt3A_320 : i32
      %convert_element_type3A_322 = arith.extui %lt3A_321 : i1 to i32
      %cond3A_323 = arith.constant 0 : i32
      %cond3A_324 = arith.cmpi ne, %convert_element_type3A_322, %cond3A_323 : i32
      scf.if %cond3A_324 {
        %add3A_424 = arith.addi %mul3A_4, %add3A_315 : i32
        %add3A_425 = arith.constant 5 : i32
        %add3A_426 = arith.addi %add3A_424, %add3A_425 : i32
        %sub3A_427 = arith.constant 1 : i32
        %sub3A_428 = arith.subi %add3A_426, %sub3A_427 : i32
        %dma_wait3A_429 = arith.constant 0 : i32
        %dma_wait3A_430 = arith.constant 0 : i32
        %dma_wait3A_431 = tpu.memref_slice %arg2[%sub3A_428, %dma_wait3A_429, %dma_wait3A_430] : memref<2560x2x128xi32, #tpu.memory_space<hbm>> -> memref<1x2x128xi32, #tpu.memory_space<hbm>>
        %dma_wait3A_432 = tpu.memref_squeeze %dma_wait3A_431 : memref<1x2x128xi32, #tpu.memory_space<hbm>> -> memref<2x128xi32, #tpu.memory_space<hbm>>
        %dma_wait3A_433 = arith.constant 0 : i32
        %dma_wait3A_434 = arith.constant 0 : i32
        %dma_wait3A_435 = tpu.memref_slice %arg2[%sub3A_428, %dma_wait3A_433, %dma_wait3A_434] : memref<2560x2x128xi32, #tpu.memory_space<hbm>> -> memref<1x2x128xi32, #tpu.memory_space<hbm>>
        %dma_wait3A_436 = tpu.memref_squeeze %dma_wait3A_435 : memref<1x2x128xi32, #tpu.memory_space<hbm>> -> memref<2x128xi32, #tpu.memory_space<hbm>>
        tpu.wait_dma2 semaphore(%arg22 : memref<!tpu.dma_semaphore, #tpu.memory_space<semaphore_mem>>) src(%dma_wait3A_436 : memref<2x128xi32, #tpu.memory_space<hbm>>) dst(%arg10 : memref<2x128xi32, #tpu.memory_space<vmem>>)
        %dma_start3A_437 = arith.constant 0 : i32
        %dma_start3A_438 = arith.constant 0 : i32
        %dma_start3A_439 = tpu.memref_slice %arg10[%dma_start3A_437, %dma_start3A_438] : memref<2x128xi32, #tpu.memory_space<vmem>> -> memref<1x128xi32, #tpu.memory_space<vmem>>
        %dma_start3A_440 = tpu.memref_squeeze %dma_start3A_439 : memref<1x128xi32, #tpu.memory_space<vmem>> -> memref<128xi32, #tpu.memory_space<vmem>>
        %dma_start3A_441 = arith.constant 0 : i32
        %dma_start3A_442 = arith.constant 0 : i32
        %dma_start3A_443 = tpu.memref_slice %arg20[%dma_start3A_441, %dma_start3A_442] : memref<10240x64xf32, #tpu.memory_space<vmem_shared>> -> memref<10240x64xf32, #tpu.memory_space<vmem_shared>>
        tpu.enqueue_indirect_dma source(%dma_start3A_443 : memref<10240x64xf32, #tpu.memory_space<vmem_shared>>) target(%arg15 : memref<128x64xf32, #tpu.memory_space<vmem>>) offsets(%dma_start3A_440 : memref<128xi32, #tpu.memory_space<vmem>>) semaphore(%arg27 : memref<!tpu.dma_semaphore, #tpu.memory_space<semaphore_mem>>)
      } else {
      }
      %dma_wait3A_325 = arith.constant 0 : i32
      %dma_wait3A_326 = arith.constant 0 : i32
      %dma_wait3A_327 = tpu.memref_slice %arg11[%dma_wait3A_325, %dma_wait3A_326] : memref<2x128xi32, #tpu.memory_space<vmem>> -> memref<1x128xi32, #tpu.memory_space<vmem>>
      %dma_wait3A_328 = tpu.memref_squeeze %dma_wait3A_327 : memref<1x128xi32, #tpu.memory_space<vmem>> -> memref<128xi32, #tpu.memory_space<vmem>>
      %dma_wait3A_329 = arith.constant 0 : i32
      %dma_wait3A_330 = arith.constant 0 : i32
      %dma_wait3A_331 = tpu.memref_slice %arg20[%dma_wait3A_329, %dma_wait3A_330] : memref<10240x64xf32, #tpu.memory_space<vmem_shared>> -> memref<10240x64xf32, #tpu.memory_space<vmem_shared>>
      tpu.wait_indirect_dma semaphore(%arg28 : memref<!tpu.dma_semaphore, #tpu.memory_space<semaphore_mem>>) src(%dma_wait3A_331 : memref<10240x64xf32, #tpu.memory_space<vmem_shared>>) dst(%arg16 : memref<128x64xf32, #tpu.memory_space<vmem>>)
      %run_scoped3A_332 = arith.constant 1 : i32
      "tpu.region"() ({
        %run_scoped3A_424 = tpu.sem_alloc : memref<!tpu.dma_semaphore, #tpu.memory_space<semaphore_mem>>
        %dma_start3A_425 = arith.constant 0 : i32
        %dma_start3A_426 = tpu.memref_slice %arg11[%run_scoped3A_332, %dma_start3A_425] : memref<2x128xi32, #tpu.memory_space<vmem>> -> memref<1x128xi32, #tpu.memory_space<vmem>>
        %dma_start3A_427 = tpu.memref_squeeze %dma_start3A_426 : memref<1x128xi32, #tpu.memory_space<vmem>> -> memref<128xi32, #tpu.memory_space<vmem>>
        %dma_start3A_428 = arith.constant 0 : i32
        %dma_start3A_429 = arith.constant 0 : i32
        %dma_start3A_430 = tpu.memref_slice %arg21[%dma_start3A_428, %dma_start3A_429] : memref<10240x64xf32, #tpu.memory_space<vmem_shared>> -> memref<10240x64xf32, #tpu.memory_space<vmem_shared>>
        tpu.enqueue_indirect_dma source(%arg16 : memref<128x64xf32, #tpu.memory_space<vmem>>) target(%dma_start3A_430 : memref<10240x64xf32, #tpu.memory_space<vmem_shared>>) offsets(%dma_start3A_427 : memref<128xi32, #tpu.memory_space<vmem>>) semaphore(%run_scoped3A_424 : memref<!tpu.dma_semaphore, #tpu.memory_space<semaphore_mem>>) {add = true}
        %dma_wait3A_431 = arith.constant 0 : i32
        %dma_wait3A_432 = tpu.memref_slice %arg11[%run_scoped3A_332, %dma_wait3A_431] : memref<2x128xi32, #tpu.memory_space<vmem>> -> memref<1x128xi32, #tpu.memory_space<vmem>>
        %dma_wait3A_433 = tpu.memref_squeeze %dma_wait3A_432 : memref<1x128xi32, #tpu.memory_space<vmem>> -> memref<128xi32, #tpu.memory_space<vmem>>
        %dma_wait3A_434 = arith.constant 0 : i32
        %dma_wait3A_435 = arith.constant 0 : i32
        %dma_wait3A_436 = tpu.memref_slice %arg21[%dma_wait3A_434, %dma_wait3A_435] : memref<10240x64xf32, #tpu.memory_space<vmem_shared>> -> memref<10240x64xf32, #tpu.memory_space<vmem_shared>>
        tpu.wait_indirect_dma semaphore(%run_scoped3A_424 : memref<!tpu.dma_semaphore, #tpu.memory_space<semaphore_mem>>) src(%arg16 : memref<128x64xf32, #tpu.memory_space<vmem>>) dst(%dma_wait3A_436 : memref<10240x64xf32, #tpu.memory_space<vmem_shared>>)
        tpu.yield
      }) : () -> ()
      %add3A_333 = arith.constant 5 : i32
      %add3A_334 = arith.addi %add3A_315, %add3A_333 : i32
      %lt3A_335 = arith.constant 80 : i32
      %lt3A_336 = arith.cmpi slt, %add3A_334, %lt3A_335 : i32
      %convert_element_type3A_337 = arith.extui %lt3A_336 : i1 to i32
      %cond3A_338 = arith.constant 0 : i32
      %cond3A_339 = arith.cmpi ne, %convert_element_type3A_337, %cond3A_338 : i32
      scf.if %cond3A_339 {
        %add3A_424 = arith.addi %mul3A_4, %add3A_315 : i32
        %add3A_425 = arith.constant 5 : i32
        %add3A_426 = arith.addi %add3A_424, %add3A_425 : i32
        %dma_start3A_427 = arith.constant 0 : i32
        %dma_start3A_428 = arith.constant 0 : i32
        %dma_start3A_429 = tpu.memref_slice %arg2[%add3A_426, %dma_start3A_427, %dma_start3A_428] : memref<2560x2x128xi32, #tpu.memory_space<hbm>> -> memref<1x2x128xi32, #tpu.memory_space<hbm>>
        %dma_start3A_430 = tpu.memref_squeeze %dma_start3A_429 : memref<1x2x128xi32, #tpu.memory_space<hbm>> -> memref<2x128xi32, #tpu.memory_space<hbm>>
        %dma_start3A_431 = arith.constant 0 : i32
        %dma_start3A_432 = arith.constant 0 : i32
        %dma_start3A_433 = tpu.memref_slice %arg2[%add3A_426, %dma_start3A_431, %dma_start3A_432] : memref<2560x2x128xi32, #tpu.memory_space<hbm>> -> memref<1x2x128xi32, #tpu.memory_space<hbm>>
        %dma_start3A_434 = tpu.memref_squeeze %dma_start3A_433 : memref<1x2x128xi32, #tpu.memory_space<hbm>> -> memref<2x128xi32, #tpu.memory_space<hbm>>
        tpu.enqueue_dma source(%dma_start3A_434 : memref<2x128xi32, #tpu.memory_space<hbm>>) target(%arg11 : memref<2x128xi32, #tpu.memory_space<vmem>>) target_semaphore(%arg23 : memref<!tpu.dma_semaphore, #tpu.memory_space<semaphore_mem>>)
      } else {
      }
      %mul3A_340 = arith.constant 5 : i32
      %mul3A_341 = arith.muli %scan3A_286, %mul3A_340 : i32
      %add3A_342 = arith.constant 2 : i32
      %add3A_343 = arith.addi %mul3A_341, %add3A_342 : i32
      %add3A_344 = arith.constant 5 : i32
      %add3A_345 = arith.addi %add3A_343, %add3A_344 : i32
      %sub3A_346 = arith.constant 1 : i32
      %sub3A_347 = arith.subi %add3A_345, %sub3A_346 : i32
      %lt3A_348 = arith.constant 80 : i32
      %lt3A_349 = arith.cmpi slt, %sub3A_347, %lt3A_348 : i32
      %convert_element_type3A_350 = arith.extui %lt3A_349 : i1 to i32
      %cond3A_351 = arith.constant 0 : i32
      %cond3A_352 = arith.cmpi ne, %convert_element_type3A_350, %cond3A_351 : i32
      scf.if %cond3A_352 {
        %add3A_424 = arith.addi %mul3A_4, %add3A_343 : i32
        %add3A_425 = arith.constant 5 : i32
        %add3A_426 = arith.addi %add3A_424, %add3A_425 : i32
        %sub3A_427 = arith.constant 1 : i32
        %sub3A_428 = arith.subi %add3A_426, %sub3A_427 : i32
        %dma_wait3A_429 = arith.constant 0 : i32
        %dma_wait3A_430 = arith.constant 0 : i32
        %dma_wait3A_431 = tpu.memref_slice %arg2[%sub3A_428, %dma_wait3A_429, %dma_wait3A_430] : memref<2560x2x128xi32, #tpu.memory_space<hbm>> -> memref<1x2x128xi32, #tpu.memory_space<hbm>>
        %dma_wait3A_432 = tpu.memref_squeeze %dma_wait3A_431 : memref<1x2x128xi32, #tpu.memory_space<hbm>> -> memref<2x128xi32, #tpu.memory_space<hbm>>
        %dma_wait3A_433 = arith.constant 0 : i32
        %dma_wait3A_434 = arith.constant 0 : i32
        %dma_wait3A_435 = tpu.memref_slice %arg2[%sub3A_428, %dma_wait3A_433, %dma_wait3A_434] : memref<2560x2x128xi32, #tpu.memory_space<hbm>> -> memref<1x2x128xi32, #tpu.memory_space<hbm>>
        %dma_wait3A_436 = tpu.memref_squeeze %dma_wait3A_435 : memref<1x2x128xi32, #tpu.memory_space<hbm>> -> memref<2x128xi32, #tpu.memory_space<hbm>>
        tpu.wait_dma2 semaphore(%arg23 : memref<!tpu.dma_semaphore, #tpu.memory_space<semaphore_mem>>) src(%dma_wait3A_436 : memref<2x128xi32, #tpu.memory_space<hbm>>) dst(%arg11 : memref<2x128xi32, #tpu.memory_space<vmem>>)
        %dma_start3A_437 = arith.constant 0 : i32
        %dma_start3A_438 = arith.constant 0 : i32
        %dma_start3A_439 = tpu.memref_slice %arg11[%dma_start3A_437, %dma_start3A_438] : memref<2x128xi32, #tpu.memory_space<vmem>> -> memref<1x128xi32, #tpu.memory_space<vmem>>
        %dma_start3A_440 = tpu.memref_squeeze %dma_start3A_439 : memref<1x128xi32, #tpu.memory_space<vmem>> -> memref<128xi32, #tpu.memory_space<vmem>>
        %dma_start3A_441 = arith.constant 0 : i32
        %dma_start3A_442 = arith.constant 0 : i32
        %dma_start3A_443 = tpu.memref_slice %arg20[%dma_start3A_441, %dma_start3A_442] : memref<10240x64xf32, #tpu.memory_space<vmem_shared>> -> memref<10240x64xf32, #tpu.memory_space<vmem_shared>>
        tpu.enqueue_indirect_dma source(%dma_start3A_443 : memref<10240x64xf32, #tpu.memory_space<vmem_shared>>) target(%arg16 : memref<128x64xf32, #tpu.memory_space<vmem>>) offsets(%dma_start3A_440 : memref<128xi32, #tpu.memory_space<vmem>>) semaphore(%arg28 : memref<!tpu.dma_semaphore, #tpu.memory_space<semaphore_mem>>)
      } else {
      }
      %dma_wait3A_353 = arith.constant 0 : i32
      %dma_wait3A_354 = arith.constant 0 : i32
      %dma_wait3A_355 = tpu.memref_slice %arg12[%dma_wait3A_353, %dma_wait3A_354] : memref<2x128xi32, #tpu.memory_space<vmem>> -> memref<1x128xi32, #tpu.memory_space<vmem>>
      %dma_wait3A_356 = tpu.memref_squeeze %dma_wait3A_355 : memref<1x128xi32, #tpu.memory_space<vmem>> -> memref<128xi32, #tpu.memory_space<vmem>>
      %dma_wait3A_357 = arith.constant 0 : i32
      %dma_wait3A_358 = arith.constant 0 : i32
      %dma_wait3A_359 = tpu.memref_slice %arg20[%dma_wait3A_357, %dma_wait3A_358] : memref<10240x64xf32, #tpu.memory_space<vmem_shared>> -> memref<10240x64xf32, #tpu.memory_space<vmem_shared>>
      tpu.wait_indirect_dma semaphore(%arg29 : memref<!tpu.dma_semaphore, #tpu.memory_space<semaphore_mem>>) src(%dma_wait3A_359 : memref<10240x64xf32, #tpu.memory_space<vmem_shared>>) dst(%arg17 : memref<128x64xf32, #tpu.memory_space<vmem>>)
      %run_scoped3A_360 = arith.constant 1 : i32
      "tpu.region"() ({
        %run_scoped3A_424 = tpu.sem_alloc : memref<!tpu.dma_semaphore, #tpu.memory_space<semaphore_mem>>
        %dma_start3A_425 = arith.constant 0 : i32
        %dma_start3A_426 = tpu.memref_slice %arg12[%run_scoped3A_360, %dma_start3A_425] : memref<2x128xi32, #tpu.memory_space<vmem>> -> memref<1x128xi32, #tpu.memory_space<vmem>>
        %dma_start3A_427 = tpu.memref_squeeze %dma_start3A_426 : memref<1x128xi32, #tpu.memory_space<vmem>> -> memref<128xi32, #tpu.memory_space<vmem>>
        %dma_start3A_428 = arith.constant 0 : i32
        %dma_start3A_429 = arith.constant 0 : i32
        %dma_start3A_430 = tpu.memref_slice %arg21[%dma_start3A_428, %dma_start3A_429] : memref<10240x64xf32, #tpu.memory_space<vmem_shared>> -> memref<10240x64xf32, #tpu.memory_space<vmem_shared>>
        tpu.enqueue_indirect_dma source(%arg17 : memref<128x64xf32, #tpu.memory_space<vmem>>) target(%dma_start3A_430 : memref<10240x64xf32, #tpu.memory_space<vmem_shared>>) offsets(%dma_start3A_427 : memref<128xi32, #tpu.memory_space<vmem>>) semaphore(%run_scoped3A_424 : memref<!tpu.dma_semaphore, #tpu.memory_space<semaphore_mem>>) {add = true}
        %dma_wait3A_431 = arith.constant 0 : i32
        %dma_wait3A_432 = tpu.memref_slice %arg12[%run_scoped3A_360, %dma_wait3A_431] : memref<2x128xi32, #tpu.memory_space<vmem>> -> memref<1x128xi32, #tpu.memory_space<vmem>>
        %dma_wait3A_433 = tpu.memref_squeeze %dma_wait3A_432 : memref<1x128xi32, #tpu.memory_space<vmem>> -> memref<128xi32, #tpu.memory_space<vmem>>
        %dma_wait3A_434 = arith.constant 0 : i32
        %dma_wait3A_435 = arith.constant 0 : i32
        %dma_wait3A_436 = tpu.memref_slice %arg21[%dma_wait3A_434, %dma_wait3A_435] : memref<10240x64xf32, #tpu.memory_space<vmem_shared>> -> memref<10240x64xf32, #tpu.memory_space<vmem_shared>>
        tpu.wait_indirect_dma semaphore(%run_scoped3A_424 : memref<!tpu.dma_semaphore, #tpu.memory_space<semaphore_mem>>) src(%arg17 : memref<128x64xf32, #tpu.memory_space<vmem>>) dst(%dma_wait3A_436 : memref<10240x64xf32, #tpu.memory_space<vmem_shared>>)
        tpu.yield
      }) : () -> ()
      %add3A_361 = arith.constant 5 : i32
      %add3A_362 = arith.addi %add3A_343, %add3A_361 : i32
      %lt3A_363 = arith.constant 80 : i32
      %lt3A_364 = arith.cmpi slt, %add3A_362, %lt3A_363 : i32
      %convert_element_type3A_365 = arith.extui %lt3A_364 : i1 to i32
      %cond3A_366 = arith.constant 0 : i32
      %cond3A_367 = arith.cmpi ne, %convert_element_type3A_365, %cond3A_366 : i32
      scf.if %cond3A_367 {
        %add3A_424 = arith.addi %mul3A_4, %add3A_343 : i32
        %add3A_425 = arith.constant 5 : i32
        %add3A_426 = arith.addi %add3A_424, %add3A_425 : i32
        %dma_start3A_427 = arith.constant 0 : i32
        %dma_start3A_428 = arith.constant 0 : i32
        %dma_start3A_429 = tpu.memref_slice %arg2[%add3A_426, %dma_start3A_427, %dma_start3A_428] : memref<2560x2x128xi32, #tpu.memory_space<hbm>> -> memref<1x2x128xi32, #tpu.memory_space<hbm>>
        %dma_start3A_430 = tpu.memref_squeeze %dma_start3A_429 : memref<1x2x128xi32, #tpu.memory_space<hbm>> -> memref<2x128xi32, #tpu.memory_space<hbm>>
        %dma_start3A_431 = arith.constant 0 : i32
        %dma_start3A_432 = arith.constant 0 : i32
        %dma_start3A_433 = tpu.memref_slice %arg2[%add3A_426, %dma_start3A_431, %dma_start3A_432] : memref<2560x2x128xi32, #tpu.memory_space<hbm>> -> memref<1x2x128xi32, #tpu.memory_space<hbm>>
        %dma_start3A_434 = tpu.memref_squeeze %dma_start3A_433 : memref<1x2x128xi32, #tpu.memory_space<hbm>> -> memref<2x128xi32, #tpu.memory_space<hbm>>
        tpu.enqueue_dma source(%dma_start3A_434 : memref<2x128xi32, #tpu.memory_space<hbm>>) target(%arg12 : memref<2x128xi32, #tpu.memory_space<vmem>>) target_semaphore(%arg24 : memref<!tpu.dma_semaphore, #tpu.memory_space<semaphore_mem>>)
      } else {
      }
      %mul3A_368 = arith.constant 5 : i32
      %mul3A_369 = arith.muli %scan3A_286, %mul3A_368 : i32
      %add3A_370 = arith.constant 3 : i32
      %add3A_371 = arith.addi %mul3A_369, %add3A_370 : i32
      %add3A_372 = arith.constant 5 : i32
      %add3A_373 = arith.addi %add3A_371, %add3A_372 : i32
      %sub3A_374 = arith.constant 1 : i32
      %sub3A_375 = arith.subi %add3A_373, %sub3A_374 : i32
      %lt3A_376 = arith.constant 80 : i32
      %lt3A_377 = arith.cmpi slt, %sub3A_375, %lt3A_376 : i32
      %convert_element_type3A_378 = arith.extui %lt3A_377 : i1 to i32
      %cond3A_379 = arith.constant 0 : i32
      %cond3A_380 = arith.cmpi ne, %convert_element_type3A_378, %cond3A_379 : i32
      scf.if %cond3A_380 {
        %add3A_424 = arith.addi %mul3A_4, %add3A_371 : i32
        %add3A_425 = arith.constant 5 : i32
        %add3A_426 = arith.addi %add3A_424, %add3A_425 : i32
        %sub3A_427 = arith.constant 1 : i32
        %sub3A_428 = arith.subi %add3A_426, %sub3A_427 : i32
        %dma_wait3A_429 = arith.constant 0 : i32
        %dma_wait3A_430 = arith.constant 0 : i32
        %dma_wait3A_431 = tpu.memref_slice %arg2[%sub3A_428, %dma_wait3A_429, %dma_wait3A_430] : memref<2560x2x128xi32, #tpu.memory_space<hbm>> -> memref<1x2x128xi32, #tpu.memory_space<hbm>>
        %dma_wait3A_432 = tpu.memref_squeeze %dma_wait3A_431 : memref<1x2x128xi32, #tpu.memory_space<hbm>> -> memref<2x128xi32, #tpu.memory_space<hbm>>
        %dma_wait3A_433 = arith.constant 0 : i32
        %dma_wait3A_434 = arith.constant 0 : i32
        %dma_wait3A_435 = tpu.memref_slice %arg2[%sub3A_428, %dma_wait3A_433, %dma_wait3A_434] : memref<2560x2x128xi32, #tpu.memory_space<hbm>> -> memref<1x2x128xi32, #tpu.memory_space<hbm>>
        %dma_wait3A_436 = tpu.memref_squeeze %dma_wait3A_435 : memref<1x2x128xi32, #tpu.memory_space<hbm>> -> memref<2x128xi32, #tpu.memory_space<hbm>>
        tpu.wait_dma2 semaphore(%arg24 : memref<!tpu.dma_semaphore, #tpu.memory_space<semaphore_mem>>) src(%dma_wait3A_436 : memref<2x128xi32, #tpu.memory_space<hbm>>) dst(%arg12 : memref<2x128xi32, #tpu.memory_space<vmem>>)
        %dma_start3A_437 = arith.constant 0 : i32
        %dma_start3A_438 = arith.constant 0 : i32
        %dma_start3A_439 = tpu.memref_slice %arg12[%dma_start3A_437, %dma_start3A_438] : memref<2x128xi32, #tpu.memory_space<vmem>> -> memref<1x128xi32, #tpu.memory_space<vmem>>
        %dma_start3A_440 = tpu.memref_squeeze %dma_start3A_439 : memref<1x128xi32, #tpu.memory_space<vmem>> -> memref<128xi32, #tpu.memory_space<vmem>>
        %dma_start3A_441 = arith.constant 0 : i32
        %dma_start3A_442 = arith.constant 0 : i32
        %dma_start3A_443 = tpu.memref_slice %arg20[%dma_start3A_441, %dma_start3A_442] : memref<10240x64xf32, #tpu.memory_space<vmem_shared>> -> memref<10240x64xf32, #tpu.memory_space<vmem_shared>>
        tpu.enqueue_indirect_dma source(%dma_start3A_443 : memref<10240x64xf32, #tpu.memory_space<vmem_shared>>) target(%arg17 : memref<128x64xf32, #tpu.memory_space<vmem>>) offsets(%dma_start3A_440 : memref<128xi32, #tpu.memory_space<vmem>>) semaphore(%arg29 : memref<!tpu.dma_semaphore, #tpu.memory_space<semaphore_mem>>)
      } else {
      }
      %dma_wait3A_381 = arith.constant 0 : i32
      %dma_wait3A_382 = arith.constant 0 : i32
      %dma_wait3A_383 = tpu.memref_slice %arg13[%dma_wait3A_381, %dma_wait3A_382] : memref<2x128xi32, #tpu.memory_space<vmem>> -> memref<1x128xi32, #tpu.memory_space<vmem>>
      %dma_wait3A_384 = tpu.memref_squeeze %dma_wait3A_383 : memref<1x128xi32, #tpu.memory_space<vmem>> -> memref<128xi32, #tpu.memory_space<vmem>>
      %dma_wait3A_385 = arith.constant 0 : i32
      %dma_wait3A_386 = arith.constant 0 : i32
      %dma_wait3A_387 = tpu.memref_slice %arg20[%dma_wait3A_385, %dma_wait3A_386] : memref<10240x64xf32, #tpu.memory_space<vmem_shared>> -> memref<10240x64xf32, #tpu.memory_space<vmem_shared>>
      tpu.wait_indirect_dma semaphore(%arg30 : memref<!tpu.dma_semaphore, #tpu.memory_space<semaphore_mem>>) src(%dma_wait3A_387 : memref<10240x64xf32, #tpu.memory_space<vmem_shared>>) dst(%arg18 : memref<128x64xf32, #tpu.memory_space<vmem>>)
      %run_scoped3A_388 = arith.constant 1 : i32
      "tpu.region"() ({
        %run_scoped3A_424 = tpu.sem_alloc : memref<!tpu.dma_semaphore, #tpu.memory_space<semaphore_mem>>
        %dma_start3A_425 = arith.constant 0 : i32
        %dma_start3A_426 = tpu.memref_slice %arg13[%run_scoped3A_388, %dma_start3A_425] : memref<2x128xi32, #tpu.memory_space<vmem>> -> memref<1x128xi32, #tpu.memory_space<vmem>>
        %dma_start3A_427 = tpu.memref_squeeze %dma_start3A_426 : memref<1x128xi32, #tpu.memory_space<vmem>> -> memref<128xi32, #tpu.memory_space<vmem>>
        %dma_start3A_428 = arith.constant 0 : i32
        %dma_start3A_429 = arith.constant 0 : i32
        %dma_start3A_430 = tpu.memref_slice %arg21[%dma_start3A_428, %dma_start3A_429] : memref<10240x64xf32, #tpu.memory_space<vmem_shared>> -> memref<10240x64xf32, #tpu.memory_space<vmem_shared>>
        tpu.enqueue_indirect_dma source(%arg18 : memref<128x64xf32, #tpu.memory_space<vmem>>) target(%dma_start3A_430 : memref<10240x64xf32, #tpu.memory_space<vmem_shared>>) offsets(%dma_start3A_427 : memref<128xi32, #tpu.memory_space<vmem>>) semaphore(%run_scoped3A_424 : memref<!tpu.dma_semaphore, #tpu.memory_space<semaphore_mem>>) {add = true}
        %dma_wait3A_431 = arith.constant 0 : i32
        %dma_wait3A_432 = tpu.memref_slice %arg13[%run_scoped3A_388, %dma_wait3A_431] : memref<2x128xi32, #tpu.memory_space<vmem>> -> memref<1x128xi32, #tpu.memory_space<vmem>>
        %dma_wait3A_433 = tpu.memref_squeeze %dma_wait3A_432 : memref<1x128xi32, #tpu.memory_space<vmem>> -> memref<128xi32, #tpu.memory_space<vmem>>
        %dma_wait3A_434 = arith.constant 0 : i32
        %dma_wait3A_435 = arith.constant 0 : i32
        %dma_wait3A_436 = tpu.memref_slice %arg21[%dma_wait3A_434, %dma_wait3A_435] : memref<10240x64xf32, #tpu.memory_space<vmem_shared>> -> memref<10240x64xf32, #tpu.memory_space<vmem_shared>>
        tpu.wait_indirect_dma semaphore(%run_scoped3A_424 : memref<!tpu.dma_semaphore, #tpu.memory_space<semaphore_mem>>) src(%arg18 : memref<128x64xf32, #tpu.memory_space<vmem>>) dst(%dma_wait3A_436 : memref<10240x64xf32, #tpu.memory_space<vmem_shared>>)
        tpu.yield
      }) : () -> ()
      %add3A_389 = arith.constant 5 : i32
      %add3A_390 = arith.addi %add3A_371, %add3A_389 : i32
      %lt3A_391 = arith.constant 80 : i32
      %lt3A_392 = arith.cmpi slt, %add3A_390, %lt3A_391 : i32
      %convert_element_type3A_393 = arith.extui %lt3A_392 : i1 to i32
      %cond3A_394 = arith.constant 0 : i32
      %cond3A_395 = arith.cmpi ne, %convert_element_type3A_393, %cond3A_394 : i32
      scf.if %cond3A_395 {
        %add3A_424 = arith.addi %mul3A_4, %add3A_371 : i32
        %add3A_425 = arith.constant 5 : i32
        %add3A_426 = arith.addi %add3A_424, %add3A_425 : i32
        %dma_start3A_427 = arith.constant 0 : i32
        %dma_start3A_428 = arith.constant 0 : i32
        %dma_start3A_429 = tpu.memref_slice %arg2[%add3A_426, %dma_start3A_427, %dma_start3A_428] : memref<2560x2x128xi32, #tpu.memory_space<hbm>> -> memref<1x2x128xi32, #tpu.memory_space<hbm>>
        %dma_start3A_430 = tpu.memref_squeeze %dma_start3A_429 : memref<1x2x128xi32, #tpu.memory_space<hbm>> -> memref<2x128xi32, #tpu.memory_space<hbm>>
        %dma_start3A_431 = arith.constant 0 : i32
        %dma_start3A_432 = arith.constant 0 : i32
        %dma_start3A_433 = tpu.memref_slice %arg2[%add3A_426, %dma_start3A_431, %dma_start3A_432] : memref<2560x2x128xi32, #tpu.memory_space<hbm>> -> memref<1x2x128xi32, #tpu.memory_space<hbm>>
        %dma_start3A_434 = tpu.memref_squeeze %dma_start3A_433 : memref<1x2x128xi32, #tpu.memory_space<hbm>> -> memref<2x128xi32, #tpu.memory_space<hbm>>
        tpu.enqueue_dma source(%dma_start3A_434 : memref<2x128xi32, #tpu.memory_space<hbm>>) target(%arg13 : memref<2x128xi32, #tpu.memory_space<vmem>>) target_semaphore(%arg25 : memref<!tpu.dma_semaphore, #tpu.memory_space<semaphore_mem>>)
      } else {
      }
      %mul3A_396 = arith.constant 5 : i32
      %mul3A_397 = arith.muli %scan3A_286, %mul3A_396 : i32
      %add3A_398 = arith.constant 4 : i32
      %add3A_399 = arith.addi %mul3A_397, %add3A_398 : i32
      %add3A_400 = arith.constant 5 : i32
      %add3A_401 = arith.addi %add3A_399, %add3A_400 : i32
      %sub3A_402 = arith.constant 1 : i32
      %sub3A_403 = arith.subi %add3A_401, %sub3A_402 : i32
      %lt3A_404 = arith.constant 80 : i32
      %lt3A_405 = arith.cmpi slt, %sub3A_403, %lt3A_404 : i32
      %convert_element_type3A_406 = arith.extui %lt3A_405 : i1 to i32
      %cond3A_407 = arith.constant 0 : i32
      %cond3A_408 = arith.cmpi ne, %convert_element_type3A_406, %cond3A_407 : i32
      scf.if %cond3A_408 {
        %add3A_424 = arith.addi %mul3A_4, %add3A_399 : i32
        %add3A_425 = arith.constant 5 : i32
        %add3A_426 = arith.addi %add3A_424, %add3A_425 : i32
        %sub3A_427 = arith.constant 1 : i32
        %sub3A_428 = arith.subi %add3A_426, %sub3A_427 : i32
        %dma_wait3A_429 = arith.constant 0 : i32
        %dma_wait3A_430 = arith.constant 0 : i32
        %dma_wait3A_431 = tpu.memref_slice %arg2[%sub3A_428, %dma_wait3A_429, %dma_wait3A_430] : memref<2560x2x128xi32, #tpu.memory_space<hbm>> -> memref<1x2x128xi32, #tpu.memory_space<hbm>>
        %dma_wait3A_432 = tpu.memref_squeeze %dma_wait3A_431 : memref<1x2x128xi32, #tpu.memory_space<hbm>> -> memref<2x128xi32, #tpu.memory_space<hbm>>
        %dma_wait3A_433 = arith.constant 0 : i32
        %dma_wait3A_434 = arith.constant 0 : i32
        %dma_wait3A_435 = tpu.memref_slice %arg2[%sub3A_428, %dma_wait3A_433, %dma_wait3A_434] : memref<2560x2x128xi32, #tpu.memory_space<hbm>> -> memref<1x2x128xi32, #tpu.memory_space<hbm>>
        %dma_wait3A_436 = tpu.memref_squeeze %dma_wait3A_435 : memref<1x2x128xi32, #tpu.memory_space<hbm>> -> memref<2x128xi32, #tpu.memory_space<hbm>>
        tpu.wait_dma2 semaphore(%arg25 : memref<!tpu.dma_semaphore, #tpu.memory_space<semaphore_mem>>) src(%dma_wait3A_436 : memref<2x128xi32, #tpu.memory_space<hbm>>) dst(%arg13 : memref<2x128xi32, #tpu.memory_space<vmem>>)
        %dma_start3A_437 = arith.constant 0 : i32
        %dma_start3A_438 = arith.constant 0 : i32
        %dma_start3A_439 = tpu.memref_slice %arg13[%dma_start3A_437, %dma_start3A_438] : memref<2x128xi32, #tpu.memory_space<vmem>> -> memref<1x128xi32, #tpu.memory_space<vmem>>
        %dma_start3A_440 = tpu.memref_squeeze %dma_start3A_439 : memref<1x128xi32, #tpu.memory_space<vmem>> -> memref<128xi32, #tpu.memory_space<vmem>>
        %dma_start3A_441 = arith.constant 0 : i32
        %dma_start3A_442 = arith.constant 0 : i32
        %dma_start3A_443 = tpu.memref_slice %arg20[%dma_start3A_441, %dma_start3A_442] : memref<10240x64xf32, #tpu.memory_space<vmem_shared>> -> memref<10240x64xf32, #tpu.memory_space<vmem_shared>>
        tpu.enqueue_indirect_dma source(%dma_start3A_443 : memref<10240x64xf32, #tpu.memory_space<vmem_shared>>) target(%arg18 : memref<128x64xf32, #tpu.memory_space<vmem>>) offsets(%dma_start3A_440 : memref<128xi32, #tpu.memory_space<vmem>>) semaphore(%arg30 : memref<!tpu.dma_semaphore, #tpu.memory_space<semaphore_mem>>)
      } else {
      }
      %dma_wait3A_409 = arith.constant 0 : i32
      %dma_wait3A_410 = arith.constant 0 : i32
      %dma_wait3A_411 = tpu.memref_slice %arg14[%dma_wait3A_409, %dma_wait3A_410] : memref<2x128xi32, #tpu.memory_space<vmem>> -> memref<1x128xi32, #tpu.memory_space<vmem>>
      %dma_wait3A_412 = tpu.memref_squeeze %dma_wait3A_411 : memref<1x128xi32, #tpu.memory_space<vmem>> -> memref<128xi32, #tpu.memory_space<vmem>>
      %dma_wait3A_413 = arith.constant 0 : i32
      %dma_wait3A_414 = arith.constant 0 : i32
      %dma_wait3A_415 = tpu.memref_slice %arg20[%dma_wait3A_413, %dma_wait3A_414] : memref<10240x64xf32, #tpu.memory_space<vmem_shared>> -> memref<10240x64xf32, #tpu.memory_space<vmem_shared>>
      tpu.wait_indirect_dma semaphore(%arg31 : memref<!tpu.dma_semaphore, #tpu.memory_space<semaphore_mem>>) src(%dma_wait3A_415 : memref<10240x64xf32, #tpu.memory_space<vmem_shared>>) dst(%arg19 : memref<128x64xf32, #tpu.memory_space<vmem>>)
      %run_scoped3A_416 = arith.constant 1 : i32
      "tpu.region"() ({
        %run_scoped3A_424 = tpu.sem_alloc : memref<!tpu.dma_semaphore, #tpu.memory_space<semaphore_mem>>
        %dma_start3A_425 = arith.constant 0 : i32
        %dma_start3A_426 = tpu.memref_slice %arg14[%run_scoped3A_416, %dma_start3A_425] : memref<2x128xi32, #tpu.memory_space<vmem>> -> memref<1x128xi32, #tpu.memory_space<vmem>>
        %dma_start3A_427 = tpu.memref_squeeze %dma_start3A_426 : memref<1x128xi32, #tpu.memory_space<vmem>> -> memref<128xi32, #tpu.memory_space<vmem>>
        %dma_start3A_428 = arith.constant 0 : i32
        %dma_start3A_429 = arith.constant 0 : i32
        %dma_start3A_430 = tpu.memref_slice %arg21[%dma_start3A_428, %dma_start3A_429] : memref<10240x64xf32, #tpu.memory_space<vmem_shared>> -> memref<10240x64xf32, #tpu.memory_space<vmem_shared>>
        tpu.enqueue_indirect_dma source(%arg19 : memref<128x64xf32, #tpu.memory_space<vmem>>) target(%dma_start3A_430 : memref<10240x64xf32, #tpu.memory_space<vmem_shared>>) offsets(%dma_start3A_427 : memref<128xi32, #tpu.memory_space<vmem>>) semaphore(%run_scoped3A_424 : memref<!tpu.dma_semaphore, #tpu.memory_space<semaphore_mem>>) {add = true}
        %dma_wait3A_431 = arith.constant 0 : i32
        %dma_wait3A_432 = tpu.memref_slice %arg14[%run_scoped3A_416, %dma_wait3A_431] : memref<2x128xi32, #tpu.memory_space<vmem>> -> memref<1x128xi32, #tpu.memory_space<vmem>>
        %dma_wait3A_433 = tpu.memref_squeeze %dma_wait3A_432 : memref<1x128xi32, #tpu.memory_space<vmem>> -> memref<128xi32, #tpu.memory_space<vmem>>
        %dma_wait3A_434 = arith.constant 0 : i32
        %dma_wait3A_435 = arith.constant 0 : i32
        %dma_wait3A_436 = tpu.memref_slice %arg21[%dma_wait3A_434, %dma_wait3A_435] : memref<10240x64xf32, #tpu.memory_space<vmem_shared>> -> memref<10240x64xf32, #tpu.memory_space<vmem_shared>>
        tpu.wait_indirect_dma semaphore(%run_scoped3A_424 : memref<!tpu.dma_semaphore, #tpu.memory_space<semaphore_mem>>) src(%arg19 : memref<128x64xf32, #tpu.memory_space<vmem>>) dst(%dma_wait3A_436 : memref<10240x64xf32, #tpu.memory_space<vmem_shared>>)
        tpu.yield
      }) : () -> ()
      %add3A_417 = arith.constant 5 : i32
      %add3A_418 = arith.addi %add3A_399, %add3A_417 : i32
      %lt3A_419 = arith.constant 80 : i32
      %lt3A_420 = arith.cmpi slt, %add3A_418, %lt3A_419 : i32
      %convert_element_type3A_421 = arith.extui %lt3A_420 : i1 to i32
      %cond3A_422 = arith.constant 0 : i32
      %cond3A_423 = arith.cmpi ne, %convert_element_type3A_421, %cond3A_422 : i32
      scf.if %cond3A_423 {
        %add3A_424 = arith.addi %mul3A_4, %add3A_399 : i32
        %add3A_425 = arith.constant 5 : i32
        %add3A_426 = arith.addi %add3A_424, %add3A_425 : i32
        %dma_start3A_427 = arith.constant 0 : i32
        %dma_start3A_428 = arith.constant 0 : i32
        %dma_start3A_429 = tpu.memref_slice %arg2[%add3A_426, %dma_start3A_427, %dma_start3A_428] : memref<2560x2x128xi32, #tpu.memory_space<hbm>> -> memref<1x2x128xi32, #tpu.memory_space<hbm>>
        %dma_start3A_430 = tpu.memref_squeeze %dma_start3A_429 : memref<1x2x128xi32, #tpu.memory_space<hbm>> -> memref<2x128xi32, #tpu.memory_space<hbm>>
        %dma_start3A_431 = arith.constant 0 : i32
        %dma_start3A_432 = arith.constant 0 : i32
        %dma_start3A_433 = tpu.memref_slice %arg2[%add3A_426, %dma_start3A_431, %dma_start3A_432] : memref<2560x2x128xi32, #tpu.memory_space<hbm>> -> memref<1x2x128xi32, #tpu.memory_space<hbm>>
        %dma_start3A_434 = tpu.memref_squeeze %dma_start3A_433 : memref<1x2x128xi32, #tpu.memory_space<hbm>> -> memref<2x128xi32, #tpu.memory_space<hbm>>
        tpu.enqueue_dma source(%dma_start3A_434 : memref<2x128xi32, #tpu.memory_space<hbm>>) target(%arg14 : memref<2x128xi32, #tpu.memory_space<vmem>>) target_semaphore(%arg26 : memref<!tpu.dma_semaphore, #tpu.memory_space<semaphore_mem>>)
      } else {
      }
    }
    %scan3A_132 = arith.constant 16 : i32
    %barrier3A_133 = arith.constant 0 : index
    tpu.barrier barrier_id(%barrier3A_133)
    %eq3A = arith.constant 0 : i32
    %eq3A_134 = arith.cmpi eq, %arg0, %eq3A : i32
    %convert_element_type3A = arith.extui %eq3A_134 : i1 to i32
    %cond3A = arith.constant 0 : i32
    %cond3A_135 = arith.cmpi ne, %convert_element_type3A, %cond3A : i32
    scf.if %cond3A_135 {
      "tpu.region"() ({
        %run_scoped3A = tpu.sem_alloc : memref<!tpu.dma_semaphore, #tpu.memory_space<semaphore_mem>>
        %dma_start3A_286 = arith.constant 0 : i32
        %dma_start3A_287 = tpu.memref_slice %arg6[%mul3A_2, %dma_start3A_286] : memref<10240x64xf32, #tpu.memory_space<hbm>> -> memref<640x64xf32, #tpu.memory_space<hbm>>
        %dma_start3A_288 = arith.constant 0 : i32
        %dma_start3A_289 = tpu.memref_slice %arg21[%mul3A_2, %dma_start3A_288] : memref<10240x64xf32, #tpu.memory_space<vmem_shared>> -> memref<640x64xf32, #tpu.memory_space<vmem_shared>>
        tpu.enqueue_dma source(%dma_start3A_289 : memref<640x64xf32, #tpu.memory_space<vmem_shared>>) target(%dma_start3A_287 : memref<640x64xf32, #tpu.memory_space<hbm>>) target_semaphore(%run_scoped3A : memref<!tpu.dma_semaphore, #tpu.memory_space<semaphore_mem>>)
        %dma_wait3A_290 = arith.constant 0 : i32
        %dma_wait3A_291 = tpu.memref_slice %arg6[%mul3A_2, %dma_wait3A_290] : memref<10240x64xf32, #tpu.memory_space<hbm>> -> memref<640x64xf32, #tpu.memory_space<hbm>>
        %dma_wait3A_292 = arith.constant 0 : i32
        %dma_wait3A_293 = tpu.memref_slice %arg21[%mul3A_2, %dma_wait3A_292] : memref<10240x64xf32, #tpu.memory_space<vmem_shared>> -> memref<640x64xf32, #tpu.memory_space<vmem_shared>>
        tpu.wait_dma2 semaphore(%run_scoped3A : memref<!tpu.dma_semaphore, #tpu.memory_space<semaphore_mem>>) src(%dma_wait3A_293 : memref<640x64xf32, #tpu.memory_space<vmem_shared>>) dst(%dma_wait3A_291 : memref<640x64xf32, #tpu.memory_space<hbm>>)
        tpu.yield
      }) : () -> ()
    } else {
    }
    %eq3A_136 = arith.constant 1 : i32
    %eq3A_137 = arith.cmpi eq, %arg0, %eq3A_136 : i32
    %convert_element_type3A_138 = arith.extui %eq3A_137 : i1 to i32
    %cond3A_139 = arith.constant 0 : i32
    %cond3A_140 = arith.cmpi ne, %convert_element_type3A_138, %cond3A_139 : i32
    scf.if %cond3A_140 {
      "tpu.region"() ({
        %run_scoped3A = tpu.sem_alloc : memref<!tpu.dma_semaphore, #tpu.memory_space<semaphore_mem>>
        %dma_start3A_286 = arith.constant 0 : i32
        %dma_start3A_287 = tpu.memref_slice %arg8[%mul3A_2, %dma_start3A_286] : memref<10240x64xf32, #tpu.memory_space<hbm>> -> memref<640x64xf32, #tpu.memory_space<hbm>>
        %dma_start3A_288 = arith.constant 0 : i32
        %dma_start3A_289 = tpu.memref_slice %arg21[%mul3A_2, %dma_start3A_288] : memref<10240x64xf32, #tpu.memory_space<vmem_shared>> -> memref<640x64xf32, #tpu.memory_space<vmem_shared>>
        tpu.enqueue_dma source(%dma_start3A_289 : memref<640x64xf32, #tpu.memory_space<vmem_shared>>) target(%dma_start3A_287 : memref<640x64xf32, #tpu.memory_space<hbm>>) target_semaphore(%run_scoped3A : memref<!tpu.dma_semaphore, #tpu.memory_space<semaphore_mem>>)
        %dma_wait3A_290 = arith.constant 0 : i32
        %dma_wait3A_291 = tpu.memref_slice %arg8[%mul3A_2, %dma_wait3A_290] : memref<10240x64xf32, #tpu.memory_space<hbm>> -> memref<640x64xf32, #tpu.memory_space<hbm>>
        %dma_wait3A_292 = arith.constant 0 : i32
        %dma_wait3A_293 = tpu.memref_slice %arg21[%mul3A_2, %dma_wait3A_292] : memref<10240x64xf32, #tpu.memory_space<vmem_shared>> -> memref<640x64xf32, #tpu.memory_space<vmem_shared>>
        tpu.wait_dma2 semaphore(%run_scoped3A : memref<!tpu.dma_semaphore, #tpu.memory_space<semaphore_mem>>) src(%dma_wait3A_293 : memref<640x64xf32, #tpu.memory_space<vmem_shared>>) dst(%dma_wait3A_291 : memref<640x64xf32, #tpu.memory_space<hbm>>)
        tpu.yield
      }) : () -> ()
    } else {
    }
    %barrier3A_141 = arith.constant 0 : index
    tpu.barrier barrier_id(%barrier3A_141)
    %dma_start3A_142 = arith.constant 0 : i32
    %dma_start3A_143 = tpu.memref_slice %arg20[%mul3A_2, %dma_start3A_142] : memref<10240x64xf32, #tpu.memory_space<vmem_shared>> -> memref<640x64xf32, #tpu.memory_space<vmem_shared>>
    %dma_start3A_144 = arith.constant 0 : i32
    %dma_start3A_145 = tpu.memref_slice %arg4[%mul3A_2, %dma_start3A_144] : memref<10240x64xf32, #tpu.memory_space<hbm>> -> memref<640x64xf32, #tpu.memory_space<hbm>>
    tpu.enqueue_dma source(%dma_start3A_145 : memref<640x64xf32, #tpu.memory_space<hbm>>) target(%dma_start3A_143 : memref<640x64xf32, #tpu.memory_space<vmem_shared>>) target_semaphore(%arg22 : memref<!tpu.dma_semaphore, #tpu.memory_space<semaphore_mem>>)
    "tpu.region"() ({
      %run_scoped3A = tpu.sem_alloc : memref<!tpu.dma_semaphore, #tpu.memory_space<semaphore_mem>>
      %dma_start3A_286 = arith.constant 0 : i32
      %dma_start3A_287 = tpu.memref_slice %arg21[%mul3A_2, %dma_start3A_286] : memref<10240x64xf32, #tpu.memory_space<vmem_shared>> -> memref<640x64xf32, #tpu.memory_space<vmem_shared>>
      %dma_start3A_288 = arith.constant 0 : i32
      %dma_start3A_289 = tpu.memref_slice %arg5[%mul3A_2, %dma_start3A_288] : memref<10240x64xf32, #tpu.memory_space<hbm>> -> memref<640x64xf32, #tpu.memory_space<hbm>>
      tpu.enqueue_dma source(%dma_start3A_289 : memref<640x64xf32, #tpu.memory_space<hbm>>) target(%dma_start3A_287 : memref<640x64xf32, #tpu.memory_space<vmem_shared>>) target_semaphore(%run_scoped3A : memref<!tpu.dma_semaphore, #tpu.memory_space<semaphore_mem>>)
      %dma_wait3A_290 = arith.constant 0 : i32
      %dma_wait3A_291 = tpu.memref_slice %arg21[%mul3A_2, %dma_wait3A_290] : memref<10240x64xf32, #tpu.memory_space<vmem_shared>> -> memref<640x64xf32, #tpu.memory_space<vmem_shared>>
      %dma_wait3A_292 = arith.constant 0 : i32
      %dma_wait3A_293 = tpu.memref_slice %arg5[%mul3A_2, %dma_wait3A_292] : memref<10240x64xf32, #tpu.memory_space<hbm>> -> memref<640x64xf32, #tpu.memory_space<hbm>>
      tpu.wait_dma2 semaphore(%run_scoped3A : memref<!tpu.dma_semaphore, #tpu.memory_space<semaphore_mem>>) src(%dma_wait3A_293 : memref<640x64xf32, #tpu.memory_space<hbm>>) dst(%dma_wait3A_291 : memref<640x64xf32, #tpu.memory_space<vmem_shared>>)
      tpu.yield
    }) : () -> ()
    %dma_wait3A_146 = arith.constant 0 : i32
    %dma_wait3A_147 = tpu.memref_slice %arg20[%mul3A_2, %dma_wait3A_146] : memref<10240x64xf32, #tpu.memory_space<vmem_shared>> -> memref<640x64xf32, #tpu.memory_space<vmem_shared>>
    %dma_wait3A_148 = arith.constant 0 : i32
    %dma_wait3A_149 = tpu.memref_slice %arg4[%mul3A_2, %dma_wait3A_148] : memref<10240x64xf32, #tpu.memory_space<hbm>> -> memref<640x64xf32, #tpu.memory_space<hbm>>
    tpu.wait_dma2 semaphore(%arg22 : memref<!tpu.dma_semaphore, #tpu.memory_space<semaphore_mem>>) src(%dma_wait3A_149 : memref<640x64xf32, #tpu.memory_space<hbm>>) dst(%dma_wait3A_147 : memref<640x64xf32, #tpu.memory_space<vmem_shared>>)
    %add3A_150 = arith.constant 0 : i32
    %add3A_151 = arith.addi %mul3A_4, %add3A_150 : i32
    %dma_start3A_152 = arith.constant 0 : i32
    %dma_start3A_153 = arith.constant 0 : i32
    %dma_start3A_154 = tpu.memref_slice %arg2[%add3A_151, %dma_start3A_152, %dma_start3A_153] : memref<2560x2x128xi32, #tpu.memory_space<hbm>> -> memref<1x2x128xi32, #tpu.memory_space<hbm>>
    %dma_start3A_155 = tpu.memref_squeeze %dma_start3A_154 : memref<1x2x128xi32, #tpu.memory_space<hbm>> -> memref<2x128xi32, #tpu.memory_space<hbm>>
    %dma_start3A_156 = arith.constant 0 : i32
    %dma_start3A_157 = arith.constant 0 : i32
    %dma_start3A_158 = tpu.memref_slice %arg2[%add3A_151, %dma_start3A_156, %dma_start3A_157] : memref<2560x2x128xi32, #tpu.memory_space<hbm>> -> memref<1x2x128xi32, #tpu.memory_space<hbm>>
    %dma_start3A_159 = tpu.memref_squeeze %dma_start3A_158 : memref<1x2x128xi32, #tpu.memory_space<hbm>> -> memref<2x128xi32, #tpu.memory_space<hbm>>
    tpu.enqueue_dma source(%dma_start3A_159 : memref<2x128xi32, #tpu.memory_space<hbm>>) target(%arg10 : memref<2x128xi32, #tpu.memory_space<vmem>>) target_semaphore(%arg22 : memref<!tpu.dma_semaphore, #tpu.memory_space<semaphore_mem>>)
    %add3A_160 = arith.constant 1 : i32
    %add3A_161 = arith.addi %mul3A_4, %add3A_160 : i32
    %dma_start3A_162 = arith.constant 0 : i32
    %dma_start3A_163 = arith.constant 0 : i32
    %dma_start3A_164 = tpu.memref_slice %arg2[%add3A_161, %dma_start3A_162, %dma_start3A_163] : memref<2560x2x128xi32, #tpu.memory_space<hbm>> -> memref<1x2x128xi32, #tpu.memory_space<hbm>>
    %dma_start3A_165 = tpu.memref_squeeze %dma_start3A_164 : memref<1x2x128xi32, #tpu.memory_space<hbm>> -> memref<2x128xi32, #tpu.memory_space<hbm>>
    %dma_start3A_166 = arith.constant 0 : i32
    %dma_start3A_167 = arith.constant 0 : i32
    %dma_start3A_168 = tpu.memref_slice %arg2[%add3A_161, %dma_start3A_166, %dma_start3A_167] : memref<2560x2x128xi32, #tpu.memory_space<hbm>> -> memref<1x2x128xi32, #tpu.memory_space<hbm>>
    %dma_start3A_169 = tpu.memref_squeeze %dma_start3A_168 : memref<1x2x128xi32, #tpu.memory_space<hbm>> -> memref<2x128xi32, #tpu.memory_space<hbm>>
    tpu.enqueue_dma source(%dma_start3A_169 : memref<2x128xi32, #tpu.memory_space<hbm>>) target(%arg11 : memref<2x128xi32, #tpu.memory_space<vmem>>) target_semaphore(%arg23 : memref<!tpu.dma_semaphore, #tpu.memory_space<semaphore_mem>>)
    %add3A_170 = arith.constant 2 : i32
    %add3A_171 = arith.addi %mul3A_4, %add3A_170 : i32
    %dma_start3A_172 = arith.constant 0 : i32
    %dma_start3A_173 = arith.constant 0 : i32
    %dma_start3A_174 = tpu.memref_slice %arg2[%add3A_171, %dma_start3A_172, %dma_start3A_173] : memref<2560x2x128xi32, #tpu.memory_space<hbm>> -> memref<1x2x128xi32, #tpu.memory_space<hbm>>
    %dma_start3A_175 = tpu.memref_squeeze %dma_start3A_174 : memref<1x2x128xi32, #tpu.memory_space<hbm>> -> memref<2x128xi32, #tpu.memory_space<hbm>>
    %dma_start3A_176 = arith.constant 0 : i32
    %dma_start3A_177 = arith.constant 0 : i32
    %dma_start3A_178 = tpu.memref_slice %arg2[%add3A_171, %dma_start3A_176, %dma_start3A_177] : memref<2560x2x128xi32, #tpu.memory_space<hbm>> -> memref<1x2x128xi32, #tpu.memory_space<hbm>>
    %dma_start3A_179 = tpu.memref_squeeze %dma_start3A_178 : memref<1x2x128xi32, #tpu.memory_space<hbm>> -> memref<2x128xi32, #tpu.memory_space<hbm>>
    tpu.enqueue_dma source(%dma_start3A_179 : memref<2x128xi32, #tpu.memory_space<hbm>>) target(%arg12 : memref<2x128xi32, #tpu.memory_space<vmem>>) target_semaphore(%arg24 : memref<!tpu.dma_semaphore, #tpu.memory_space<semaphore_mem>>)
    %add3A_180 = arith.constant 3 : i32
    %add3A_181 = arith.addi %mul3A_4, %add3A_180 : i32
    %dma_start3A_182 = arith.constant 0 : i32
    %dma_start3A_183 = arith.constant 0 : i32
    %dma_start3A_184 = tpu.memref_slice %arg2[%add3A_181, %dma_start3A_182, %dma_start3A_183] : memref<2560x2x128xi32, #tpu.memory_space<hbm>> -> memref<1x2x128xi32, #tpu.memory_space<hbm>>
    %dma_start3A_185 = tpu.memref_squeeze %dma_start3A_184 : memref<1x2x128xi32, #tpu.memory_space<hbm>> -> memref<2x128xi32, #tpu.memory_space<hbm>>
    %dma_start3A_186 = arith.constant 0 : i32
    %dma_start3A_187 = arith.constant 0 : i32
    %dma_start3A_188 = tpu.memref_slice %arg2[%add3A_181, %dma_start3A_186, %dma_start3A_187] : memref<2560x2x128xi32, #tpu.memory_space<hbm>> -> memref<1x2x128xi32, #tpu.memory_space<hbm>>
    %dma_start3A_189 = tpu.memref_squeeze %dma_start3A_188 : memref<1x2x128xi32, #tpu.memory_space<hbm>> -> memref<2x128xi32, #tpu.memory_space<hbm>>
    tpu.enqueue_dma source(%dma_start3A_189 : memref<2x128xi32, #tpu.memory_space<hbm>>) target(%arg13 : memref<2x128xi32, #tpu.memory_space<vmem>>) target_semaphore(%arg25 : memref<!tpu.dma_semaphore, #tpu.memory_space<semaphore_mem>>)
    %add3A_190 = arith.constant 4 : i32
    %add3A_191 = arith.addi %mul3A_4, %add3A_190 : i32
    %dma_start3A_192 = arith.constant 0 : i32
    %dma_start3A_193 = arith.constant 0 : i32
    %dma_start3A_194 = tpu.memref_slice %arg2[%add3A_191, %dma_start3A_192, %dma_start3A_193] : memref<2560x2x128xi32, #tpu.memory_space<hbm>> -> memref<1x2x128xi32, #tpu.memory_space<hbm>>
    %dma_start3A_195 = tpu.memref_squeeze %dma_start3A_194 : memref<1x2x128xi32, #tpu.memory_space<hbm>> -> memref<2x128xi32, #tpu.memory_space<hbm>>
    %dma_start3A_196 = arith.constant 0 : i32
    %dma_start3A_197 = arith.constant 0 : i32
    %dma_start3A_198 = tpu.memref_slice %arg2[%add3A_191, %dma_start3A_196, %dma_start3A_197] : memref<2560x2x128xi32, #tpu.memory_space<hbm>> -> memref<1x2x128xi32, #tpu.memory_space<hbm>>
    %dma_start3A_199 = tpu.memref_squeeze %dma_start3A_198 : memref<1x2x128xi32, #tpu.memory_space<hbm>> -> memref<2x128xi32, #tpu.memory_space<hbm>>
    tpu.enqueue_dma source(%dma_start3A_199 : memref<2x128xi32, #tpu.memory_space<hbm>>) target(%arg14 : memref<2x128xi32, #tpu.memory_space<vmem>>) target_semaphore(%arg26 : memref<!tpu.dma_semaphore, #tpu.memory_space<semaphore_mem>>)
    %barrier3A_200 = arith.constant 0 : index
    tpu.barrier barrier_id(%barrier3A_200)
    %add3A_201 = arith.constant 0 : i32
    %add3A_202 = arith.addi %mul3A_4, %add3A_201 : i32
    %dma_wait3A_203 = arith.constant 0 : i32
    %dma_wait3A_204 = arith.constant 0 : i32
    %dma_wait3A_205 = tpu.memref_slice %arg2[%add3A_202, %dma_wait3A_203, %dma_wait3A_204] : memref<2560x2x128xi32, #tpu.memory_space<hbm>> -> memref<1x2x128xi32, #tpu.memory_space<hbm>>
    %dma_wait3A_206 = tpu.memref_squeeze %dma_wait3A_205 : memref<1x2x128xi32, #tpu.memory_space<hbm>> -> memref<2x128xi32, #tpu.memory_space<hbm>>
    %dma_wait3A_207 = arith.constant 0 : i32
    %dma_wait3A_208 = arith.constant 0 : i32
    %dma_wait3A_209 = tpu.memref_slice %arg2[%add3A_202, %dma_wait3A_207, %dma_wait3A_208] : memref<2560x2x128xi32, #tpu.memory_space<hbm>> -> memref<1x2x128xi32, #tpu.memory_space<hbm>>
    %dma_wait3A_210 = tpu.memref_squeeze %dma_wait3A_209 : memref<1x2x128xi32, #tpu.memory_space<hbm>> -> memref<2x128xi32, #tpu.memory_space<hbm>>
    tpu.wait_dma2 semaphore(%arg22 : memref<!tpu.dma_semaphore, #tpu.memory_space<semaphore_mem>>) src(%dma_wait3A_210 : memref<2x128xi32, #tpu.memory_space<hbm>>) dst(%arg10 : memref<2x128xi32, #tpu.memory_space<vmem>>)
    %dma_start3A_211 = arith.constant 0 : i32
    %dma_start3A_212 = arith.constant 0 : i32
    %dma_start3A_213 = tpu.memref_slice %arg10[%dma_start3A_211, %dma_start3A_212] : memref<2x128xi32, #tpu.memory_space<vmem>> -> memref<1x128xi32, #tpu.memory_space<vmem>>
    %dma_start3A_214 = tpu.memref_squeeze %dma_start3A_213 : memref<1x128xi32, #tpu.memory_space<vmem>> -> memref<128xi32, #tpu.memory_space<vmem>>
    %dma_start3A_215 = arith.constant 0 : i32
    %dma_start3A_216 = arith.constant 0 : i32
    %dma_start3A_217 = tpu.memref_slice %arg20[%dma_start3A_215, %dma_start3A_216] : memref<10240x64xf32, #tpu.memory_space<vmem_shared>> -> memref<10240x64xf32, #tpu.memory_space<vmem_shared>>
    tpu.enqueue_indirect_dma source(%dma_start3A_217 : memref<10240x64xf32, #tpu.memory_space<vmem_shared>>) target(%arg15 : memref<128x64xf32, #tpu.memory_space<vmem>>) offsets(%dma_start3A_214 : memref<128xi32, #tpu.memory_space<vmem>>) semaphore(%arg27 : memref<!tpu.dma_semaphore, #tpu.memory_space<semaphore_mem>>)
    %add3A_218 = arith.constant 1 : i32
    %add3A_219 = arith.addi %mul3A_4, %add3A_218 : i32
    %dma_wait3A_220 = arith.constant 0 : i32
    %dma_wait3A_221 = arith.constant 0 : i32
    %dma_wait3A_222 = tpu.memref_slice %arg2[%add3A_219, %dma_wait3A_220, %dma_wait3A_221] : memref<2560x2x128xi32, #tpu.memory_space<hbm>> -> memref<1x2x128xi32, #tpu.memory_space<hbm>>
    %dma_wait3A_223 = tpu.memref_squeeze %dma_wait3A_222 : memref<1x2x128xi32, #tpu.memory_space<hbm>> -> memref<2x128xi32, #tpu.memory_space<hbm>>
    %dma_wait3A_224 = arith.constant 0 : i32
    %dma_wait3A_225 = arith.constant 0 : i32
    %dma_wait3A_226 = tpu.memref_slice %arg2[%add3A_219, %dma_wait3A_224, %dma_wait3A_225] : memref<2560x2x128xi32, #tpu.memory_space<hbm>> -> memref<1x2x128xi32, #tpu.memory_space<hbm>>
    %dma_wait3A_227 = tpu.memref_squeeze %dma_wait3A_226 : memref<1x2x128xi32, #tpu.memory_space<hbm>> -> memref<2x128xi32, #tpu.memory_space<hbm>>
    tpu.wait_dma2 semaphore(%arg23 : memref<!tpu.dma_semaphore, #tpu.memory_space<semaphore_mem>>) src(%dma_wait3A_227 : memref<2x128xi32, #tpu.memory_space<hbm>>) dst(%arg11 : memref<2x128xi32, #tpu.memory_space<vmem>>)
    %dma_start3A_228 = arith.constant 0 : i32
    %dma_start3A_229 = arith.constant 0 : i32
    %dma_start3A_230 = tpu.memref_slice %arg11[%dma_start3A_228, %dma_start3A_229] : memref<2x128xi32, #tpu.memory_space<vmem>> -> memref<1x128xi32, #tpu.memory_space<vmem>>
    %dma_start3A_231 = tpu.memref_squeeze %dma_start3A_230 : memref<1x128xi32, #tpu.memory_space<vmem>> -> memref<128xi32, #tpu.memory_space<vmem>>
    %dma_start3A_232 = arith.constant 0 : i32
    %dma_start3A_233 = arith.constant 0 : i32
    %dma_start3A_234 = tpu.memref_slice %arg20[%dma_start3A_232, %dma_start3A_233] : memref<10240x64xf32, #tpu.memory_space<vmem_shared>> -> memref<10240x64xf32, #tpu.memory_space<vmem_shared>>
    tpu.enqueue_indirect_dma source(%dma_start3A_234 : memref<10240x64xf32, #tpu.memory_space<vmem_shared>>) target(%arg16 : memref<128x64xf32, #tpu.memory_space<vmem>>) offsets(%dma_start3A_231 : memref<128xi32, #tpu.memory_space<vmem>>) semaphore(%arg28 : memref<!tpu.dma_semaphore, #tpu.memory_space<semaphore_mem>>)
    %add3A_235 = arith.constant 2 : i32
    %add3A_236 = arith.addi %mul3A_4, %add3A_235 : i32
    %dma_wait3A_237 = arith.constant 0 : i32
    %dma_wait3A_238 = arith.constant 0 : i32
    %dma_wait3A_239 = tpu.memref_slice %arg2[%add3A_236, %dma_wait3A_237, %dma_wait3A_238] : memref<2560x2x128xi32, #tpu.memory_space<hbm>> -> memref<1x2x128xi32, #tpu.memory_space<hbm>>
    %dma_wait3A_240 = tpu.memref_squeeze %dma_wait3A_239 : memref<1x2x128xi32, #tpu.memory_space<hbm>> -> memref<2x128xi32, #tpu.memory_space<hbm>>
    %dma_wait3A_241 = arith.constant 0 : i32
    %dma_wait3A_242 = arith.constant 0 : i32
    %dma_wait3A_243 = tpu.memref_slice %arg2[%add3A_236, %dma_wait3A_241, %dma_wait3A_242] : memref<2560x2x128xi32, #tpu.memory_space<hbm>> -> memref<1x2x128xi32, #tpu.memory_space<hbm>>
    %dma_wait3A_244 = tpu.memref_squeeze %dma_wait3A_243 : memref<1x2x128xi32, #tpu.memory_space<hbm>> -> memref<2x128xi32, #tpu.memory_space<hbm>>
    tpu.wait_dma2 semaphore(%arg24 : memref<!tpu.dma_semaphore, #tpu.memory_space<semaphore_mem>>) src(%dma_wait3A_244 : memref<2x128xi32, #tpu.memory_space<hbm>>) dst(%arg12 : memref<2x128xi32, #tpu.memory_space<vmem>>)
    %dma_start3A_245 = arith.constant 0 : i32
    %dma_start3A_246 = arith.constant 0 : i32
    %dma_start3A_247 = tpu.memref_slice %arg12[%dma_start3A_245, %dma_start3A_246] : memref<2x128xi32, #tpu.memory_space<vmem>> -> memref<1x128xi32, #tpu.memory_space<vmem>>
    %dma_start3A_248 = tpu.memref_squeeze %dma_start3A_247 : memref<1x128xi32, #tpu.memory_space<vmem>> -> memref<128xi32, #tpu.memory_space<vmem>>
    %dma_start3A_249 = arith.constant 0 : i32
    %dma_start3A_250 = arith.constant 0 : i32
    %dma_start3A_251 = tpu.memref_slice %arg20[%dma_start3A_249, %dma_start3A_250] : memref<10240x64xf32, #tpu.memory_space<vmem_shared>> -> memref<10240x64xf32, #tpu.memory_space<vmem_shared>>
    tpu.enqueue_indirect_dma source(%dma_start3A_251 : memref<10240x64xf32, #tpu.memory_space<vmem_shared>>) target(%arg17 : memref<128x64xf32, #tpu.memory_space<vmem>>) offsets(%dma_start3A_248 : memref<128xi32, #tpu.memory_space<vmem>>) semaphore(%arg29 : memref<!tpu.dma_semaphore, #tpu.memory_space<semaphore_mem>>)
    %add3A_252 = arith.constant 3 : i32
    %add3A_253 = arith.addi %mul3A_4, %add3A_252 : i32
    %dma_wait3A_254 = arith.constant 0 : i32
    %dma_wait3A_255 = arith.constant 0 : i32
    %dma_wait3A_256 = tpu.memref_slice %arg2[%add3A_253, %dma_wait3A_254, %dma_wait3A_255] : memref<2560x2x128xi32, #tpu.memory_space<hbm>> -> memref<1x2x128xi32, #tpu.memory_space<hbm>>
    %dma_wait3A_257 = tpu.memref_squeeze %dma_wait3A_256 : memref<1x2x128xi32, #tpu.memory_space<hbm>> -> memref<2x128xi32, #tpu.memory_space<hbm>>
    %dma_wait3A_258 = arith.constant 0 : i32
    %dma_wait3A_259 = arith.constant 0 : i32
    %dma_wait3A_260 = tpu.memref_slice %arg2[%add3A_253, %dma_wait3A_258, %dma_wait3A_259] : memref<2560x2x128xi32, #tpu.memory_space<hbm>> -> memref<1x2x128xi32, #tpu.memory_space<hbm>>
    %dma_wait3A_261 = tpu.memref_squeeze %dma_wait3A_260 : memref<1x2x128xi32, #tpu.memory_space<hbm>> -> memref<2x128xi32, #tpu.memory_space<hbm>>
    tpu.wait_dma2 semaphore(%arg25 : memref<!tpu.dma_semaphore, #tpu.memory_space<semaphore_mem>>) src(%dma_wait3A_261 : memref<2x128xi32, #tpu.memory_space<hbm>>) dst(%arg13 : memref<2x128xi32, #tpu.memory_space<vmem>>)
    %dma_start3A_262 = arith.constant 0 : i32
    %dma_start3A_263 = arith.constant 0 : i32
    %dma_start3A_264 = tpu.memref_slice %arg13[%dma_start3A_262, %dma_start3A_263] : memref<2x128xi32, #tpu.memory_space<vmem>> -> memref<1x128xi32, #tpu.memory_space<vmem>>
    %dma_start3A_265 = tpu.memref_squeeze %dma_start3A_264 : memref<1x128xi32, #tpu.memory_space<vmem>> -> memref<128xi32, #tpu.memory_space<vmem>>
    %dma_start3A_266 = arith.constant 0 : i32
    %dma_start3A_267 = arith.constant 0 : i32
    %dma_start3A_268 = tpu.memref_slice %arg20[%dma_start3A_266, %dma_start3A_267] : memref<10240x64xf32, #tpu.memory_space<vmem_shared>> -> memref<10240x64xf32, #tpu.memory_space<vmem_shared>>
    tpu.enqueue_indirect_dma source(%dma_start3A_268 : memref<10240x64xf32, #tpu.memory_space<vmem_shared>>) target(%arg18 : memref<128x64xf32, #tpu.memory_space<vmem>>) offsets(%dma_start3A_265 : memref<128xi32, #tpu.memory_space<vmem>>) semaphore(%arg30 : memref<!tpu.dma_semaphore, #tpu.memory_space<semaphore_mem>>)
    %scan3A_269 = arith.constant 0 : i32
    %scan3A_270 = arith.constant 16 : i32
    %scan3A_271 = arith.addi %scan3A_269, %scan3A_270 : i32
    %scan3A_272 = arith.constant 1 : i32
    scf.for %scan3A_286 = %scan3A_269 to %scan3A_271 step %scan3A_272  : i32 {
      %mul3A_287 = arith.constant 5 : i32
      %mul3A_288 = arith.muli %scan3A_286, %mul3A_287 : i32
      %add3A_289 = arith.constant 0 : i32
      %add3A_290 = arith.addi %mul3A_288, %add3A_289 : i32
      %add3A_291 = arith.constant 5 : i32
      %add3A_292 = arith.addi %add3A_290, %add3A_291 : i32
      %sub3A = arith.constant 1 : i32
      %sub3A_293 = arith.subi %add3A_292, %sub3A : i32
      %lt3A = arith.constant 80 : i32
      %lt3A_294 = arith.cmpi slt, %sub3A_293, %lt3A : i32
      %convert_element_type3A_295 = arith.extui %lt3A_294 : i1 to i32
      %cond3A_296 = arith.constant 0 : i32
      %cond3A_297 = arith.cmpi ne, %convert_element_type3A_295, %cond3A_296 : i32
      scf.if %cond3A_297 {
        %add3A_424 = arith.addi %mul3A_4, %add3A_290 : i32
        %add3A_425 = arith.constant 5 : i32
        %add3A_426 = arith.addi %add3A_424, %add3A_425 : i32
        %sub3A_427 = arith.constant 1 : i32
        %sub3A_428 = arith.subi %add3A_426, %sub3A_427 : i32
        %dma_wait3A_429 = arith.constant 0 : i32
        %dma_wait3A_430 = arith.constant 0 : i32
        %dma_wait3A_431 = tpu.memref_slice %arg2[%sub3A_428, %dma_wait3A_429, %dma_wait3A_430] : memref<2560x2x128xi32, #tpu.memory_space<hbm>> -> memref<1x2x128xi32, #tpu.memory_space<hbm>>
        %dma_wait3A_432 = tpu.memref_squeeze %dma_wait3A_431 : memref<1x2x128xi32, #tpu.memory_space<hbm>> -> memref<2x128xi32, #tpu.memory_space<hbm>>
        %dma_wait3A_433 = arith.constant 0 : i32
        %dma_wait3A_434 = arith.constant 0 : i32
        %dma_wait3A_435 = tpu.memref_slice %arg2[%sub3A_428, %dma_wait3A_433, %dma_wait3A_434] : memref<2560x2x128xi32, #tpu.memory_space<hbm>> -> memref<1x2x128xi32, #tpu.memory_space<hbm>>
        %dma_wait3A_436 = tpu.memref_squeeze %dma_wait3A_435 : memref<1x2x128xi32, #tpu.memory_space<hbm>> -> memref<2x128xi32, #tpu.memory_space<hbm>>
        tpu.wait_dma2 semaphore(%arg26 : memref<!tpu.dma_semaphore, #tpu.memory_space<semaphore_mem>>) src(%dma_wait3A_436 : memref<2x128xi32, #tpu.memory_space<hbm>>) dst(%arg14 : memref<2x128xi32, #tpu.memory_space<vmem>>)
        %dma_start3A_437 = arith.constant 0 : i32
        %dma_start3A_438 = arith.constant 0 : i32
        %dma_start3A_439 = tpu.memref_slice %arg14[%dma_start3A_437, %dma_start3A_438] : memref<2x128xi32, #tpu.memory_space<vmem>> -> memref<1x128xi32, #tpu.memory_space<vmem>>
        %dma_start3A_440 = tpu.memref_squeeze %dma_start3A_439 : memref<1x128xi32, #tpu.memory_space<vmem>> -> memref<128xi32, #tpu.memory_space<vmem>>
        %dma_start3A_441 = arith.constant 0 : i32
        %dma_start3A_442 = arith.constant 0 : i32
        %dma_start3A_443 = tpu.memref_slice %arg20[%dma_start3A_441, %dma_start3A_442] : memref<10240x64xf32, #tpu.memory_space<vmem_shared>> -> memref<10240x64xf32, #tpu.memory_space<vmem_shared>>
        tpu.enqueue_indirect_dma source(%dma_start3A_443 : memref<10240x64xf32, #tpu.memory_space<vmem_shared>>) target(%arg19 : memref<128x64xf32, #tpu.memory_space<vmem>>) offsets(%dma_start3A_440 : memref<128xi32, #tpu.memory_space<vmem>>) semaphore(%arg31 : memref<!tpu.dma_semaphore, #tpu.memory_space<semaphore_mem>>)
      } else {
      }
      %dma_wait3A_298 = arith.constant 0 : i32
      %dma_wait3A_299 = arith.constant 0 : i32
      %dma_wait3A_300 = tpu.memref_slice %arg10[%dma_wait3A_298, %dma_wait3A_299] : memref<2x128xi32, #tpu.memory_space<vmem>> -> memref<1x128xi32, #tpu.memory_space<vmem>>
      %dma_wait3A_301 = tpu.memref_squeeze %dma_wait3A_300 : memref<1x128xi32, #tpu.memory_space<vmem>> -> memref<128xi32, #tpu.memory_space<vmem>>
      %dma_wait3A_302 = arith.constant 0 : i32
      %dma_wait3A_303 = arith.constant 0 : i32
      %dma_wait3A_304 = tpu.memref_slice %arg20[%dma_wait3A_302, %dma_wait3A_303] : memref<10240x64xf32, #tpu.memory_space<vmem_shared>> -> memref<10240x64xf32, #tpu.memory_space<vmem_shared>>
      tpu.wait_indirect_dma semaphore(%arg27 : memref<!tpu.dma_semaphore, #tpu.memory_space<semaphore_mem>>) src(%dma_wait3A_304 : memref<10240x64xf32, #tpu.memory_space<vmem_shared>>) dst(%arg15 : memref<128x64xf32, #tpu.memory_space<vmem>>)
      %run_scoped3A = arith.constant 1 : i32
      "tpu.region"() ({
        %run_scoped3A_424 = tpu.sem_alloc : memref<!tpu.dma_semaphore, #tpu.memory_space<semaphore_mem>>
        %dma_start3A_425 = arith.constant 0 : i32
        %dma_start3A_426 = tpu.memref_slice %arg10[%run_scoped3A, %dma_start3A_425] : memref<2x128xi32, #tpu.memory_space<vmem>> -> memref<1x128xi32, #tpu.memory_space<vmem>>
        %dma_start3A_427 = tpu.memref_squeeze %dma_start3A_426 : memref<1x128xi32, #tpu.memory_space<vmem>> -> memref<128xi32, #tpu.memory_space<vmem>>
        %dma_start3A_428 = arith.constant 0 : i32
        %dma_start3A_429 = arith.constant 0 : i32
        %dma_start3A_430 = tpu.memref_slice %arg21[%dma_start3A_428, %dma_start3A_429] : memref<10240x64xf32, #tpu.memory_space<vmem_shared>> -> memref<10240x64xf32, #tpu.memory_space<vmem_shared>>
        tpu.enqueue_indirect_dma source(%arg15 : memref<128x64xf32, #tpu.memory_space<vmem>>) target(%dma_start3A_430 : memref<10240x64xf32, #tpu.memory_space<vmem_shared>>) offsets(%dma_start3A_427 : memref<128xi32, #tpu.memory_space<vmem>>) semaphore(%run_scoped3A_424 : memref<!tpu.dma_semaphore, #tpu.memory_space<semaphore_mem>>) {add = true}
        %dma_wait3A_431 = arith.constant 0 : i32
        %dma_wait3A_432 = tpu.memref_slice %arg10[%run_scoped3A, %dma_wait3A_431] : memref<2x128xi32, #tpu.memory_space<vmem>> -> memref<1x128xi32, #tpu.memory_space<vmem>>
        %dma_wait3A_433 = tpu.memref_squeeze %dma_wait3A_432 : memref<1x128xi32, #tpu.memory_space<vmem>> -> memref<128xi32, #tpu.memory_space<vmem>>
        %dma_wait3A_434 = arith.constant 0 : i32
        %dma_wait3A_435 = arith.constant 0 : i32
        %dma_wait3A_436 = tpu.memref_slice %arg21[%dma_wait3A_434, %dma_wait3A_435] : memref<10240x64xf32, #tpu.memory_space<vmem_shared>> -> memref<10240x64xf32, #tpu.memory_space<vmem_shared>>
        tpu.wait_indirect_dma semaphore(%run_scoped3A_424 : memref<!tpu.dma_semaphore, #tpu.memory_space<semaphore_mem>>) src(%arg15 : memref<128x64xf32, #tpu.memory_space<vmem>>) dst(%dma_wait3A_436 : memref<10240x64xf32, #tpu.memory_space<vmem_shared>>)
        tpu.yield
      }) : () -> ()
      %add3A_305 = arith.constant 5 : i32
      %add3A_306 = arith.addi %add3A_290, %add3A_305 : i32
      %lt3A_307 = arith.constant 80 : i32
      %lt3A_308 = arith.cmpi slt, %add3A_306, %lt3A_307 : i32
      %convert_element_type3A_309 = arith.extui %lt3A_308 : i1 to i32
      %cond3A_310 = arith.constant 0 : i32
      %cond3A_311 = arith.cmpi ne, %convert_element_type3A_309, %cond3A_310 : i32
      scf.if %cond3A_311 {
        %add3A_424 = arith.addi %mul3A_4, %add3A_290 : i32
        %add3A_425 = arith.constant 5 : i32
        %add3A_426 = arith.addi %add3A_424, %add3A_425 : i32
        %dma_start3A_427 = arith.constant 0 : i32
        %dma_start3A_428 = arith.constant 0 : i32
        %dma_start3A_429 = tpu.memref_slice %arg2[%add3A_426, %dma_start3A_427, %dma_start3A_428] : memref<2560x2x128xi32, #tpu.memory_space<hbm>> -> memref<1x2x128xi32, #tpu.memory_space<hbm>>
        %dma_start3A_430 = tpu.memref_squeeze %dma_start3A_429 : memref<1x2x128xi32, #tpu.memory_space<hbm>> -> memref<2x128xi32, #tpu.memory_space<hbm>>
        %dma_start3A_431 = arith.constant 0 : i32
        %dma_start3A_432 = arith.constant 0 : i32
        %dma_start3A_433 = tpu.memref_slice %arg2[%add3A_426, %dma_start3A_431, %dma_start3A_432] : memref<2560x2x128xi32, #tpu.memory_space<hbm>> -> memref<1x2x128xi32, #tpu.memory_space<hbm>>
        %dma_start3A_434 = tpu.memref_squeeze %dma_start3A_433 : memref<1x2x128xi32, #tpu.memory_space<hbm>> -> memref<2x128xi32, #tpu.memory_space<hbm>>
        tpu.enqueue_dma source(%dma_start3A_434 : memref<2x128xi32, #tpu.memory_space<hbm>>) target(%arg10 : memref<2x128xi32, #tpu.memory_space<vmem>>) target_semaphore(%arg22 : memref<!tpu.dma_semaphore, #tpu.memory_space<semaphore_mem>>)
      } else {
      }
      %mul3A_312 = arith.constant 5 : i32
      %mul3A_313 = arith.muli %scan3A_286, %mul3A_312 : i32
      %add3A_314 = arith.constant 1 : i32
      %add3A_315 = arith.addi %mul3A_313, %add3A_314 : i32
      %add3A_316 = arith.constant 5 : i32
      %add3A_317 = arith.addi %add3A_315, %add3A_316 : i32
      %sub3A_318 = arith.constant 1 : i32
      %sub3A_319 = arith.subi %add3A_317, %sub3A_318 : i32
      %lt3A_320 = arith.constant 80 : i32
      %lt3A_321 = arith.cmpi slt, %sub3A_319, %lt3A_320 : i32
      %convert_element_type3A_322 = arith.extui %lt3A_321 : i1 to i32
      %cond3A_323 = arith.constant 0 : i32
      %cond3A_324 = arith.cmpi ne, %convert_element_type3A_322, %cond3A_323 : i32
      scf.if %cond3A_324 {
        %add3A_424 = arith.addi %mul3A_4, %add3A_315 : i32
        %add3A_425 = arith.constant 5 : i32
        %add3A_426 = arith.addi %add3A_424, %add3A_425 : i32
        %sub3A_427 = arith.constant 1 : i32
        %sub3A_428 = arith.subi %add3A_426, %sub3A_427 : i32
        %dma_wait3A_429 = arith.constant 0 : i32
        %dma_wait3A_430 = arith.constant 0 : i32
        %dma_wait3A_431 = tpu.memref_slice %arg2[%sub3A_428, %dma_wait3A_429, %dma_wait3A_430] : memref<2560x2x128xi32, #tpu.memory_space<hbm>> -> memref<1x2x128xi32, #tpu.memory_space<hbm>>
        %dma_wait3A_432 = tpu.memref_squeeze %dma_wait3A_431 : memref<1x2x128xi32, #tpu.memory_space<hbm>> -> memref<2x128xi32, #tpu.memory_space<hbm>>
        %dma_wait3A_433 = arith.constant 0 : i32
        %dma_wait3A_434 = arith.constant 0 : i32
        %dma_wait3A_435 = tpu.memref_slice %arg2[%sub3A_428, %dma_wait3A_433, %dma_wait3A_434] : memref<2560x2x128xi32, #tpu.memory_space<hbm>> -> memref<1x2x128xi32, #tpu.memory_space<hbm>>
        %dma_wait3A_436 = tpu.memref_squeeze %dma_wait3A_435 : memref<1x2x128xi32, #tpu.memory_space<hbm>> -> memref<2x128xi32, #tpu.memory_space<hbm>>
        tpu.wait_dma2 semaphore(%arg22 : memref<!tpu.dma_semaphore, #tpu.memory_space<semaphore_mem>>) src(%dma_wait3A_436 : memref<2x128xi32, #tpu.memory_space<hbm>>) dst(%arg10 : memref<2x128xi32, #tpu.memory_space<vmem>>)
        %dma_start3A_437 = arith.constant 0 : i32
        %dma_start3A_438 = arith.constant 0 : i32
        %dma_start3A_439 = tpu.memref_slice %arg10[%dma_start3A_437, %dma_start3A_438] : memref<2x128xi32, #tpu.memory_space<vmem>> -> memref<1x128xi32, #tpu.memory_space<vmem>>
        %dma_start3A_440 = tpu.memref_squeeze %dma_start3A_439 : memref<1x128xi32, #tpu.memory_space<vmem>> -> memref<128xi32, #tpu.memory_space<vmem>>
        %dma_start3A_441 = arith.constant 0 : i32
        %dma_start3A_442 = arith.constant 0 : i32
        %dma_start3A_443 = tpu.memref_slice %arg20[%dma_start3A_441, %dma_start3A_442] : memref<10240x64xf32, #tpu.memory_space<vmem_shared>> -> memref<10240x64xf32, #tpu.memory_space<vmem_shared>>
        tpu.enqueue_indirect_dma source(%dma_start3A_443 : memref<10240x64xf32, #tpu.memory_space<vmem_shared>>) target(%arg15 : memref<128x64xf32, #tpu.memory_space<vmem>>) offsets(%dma_start3A_440 : memref<128xi32, #tpu.memory_space<vmem>>) semaphore(%arg27 : memref<!tpu.dma_semaphore, #tpu.memory_space<semaphore_mem>>)
      } else {
      }
      %dma_wait3A_325 = arith.constant 0 : i32
      %dma_wait3A_326 = arith.constant 0 : i32
      %dma_wait3A_327 = tpu.memref_slice %arg11[%dma_wait3A_325, %dma_wait3A_326] : memref<2x128xi32, #tpu.memory_space<vmem>> -> memref<1x128xi32, #tpu.memory_space<vmem>>
      %dma_wait3A_328 = tpu.memref_squeeze %dma_wait3A_327 : memref<1x128xi32, #tpu.memory_space<vmem>> -> memref<128xi32, #tpu.memory_space<vmem>>
      %dma_wait3A_329 = arith.constant 0 : i32
      %dma_wait3A_330 = arith.constant 0 : i32
      %dma_wait3A_331 = tpu.memref_slice %arg20[%dma_wait3A_329, %dma_wait3A_330] : memref<10240x64xf32, #tpu.memory_space<vmem_shared>> -> memref<10240x64xf32, #tpu.memory_space<vmem_shared>>
      tpu.wait_indirect_dma semaphore(%arg28 : memref<!tpu.dma_semaphore, #tpu.memory_space<semaphore_mem>>) src(%dma_wait3A_331 : memref<10240x64xf32, #tpu.memory_space<vmem_shared>>) dst(%arg16 : memref<128x64xf32, #tpu.memory_space<vmem>>)
      %run_scoped3A_332 = arith.constant 1 : i32
      "tpu.region"() ({
        %run_scoped3A_424 = tpu.sem_alloc : memref<!tpu.dma_semaphore, #tpu.memory_space<semaphore_mem>>
        %dma_start3A_425 = arith.constant 0 : i32
        %dma_start3A_426 = tpu.memref_slice %arg11[%run_scoped3A_332, %dma_start3A_425] : memref<2x128xi32, #tpu.memory_space<vmem>> -> memref<1x128xi32, #tpu.memory_space<vmem>>
        %dma_start3A_427 = tpu.memref_squeeze %dma_start3A_426 : memref<1x128xi32, #tpu.memory_space<vmem>> -> memref<128xi32, #tpu.memory_space<vmem>>
        %dma_start3A_428 = arith.constant 0 : i32
        %dma_start3A_429 = arith.constant 0 : i32
        %dma_start3A_430 = tpu.memref_slice %arg21[%dma_start3A_428, %dma_start3A_429] : memref<10240x64xf32, #tpu.memory_space<vmem_shared>> -> memref<10240x64xf32, #tpu.memory_space<vmem_shared>>
        tpu.enqueue_indirect_dma source(%arg16 : memref<128x64xf32, #tpu.memory_space<vmem>>) target(%dma_start3A_430 : memref<10240x64xf32, #tpu.memory_space<vmem_shared>>) offsets(%dma_start3A_427 : memref<128xi32, #tpu.memory_space<vmem>>) semaphore(%run_scoped3A_424 : memref<!tpu.dma_semaphore, #tpu.memory_space<semaphore_mem>>) {add = true}
        %dma_wait3A_431 = arith.constant 0 : i32
        %dma_wait3A_432 = tpu.memref_slice %arg11[%run_scoped3A_332, %dma_wait3A_431] : memref<2x128xi32, #tpu.memory_space<vmem>> -> memref<1x128xi32, #tpu.memory_space<vmem>>
        %dma_wait3A_433 = tpu.memref_squeeze %dma_wait3A_432 : memref<1x128xi32, #tpu.memory_space<vmem>> -> memref<128xi32, #tpu.memory_space<vmem>>
        %dma_wait3A_434 = arith.constant 0 : i32
        %dma_wait3A_435 = arith.constant 0 : i32
        %dma_wait3A_436 = tpu.memref_slice %arg21[%dma_wait3A_434, %dma_wait3A_435] : memref<10240x64xf32, #tpu.memory_space<vmem_shared>> -> memref<10240x64xf32, #tpu.memory_space<vmem_shared>>
        tpu.wait_indirect_dma semaphore(%run_scoped3A_424 : memref<!tpu.dma_semaphore, #tpu.memory_space<semaphore_mem>>) src(%arg16 : memref<128x64xf32, #tpu.memory_space<vmem>>) dst(%dma_wait3A_436 : memref<10240x64xf32, #tpu.memory_space<vmem_shared>>)
        tpu.yield
      }) : () -> ()
      %add3A_333 = arith.constant 5 : i32
      %add3A_334 = arith.addi %add3A_315, %add3A_333 : i32
      %lt3A_335 = arith.constant 80 : i32
      %lt3A_336 = arith.cmpi slt, %add3A_334, %lt3A_335 : i32
      %convert_element_type3A_337 = arith.extui %lt3A_336 : i1 to i32
      %cond3A_338 = arith.constant 0 : i32
      %cond3A_339 = arith.cmpi ne, %convert_element_type3A_337, %cond3A_338 : i32
      scf.if %cond3A_339 {
        %add3A_424 = arith.addi %mul3A_4, %add3A_315 : i32
        %add3A_425 = arith.constant 5 : i32
        %add3A_426 = arith.addi %add3A_424, %add3A_425 : i32
        %dma_start3A_427 = arith.constant 0 : i32
        %dma_start3A_428 = arith.constant 0 : i32
        %dma_start3A_429 = tpu.memref_slice %arg2[%add3A_426, %dma_start3A_427, %dma_start3A_428] : memref<2560x2x128xi32, #tpu.memory_space<hbm>> -> memref<1x2x128xi32, #tpu.memory_space<hbm>>
        %dma_start3A_430 = tpu.memref_squeeze %dma_start3A_429 : memref<1x2x128xi32, #tpu.memory_space<hbm>> -> memref<2x128xi32, #tpu.memory_space<hbm>>
        %dma_start3A_431 = arith.constant 0 : i32
        %dma_start3A_432 = arith.constant 0 : i32
        %dma_start3A_433 = tpu.memref_slice %arg2[%add3A_426, %dma_start3A_431, %dma_start3A_432] : memref<2560x2x128xi32, #tpu.memory_space<hbm>> -> memref<1x2x128xi32, #tpu.memory_space<hbm>>
        %dma_start3A_434 = tpu.memref_squeeze %dma_start3A_433 : memref<1x2x128xi32, #tpu.memory_space<hbm>> -> memref<2x128xi32, #tpu.memory_space<hbm>>
        tpu.enqueue_dma source(%dma_start3A_434 : memref<2x128xi32, #tpu.memory_space<hbm>>) target(%arg11 : memref<2x128xi32, #tpu.memory_space<vmem>>) target_semaphore(%arg23 : memref<!tpu.dma_semaphore, #tpu.memory_space<semaphore_mem>>)
      } else {
      }
      %mul3A_340 = arith.constant 5 : i32
      %mul3A_341 = arith.muli %scan3A_286, %mul3A_340 : i32
      %add3A_342 = arith.constant 2 : i32
      %add3A_343 = arith.addi %mul3A_341, %add3A_342 : i32
      %add3A_344 = arith.constant 5 : i32
      %add3A_345 = arith.addi %add3A_343, %add3A_344 : i32
      %sub3A_346 = arith.constant 1 : i32
      %sub3A_347 = arith.subi %add3A_345, %sub3A_346 : i32
      %lt3A_348 = arith.constant 80 : i32
      %lt3A_349 = arith.cmpi slt, %sub3A_347, %lt3A_348 : i32
      %convert_element_type3A_350 = arith.extui %lt3A_349 : i1 to i32
      %cond3A_351 = arith.constant 0 : i32
      %cond3A_352 = arith.cmpi ne, %convert_element_type3A_350, %cond3A_351 : i32
      scf.if %cond3A_352 {
        %add3A_424 = arith.addi %mul3A_4, %add3A_343 : i32
        %add3A_425 = arith.constant 5 : i32
        %add3A_426 = arith.addi %add3A_424, %add3A_425 : i32
        %sub3A_427 = arith.constant 1 : i32
        %sub3A_428 = arith.subi %add3A_426, %sub3A_427 : i32
        %dma_wait3A_429 = arith.constant 0 : i32
        %dma_wait3A_430 = arith.constant 0 : i32
        %dma_wait3A_431 = tpu.memref_slice %arg2[%sub3A_428, %dma_wait3A_429, %dma_wait3A_430] : memref<2560x2x128xi32, #tpu.memory_space<hbm>> -> memref<1x2x128xi32, #tpu.memory_space<hbm>>
        %dma_wait3A_432 = tpu.memref_squeeze %dma_wait3A_431 : memref<1x2x128xi32, #tpu.memory_space<hbm>> -> memref<2x128xi32, #tpu.memory_space<hbm>>
        %dma_wait3A_433 = arith.constant 0 : i32
        %dma_wait3A_434 = arith.constant 0 : i32
        %dma_wait3A_435 = tpu.memref_slice %arg2[%sub3A_428, %dma_wait3A_433, %dma_wait3A_434] : memref<2560x2x128xi32, #tpu.memory_space<hbm>> -> memref<1x2x128xi32, #tpu.memory_space<hbm>>
        %dma_wait3A_436 = tpu.memref_squeeze %dma_wait3A_435 : memref<1x2x128xi32, #tpu.memory_space<hbm>> -> memref<2x128xi32, #tpu.memory_space<hbm>>
        tpu.wait_dma2 semaphore(%arg23 : memref<!tpu.dma_semaphore, #tpu.memory_space<semaphore_mem>>) src(%dma_wait3A_436 : memref<2x128xi32, #tpu.memory_space<hbm>>) dst(%arg11 : memref<2x128xi32, #tpu.memory_space<vmem>>)
        %dma_start3A_437 = arith.constant 0 : i32
        %dma_start3A_438 = arith.constant 0 : i32
        %dma_start3A_439 = tpu.memref_slice %arg11[%dma_start3A_437, %dma_start3A_438] : memref<2x128xi32, #tpu.memory_space<vmem>> -> memref<1x128xi32, #tpu.memory_space<vmem>>
        %dma_start3A_440 = tpu.memref_squeeze %dma_start3A_439 : memref<1x128xi32, #tpu.memory_space<vmem>> -> memref<128xi32, #tpu.memory_space<vmem>>
        %dma_start3A_441 = arith.constant 0 : i32
        %dma_start3A_442 = arith.constant 0 : i32
        %dma_start3A_443 = tpu.memref_slice %arg20[%dma_start3A_441, %dma_start3A_442] : memref<10240x64xf32, #tpu.memory_space<vmem_shared>> -> memref<10240x64xf32, #tpu.memory_space<vmem_shared>>
        tpu.enqueue_indirect_dma source(%dma_start3A_443 : memref<10240x64xf32, #tpu.memory_space<vmem_shared>>) target(%arg16 : memref<128x64xf32, #tpu.memory_space<vmem>>) offsets(%dma_start3A_440 : memref<128xi32, #tpu.memory_space<vmem>>) semaphore(%arg28 : memref<!tpu.dma_semaphore, #tpu.memory_space<semaphore_mem>>)
      } else {
      }
      %dma_wait3A_353 = arith.constant 0 : i32
      %dma_wait3A_354 = arith.constant 0 : i32
      %dma_wait3A_355 = tpu.memref_slice %arg12[%dma_wait3A_353, %dma_wait3A_354] : memref<2x128xi32, #tpu.memory_space<vmem>> -> memref<1x128xi32, #tpu.memory_space<vmem>>
      %dma_wait3A_356 = tpu.memref_squeeze %dma_wait3A_355 : memref<1x128xi32, #tpu.memory_space<vmem>> -> memref<128xi32, #tpu.memory_space<vmem>>
      %dma_wait3A_357 = arith.constant 0 : i32
      %dma_wait3A_358 = arith.constant 0 : i32
      %dma_wait3A_359 = tpu.memref_slice %arg20[%dma_wait3A_357, %dma_wait3A_358] : memref<10240x64xf32, #tpu.memory_space<vmem_shared>> -> memref<10240x64xf32, #tpu.memory_space<vmem_shared>>
      tpu.wait_indirect_dma semaphore(%arg29 : memref<!tpu.dma_semaphore, #tpu.memory_space<semaphore_mem>>) src(%dma_wait3A_359 : memref<10240x64xf32, #tpu.memory_space<vmem_shared>>) dst(%arg17 : memref<128x64xf32, #tpu.memory_space<vmem>>)
      %run_scoped3A_360 = arith.constant 1 : i32
      "tpu.region"() ({
        %run_scoped3A_424 = tpu.sem_alloc : memref<!tpu.dma_semaphore, #tpu.memory_space<semaphore_mem>>
        %dma_start3A_425 = arith.constant 0 : i32
        %dma_start3A_426 = tpu.memref_slice %arg12[%run_scoped3A_360, %dma_start3A_425] : memref<2x128xi32, #tpu.memory_space<vmem>> -> memref<1x128xi32, #tpu.memory_space<vmem>>
        %dma_start3A_427 = tpu.memref_squeeze %dma_start3A_426 : memref<1x128xi32, #tpu.memory_space<vmem>> -> memref<128xi32, #tpu.memory_space<vmem>>
        %dma_start3A_428 = arith.constant 0 : i32
        %dma_start3A_429 = arith.constant 0 : i32
        %dma_start3A_430 = tpu.memref_slice %arg21[%dma_start3A_428, %dma_start3A_429] : memref<10240x64xf32, #tpu.memory_space<vmem_shared>> -> memref<10240x64xf32, #tpu.memory_space<vmem_shared>>
        tpu.enqueue_indirect_dma source(%arg17 : memref<128x64xf32, #tpu.memory_space<vmem>>) target(%dma_start3A_430 : memref<10240x64xf32, #tpu.memory_space<vmem_shared>>) offsets(%dma_start3A_427 : memref<128xi32, #tpu.memory_space<vmem>>) semaphore(%run_scoped3A_424 : memref<!tpu.dma_semaphore, #tpu.memory_space<semaphore_mem>>) {add = true}
        %dma_wait3A_431 = arith.constant 0 : i32
        %dma_wait3A_432 = tpu.memref_slice %arg12[%run_scoped3A_360, %dma_wait3A_431] : memref<2x128xi32, #tpu.memory_space<vmem>> -> memref<1x128xi32, #tpu.memory_space<vmem>>
        %dma_wait3A_433 = tpu.memref_squeeze %dma_wait3A_432 : memref<1x128xi32, #tpu.memory_space<vmem>> -> memref<128xi32, #tpu.memory_space<vmem>>
        %dma_wait3A_434 = arith.constant 0 : i32
        %dma_wait3A_435 = arith.constant 0 : i32
        %dma_wait3A_436 = tpu.memref_slice %arg21[%dma_wait3A_434, %dma_wait3A_435] : memref<10240x64xf32, #tpu.memory_space<vmem_shared>> -> memref<10240x64xf32, #tpu.memory_space<vmem_shared>>
        tpu.wait_indirect_dma semaphore(%run_scoped3A_424 : memref<!tpu.dma_semaphore, #tpu.memory_space<semaphore_mem>>) src(%arg17 : memref<128x64xf32, #tpu.memory_space<vmem>>) dst(%dma_wait3A_436 : memref<10240x64xf32, #tpu.memory_space<vmem_shared>>)
        tpu.yield
      }) : () -> ()
      %add3A_361 = arith.constant 5 : i32
      %add3A_362 = arith.addi %add3A_343, %add3A_361 : i32
      %lt3A_363 = arith.constant 80 : i32
      %lt3A_364 = arith.cmpi slt, %add3A_362, %lt3A_363 : i32
      %convert_element_type3A_365 = arith.extui %lt3A_364 : i1 to i32
      %cond3A_366 = arith.constant 0 : i32
      %cond3A_367 = arith.cmpi ne, %convert_element_type3A_365, %cond3A_366 : i32
      scf.if %cond3A_367 {
        %add3A_424 = arith.addi %mul3A_4, %add3A_343 : i32
        %add3A_425 = arith.constant 5 : i32
        %add3A_426 = arith.addi %add3A_424, %add3A_425 : i32
        %dma_start3A_427 = arith.constant 0 : i32
        %dma_start3A_428 = arith.constant 0 : i32
        %dma_start3A_429 = tpu.memref_slice %arg2[%add3A_426, %dma_start3A_427, %dma_start3A_428] : memref<2560x2x128xi32, #tpu.memory_space<hbm>> -> memref<1x2x128xi32, #tpu.memory_space<hbm>>
        %dma_start3A_430 = tpu.memref_squeeze %dma_start3A_429 : memref<1x2x128xi32, #tpu.memory_space<hbm>> -> memref<2x128xi32, #tpu.memory_space<hbm>>
        %dma_start3A_431 = arith.constant 0 : i32
        %dma_start3A_432 = arith.constant 0 : i32
        %dma_start3A_433 = tpu.memref_slice %arg2[%add3A_426, %dma_start3A_431, %dma_start3A_432] : memref<2560x2x128xi32, #tpu.memory_space<hbm>> -> memref<1x2x128xi32, #tpu.memory_space<hbm>>
        %dma_start3A_434 = tpu.memref_squeeze %dma_start3A_433 : memref<1x2x128xi32, #tpu.memory_space<hbm>> -> memref<2x128xi32, #tpu.memory_space<hbm>>
        tpu.enqueue_dma source(%dma_start3A_434 : memref<2x128xi32, #tpu.memory_space<hbm>>) target(%arg12 : memref<2x128xi32, #tpu.memory_space<vmem>>) target_semaphore(%arg24 : memref<!tpu.dma_semaphore, #tpu.memory_space<semaphore_mem>>)
      } else {
      }
      %mul3A_368 = arith.constant 5 : i32
      %mul3A_369 = arith.muli %scan3A_286, %mul3A_368 : i32
      %add3A_370 = arith.constant 3 : i32
      %add3A_371 = arith.addi %mul3A_369, %add3A_370 : i32
      %add3A_372 = arith.constant 5 : i32
      %add3A_373 = arith.addi %add3A_371, %add3A_372 : i32
      %sub3A_374 = arith.constant 1 : i32
      %sub3A_375 = arith.subi %add3A_373, %sub3A_374 : i32
      %lt3A_376 = arith.constant 80 : i32
      %lt3A_377 = arith.cmpi slt, %sub3A_375, %lt3A_376 : i32
      %convert_element_type3A_378 = arith.extui %lt3A_377 : i1 to i32
      %cond3A_379 = arith.constant 0 : i32
      %cond3A_380 = arith.cmpi ne, %convert_element_type3A_378, %cond3A_379 : i32
      scf.if %cond3A_380 {
        %add3A_424 = arith.addi %mul3A_4, %add3A_371 : i32
        %add3A_425 = arith.constant 5 : i32
        %add3A_426 = arith.addi %add3A_424, %add3A_425 : i32
        %sub3A_427 = arith.constant 1 : i32
        %sub3A_428 = arith.subi %add3A_426, %sub3A_427 : i32
        %dma_wait3A_429 = arith.constant 0 : i32
        %dma_wait3A_430 = arith.constant 0 : i32
        %dma_wait3A_431 = tpu.memref_slice %arg2[%sub3A_428, %dma_wait3A_429, %dma_wait3A_430] : memref<2560x2x128xi32, #tpu.memory_space<hbm>> -> memref<1x2x128xi32, #tpu.memory_space<hbm>>
        %dma_wait3A_432 = tpu.memref_squeeze %dma_wait3A_431 : memref<1x2x128xi32, #tpu.memory_space<hbm>> -> memref<2x128xi32, #tpu.memory_space<hbm>>
        %dma_wait3A_433 = arith.constant 0 : i32
        %dma_wait3A_434 = arith.constant 0 : i32
        %dma_wait3A_435 = tpu.memref_slice %arg2[%sub3A_428, %dma_wait3A_433, %dma_wait3A_434] : memref<2560x2x128xi32, #tpu.memory_space<hbm>> -> memref<1x2x128xi32, #tpu.memory_space<hbm>>
        %dma_wait3A_436 = tpu.memref_squeeze %dma_wait3A_435 : memref<1x2x128xi32, #tpu.memory_space<hbm>> -> memref<2x128xi32, #tpu.memory_space<hbm>>
        tpu.wait_dma2 semaphore(%arg24 : memref<!tpu.dma_semaphore, #tpu.memory_space<semaphore_mem>>) src(%dma_wait3A_436 : memref<2x128xi32, #tpu.memory_space<hbm>>) dst(%arg12 : memref<2x128xi32, #tpu.memory_space<vmem>>)
        %dma_start3A_437 = arith.constant 0 : i32
        %dma_start3A_438 = arith.constant 0 : i32
        %dma_start3A_439 = tpu.memref_slice %arg12[%dma_start3A_437, %dma_start3A_438] : memref<2x128xi32, #tpu.memory_space<vmem>> -> memref<1x128xi32, #tpu.memory_space<vmem>>
        %dma_start3A_440 = tpu.memref_squeeze %dma_start3A_439 : memref<1x128xi32, #tpu.memory_space<vmem>> -> memref<128xi32, #tpu.memory_space<vmem>>
        %dma_start3A_441 = arith.constant 0 : i32
        %dma_start3A_442 = arith.constant 0 : i32
        %dma_start3A_443 = tpu.memref_slice %arg20[%dma_start3A_441, %dma_start3A_442] : memref<10240x64xf32, #tpu.memory_space<vmem_shared>> -> memref<10240x64xf32, #tpu.memory_space<vmem_shared>>
        tpu.enqueue_indirect_dma source(%dma_start3A_443 : memref<10240x64xf32, #tpu.memory_space<vmem_shared>>) target(%arg17 : memref<128x64xf32, #tpu.memory_space<vmem>>) offsets(%dma_start3A_440 : memref<128xi32, #tpu.memory_space<vmem>>) semaphore(%arg29 : memref<!tpu.dma_semaphore, #tpu.memory_space<semaphore_mem>>)
      } else {
      }
      %dma_wait3A_381 = arith.constant 0 : i32
      %dma_wait3A_382 = arith.constant 0 : i32
      %dma_wait3A_383 = tpu.memref_slice %arg13[%dma_wait3A_381, %dma_wait3A_382] : memref<2x128xi32, #tpu.memory_space<vmem>> -> memref<1x128xi32, #tpu.memory_space<vmem>>
      %dma_wait3A_384 = tpu.memref_squeeze %dma_wait3A_383 : memref<1x128xi32, #tpu.memory_space<vmem>> -> memref<128xi32, #tpu.memory_space<vmem>>
      %dma_wait3A_385 = arith.constant 0 : i32
      %dma_wait3A_386 = arith.constant 0 : i32
      %dma_wait3A_387 = tpu.memref_slice %arg20[%dma_wait3A_385, %dma_wait3A_386] : memref<10240x64xf32, #tpu.memory_space<vmem_shared>> -> memref<10240x64xf32, #tpu.memory_space<vmem_shared>>
      tpu.wait_indirect_dma semaphore(%arg30 : memref<!tpu.dma_semaphore, #tpu.memory_space<semaphore_mem>>) src(%dma_wait3A_387 : memref<10240x64xf32, #tpu.memory_space<vmem_shared>>) dst(%arg18 : memref<128x64xf32, #tpu.memory_space<vmem>>)
      %run_scoped3A_388 = arith.constant 1 : i32
      "tpu.region"() ({
        %run_scoped3A_424 = tpu.sem_alloc : memref<!tpu.dma_semaphore, #tpu.memory_space<semaphore_mem>>
        %dma_start3A_425 = arith.constant 0 : i32
        %dma_start3A_426 = tpu.memref_slice %arg13[%run_scoped3A_388, %dma_start3A_425] : memref<2x128xi32, #tpu.memory_space<vmem>> -> memref<1x128xi32, #tpu.memory_space<vmem>>
        %dma_start3A_427 = tpu.memref_squeeze %dma_start3A_426 : memref<1x128xi32, #tpu.memory_space<vmem>> -> memref<128xi32, #tpu.memory_space<vmem>>
        %dma_start3A_428 = arith.constant 0 : i32
        %dma_start3A_429 = arith.constant 0 : i32
        %dma_start3A_430 = tpu.memref_slice %arg21[%dma_start3A_428, %dma_start3A_429] : memref<10240x64xf32, #tpu.memory_space<vmem_shared>> -> memref<10240x64xf32, #tpu.memory_space<vmem_shared>>
        tpu.enqueue_indirect_dma source(%arg18 : memref<128x64xf32, #tpu.memory_space<vmem>>) target(%dma_start3A_430 : memref<10240x64xf32, #tpu.memory_space<vmem_shared>>) offsets(%dma_start3A_427 : memref<128xi32, #tpu.memory_space<vmem>>) semaphore(%run_scoped3A_424 : memref<!tpu.dma_semaphore, #tpu.memory_space<semaphore_mem>>) {add = true}
        %dma_wait3A_431 = arith.constant 0 : i32
        %dma_wait3A_432 = tpu.memref_slice %arg13[%run_scoped3A_388, %dma_wait3A_431] : memref<2x128xi32, #tpu.memory_space<vmem>> -> memref<1x128xi32, #tpu.memory_space<vmem>>
        %dma_wait3A_433 = tpu.memref_squeeze %dma_wait3A_432 : memref<1x128xi32, #tpu.memory_space<vmem>> -> memref<128xi32, #tpu.memory_space<vmem>>
        %dma_wait3A_434 = arith.constant 0 : i32
        %dma_wait3A_435 = arith.constant 0 : i32
        %dma_wait3A_436 = tpu.memref_slice %arg21[%dma_wait3A_434, %dma_wait3A_435] : memref<10240x64xf32, #tpu.memory_space<vmem_shared>> -> memref<10240x64xf32, #tpu.memory_space<vmem_shared>>
        tpu.wait_indirect_dma semaphore(%run_scoped3A_424 : memref<!tpu.dma_semaphore, #tpu.memory_space<semaphore_mem>>) src(%arg18 : memref<128x64xf32, #tpu.memory_space<vmem>>) dst(%dma_wait3A_436 : memref<10240x64xf32, #tpu.memory_space<vmem_shared>>)
        tpu.yield
      }) : () -> ()
      %add3A_389 = arith.constant 5 : i32
      %add3A_390 = arith.addi %add3A_371, %add3A_389 : i32
      %lt3A_391 = arith.constant 80 : i32
      %lt3A_392 = arith.cmpi slt, %add3A_390, %lt3A_391 : i32
      %convert_element_type3A_393 = arith.extui %lt3A_392 : i1 to i32
      %cond3A_394 = arith.constant 0 : i32
      %cond3A_395 = arith.cmpi ne, %convert_element_type3A_393, %cond3A_394 : i32
      scf.if %cond3A_395 {
        %add3A_424 = arith.addi %mul3A_4, %add3A_371 : i32
        %add3A_425 = arith.constant 5 : i32
        %add3A_426 = arith.addi %add3A_424, %add3A_425 : i32
        %dma_start3A_427 = arith.constant 0 : i32
        %dma_start3A_428 = arith.constant 0 : i32
        %dma_start3A_429 = tpu.memref_slice %arg2[%add3A_426, %dma_start3A_427, %dma_start3A_428] : memref<2560x2x128xi32, #tpu.memory_space<hbm>> -> memref<1x2x128xi32, #tpu.memory_space<hbm>>
        %dma_start3A_430 = tpu.memref_squeeze %dma_start3A_429 : memref<1x2x128xi32, #tpu.memory_space<hbm>> -> memref<2x128xi32, #tpu.memory_space<hbm>>
        %dma_start3A_431 = arith.constant 0 : i32
        %dma_start3A_432 = arith.constant 0 : i32
        %dma_start3A_433 = tpu.memref_slice %arg2[%add3A_426, %dma_start3A_431, %dma_start3A_432] : memref<2560x2x128xi32, #tpu.memory_space<hbm>> -> memref<1x2x128xi32, #tpu.memory_space<hbm>>
        %dma_start3A_434 = tpu.memref_squeeze %dma_start3A_433 : memref<1x2x128xi32, #tpu.memory_space<hbm>> -> memref<2x128xi32, #tpu.memory_space<hbm>>
        tpu.enqueue_dma source(%dma_start3A_434 : memref<2x128xi32, #tpu.memory_space<hbm>>) target(%arg13 : memref<2x128xi32, #tpu.memory_space<vmem>>) target_semaphore(%arg25 : memref<!tpu.dma_semaphore, #tpu.memory_space<semaphore_mem>>)
      } else {
      }
      %mul3A_396 = arith.constant 5 : i32
      %mul3A_397 = arith.muli %scan3A_286, %mul3A_396 : i32
      %add3A_398 = arith.constant 4 : i32
      %add3A_399 = arith.addi %mul3A_397, %add3A_398 : i32
      %add3A_400 = arith.constant 5 : i32
      %add3A_401 = arith.addi %add3A_399, %add3A_400 : i32
      %sub3A_402 = arith.constant 1 : i32
      %sub3A_403 = arith.subi %add3A_401, %sub3A_402 : i32
      %lt3A_404 = arith.constant 80 : i32
      %lt3A_405 = arith.cmpi slt, %sub3A_403, %lt3A_404 : i32
      %convert_element_type3A_406 = arith.extui %lt3A_405 : i1 to i32
      %cond3A_407 = arith.constant 0 : i32
      %cond3A_408 = arith.cmpi ne, %convert_element_type3A_406, %cond3A_407 : i32
      scf.if %cond3A_408 {
        %add3A_424 = arith.addi %mul3A_4, %add3A_399 : i32
        %add3A_425 = arith.constant 5 : i32
        %add3A_426 = arith.addi %add3A_424, %add3A_425 : i32
        %sub3A_427 = arith.constant 1 : i32
        %sub3A_428 = arith.subi %add3A_426, %sub3A_427 : i32
        %dma_wait3A_429 = arith.constant 0 : i32
        %dma_wait3A_430 = arith.constant 0 : i32
        %dma_wait3A_431 = tpu.memref_slice %arg2[%sub3A_428, %dma_wait3A_429, %dma_wait3A_430] : memref<2560x2x128xi32, #tpu.memory_space<hbm>> -> memref<1x2x128xi32, #tpu.memory_space<hbm>>
        %dma_wait3A_432 = tpu.memref_squeeze %dma_wait3A_431 : memref<1x2x128xi32, #tpu.memory_space<hbm>> -> memref<2x128xi32, #tpu.memory_space<hbm>>
        %dma_wait3A_433 = arith.constant 0 : i32
        %dma_wait3A_434 = arith.constant 0 : i32
        %dma_wait3A_435 = tpu.memref_slice %arg2[%sub3A_428, %dma_wait3A_433, %dma_wait3A_434] : memref<2560x2x128xi32, #tpu.memory_space<hbm>> -> memref<1x2x128xi32, #tpu.memory_space<hbm>>
        %dma_wait3A_436 = tpu.memref_squeeze %dma_wait3A_435 : memref<1x2x128xi32, #tpu.memory_space<hbm>> -> memref<2x128xi32, #tpu.memory_space<hbm>>
        tpu.wait_dma2 semaphore(%arg25 : memref<!tpu.dma_semaphore, #tpu.memory_space<semaphore_mem>>) src(%dma_wait3A_436 : memref<2x128xi32, #tpu.memory_space<hbm>>) dst(%arg13 : memref<2x128xi32, #tpu.memory_space<vmem>>)
        %dma_start3A_437 = arith.constant 0 : i32
        %dma_start3A_438 = arith.constant 0 : i32
        %dma_start3A_439 = tpu.memref_slice %arg13[%dma_start3A_437, %dma_start3A_438] : memref<2x128xi32, #tpu.memory_space<vmem>> -> memref<1x128xi32, #tpu.memory_space<vmem>>
        %dma_start3A_440 = tpu.memref_squeeze %dma_start3A_439 : memref<1x128xi32, #tpu.memory_space<vmem>> -> memref<128xi32, #tpu.memory_space<vmem>>
        %dma_start3A_441 = arith.constant 0 : i32
        %dma_start3A_442 = arith.constant 0 : i32
        %dma_start3A_443 = tpu.memref_slice %arg20[%dma_start3A_441, %dma_start3A_442] : memref<10240x64xf32, #tpu.memory_space<vmem_shared>> -> memref<10240x64xf32, #tpu.memory_space<vmem_shared>>
        tpu.enqueue_indirect_dma source(%dma_start3A_443 : memref<10240x64xf32, #tpu.memory_space<vmem_shared>>) target(%arg18 : memref<128x64xf32, #tpu.memory_space<vmem>>) offsets(%dma_start3A_440 : memref<128xi32, #tpu.memory_space<vmem>>) semaphore(%arg30 : memref<!tpu.dma_semaphore, #tpu.memory_space<semaphore_mem>>)
      } else {
      }
      %dma_wait3A_409 = arith.constant 0 : i32
      %dma_wait3A_410 = arith.constant 0 : i32
      %dma_wait3A_411 = tpu.memref_slice %arg14[%dma_wait3A_409, %dma_wait3A_410] : memref<2x128xi32, #tpu.memory_space<vmem>> -> memref<1x128xi32, #tpu.memory_space<vmem>>
      %dma_wait3A_412 = tpu.memref_squeeze %dma_wait3A_411 : memref<1x128xi32, #tpu.memory_space<vmem>> -> memref<128xi32, #tpu.memory_space<vmem>>
      %dma_wait3A_413 = arith.constant 0 : i32
      %dma_wait3A_414 = arith.constant 0 : i32
      %dma_wait3A_415 = tpu.memref_slice %arg20[%dma_wait3A_413, %dma_wait3A_414] : memref<10240x64xf32, #tpu.memory_space<vmem_shared>> -> memref<10240x64xf32, #tpu.memory_space<vmem_shared>>
      tpu.wait_indirect_dma semaphore(%arg31 : memref<!tpu.dma_semaphore, #tpu.memory_space<semaphore_mem>>) src(%dma_wait3A_415 : memref<10240x64xf32, #tpu.memory_space<vmem_shared>>) dst(%arg19 : memref<128x64xf32, #tpu.memory_space<vmem>>)
      %run_scoped3A_416 = arith.constant 1 : i32
      "tpu.region"() ({
        %run_scoped3A_424 = tpu.sem_alloc : memref<!tpu.dma_semaphore, #tpu.memory_space<semaphore_mem>>
        %dma_start3A_425 = arith.constant 0 : i32
        %dma_start3A_426 = tpu.memref_slice %arg14[%run_scoped3A_416, %dma_start3A_425] : memref<2x128xi32, #tpu.memory_space<vmem>> -> memref<1x128xi32, #tpu.memory_space<vmem>>
        %dma_start3A_427 = tpu.memref_squeeze %dma_start3A_426 : memref<1x128xi32, #tpu.memory_space<vmem>> -> memref<128xi32, #tpu.memory_space<vmem>>
        %dma_start3A_428 = arith.constant 0 : i32
        %dma_start3A_429 = arith.constant 0 : i32
        %dma_start3A_430 = tpu.memref_slice %arg21[%dma_start3A_428, %dma_start3A_429] : memref<10240x64xf32, #tpu.memory_space<vmem_shared>> -> memref<10240x64xf32, #tpu.memory_space<vmem_shared>>
        tpu.enqueue_indirect_dma source(%arg19 : memref<128x64xf32, #tpu.memory_space<vmem>>) target(%dma_start3A_430 : memref<10240x64xf32, #tpu.memory_space<vmem_shared>>) offsets(%dma_start3A_427 : memref<128xi32, #tpu.memory_space<vmem>>) semaphore(%run_scoped3A_424 : memref<!tpu.dma_semaphore, #tpu.memory_space<semaphore_mem>>) {add = true}
        %dma_wait3A_431 = arith.constant 0 : i32
        %dma_wait3A_432 = tpu.memref_slice %arg14[%run_scoped3A_416, %dma_wait3A_431] : memref<2x128xi32, #tpu.memory_space<vmem>> -> memref<1x128xi32, #tpu.memory_space<vmem>>
        %dma_wait3A_433 = tpu.memref_squeeze %dma_wait3A_432 : memref<1x128xi32, #tpu.memory_space<vmem>> -> memref<128xi32, #tpu.memory_space<vmem>>
        %dma_wait3A_434 = arith.constant 0 : i32
        %dma_wait3A_435 = arith.constant 0 : i32
        %dma_wait3A_436 = tpu.memref_slice %arg21[%dma_wait3A_434, %dma_wait3A_435] : memref<10240x64xf32, #tpu.memory_space<vmem_shared>> -> memref<10240x64xf32, #tpu.memory_space<vmem_shared>>
        tpu.wait_indirect_dma semaphore(%run_scoped3A_424 : memref<!tpu.dma_semaphore, #tpu.memory_space<semaphore_mem>>) src(%arg19 : memref<128x64xf32, #tpu.memory_space<vmem>>) dst(%dma_wait3A_436 : memref<10240x64xf32, #tpu.memory_space<vmem_shared>>)
        tpu.yield
      }) : () -> ()
      %add3A_417 = arith.constant 5 : i32
      %add3A_418 = arith.addi %add3A_399, %add3A_417 : i32
      %lt3A_419 = arith.constant 80 : i32
      %lt3A_420 = arith.cmpi slt, %add3A_418, %lt3A_419 : i32
      %convert_element_type3A_421 = arith.extui %lt3A_420 : i1 to i32
      %cond3A_422 = arith.constant 0 : i32
      %cond3A_423 = arith.cmpi ne, %convert_element_type3A_421, %cond3A_422 : i32
      scf.if %cond3A_423 {
        %add3A_424 = arith.addi %mul3A_4, %add3A_399 : i32
        %add3A_425 = arith.constant 5 : i32
        %add3A_426 = arith.addi %add3A_424, %add3A_425 : i32
        %dma_start3A_427 = arith.constant 0 : i32
        %dma_start3A_428 = arith.constant 0 : i32
        %dma_start3A_429 = tpu.memref_slice %arg2[%add3A_426, %dma_start3A_427, %dma_start3A_428] : memref<2560x2x128xi32, #tpu.memory_space<hbm>> -> memref<1x2x128xi32, #tpu.memory_space<hbm>>
        %dma_start3A_430 = tpu.memref_squeeze %dma_start3A_429 : memref<1x2x128xi32, #tpu.memory_space<hbm>> -> memref<2x128xi32, #tpu.memory_space<hbm>>
        %dma_start3A_431 = arith.constant 0 : i32
        %dma_start3A_432 = arith.constant 0 : i32
        %dma_start3A_433 = tpu.memref_slice %arg2[%add3A_426, %dma_start3A_431, %dma_start3A_432] : memref<2560x2x128xi32, #tpu.memory_space<hbm>> -> memref<1x2x128xi32, #tpu.memory_space<hbm>>
        %dma_start3A_434 = tpu.memref_squeeze %dma_start3A_433 : memref<1x2x128xi32, #tpu.memory_space<hbm>> -> memref<2x128xi32, #tpu.memory_space<hbm>>
        tpu.enqueue_dma source(%dma_start3A_434 : memref<2x128xi32, #tpu.memory_space<hbm>>) target(%arg14 : memref<2x128xi32, #tpu.memory_space<vmem>>) target_semaphore(%arg26 : memref<!tpu.dma_semaphore, #tpu.memory_space<semaphore_mem>>)
      } else {
      }
    }
    %scan3A_273 = arith.constant 16 : i32
    %barrier3A_274 = arith.constant 0 : index
    tpu.barrier barrier_id(%barrier3A_274)
    %eq3A_275 = arith.constant 0 : i32
    %eq3A_276 = arith.cmpi eq, %arg0, %eq3A_275 : i32
    %convert_element_type3A_277 = arith.extui %eq3A_276 : i1 to i32
    %cond3A_278 = arith.constant 0 : i32
    %cond3A_279 = arith.cmpi ne, %convert_element_type3A_277, %cond3A_278 : i32
    scf.if %cond3A_279 {
      "tpu.region"() ({
        %run_scoped3A = tpu.sem_alloc : memref<!tpu.dma_semaphore, #tpu.memory_space<semaphore_mem>>
        %dma_start3A_286 = arith.constant 0 : i32
        %dma_start3A_287 = tpu.memref_slice %arg7[%mul3A_2, %dma_start3A_286] : memref<10240x64xf32, #tpu.memory_space<hbm>> -> memref<640x64xf32, #tpu.memory_space<hbm>>
        %dma_start3A_288 = arith.constant 0 : i32
        %dma_start3A_289 = tpu.memref_slice %arg21[%mul3A_2, %dma_start3A_288] : memref<10240x64xf32, #tpu.memory_space<vmem_shared>> -> memref<640x64xf32, #tpu.memory_space<vmem_shared>>
        tpu.enqueue_dma source(%dma_start3A_289 : memref<640x64xf32, #tpu.memory_space<vmem_shared>>) target(%dma_start3A_287 : memref<640x64xf32, #tpu.memory_space<hbm>>) target_semaphore(%run_scoped3A : memref<!tpu.dma_semaphore, #tpu.memory_space<semaphore_mem>>)
        %dma_wait3A_290 = arith.constant 0 : i32
        %dma_wait3A_291 = tpu.memref_slice %arg7[%mul3A_2, %dma_wait3A_290] : memref<10240x64xf32, #tpu.memory_space<hbm>> -> memref<640x64xf32, #tpu.memory_space<hbm>>
        %dma_wait3A_292 = arith.constant 0 : i32
        %dma_wait3A_293 = tpu.memref_slice %arg21[%mul3A_2, %dma_wait3A_292] : memref<10240x64xf32, #tpu.memory_space<vmem_shared>> -> memref<640x64xf32, #tpu.memory_space<vmem_shared>>
        tpu.wait_dma2 semaphore(%run_scoped3A : memref<!tpu.dma_semaphore, #tpu.memory_space<semaphore_mem>>) src(%dma_wait3A_293 : memref<640x64xf32, #tpu.memory_space<vmem_shared>>) dst(%dma_wait3A_291 : memref<640x64xf32, #tpu.memory_space<hbm>>)
        tpu.yield
      }) : () -> ()
    } else {
    }
    %eq3A_280 = arith.constant 1 : i32
    %eq3A_281 = arith.cmpi eq, %arg0, %eq3A_280 : i32
    %convert_element_type3A_282 = arith.extui %eq3A_281 : i1 to i32
    %cond3A_283 = arith.constant 0 : i32
    %cond3A_284 = arith.cmpi ne, %convert_element_type3A_282, %cond3A_283 : i32
    scf.if %cond3A_284 {
      "tpu.region"() ({
        %run_scoped3A = tpu.sem_alloc : memref<!tpu.dma_semaphore, #tpu.memory_space<semaphore_mem>>
        %dma_start3A_286 = arith.constant 0 : i32
        %dma_start3A_287 = tpu.memref_slice %arg9[%mul3A_2, %dma_start3A_286] : memref<10240x64xf32, #tpu.memory_space<hbm>> -> memref<640x64xf32, #tpu.memory_space<hbm>>
        %dma_start3A_288 = arith.constant 0 : i32
        %dma_start3A_289 = tpu.memref_slice %arg21[%mul3A_2, %dma_start3A_288] : memref<10240x64xf32, #tpu.memory_space<vmem_shared>> -> memref<640x64xf32, #tpu.memory_space<vmem_shared>>
        tpu.enqueue_dma source(%dma_start3A_289 : memref<640x64xf32, #tpu.memory_space<vmem_shared>>) target(%dma_start3A_287 : memref<640x64xf32, #tpu.memory_space<hbm>>) target_semaphore(%run_scoped3A : memref<!tpu.dma_semaphore, #tpu.memory_space<semaphore_mem>>)
        %dma_wait3A_290 = arith.constant 0 : i32
        %dma_wait3A_291 = tpu.memref_slice %arg9[%mul3A_2, %dma_wait3A_290] : memref<10240x64xf32, #tpu.memory_space<hbm>> -> memref<640x64xf32, #tpu.memory_space<hbm>>
        %dma_wait3A_292 = arith.constant 0 : i32
        %dma_wait3A_293 = tpu.memref_slice %arg21[%mul3A_2, %dma_wait3A_292] : memref<10240x64xf32, #tpu.memory_space<vmem_shared>> -> memref<640x64xf32, #tpu.memory_space<vmem_shared>>
        tpu.wait_dma2 semaphore(%run_scoped3A : memref<!tpu.dma_semaphore, #tpu.memory_space<semaphore_mem>>) src(%dma_wait3A_293 : memref<640x64xf32, #tpu.memory_space<vmem_shared>>) dst(%dma_wait3A_291 : memref<640x64xf32, #tpu.memory_space<hbm>>)
        tpu.yield
      }) : () -> ()
    } else {
    }
    %barrier3A_285 = arith.constant 0 : index
    tpu.barrier barrier_id(%barrier3A_285)
    return
  }
}

module attributes {stable_mosaic.version = 14 : i64} {
  func.func @_dinv_body(%arg0: memref<32x10240xf32, #tpu.memory_space<vmem>>, %arg1: memref<10240xf32, #tpu.memory_space<vmem>>) attributes {dimension_semantics = [], scalar_prefetch = 0 : i64, scratch_operands = 0 : i64, tpu.core_type = #tpu.core_type<tc>} {
    %get3A = arith.constant 0 : index
    %get3A_0 = arith.constant 0 : index
    %get3A_1 = vector.load %arg0[%get3A, %get3A_0] : memref<32x10240xf32, #tpu.memory_space<vmem>>, vector<32x10240xf32>
    %reduce_sum3A = arith.constant dense<0.000000e+00> : vector<10240xf32>
    %reduce_sum3A_2 = vector.multi_reduction <add>, %get3A_1, %reduce_sum3A [0] : vector<32x10240xf32> to vector<10240xf32>
    %add3A = arith.constant 1.000000e+00 : f32
    %add3A_3 = vector.broadcast %add3A : f32 to vector<10240xf32>
    %add3A_4 = arith.addf %reduce_sum3A_2, %add3A_3 : vector<10240xf32>
    %rsqrt3A = math.rsqrt %add3A_4 : vector<10240xf32>
    %swap3A = arith.constant 0 : index
    %swap3A_5 = vector.load %arg1[%swap3A] : memref<10240xf32, #tpu.memory_space<vmem>>, vector<10240xf32>
    tpu.vector_store %arg1[%swap3A], %rsqrt3A {strides = array<i32>} : memref<10240xf32, #tpu.memory_space<vmem>>, vector<10240xf32>,
    return
  }
}

module attributes {stable_mosaic.version = 14 : i64} {
  func.func @_u1_body(%arg0: i32, %arg1: memref<1024x128xf32, #tpu.memory_space<vmem>>, %arg2: memref<128x128xf32, #tpu.memory_space<vmem>>, %arg3: memref<1024x1xf32, #tpu.memory_space<vmem>>, %arg4: memref<1024x64xf32, #tpu.memory_space<vmem>>, %arg5: memref<1024x64xf32, #tpu.memory_space<vmem>>) attributes {dimension_semantics = [#tpu.dimension_semantics<arbitrary>], iteration_bounds = array<i64: 10>, scalar_prefetch = 0 : i64, scratch_operands = 0 : i64, tpu.core_type = #tpu.core_type<tc>, window_params = [{transform_indices = @transform_0, window_bounds = array<i64: 1024, 128>}, {pipeline_mode = #tpu.pipeline_mode<synchronous>, transform_indices = @transform_1, window_bounds = array<i64: 128, 128>}, {transform_indices = @transform_2, window_bounds = array<i64: 1024, 1>}, {transform_indices = @transform_3, window_bounds = array<i64: 1024, 64>}, {transform_indices = @transform_4, window_bounds = array<i64: 1024, 64>}]} {
    %get3A = arith.constant 0 : index
    %get3A_0 = arith.constant 0 : index
    %get3A_1 = vector.load %arg1[%get3A, %get3A_0] : memref<1024x128xf32, #tpu.memory_space<vmem>>, vector<1024x128xf32>
    %get3A_2 = arith.constant 0 : index
    %get3A_3 = arith.constant 0 : index
    %get3A_4 = vector.load %arg2[%get3A_2, %get3A_3] : memref<128x128xf32, #tpu.memory_space<vmem>>, vector<128x128xf32>
    %dot_general3A = arith.constant dense<0.000000e+00> : vector<1024x128xf32>
    %dot_general3A_5 = tpu.matmul %get3A_1, %get3A_4, %dot_general3A {dimension_numbers = #tpu.dot_dimension_numbers<[1], [0], [0], [1], [0, 0, 1, 1], [], []>, transpose_lhs_hint = false} : vector<1024x128xf32>, vector<128x128xf32>, vector<1024x128xf32> -> vector<1024x128xf32>
    %get3A_6 = arith.constant 0 : index
    %get3A_7 = arith.constant 0 : index
    %get3A_8 = vector.load %arg3[%get3A_6, %get3A_7] : memref<1024x1xf32, #tpu.memory_space<vmem>>, vector<1024x1xf32>
    %mul3A = vector.broadcast %get3A_8 : vector<1024x1xf32> to vector<1024x128xf32>
    %mul3A_9 = arith.mulf %dot_general3A_5, %mul3A : vector<1024x128xf32>
    %slice3A = vector.extract_strided_slice %mul3A_9 {offsets = [0, 0], sizes = [1024, 64], strides = [1, 1]} : vector<1024x128xf32> to vector<1024x64xf32>
    %swap3A = arith.constant 0 : index
    %swap3A_10 = arith.constant 0 : index
    %swap3A_11 = vector.load %arg4[%swap3A, %swap3A_10] : memref<1024x64xf32, #tpu.memory_space<vmem>>, vector<1024x64xf32>
    tpu.vector_store %arg4[%swap3A, %swap3A_10], %slice3A {strides = array<i32>} : memref<1024x64xf32, #tpu.memory_space<vmem>>, vector<1024x64xf32>,
    %slice3A_12 = vector.extract_strided_slice %mul3A_9 {offsets = [0, 64], sizes = [1024, 64], strides = [1, 1]} : vector<1024x128xf32> to vector<1024x64xf32>
    %swap3A_13 = arith.constant 0 : index
    %swap3A_14 = arith.constant 0 : index
    %swap3A_15 = vector.load %arg5[%swap3A_13, %swap3A_14] : memref<1024x64xf32, #tpu.memory_space<vmem>>, vector<1024x64xf32>
    tpu.vector_store %arg5[%swap3A_13, %swap3A_14], %slice3A_12 {strides = array<i32>} : memref<1024x64xf32, #tpu.memory_space<vmem>>, vector<1024x64xf32>,
    return
  }
  func.func @transform_0(%arg0: i32) -> (i32, i32) {
    %c0_i32 = arith.constant 0 : i32
    %c0_i32_0 = arith.constant 0 : i32
    return %arg0, %c0_i32 : i32, i32
  }
  func.func @transform_1(%arg0: i32) -> (i32, i32) {
    %c0_i32 = arith.constant 0 : i32
    %c0_i32_0 = arith.constant 0 : i32
    %c0_i32_1 = arith.constant 0 : i32
    return %c0_i32, %c0_i32_0 : i32, i32
  }
  func.func @transform_2(%arg0: i32) -> (i32, i32) {
    %c0_i32 = arith.constant 0 : i32
    %c0_i32_0 = arith.constant 0 : i32
    return %arg0, %c0_i32 : i32, i32
  }
  func.func @transform_3(%arg0: i32) -> (i32, i32) {
    %c0_i32 = arith.constant 0 : i32
    %c0_i32_0 = arith.constant 0 : i32
    return %arg0, %c0_i32 : i32, i32
  }
  func.func @transform_4(%arg0: i32) -> (i32, i32) {
    %c0_i32 = arith.constant 0 : i32
    %c0_i32_0 = arith.constant 0 : i32
    return %arg0, %c0_i32 : i32, i32
  }
}

module attributes {stable_mosaic.version = 14 : i64} {
  func.func @_u2_body(%arg0: i32, %arg1: memref<1024x64xf32, #tpu.memory_space<vmem>>, %arg2: memref<1024x64xf32, #tpu.memory_space<vmem>>, %arg3: memref<1024x64xf32, #tpu.memory_space<vmem>>, %arg4: memref<1024x64xf32, #tpu.memory_space<vmem>>, %arg5: memref<1024x64xf32, #tpu.memory_space<vmem>>, %arg6: memref<1024x64xf32, #tpu.memory_space<vmem>>, %arg7: memref<1024x1xf32, #tpu.memory_space<vmem>>, %arg8: memref<1x64xf32, #tpu.memory_space<vmem>>, %arg9: memref<1x64xf32, #tpu.memory_space<vmem>>, %arg10: memref<1024x64xf32, #tpu.memory_space<vmem>>, %arg11: memref<1024x64xf32, #tpu.memory_space<vmem>>) attributes {dimension_semantics = [#tpu.dimension_semantics<arbitrary>], iteration_bounds = array<i64: 10>, scalar_prefetch = 0 : i64, scratch_operands = 0 : i64, tpu.core_type = #tpu.core_type<tc>, window_params = [{transform_indices = @transform_0, window_bounds = array<i64: 1024, 64>}, {transform_indices = @transform_1, window_bounds = array<i64: 1024, 64>}, {transform_indices = @transform_2, window_bounds = array<i64: 1024, 64>}, {transform_indices = @transform_3, window_bounds = array<i64: 1024, 64>}, {transform_indices = @transform_4, window_bounds = array<i64: 1024, 64>}, {transform_indices = @transform_5, window_bounds = array<i64: 1024, 64>}, {transform_indices = @transform_6, window_bounds = array<i64: 1024, 1>}, {pipeline_mode = #tpu.pipeline_mode<synchronous>, transform_indices = @transform_7, window_bounds = array<i64: 1, 64>}, {pipeline_mode = #tpu.pipeline_mode<synchronous>, transform_indices = @transform_8, window_bounds = array<i64: 1, 64>}, {transform_indices = @transform_9, window_bounds = array<i64: 1024, 64>}, {transform_indices = @transform_10, window_bounds = array<i64: 1024, 64>}]} {
    %get3A = arith.constant 0 : index
    %get3A_0 = arith.constant 0 : index
    %get3A_1 = vector.load %arg7[%get3A, %get3A_0] : memref<1024x1xf32, #tpu.memory_space<vmem>>, vector<1024x1xf32>
    %get3A_2 = arith.constant 0 : index
    %get3A_3 = arith.constant 0 : index
    %get3A_4 = vector.load %arg1[%get3A_2, %get3A_3] : memref<1024x64xf32, #tpu.memory_space<vmem>>, vector<1024x64xf32>
    %get3A_5 = arith.constant 0 : index
    %get3A_6 = arith.constant 0 : index
    %get3A_7 = vector.load %arg3[%get3A_5, %get3A_6] : memref<1024x64xf32, #tpu.memory_space<vmem>>, vector<1024x64xf32>
    %add3A = arith.addf %get3A_4, %get3A_7 : vector<1024x64xf32>
    %get3A_8 = arith.constant 0 : index
    %get3A_9 = arith.constant 0 : index
    %get3A_10 = vector.load %arg5[%get3A_8, %get3A_9] : memref<1024x64xf32, #tpu.memory_space<vmem>>, vector<1024x64xf32>
    %add3A_11 = arith.addf %add3A, %get3A_10 : vector<1024x64xf32>
    %mul3A = vector.broadcast %get3A_1 : vector<1024x1xf32> to vector<1024x64xf32>
    %mul3A_12 = arith.mulf %mul3A, %add3A_11 : vector<1024x64xf32>
    %get3A_13 = arith.constant 0 : index
    %get3A_14 = arith.constant 0 : index
    %get3A_15 = vector.load %arg8[%get3A_13, %get3A_14] : memref<1x64xf32, #tpu.memory_space<vmem>>, vector<1x64xf32>
    %add3A_16 = vector.broadcast %get3A_15 : vector<1x64xf32> to vector<1024x64xf32>
    %add3A_17 = arith.addf %mul3A_12, %add3A_16 : vector<1024x64xf32>
    %get3A_18 = arith.constant 0 : index
    %get3A_19 = arith.constant 0 : index
    %get3A_20 = vector.load %arg2[%get3A_18, %get3A_19] : memref<1024x64xf32, #tpu.memory_space<vmem>>, vector<1024x64xf32>
    %get3A_21 = arith.constant 0 : index
    %get3A_22 = arith.constant 0 : index
    %get3A_23 = vector.load %arg4[%get3A_21, %get3A_22] : memref<1024x64xf32, #tpu.memory_space<vmem>>, vector<1024x64xf32>
    %add3A_24 = arith.addf %get3A_20, %get3A_23 : vector<1024x64xf32>
    %get3A_25 = arith.constant 0 : index
    %get3A_26 = arith.constant 0 : index
    %get3A_27 = vector.load %arg6[%get3A_25, %get3A_26] : memref<1024x64xf32, #tpu.memory_space<vmem>>, vector<1024x64xf32>
    %add3A_28 = arith.addf %add3A_24, %get3A_27 : vector<1024x64xf32>
    %mul3A_29 = vector.broadcast %get3A_1 : vector<1024x1xf32> to vector<1024x64xf32>
    %mul3A_30 = arith.mulf %mul3A_29, %add3A_28 : vector<1024x64xf32>
    %get3A_31 = arith.constant 0 : index
    %get3A_32 = arith.constant 0 : index
    %get3A_33 = vector.load %arg9[%get3A_31, %get3A_32] : memref<1x64xf32, #tpu.memory_space<vmem>>, vector<1x64xf32>
    %add3A_34 = vector.broadcast %get3A_33 : vector<1x64xf32> to vector<1024x64xf32>
    %add3A_35 = arith.addf %mul3A_30, %add3A_34 : vector<1024x64xf32>
    %max3A = arith.constant 0.000000e+00 : f32
    %max3A_36 = vector.broadcast %max3A : f32 to vector<1024x64xf32>
    %max3A_37 = arith.maximumf %add3A_17, %max3A_36 : vector<1024x64xf32>
    %mul3A_38 = vector.broadcast %get3A_1 : vector<1024x1xf32> to vector<1024x64xf32>
    %mul3A_39 = arith.mulf %mul3A_38, %max3A_37 : vector<1024x64xf32>
    %swap3A = arith.constant 0 : index
    %swap3A_40 = arith.constant 0 : index
    %swap3A_41 = vector.load %arg10[%swap3A, %swap3A_40] : memref<1024x64xf32, #tpu.memory_space<vmem>>, vector<1024x64xf32>
    tpu.vector_store %arg10[%swap3A, %swap3A_40], %mul3A_39 {strides = array<i32>} : memref<1024x64xf32, #tpu.memory_space<vmem>>, vector<1024x64xf32>,
    %max3A_42 = arith.constant 0.000000e+00 : f32
    %max3A_43 = vector.broadcast %max3A_42 : f32 to vector<1024x64xf32>
    %max3A_44 = arith.maximumf %add3A_35, %max3A_43 : vector<1024x64xf32>
    %mul3A_45 = vector.broadcast %get3A_1 : vector<1024x1xf32> to vector<1024x64xf32>
    %mul3A_46 = arith.mulf %mul3A_45, %max3A_44 : vector<1024x64xf32>
    %swap3A_47 = arith.constant 0 : index
    %swap3A_48 = arith.constant 0 : index
    %swap3A_49 = vector.load %arg11[%swap3A_47, %swap3A_48] : memref<1024x64xf32, #tpu.memory_space<vmem>>, vector<1024x64xf32>
    tpu.vector_store %arg11[%swap3A_47, %swap3A_48], %mul3A_46 {strides = array<i32>} : memref<1024x64xf32, #tpu.memory_space<vmem>>, vector<1024x64xf32>,
    return
  }
  func.func @transform_0(%arg0: i32) -> (i32, i32) {
    %c0_i32 = arith.constant 0 : i32
    %c0_i32_0 = arith.constant 0 : i32
    return %arg0, %c0_i32 : i32, i32
  }
  func.func @transform_1(%arg0: i32) -> (i32, i32) {
    %c0_i32 = arith.constant 0 : i32
    %c0_i32_0 = arith.constant 0 : i32
    return %arg0, %c0_i32 : i32, i32
  }
  func.func @transform_2(%arg0: i32) -> (i32, i32) {
    %c0_i32 = arith.constant 0 : i32
    %c0_i32_0 = arith.constant 0 : i32
    return %arg0, %c0_i32 : i32, i32
  }
  func.func @transform_3(%arg0: i32) -> (i32, i32) {
    %c0_i32 = arith.constant 0 : i32
    %c0_i32_0 = arith.constant 0 : i32
    return %arg0, %c0_i32 : i32, i32
  }
  func.func @transform_4(%arg0: i32) -> (i32, i32) {
    %c0_i32 = arith.constant 0 : i32
    %c0_i32_0 = arith.constant 0 : i32
    return %arg0, %c0_i32 : i32, i32
  }
  func.func @transform_5(%arg0: i32) -> (i32, i32) {
    %c0_i32 = arith.constant 0 : i32
    %c0_i32_0 = arith.constant 0 : i32
    return %arg0, %c0_i32 : i32, i32
  }
  func.func @transform_6(%arg0: i32) -> (i32, i32) {
    %c0_i32 = arith.constant 0 : i32
    %c0_i32_0 = arith.constant 0 : i32
    return %arg0, %c0_i32 : i32, i32
  }
  func.func @transform_7(%arg0: i32) -> (i32, i32) {
    %c0_i32 = arith.constant 0 : i32
    %c0_i32_0 = arith.constant 0 : i32
    %c0_i32_1 = arith.constant 0 : i32
    return %c0_i32, %c0_i32_0 : i32, i32
  }
  func.func @transform_8(%arg0: i32) -> (i32, i32) {
    %c0_i32 = arith.constant 0 : i32
    %c0_i32_0 = arith.constant 0 : i32
    %c0_i32_1 = arith.constant 0 : i32
    return %c0_i32, %c0_i32_0 : i32, i32
  }
  func.func @transform_9(%arg0: i32) -> (i32, i32) {
    %c0_i32 = arith.constant 0 : i32
    %c0_i32_0 = arith.constant 0 : i32
    return %arg0, %c0_i32 : i32, i32
  }
  func.func @transform_10(%arg0: i32) -> (i32, i32) {
    %c0_i32 = arith.constant 0 : i32
    %c0_i32_0 = arith.constant 0 : i32
    return %arg0, %c0_i32 : i32, i32
  }
}

module attributes {stable_mosaic.version = 14 : i64} {
  func.func @_out_body(%arg0: i32, %arg1: memref<1024x64xf32, #tpu.memory_space<vmem>>, %arg2: memref<1024x64xf32, #tpu.memory_space<vmem>>, %arg3: memref<1024x64xf32, #tpu.memory_space<vmem>>, %arg4: memref<1024x64xf32, #tpu.memory_space<vmem>>, %arg5: memref<1024x64xf32, #tpu.memory_space<vmem>>, %arg6: memref<1024x64xf32, #tpu.memory_space<vmem>>, %arg7: memref<1024x1xf32, #tpu.memory_space<vmem>>, %arg8: memref<64x48xf32, #tpu.memory_space<vmem>>, %arg9: memref<64x48xf32, #tpu.memory_space<vmem>>, %arg10: memref<1x48xf32, #tpu.memory_space<vmem>>, %arg11: memref<1024x48xf32, #tpu.memory_space<vmem>>) attributes {dimension_semantics = [#tpu.dimension_semantics<arbitrary>], iteration_bounds = array<i64: 10>, scalar_prefetch = 0 : i64, scratch_operands = 0 : i64, tpu.core_type = #tpu.core_type<tc>, window_params = [{transform_indices = @transform_0, window_bounds = array<i64: 1024, 64>}, {transform_indices = @transform_1, window_bounds = array<i64: 1024, 64>}, {transform_indices = @transform_2, window_bounds = array<i64: 1024, 64>}, {transform_indices = @transform_3, window_bounds = array<i64: 1024, 64>}, {transform_indices = @transform_4, window_bounds = array<i64: 1024, 64>}, {transform_indices = @transform_5, window_bounds = array<i64: 1024, 64>}, {transform_indices = @transform_6, window_bounds = array<i64: 1024, 1>}, {pipeline_mode = #tpu.pipeline_mode<synchronous>, transform_indices = @transform_7, window_bounds = array<i64: 64, 48>}, {pipeline_mode = #tpu.pipeline_mode<synchronous>, transform_indices = @transform_8, window_bounds = array<i64: 64, 48>}, {pipeline_mode = #tpu.pipeline_mode<synchronous>, transform_indices = @transform_9, window_bounds = array<i64: 1, 48>}, {transform_indices = @transform_10, window_bounds = array<i64: 1024, 48>}]} {
    %get3A = arith.constant 0 : index
    %get3A_0 = arith.constant 0 : index
    %get3A_1 = vector.load %arg7[%get3A, %get3A_0] : memref<1024x1xf32, #tpu.memory_space<vmem>>, vector<1024x1xf32>
    %get3A_2 = arith.constant 0 : index
    %get3A_3 = arith.constant 0 : index
    %get3A_4 = vector.load %arg1[%get3A_2, %get3A_3] : memref<1024x64xf32, #tpu.memory_space<vmem>>, vector<1024x64xf32>
    %get3A_5 = arith.constant 0 : index
    %get3A_6 = arith.constant 0 : index
    %get3A_7 = vector.load %arg3[%get3A_5, %get3A_6] : memref<1024x64xf32, #tpu.memory_space<vmem>>, vector<1024x64xf32>
    %add3A = arith.addf %get3A_4, %get3A_7 : vector<1024x64xf32>
    %get3A_8 = arith.constant 0 : index
    %get3A_9 = arith.constant 0 : index
    %get3A_10 = vector.load %arg5[%get3A_8, %get3A_9] : memref<1024x64xf32, #tpu.memory_space<vmem>>, vector<1024x64xf32>
    %add3A_11 = arith.addf %add3A, %get3A_10 : vector<1024x64xf32>
    %mul3A = vector.broadcast %get3A_1 : vector<1024x1xf32> to vector<1024x64xf32>
    %mul3A_12 = arith.mulf %mul3A, %add3A_11 : vector<1024x64xf32>
    %get3A_13 = arith.constant 0 : index
    %get3A_14 = arith.constant 0 : index
    %get3A_15 = vector.load %arg2[%get3A_13, %get3A_14] : memref<1024x64xf32, #tpu.memory_space<vmem>>, vector<1024x64xf32>
    %get3A_16 = arith.constant 0 : index
    %get3A_17 = arith.constant 0 : index
    %get3A_18 = vector.load %arg4[%get3A_16, %get3A_17] : memref<1024x64xf32, #tpu.memory_space<vmem>>, vector<1024x64xf32>
    %add3A_19 = arith.addf %get3A_15, %get3A_18 : vector<1024x64xf32>
    %get3A_20 = arith.constant 0 : index
    %get3A_21 = arith.constant 0 : index
    %get3A_22 = vector.load %arg6[%get3A_20, %get3A_21] : memref<1024x64xf32, #tpu.memory_space<vmem>>, vector<1024x64xf32>
    %add3A_23 = arith.addf %add3A_19, %get3A_22 : vector<1024x64xf32>
    %mul3A_24 = vector.broadcast %get3A_1 : vector<1024x1xf32> to vector<1024x64xf32>
    %mul3A_25 = arith.mulf %mul3A_24, %add3A_23 : vector<1024x64xf32>
    %get3A_26 = arith.constant 0 : index
    %get3A_27 = arith.constant 0 : index
    %get3A_28 = vector.load %arg8[%get3A_26, %get3A_27] : memref<64x48xf32, #tpu.memory_space<vmem>>, vector<64x48xf32>
    %dot_general3A = arith.constant dense<0.000000e+00> : vector<1024x48xf32>
    %dot_general3A_29 = tpu.matmul %mul3A_12, %get3A_28, %dot_general3A {dimension_numbers = #tpu.dot_dimension_numbers<[1], [0], [0], [1], [0, 0, 1, 1], [], []>, transpose_lhs_hint = false} : vector<1024x64xf32>, vector<64x48xf32>, vector<1024x48xf32> -> vector<1024x48xf32>
    %get3A_30 = arith.constant 0 : index
    %get3A_31 = arith.constant 0 : index
    %get3A_32 = vector.load %arg9[%get3A_30, %get3A_31] : memref<64x48xf32, #tpu.memory_space<vmem>>, vector<64x48xf32>
    %dot_general3A_33 = arith.constant dense<0.000000e+00> : vector<1024x48xf32>
    %dot_general3A_34 = tpu.matmul %mul3A_25, %get3A_32, %dot_general3A_33 {dimension_numbers = #tpu.dot_dimension_numbers<[1], [0], [0], [1], [0, 0, 1, 1], [], []>, transpose_lhs_hint = false} : vector<1024x64xf32>, vector<64x48xf32>, vector<1024x48xf32> -> vector<1024x48xf32>
    %add3A_35 = arith.addf %dot_general3A_29, %dot_general3A_34 : vector<1024x48xf32>
    %get3A_36 = arith.constant 0 : index
    %get3A_37 = arith.constant 0 : index
    %get3A_38 = vector.load %arg10[%get3A_36, %get3A_37] : memref<1x48xf32, #tpu.memory_space<vmem>>, vector<1x48xf32>
    %add3A_39 = vector.broadcast %get3A_38 : vector<1x48xf32> to vector<1024x48xf32>
    %add3A_40 = arith.addf %add3A_35, %add3A_39 : vector<1024x48xf32>
    %iota3A = tpu.iota {dimensions = array<i32: 1>} : vector<1024x48xi32>
    %lt3A = arith.constant 40 : i32
    %lt3A_41 = vector.broadcast %lt3A : i32 to vector<1024x48xi32>
    %lt3A_42 = arith.cmpi slt, %iota3A, %lt3A_41 : vector<1024x48xi32>
    %jit3A = arith.constant 0xFF800000 : f32
    %broadcast_in_dim3A = vector.broadcast %jit3A : f32 to vector<1024x48xf32>
    %select_n3A = arith.select %lt3A_42, %add3A_40, %broadcast_in_dim3A : vector<1024x48xi1>, vector<1024x48xf32>
    %reduce_max3A = arith.constant dense<0xFF800000> : vector<1024xf32>
    %reduce_max3A_43 = vector.multi_reduction <maximumf>, %select_n3A, %reduce_max3A [1] : vector<1024x48xf32> to vector<1024xf32>
    %broadcast_in_dim3A_44 = vector.shape_cast %reduce_max3A_43 : vector<1024xf32> to vector<1024x1xf32>
    %sub3A = vector.broadcast %broadcast_in_dim3A_44 : vector<1024x1xf32> to vector<1024x48xf32>
    %sub3A_45 = arith.subf %select_n3A, %sub3A : vector<1024x48xf32>
    %exp3A = math.exp %sub3A_45 : vector<1024x48xf32>
    %reduce_sum3A = arith.constant dense<0.000000e+00> : vector<1024xf32>
    %reduce_sum3A_46 = vector.multi_reduction <add>, %exp3A, %reduce_sum3A [1] : vector<1024x48xf32> to vector<1024xf32>
    %broadcast_in_dim3A_47 = vector.shape_cast %reduce_sum3A_46 : vector<1024xf32> to vector<1024x1xf32>
    %log3A = math.log %broadcast_in_dim3A_47 : vector<1024x1xf32>
    %sub3A_48 = vector.broadcast %broadcast_in_dim3A_44 : vector<1024x1xf32> to vector<1024x48xf32>
    %sub3A_49 = arith.subf %select_n3A, %sub3A_48 : vector<1024x48xf32>
    %sub3A_50 = vector.broadcast %log3A : vector<1024x1xf32> to vector<1024x48xf32>
    %sub3A_51 = arith.subf %sub3A_49, %sub3A_50 : vector<1024x48xf32>
    %swap3A = arith.constant 0 : index
    %swap3A_52 = arith.constant 0 : index
    %swap3A_53 = vector.load %arg11[%swap3A, %swap3A_52] : memref<1024x48xf32, #tpu.memory_space<vmem>>, vector<1024x48xf32>
    tpu.vector_store %arg11[%swap3A, %swap3A_52], %sub3A_51 {strides = array<i32>} : memref<1024x48xf32, #tpu.memory_space<vmem>>, vector<1024x48xf32>,
    return
  }
  func.func @transform_0(%arg0: i32) -> (i32, i32) {
    %c0_i32 = arith.constant 0 : i32
    %c0_i32_0 = arith.constant 0 : i32
    return %arg0, %c0_i32 : i32, i32
  }
  func.func @transform_1(%arg0: i32) -> (i32, i32) {
    %c0_i32 = arith.constant 0 : i32
    %c0_i32_0 = arith.constant 0 : i32
    return %arg0, %c0_i32 : i32, i32
  }
  func.func @transform_2(%arg0: i32) -> (i32, i32) {
    %c0_i32 = arith.constant 0 : i32
    %c0_i32_0 = arith.constant 0 : i32
    return %arg0, %c0_i32 : i32, i32
  }
  func.func @transform_3(%arg0: i32) -> (i32, i32) {
    %c0_i32 = arith.constant 0 : i32
    %c0_i32_0 = arith.constant 0 : i32
    return %arg0, %c0_i32 : i32, i32
  }
  func.func @transform_4(%arg0: i32) -> (i32, i32) {
    %c0_i32 = arith.constant 0 : i32
    %c0_i32_0 = arith.constant 0 : i32
    return %arg0, %c0_i32 : i32, i32
  }
  func.func @transform_5(%arg0: i32) -> (i32, i32) {
    %c0_i32 = arith.constant 0 : i32
    %c0_i32_0 = arith.constant 0 : i32
    return %arg0, %c0_i32 : i32, i32
  }
  func.func @transform_6(%arg0: i32) -> (i32, i32) {
    %c0_i32 = arith.constant 0 : i32
    %c0_i32_0 = arith.constant 0 : i32
    return %arg0, %c0_i32 : i32, i32
  }
  func.func @transform_7(%arg0: i32) -> (i32, i32) {
    %c0_i32 = arith.constant 0 : i32
    %c0_i32_0 = arith.constant 0 : i32
    %c0_i32_1 = arith.constant 0 : i32
    return %c0_i32, %c0_i32_0 : i32, i32
  }
  func.func @transform_8(%arg0: i32) -> (i32, i32) {
    %c0_i32 = arith.constant 0 : i32
    %c0_i32_0 = arith.constant 0 : i32
    %c0_i32_1 = arith.constant 0 : i32
    return %c0_i32, %c0_i32_0 : i32, i32
  }
  func.func @transform_9(%arg0: i32) -> (i32, i32) {
    %c0_i32 = arith.constant 0 : i32
    %c0_i32_0 = arith.constant 0 : i32
    %c0_i32_1 = arith.constant 0 : i32
    return %c0_i32, %c0_i32_0 : i32, i32
  }
  func.func @transform_10(%arg0: i32) -> (i32, i32) {
    %c0_i32 = arith.constant 0 : i32
    %c0_i32_0 = arith.constant 0 : i32
    return %arg0, %c0_i32 : i32, i32
  }
}

</mosaic_0001>

<sc_bundles>
// kernel: kernel.12.cloned.1.call-start
scs
__scs_entry_jumppad:
0x0: {  	(pc) =	sbr.rel $0x88, $3  }
0x1: {  	(tag) =	ssettag $0x0;
	lr =	simm.s32 $0x1  }
0x2: {  	[smem:$0x3F9B] =	sst lr;
	_ =	strace $0xD0000000  }
0x3: {  	_ = 	snop  }
0x4: {  	_ = 	snop  }
0x5: {  	_ = 	snop  }
0x6: {  	_ = 	snop  }
0x7: {  	_ = 	snop  }
__scs_overlays_trampoline_lowered:
0x8: {  	[smem:$0x3FAA] =	sst s0  }
0x9: {  	[smem:$0x3FAB] =	sst s1  }
0xa: {  	[smem:$0x3FAC] =	sst s2  }
0xb: {  	[smem:$0x3FAD] =	sst s3  }
0xc: {  	[smem:$0x3FAE] =	sst s4  }
0xd: {  	[smem:$0x3FAF] =	sst s5  }
0xe: {  	[smem:$0x3FB0] =	sst s6  }
0xf: {  	[smem:$0x3FB1] =	sst s7  }
0x10: {  	[smem:$0x3FB2] =	sst s8  }
0x11: {  	[smem:$0x3FB3] =	sst s9;
	s0 =	simm.s32 @!p0 $0x0  }
0x12: {  	s1 =	sld [smem:$0x3F99];
	s0 =	simm.s32 @p0 $0x1  }
0x13: {  	[smem:$0x3FB4] =	sst s0;
	s0 =	simm.s32 @!p1 $0x0  }
0x14: {  	s2 =	sld [smem:$0x3F98];
	s0 =	simm.s32 @p1 $0x1  }
0x15: {  	[smem:$0x3FB5] =	sst s0;
	s0 =	simm.s32 @!p2 $0x0  }
0x16: {  	s3 =	sld [smem:$0x3FDB];
	s0 =	simm.s32 @p2 $0x1  }
0x17: {  	s4 =	simm.s32 $0x1BF5;
	[smem:$0x3FB7] =	sst s0  }
0x18: {  	s0 =	sld [smem:$0x3F9A];
	_ =	swait.ge [sflag:s4], $0x0  }
0x19: {  	s7 =	sld [smem:$0x3F9B]  }
0x1a: {  	s8 =	sadd.s32 $0xFFFFE003, lr  }
0x1b: {  	s9 =	sadd.s32 $0xFFFFFEF7, lr;
	s5 =	simm.s32 $0xFFFFFFFF;
	p2 =	slt.u32 s8, $0xFFFFF086  }
0x1c: {  	p1 =	slt.u32 s9, $0xF7A;
	s5 =	simm.s32 @!p2 $0x0  }
0x1d: {  	s5 =	simm.s32 @p1 $0x1;
	p0 =	seq.s32 s7, s2  }
0x1e: {  	s7 =	smul.u32 @!p0 $0xF7A, s2;
	p2 =	seq.s32 @!p0 s5, $0x0  }
0x1f: {  	s9 =	smul.u32 $0xF7A, s1;
	s8 =	simm.s32 @!p0 $0x1BF5;
	p2 =	por !p2, p0  }
0x20: {  	[sflag:s8] =	ssyncset.s32 @!p0 $0xFFFFF086;
	s6 =	sadd.s32 @!p0 s3, s7;
	s7 =	simm.s32 @!p0 $0x108  }
0x21: {  	s3 =	sadd.s32 s3, s9;
	s6 =	sadd.s32 @!p0 $0x88, s6;
	s7 =	simm.s32 @p2 $0x1082  }
0x22: {  	[simem:s7], [sflag:s8] =	dma.local @!p0 [hbm:s6], $0xF7A  }
0x23: {  	s9 =	sor.u32 $0xD0000000, s2;
	s6 =	simm.s32 $0x108;
	_ =	swait.ge @!p0 [sflag:s8], $0x0  }
0x24: {  	s3 =	sadd.s32 $0x88, s3;
	s6 =	simm.s32 @!p1 $0x1082;
	[sflag:s4] =	ssyncset.s32 $0xFFFFF086  }
0x25: {  	[simem:s6], [sflag:s4] =	dma.local [hbm:s3], $0xF7A  }
0x26: {  	[smem:$0x3F9B] =	sst s1;
	(tag) =	ssettag s2;
	_ =	strace s9  }
0x27: {  	s1 =	sld [smem:$0x3FAB]  }
0x28: {  	s2 =	sld [smem:$0x3FAC]  }
0x29: {  	s4 =	sld [smem:$0x3FAE]  }
0x2a: {  	p0 =	seq.s32 s5, $0x0;
	s5 =	sld [smem:$0x3FAF]  }
0x2b: {  	s6 =	sld [smem:$0x3FB0]  }
0x2c: {  	s7 =	sld [smem:$0x3FB1]  }
0x2d: {  	s3 =	simm.s32 $0x108;
	s8 =	sld [smem:$0x3FB2]  }
0x2e: {  	s3 =	simm.s32 @!p0 $0x1082;
	s9 =	sld [smem:$0x3FB3]  }
0x2f: {  	lr =	sadd.s32 s0, s3;
	s0 =	sld [smem:$0x3FAA]  }
0x30: {  	s3 =	sld [smem:$0x3FAD]  }
0x31: {  	[smem:$0x3FB6] =	sst s10  }
0x32: {  	s10 =	sld [smem:$0x3FB4];
	_ =	sdelay $0x3  }
0x33: {  	p0 =	seq.s32 s10, $0x1;
	s10 =	sld [smem:$0x3FB6];
	_ =	sdelay $0x3  }
0x34: {  	[smem:$0x3FB6] =	sst s10  }
0x35: {  	s10 =	sld [smem:$0x3FB5];
	_ =	sdelay $0x3  }
0x36: {  	p1 =	seq.s32 s10, $0x1;
	s10 =	sld [smem:$0x3FB6];
	_ =	sdelay $0x3  }
0x37: {  	[smem:$0x3FB6] =	sst s10  }
0x38: {  	s10 =	sld [smem:$0x3FB7]  }
0x39: {  	_ = 	snop;
	(pc) =	sbr.ind lr, $3  }
0x3a: {  	_ = 	snop  }
0x3b: {  	_ = 	snop  }
0x3c: {  	p2 =	seq.s32 s10, $0x1;
	s10 =	sld [smem:$0x3FB6]  }
0x3d: {  	_ =	shalt  }
0x3e: {  	_ =	shalt  }
0x3f: {  	_ =	shalt  }
0x40: {  	_ =	shalt  }
0x41: {  	_ =	shalt  }
0x42: {  	_ =	shalt  }
0x43: {  	_ =	shalt  }
0x44: {  	_ =	shalt  }
0x45: {  	_ =	shalt  }
0x46: {  	_ =	shalt  }
0x47: {  	_ =	shalt  }
0x48: {  	_ =	shalt  }
0x49: {  	_ =	shalt  }
0x4a: {  	_ =	shalt  }
0x4b: {  	_ =	shalt  }
0x4c: {  	_ =	shalt  }
0x4d: {  	_ =	shalt  }
0x4e: {  	_ =	shalt  }
0x4f: {  	_ =	shalt  }
0x50: {  	_ =	shalt  }
0x51: {  	_ =	shalt  }
0x52: {  	_ =	shalt  }
0x53: {  	_ =	shalt  }
0x54: {  	_ =	shalt  }
0x55: {  	_ =	shalt  }
0x56: {  	_ =	shalt  }
0x57: {  	_ =	shalt  }
0x58: {  	_ =	shalt  }
0x59: {  	_ =	shalt  }
0x5a: {  	_ =	shalt  }
0x5b: {  	_ =	shalt  }
0x5c: {  	_ =	shalt  }
0x5d: {  	_ =	shalt  }
0x5e: {  	_ =	shalt  }
0x5f: {  	_ =	shalt  }
0x60: {  	_ =	shalt  }
0x61: {  	_ =	shalt  }
0x62: {  	_ =	shalt  }
0x63: {  	_ =	shalt  }
0x64: {  	_ =	shalt  }
0x65: {  	_ =	shalt  }
0x66: {  	_ =	shalt  }
0x67: {  	_ =	shalt  }
0x68: {  	_ =	shalt  }
0x69: {  	_ =	shalt  }
0x6a: {  	_ =	shalt  }
0x6b: {  	_ =	shalt  }
0x6c: {  	_ =	shalt  }
0x6d: {  	_ =	shalt  }
0x6e: {  	_ =	shalt  }
0x6f: {  	_ =	shalt  }
0x70: {  	_ =	shalt  }
0x71: {  	_ =	shalt  }
0x72: {  	_ =	shalt  }
0x73: {  	_ =	shalt  }
0x74: {  	_ =	shalt  }
0x75: {  	_ =	shalt  }
0x76: {  	_ =	shalt  }
0x77: {  	_ =	shalt  }
0x78: {  	_ =	shalt  }
0x79: {  	_ =	shalt  }
0x7a: {  	_ =	shalt  }
0x7b: {  	_ =	shalt  }
0x7c: {  	_ =	shalt  }
0x7d: {  	_ =	shalt  }
0x7e: {  	_ =	shalt  }
0x7f: {  	_ =	shalt  }
0x80: {  	_ =	shalt  }
0x81: {  	_ =	shalt  }
0x82: {  	_ =	shalt  }
0x83: {  	_ =	shalt  }
0x84: {  	_ =	shalt  }
0x85: {  	_ =	shalt  }
0x86: {  	_ =	shalt  }
0x87: {  	_ =	shalt  }
.Lfunc_end0:
.L_simem_size_0:
called_computation.1_lowered:
.L_overlay_start_0:
0x88: {  	s2 =	sld [smem:$0x3FD9]  }
0x89: {  	s3 =	sld [smem:$0x3FFE];
	_ =	sdelay $0x1  }
0x8a: {  	s1 =	srdreg.scid  }
0x8b: {  	s0 =	sand.u32 $0x1, s1  }
0x8c: {  	s16 =	sshll.u32 s0, $0xA;
	s2 =	sadd.s32 s3, s2  }
0x8d: {  	s2 =	sadd.s32 s2, s16  }
0x8e: {  	[smem:$0x3FC2] =	sst s2  }
0x8f: {  	_ = 	snop  }
0x90: {  	(tm) =	ssettm $0x1  }
0x91: {  	s17 =	sld [smem:$0x3FFB];
	_ =	sdelay $0x3  }
0x92: {  	_ =	strace s17  }
0x93: {  	s2 =	sld [smem:$0x3FFC];
	_ =	sdelay $0x3  }
0x94: {  	_ =	strace s2  }
0x95: {  	s2 =	sld [smem:$0x3FFD];
	_ =	sdelay $0x3  }
0x96: {  	_ =	strace s2  }
0x97: {  	_ =	strace $0x8FFFFFFF  }
0x98: {  	s18 =	sld [smem:$0x3FDB];
	_ =	sdelay $0x1  }
0x99: {  	s19 =	simm.s32 $_scs_section_size  }
0x9a: {  	s4 =	simm.s32 $_size__tile_overlayer_lowered;
	s5 =	simm.s32 $_tile_overlayer_lowered  }
0x9b: {  	s22 =	simm.s32 $0x1BFF;
	s21 =	sshll.u32 s5, $0x1;
	s2 =	sadd.s32 s19, s18  }
0x9c: {  	s6 =	simm.s32 $0x0;
	s20 =	sshll.u32 s4, $0x1;
	s4 =	sadd.s32 s21, s2  }
0x9d: {  	[timem:s6], [sflag:s22] =	dma.local [hbm:s4], s20  }
0x9e: {  	_ =	swait.ge [sflag:s22], s20  }
0x9f: {  	s3 =	ssub.s32 $0x0, s20;
	[sflag:s22] =	ssyncset.done $0x0  }
0xa0: {  	[sflag:s22] =	ssyncadd.s32 s3;
	_ =	sdelay $0x1  }
0xa1: {  	s23 =	simm.s32 $0x1B8B  }
0xa2: {  	_ =	swait.ge [sflag:s23], $0x1  }
0xa3: {  	[sflag:s23] =	ssyncset.done $0x0  }
0xa4: {  	s25 =	simm.s32 $0x1B8E;
	s24 =	sld [smem:$0x3FFE];
	[sflag:s23] =	ssyncadd.s32 $0xFFFFFFFF  }
0xa5: {  	s26 =	simm.s32 $execute0_lowered;
	[smem:$0x3FD2] =	sst s25  }
0xa6: {  	s4 =	sshll.u32 s26, $0x1;
	_ =	strace $0x80000049;
	[dreg:$0x1] =	wrdreg $0xFFFFFFFF  }
0xa7: {  	s28 =	simm.s32 $_size_execute0_lowered;
	s2 =	sadd.s32 s2, s4;
	[dreg:$0x0] =	wrdreg $0x0  }
0xa8: {  	s4 =	sshll.u32 s28, $0x1;
	[dreg:$0x2] =	wrdreg s2  }
0xa9: {  	[dreg:$0x3] =	wrdreg s4  }
0xaa: {  	[dreg:$0x4] =	wrdreg $0xC0  }
0xab: {  	_ =	task [dreg:s6], $0x5FFFF  }
0xac: {  	[dreg:$0x1] =	wrdreg $0xFFFFFFFF  }
0xad: {  	[dreg:$0x0] =	wrdreg $0x60  }
0xae: {  	[dreg:$0x2] =	wrdreg s24  }
0xaf: {  	[dreg:$0x3] =	wrdreg $0xA5000  }
0xb0: {  	[dreg:$0x4] =	wrdreg $0x145000  }
0xb1: {  	[dreg:$0x5] =	wrdreg $0x9  }
0xb2: {  	_ =	task.clear_ibuf [dreg:s6], $0x6FFFF;
	_ =	strace $0x90000049  }
0xb3: {  	s29 =	simm.s32 $0x9;
	_ =	strace $0x8000004B  }
0xb4: {  	_ =	swait.ge [sflag:s29], $0x1  }
0xb5: {  	[sflag:s29] =	ssyncadd.s32 $0xFFFFFFFF  }
0xb6: {  	_ =	strace $0x9000004B  }
0xb7: {  	_ =	sfence  }
0xb8: {  	s30 =	sld [smem:$0x0];
	_ =	sdelay $0x2  }
0xb9: {  	s31 =	sshll.u32 s1, $0xD;
	s1 =	sshrl.u32 s1, $0x2  }
0xba: {  	s3 =	sand.u32 $0x4000, s31;
	s1 =	sadd.s32 s1, s30  }
0xbb: {  	s0 =	sor.u32 s3, s0;
	s1 =	sshll.u32 s1, $0x11  }
0xbc: {  	s0 =	sor.u32 s1, s0  }
0xbd: {  	s0 =	sadd.s32 $0x8F2B, s0  }
0xbe: {  	[sflag:s0] =	ssyncadd.remote.s32 $0x1  }
0xbf: {  	_ =	sfence.sel $0xFFFF  }
0xc0: {  	[dreg:$0x0] =	wrdreg $0xFFFFFFFF;
	(pc) =	sbr.abs _section_cstart, $3  }
0xc1: {  	[dreg:$0x1] =	wrdreg $0xFFFFFFFF  }
0xc2: {  	_ =	task.clear_ibuf [dreg:s6], $0x2FFFF;
	_ =	strace $0x9FFFFFFF  }
0xc3: {  	(tm) =	ssettm $0x7FFFFFFF  }
tec
execute0_lowered:
.L_overlay_start_1:
0x0: {  	(tag) =	ssettag $0x1  }
0x1: {  	s0 =	rddreg [dreg:$0x0]  }
0x2: {  	s2 =	rddreg [dreg:$0x1]  }
0x3: {  	s3 =	rddreg [dreg:$0x2];
	s4 =	simm.s32 $0x0;
	s16 =	stileid.u32  }
0x4: {  	s5 =	srdreg.scid;
	s28 =	simm.s32 $0x300;
	s29 =	simm.s32 $0x400  }
0x5: {  	s30 =	simm.s32 $0x80;
	s31 =	simm.s32 $0x500;
	[smem:$0x7FF] =	sst s4  }
0x6: {  	s1 =	smul.u32 $0xA000, s16;
	s6 =	sadd.s32 $0xDC00, s0;
	s9 =	sadd.s32 $0x111C00, s0  }
0x7: {  	s10 =	sand.u32 $0x1, s5;
	s11 =	sadd.s32 $0xFDC00, s0;
	s12 =	sshll.u32 s16, $0x1  }
0x8: {  	s13 =	sadd.s32 $0xE9C00, s0;
	s15 =	sadd.s32 $0xD5C00, s0;
	s18 =	sshll.u32 s16, $0x6  }
0x9: {  	s20 =	smul.u32 $0x1400, s16;
	s16 =	sadd.s32 $0xDCA0, s0;
	_ =	strace $0x8000004A  }
0xa: {  	s5 =	ssub.s32 $0x2, s10;
	s12 =	sor.u32 s10, s12;
	[dreg:$0x4] =	wrdreg s18  }
0xb: {  	s18 =	sor.u32 $0x1C01, s18;
	p0 =	seq.s32 s10, $0x0;
	s22 =	smul.u32 $0xA00, s10  }
0xc: {  	s10 =	simm.s32 $0x380;
	s7 =	sshrl.u32 s1, $0x3;
	s14 =	sshrl.u32 s5, $0x1  }
0xd: {  	s17 =	sadd.s32 s1, s2;
	[dreg:$0x6] =	wrdreg s18;
	s1 =	sadd.s32 s1, s3  }
0xe: {  	s13 =	smov.u32 @p0 s9;
	s15 =	smov.u32 @p0 s11;
	s9 =	simm.s32 $0x4  }
0xf: {  	s11 =	simm.s32 $0x0;
	s8 =	sadd.s32 s7, s0;
	s14 =	ssub.s32 s5, s14  }
0x10: {  	s5 =	smul.u32 $0x50, s12;
	[dreg:$0x7] =	wrdreg s1;
	s24 =	sadd.s32 s13, s7  }
0x11: {  	s12 =	smul.u32 $0xA00, s12;
	s19 =	sadd.s32 $0xADC00, s8;
	[dreg:$0x10] =	wrdreg s24  }
0x12: {  	s1 =	sadd.s32 s20, s6;
	s25 =	sadd.s32 $0xC1C00, s8;
	[dreg:$0x5] =	wrdreg s19  }
0x13: {  	s20 =	simm.s32 $0x8;
	s8 =	sadd.s32 $0x99C00, s8;
	[dreg:$0x8] =	wrdreg s25  }
0x14: {  	s13 =	simm.s32 $0x480;
	s23 =	smax.u32 s14, $0x1;
	[dreg:$0xe] =	wrdreg s8  }
0x15: {  	s12 =	sadd.s32 s6, s12;
	[dreg:$0xf] =	wrdreg s23;
	s25 =	sadd.s32 s15, s7  }
0x16: {  	s23 =	simm.s32 $0xB;
	s7 =	simm.s32 $0x4500;
	[dreg:$0x9] =	wrdreg s12  }
0x17: {  	s6 =	simm.s32 $0x6500;
	s26 =	sadd.s32 $0x20, s12;
	[dreg:$0x11] =	wrdreg s25  }
0x18: {  	s8 =	simm.s32 $0x9;
	s18 =	sadd.s32 $0x40, s12;
	[dreg:$0xa] =	wrdreg s26  }
.Ltmp0:
0x19: {  	s19 =	sadd.s32 $0x60, s12;
	[dreg:$0xb] =	wrdreg s18;
	(pc) =	sbr.rel .LBB2_1-.Ltmp0, $4  }
0x1a: {  	s21 =	sadd.s32 $0x80, s12;
	s12 =	simm.s32 $0xA;
	[dreg:$0xc] =	wrdreg s19  }
0x1b: {  	[dreg:$0xd] =	wrdreg s21;
	s21 =	sadd.s32 s22, s1;
	s26 =	sshrl.u32 s17, $0x3  }
0x1c: {  	s1 =	simm.s32 $0x3;
	s17 =	simm.s32 $0x5;
	s18 =	simm.s32 $0x8500  }
0x1d: {  	s19 =	simm.s32 $0x6;
	[dreg:$0x12] =	wrdreg s26;
	s26 =	simm.s32 $0x200  }
.LBB2_7:
0x1e: {  	_ =	swait.ge [sflag:s8], $0x2000  }
0x1f: {  	[sflag:s8] =	ssyncset.done $0x0  }
0x20: {  	[sflag:s8] =	ssyncadd.s32 $0xFFFFE000  }
0x21: {  	[spmem:s3] =	stream.indirect.scatter.add.f32 [tilespmem:s6], [sflag:$0xB], $0x40, s10, s30, $0xb8;
	[tilespmem:$0x1E500] =	vst v63  }
0x22: {  	_ =	swait.ge [sflag:s23], $0x2000  }
0x23: {  	[sflag:s23] =	ssyncset.done $0x0  }
0x24: {  	[sflag:s23] =	ssyncadd.s32 $0xFFFFE000  }
0x25: {  	_ =	swait.ge [sflag:s12], $0x2000  }
0x26: {  	[sflag:s12] =	ssyncset.done $0x0  }
0x27: {  	[sflag:s12] =	ssyncadd.s32 $0xFFFFE000  }
0x28: {  	[spmem:s3] =	stream.indirect.scatter.add.f32 [tilespmem:s18], [sflag:$0xB], $0x40, s13, s30, $0xb8;
	[tilespmem:$0x1E500] =	vst v63  }
0x29: {  	_ =	swait.ge [sflag:s23], $0x2000  }
0x2a: {  	[sflag:s23] =	ssyncset.done $0x0  }
0x2b: {  	[sflag:s23] =	ssyncadd.s32 $0xFFFFE000  }
0x2c: {  	[bflag:$0x0] =	sbarrier.arrive $0xFFFF  }
0x2d: {  	s0 =	rddreg [dreg:$0x11]  }
0x2e: {  	s11 =	rddreg [dreg:$0x14]  }
0x2f: {  	s14 =	rddreg [dreg:$0x15]  }
0x30: {  	[hbm:s0], [sflag:s11] =	dma.local [spmem:s14], $0x1400  }
0x31: {  	_ =	swait.ge [sflag:s23], $0x1400  }
0x32: {  	s24 =	rddreg [dreg:$0x13]  }
0x33: {  	s25 =	rddreg [dreg:$0xf];
	s11 =	sadd.s32 $0x1, s24  }
0x34: {  	p0 =	sne.s32 s11, s25  }
.Ltmp1:
0x35: {  	_ = 	snop;
	(pc) =	sbr.rel @!p0 .LBB2_8-.Ltmp1, $3  }
0x36: {  	[sflag:s23] =	ssyncset.done $0x0  }
0x37: {  	[sflag:s23] =	ssyncadd.s32 $0xFFFFEC00  }
0x38: {  	[bflag:$0x0] =	sbarrier.arrive $0xFFFF;
	_ =	sdelay $0x1  }
.LBB2_1:
0x39: {  	[dreg:$0x13] =	wrdreg s11  }
0x3a: {  	s0 =	rddreg [dreg:$0x5]  }
0x3b: {  	s22 =	rddreg [dreg:$0x6]  }
0x3c: {  	s14 =	rddreg [dreg:$0x12]  }
0x3d: {  	[spmem:s14], [sflag:s22] =	dma.local [hbm:s0], $0x1400  }
0x3e: {  	s0 =	rddreg [dreg:$0x4]  }
0x3f: {  	s25 =	rddreg [dreg:$0x7]  }
0x40: {  	s15 =	rddreg [dreg:$0x8];
	s24 =	sor.u32 $0x1C0B, s0  }
0x41: {  	s0 =	sshrl.u32 s25, $0x3;
	[dreg:$0x14] =	wrdreg s24  }
0x42: {  	[dreg:$0x15] =	wrdreg s0  }
0x43: {  	[spmem:s0], [sflag:s24] =	dma.local [hbm:s15], $0x1400  }
0x44: {  	_ =	swait.ge [sflag:s23], $0x1400  }
0x45: {  	[sflag:s23] =	ssyncset.done $0x0  }
0x46: {  	s11 =	simm.s32 $0x1;
	[sflag:s23] =	ssyncadd.s32 $0xFFFFEC00  }
0x47: {  	_ =	swait.ge [sflag:s11], $0x1400  }
0x48: {  	[sflag:s11] =	ssyncset.done $0x0  }
0x49: {  	s22 =	rddreg [dreg:$0x9];
	[sflag:s11] =	ssyncadd.s32 $0xFFFFEC00  }
0x4a: {  	[tilespmem:s4], [sflag:$0x1] =	stream.linear.gather [hbm4b:s22+s4], $0x100, $0x38;
	[tilespmem:$0x1E500] =	vst v63  }
0x4b: {  	s14 =	simm.s32 $0x100;
	s24 =	rddreg [dreg:$0xa]  }
0x4c: {  	[tilespmem:s14], [sflag:$0x2] =	stream.linear.gather [hbm4b:s24+s4], $0x100, $0x38;
	[tilespmem:$0x1E500] =	vst v63  }
0x4d: {  	s25 =	rddreg [dreg:$0xb]  }
0x4e: {  	[tilespmem:s26], [sflag:$0x3] =	stream.linear.gather [hbm4b:s25+s4], $0x100, $0x38;
	[tilespmem:$0x1E500] =	vst v63  }
0x4f: {  	s15 =	rddreg [dreg:$0xc]  }
0x50: {  	[tilespmem:s28], [sflag:$0x4] =	stream.linear.gather [hbm4b:s15+s4], $0x100, $0x38;
	[tilespmem:$0x1E500] =	vst v63  }
0x51: {  	s22 =	rddreg [dreg:$0xd]  }
0x52: {  	[tilespmem:s29], [sflag:$0x5] =	stream.linear.gather [hbm4b:s22+s4], $0x100, $0x38;
	[tilespmem:$0x1E500] =	vst v63  }
0x53: {  	[bflag:$0x0] =	sbarrier.arrive $0xFFFF  }
0x54: {  	_ =	swait.ge [sflag:s11], $0x100  }
0x55: {  	[sflag:s11] =	ssyncset.done $0x0  }
0x56: {  	s25 =	simm.s32 $0x2;
	[sflag:s11] =	ssyncadd.s32 $0xFFFFFF00  }
0x57: {  	[tilespmem:s31], [sflag:$0x6] =	stream.indirect.gather [spmem:s2], $0x40, s4, s30, $0xb8;
	[tilespmem:$0x1E500] =	vst v63  }
0x58: {  	_ =	swait.ge [sflag:s25], $0x100  }
0x59: {  	[sflag:s25] =	ssyncset.done $0x0  }
0x5a: {  	s24 =	simm.s32 $0x2500;
	[sflag:s25] =	ssyncadd.s32 $0xFFFFFF00  }
0x5b: {  	[tilespmem:s24], [sflag:$0x7] =	stream.indirect.gather [spmem:s2], $0x40, s14, s30, $0xb8;
	[tilespmem:$0x1E500] =	vst v63  }
0x5c: {  	_ =	swait.ge [sflag:s1], $0x100  }
0x5d: {  	[sflag:s1] =	ssyncset.done $0x0  }
0x5e: {  	[sflag:s1] =	ssyncadd.s32 $0xFFFFFF00  }
0x5f: {  	[tilespmem:s7], [sflag:$0x8] =	stream.indirect.gather [spmem:s2], $0x40, s26, s30, $0xb8;
	[tilespmem:$0x1E500] =	vst v63  }
0x60: {  	_ =	swait.ge [sflag:s9], $0x100  }
0x61: {  	[sflag:s9] =	ssyncset.done $0x0  }
0x62: {  	s11 =	simm.s32 $0x0;
	[sflag:s9] =	ssyncadd.s32 $0xFFFFFF00  }
0x63: {  	[tilespmem:s6], [sflag:$0x9] =	stream.indirect.gather [spmem:s2], $0x40, s28, s30, $0xb8;
	[tilespmem:$0x1E500] =	vst v63  }
.LBB2_2:
0x64: {  	_ =	swait.ge [sflag:s17], $0x100  }
0x65: {  	[sflag:s17] =	ssyncset.done $0x0  }
0x66: {  	[sflag:s17] =	ssyncadd.s32 $0xFFFFFF00  }
0x67: {  	[tilespmem:s18], [sflag:$0xA] =	stream.indirect.gather [spmem:s2], $0x40, s29, s30, $0xb8;
	[tilespmem:$0x1E500] =	vst v63  }
0x68: {  	_ =	swait.ge [sflag:s19], $0x2000  }
0x69: {  	[sflag:s19] =	ssyncset.done $0x0  }
0x6a: {  	[sflag:s19] =	ssyncadd.s32 $0xFFFFE000  }
0x6b: {  	[spmem:s3] =	stream.indirect.scatter.add.f32 [tilespmem:s31], [sflag:$0xB], $0x40, s30, s30, $0xb8;
	[tilespmem:$0x1E500] =	vst v63  }
0x6c: {  	_ =	swait.ge [sflag:s23], $0x2000  }
0x6d: {  	p0 =	seq.s32 s11, $0x960;
	[sflag:s23] =	ssyncset.done $0x0  }
0x6e: {  	s15 =	simm.s32 @p0 $0x7;
	[sflag:s23] =	ssyncadd.s32 $0xFFFFE000  }
0x6f: {  	_ =	swait.ge @p0 [sflag:s15], $0x2000  }
0x70: {  	s22 =	simm.s32 @p0 $0x180;
	[sflag:s15] =	ssyncset.done @p0 $0x0  }
0x71: {  	s24 =	simm.s32 @p0 $0x2500;
	[sflag:s15] =	ssyncadd.s32 @p0 $0xFFFFE000;
	s15 =	simm.s32 @p0 $0x80  }
0x72: {  	[spmem:s3] =	stream.indirect.scatter.add.f32 @p0 [tilespmem:s24], [sflag:$0xB], $0x40, s22, s15, $0xb8;
	[tilespmem:$0x1E500] =	vst v63  }
0x73: {  	s15 =	simm.s32 @p0 $0xB  }
0x74: {  	_ =	swait.ge @p0 [sflag:s15], $0x2000  }
0x75: {  	s22 =	sadd.s32 @!p0 s11, s21;
	[sflag:s15] =	ssyncset.done @p0 $0x0  }
0x76: {  	s24 =	simm.s32 @!p0 $0x0;
	[sflag:s15] =	ssyncadd.s32 @p0 $0xFFFFE000;
	s15 =	sadd.s32 @!p0 $0xA0, s22  }
0x77: {  	[tilespmem:s24], [sflag:$0x1] =	stream.linear.gather @!p0 [hbm4b:s15+s24], $0x100, $0x38;
	[tilespmem:$0x1E500] =	vst v63  }
0x78: {  	s15 =	simm.s32 @!p0 $0x1  }
0x79: {  	_ =	swait.ge @!p0 [sflag:s15], $0x100  }
0x7a: {  	[sflag:s15] =	ssyncset.done @!p0 $0x0  }
0x7b: {  	s14 =	simm.s32 @!p0 $0x500;
	[sflag:s15] =	ssyncadd.s32 @!p0 $0xFFFFFF00;
	s15 =	simm.s32 @!p0 $0x80  }
0x7c: {  	[tilespmem:s14], [sflag:$0x6] =	stream.indirect.gather @!p0 [spmem:s2], $0x40, s24, s15, $0xb8;
	[tilespmem:$0x1E500] =	vst v63  }
0x7d: {  	s14 =	simm.s32 @!p0 $0x7  }
0x7e: {  	_ =	swait.ge @!p0 [sflag:s14], $0x2000  }
0x7f: {  	[sflag:s14] =	ssyncset.done @!p0 $0x0  }
0x80: {  	s0 =	simm.s32 @!p0 $0x2500;
	[sflag:s14] =	ssyncadd.s32 @!p0 $0xFFFFE000;
	s14 =	simm.s32 @!p0 $0x180  }
0x81: {  	[spmem:s3] =	stream.indirect.scatter.add.f32 @!p0 [tilespmem:s0], [sflag:$0xB], $0x40, s14, s15, $0xb8;
	[tilespmem:$0x1E500] =	vst v63  }
0x82: {  	s14 =	simm.s32 @!p0 $0xB  }
0x83: {  	_ =	swait.ge @!p0 [sflag:s14], $0x2000  }
0x84: {  	[sflag:s14] =	ssyncset.done @!p0 $0x0  }
0x85: {  	[sflag:s14] =	ssyncadd.s32 @!p0 $0xFFFFE000;
	s14 =	sadd.s32 @!p0 $0xC0, s22;
	s22 =	simm.s32 @!p0 $0x100  }
0x86: {  	[tilespmem:s22], [sflag:$0x2] =	stream.linear.gather @!p0 [hbm4b:s14+s24], $0x100, $0x38;
	[tilespmem:$0x1E500] =	vst v63  }
0x87: {  	s14 =	simm.s32 @!p0 $0x2  }
0x88: {  	_ =	swait.ge @!p0 [sflag:s14], $0x100  }
0x89: {  	[sflag:s14] =	ssyncset.done @!p0 $0x0  }
0x8a: {  	[sflag:s14] =	ssyncadd.s32 @!p0 $0xFFFFFF00  }
0x8b: {  	[tilespmem:s0], [sflag:$0x7] =	stream.indirect.gather @!p0 [spmem:s2], $0x40, s22, s15, $0xb8;
	[tilespmem:$0x1E500] =	vst v63  }
0x8c: {  	_ =	swait.ge [sflag:s20], $0x2000  }
0x8d: {  	[sflag:s20] =	ssyncset.done $0x0  }
.Ltmp2:
0x8e: {  	s24 =	simm.s32 $0x280;
	[sflag:s20] =	ssyncadd.s32 $0xFFFFE000;
	(pc) =	sbr.rel @p0 .LBB2_4-.Ltmp2, $4  }
0x8f: {  	[spmem:s3] =	stream.indirect.scatter.add.f32 [tilespmem:s7], [sflag:$0xB], $0x40, s24, s30, $0xb8;
	[tilespmem:$0x1E500] =	vst v63  }
0x90: {  	_ =	swait.ge [sflag:s23], $0x2000  }
0x91: {  	[sflag:s23] =	ssyncset.done $0x0  }
0x92: {  	[sflag:s23] =	ssyncadd.s32 $0xFFFFE000  }
0x93: {  	s0 =	smov.u32 s25  }
0x94: {  	s0 =	simm.s32 @p0 $0x4D  }
0x95: {  	s0 =	sadd.s32 s5, s0  }
0x96: {  	s0 =	sshll.u32 s0, $0x5  }
0x97: {  	s0 =	sadd.s32 s0, s16  }
0x98: {  	[tilespmem:s26], [sflag:$0x3] =	stream.linear.gather [hbm4b:s0+s4], $0x100, $0x38;
	[tilespmem:$0x1E500] =	vst v63  }
0x99: {  	_ =	swait.ge [sflag:s1], $0x100  }
0x9a: {  	[sflag:s1] =	ssyncset.done $0x0  }
0x9b: {  	[sflag:s1] =	ssyncadd.s32 $0xFFFFFF00  }
0x9c: {  	[tilespmem:s7], [sflag:$0x8] =	stream.indirect.gather [spmem:s2], $0x40, s26, s30, $0xb8;
	[tilespmem:$0x1E500] =	vst v63  }
0x9d: {  	_ =	swait.ge [sflag:s8], $0x2000  }
0x9e: {  	[sflag:s8] =	ssyncset.done $0x0  }
0x9f: {  	[sflag:s8] =	ssyncadd.s32 $0xFFFFE000  }
0xa0: {  	[spmem:s3] =	stream.indirect.scatter.add.f32 [tilespmem:s6], [sflag:$0xB], $0x40, s10, s30, $0xb8;
	[tilespmem:$0x1E500] =	vst v63  }
0xa1: {  	_ =	swait.ge [sflag:s23], $0x2000  }
0xa2: {  	s24 =	sadd.s32 s11, s21;
	[sflag:s23] =	ssyncset.done $0x0  }
0xa3: {  	s14 =	sadd.s32 $0x100, s24;
	[sflag:s23] =	ssyncadd.s32 $0xFFFFE000  }
0xa4: {  	[tilespmem:s28], [sflag:$0x4] =	stream.linear.gather [hbm4b:s14+s4], $0x100, $0x38;
	[tilespmem:$0x1E500] =	vst v63  }
0xa5: {  	_ =	swait.ge [sflag:s9], $0x100  }
0xa6: {  	[sflag:s9] =	ssyncset.done $0x0  }
0xa7: {  	[sflag:s9] =	ssyncadd.s32 $0xFFFFFF00  }
0xa8: {  	[tilespmem:s6], [sflag:$0x9] =	stream.indirect.gather [spmem:s2], $0x40, s28, s30, $0xb8;
	[tilespmem:$0x1E500] =	vst v63  }
0xa9: {  	_ =	swait.ge [sflag:s12], $0x2000  }
0xaa: {  	[sflag:s12] =	ssyncset.done $0x0  }
0xab: {  	[sflag:s12] =	ssyncadd.s32 $0xFFFFE000  }
0xac: {  	[spmem:s3] =	stream.indirect.scatter.add.f32 [tilespmem:s18], [sflag:$0xB], $0x40, s13, s30, $0xb8;
	[tilespmem:$0x1E500] =	vst v63  }
.Ltmp3:
0xad: {  	_ = 	snop;
	(pc) =	sbr.rel .LBB2_2-.Ltmp3, $4  }
0xae: {  	_ =	swait.ge [sflag:s23], $0x2000  }
0xaf: {  	s11 =	sadd.s32 $0xA0, s11;
	[sflag:s23] =	ssyncset.done $0x0  }
0xb0: {  	s25 =	sadd.s32 $0x5, s25;
	s0 =	sadd.s32 $0x120, s24;
	[sflag:s23] =	ssyncadd.s32 $0xFFFFE000  }
0xb1: {  	[tilespmem:s29], [sflag:$0x5] =	stream.linear.gather [hbm4b:s0+s4], $0x100, $0x38;
	[tilespmem:$0x1E500] =	vst v63  }
.LBB2_4:
0xb2: {  	_ =	swait.ge [sflag:s8], $0x2000  }
0xb3: {  	[sflag:s8] =	ssyncset.done $0x0  }
0xb4: {  	[sflag:s8] =	ssyncadd.s32 $0xFFFFE000  }
0xb5: {  	[spmem:s3] =	stream.indirect.scatter.add.f32 [tilespmem:s6], [sflag:$0xB], $0x40, s10, s30, $0xb8;
	[tilespmem:$0x1E500] =	vst v63  }
0xb6: {  	_ =	swait.ge [sflag:s23], $0x2000  }
0xb7: {  	[sflag:s23] =	ssyncset.done $0x0  }
0xb8: {  	[sflag:s23] =	ssyncadd.s32 $0xFFFFE000  }
0xb9: {  	_ =	swait.ge [sflag:s12], $0x2000  }
0xba: {  	[sflag:s12] =	ssyncset.done $0x0  }
0xbb: {  	[sflag:s12] =	ssyncadd.s32 $0xFFFFE000  }
0xbc: {  	[spmem:s3] =	stream.indirect.scatter.add.f32 [tilespmem:s18], [sflag:$0xB], $0x40, s13, s30, $0xb8;
	[tilespmem:$0x1E500] =	vst v63  }
0xbd: {  	_ =	swait.ge [sflag:s23], $0x2000  }
0xbe: {  	[sflag:s23] =	ssyncset.done $0x0  }
0xbf: {  	[sflag:s23] =	ssyncadd.s32 $0xFFFFE000  }
0xc0: {  	[bflag:$0x0] =	sbarrier.arrive $0xFFFF  }
0xc1: {  	s0 =	rddreg [dreg:$0x10]  }
0xc2: {  	s15 =	rddreg [dreg:$0x14]  }
0xc3: {  	s22 =	rddreg [dreg:$0x15]  }
0xc4: {  	[hbm:s0], [sflag:s15] =	dma.local [spmem:s22], $0x1400  }
0xc5: {  	_ =	swait.ge [sflag:s23], $0x1400  }
0xc6: {  	[sflag:s23] =	ssyncset.done $0x0  }
0xc7: {  	[sflag:s23] =	ssyncadd.s32 $0xFFFFEC00  }
0xc8: {  	[bflag:$0x0] =	sbarrier.arrive $0xFFFF  }
0xc9: {  	s25 =	rddreg [dreg:$0x6]  }
0xca: {  	s11 =	rddreg [dreg:$0xe]  }
0xcb: {  	s14 =	rddreg [dreg:$0x12]  }
0xcc: {  	[spmem:s14], [sflag:s25] =	dma.local [hbm:s11], $0x1400  }
0xcd: {  	s0 =	rddreg [dreg:$0x8]  }
0xce: {  	[spmem:s22], [sflag:s15] =	dma.local [hbm:s0], $0x1400  }
0xcf: {  	_ =	swait.ge [sflag:s23], $0x1400  }
0xd0: {  	[sflag:s23] =	ssyncset.done $0x0  }
0xd1: {  	s11 =	simm.s32 $0x1;
	[sflag:s23] =	ssyncadd.s32 $0xFFFFEC00  }
0xd2: {  	_ =	swait.ge [sflag:s11], $0x1400  }
0xd3: {  	[sflag:s11] =	ssyncset.done $0x0  }
0xd4: {  	s25 =	simm.s32 $0x0;
	s15 =	rddreg [dreg:$0x9];
	[sflag:s11] =	ssyncadd.s32 $0xFFFFEC00  }
0xd5: {  	[tilespmem:s25], [sflag:$0x1] =	stream.linear.gather [hbm4b:s15+s25], $0x100, $0x38;
	[tilespmem:$0x1E500] =	vst v63  }
0xd6: {  	s14 =	simm.s32 $0x100;
	s22 =	rddreg [dreg:$0xa]  }
0xd7: {  	[tilespmem:s14], [sflag:$0x2] =	stream.linear.gather [hbm4b:s22+s25], $0x100, $0x38;
	[tilespmem:$0x1E500] =	vst v63  }
0xd8: {  	s24 =	rddreg [dreg:$0xb]  }
0xd9: {  	[tilespmem:s26], [sflag:$0x3] =	stream.linear.gather [hbm4b:s24+s25], $0x100, $0x38;
	[tilespmem:$0x1E500] =	vst v63  }
0xda: {  	s15 =	rddreg [dreg:$0xc]  }
0xdb: {  	[tilespmem:s28], [sflag:$0x4] =	stream.linear.gather [hbm4b:s15+s25], $0x100, $0x38;
	[tilespmem:$0x1E500] =	vst v63  }
0xdc: {  	s22 =	rddreg [dreg:$0xd]  }
0xdd: {  	[tilespmem:s29], [sflag:$0x5] =	stream.linear.gather [hbm4b:s22+s25], $0x100, $0x38;
	[tilespmem:$0x1E500] =	vst v63  }
0xde: {  	[bflag:$0x0] =	sbarrier.arrive $0xFFFF  }
0xdf: {  	_ =	swait.ge [sflag:s11], $0x100  }
0xe0: {  	[sflag:s11] =	ssyncset.done $0x0  }
0xe1: {  	[sflag:s11] =	ssyncadd.s32 $0xFFFFFF00;
	s11 =	simm.s32 $0x2  }
0xe2: {  	[tilespmem:s31], [sflag:$0x6] =	stream.indirect.gather [spmem:s2], $0x40, s25, s30, $0xb8;
	[tilespmem:$0x1E500] =	vst v63  }
0xe3: {  	_ =	swait.ge [sflag:s11], $0x100  }
0xe4: {  	[sflag:s11] =	ssyncset.done $0x0  }
0xe5: {  	s24 =	simm.s32 $0x2500;
	[sflag:s11] =	ssyncadd.s32 $0xFFFFFF00  }
0xe6: {  	[tilespmem:s24], [sflag:$0x7] =	stream.indirect.gather [spmem:s2], $0x40, s14, s30, $0xb8;
	[tilespmem:$0x1E500] =	vst v63  }
0xe7: {  	_ =	swait.ge [sflag:s1], $0x100  }
0xe8: {  	[sflag:s1] =	ssyncset.done $0x0  }
0xe9: {  	[sflag:s1] =	ssyncadd.s32 $0xFFFFFF00  }
0xea: {  	[tilespmem:s7], [sflag:$0x8] =	stream.indirect.gather [spmem:s2], $0x40, s26, s30, $0xb8;
	[tilespmem:$0x1E500] =	vst v63  }
0xeb: {  	_ =	swait.ge [sflag:s9], $0x100  }
0xec: {  	[sflag:s9] =	ssyncset.done $0x0  }
0xed: {  	[sflag:s9] =	ssyncadd.s32 $0xFFFFFF00  }
0xee: {  	[tilespmem:s6], [sflag:$0x9] =	stream.indirect.gather [spmem:s2], $0x40, s28, s30, $0xb8;
	[tilespmem:$0x1E500] =	vst v63  }
.LBB2_5:
0xef: {  	_ =	swait.ge [sflag:s17], $0x100  }
0xf0: {  	[sflag:s17] =	ssyncset.done $0x0  }
0xf1: {  	[sflag:s17] =	ssyncadd.s32 $0xFFFFFF00  }
0xf2: {  	[tilespmem:s18], [sflag:$0xA] =	stream.indirect.gather [spmem:s2], $0x40, s29, s30, $0xb8;
	[tilespmem:$0x1E500] =	vst v63  }
0xf3: {  	_ =	swait.ge [sflag:s19], $0x2000  }
0xf4: {  	[sflag:s19] =	ssyncset.done $0x0  }
0xf5: {  	[sflag:s19] =	ssyncadd.s32 $0xFFFFE000  }
0xf6: {  	[spmem:s3] =	stream.indirect.scatter.add.f32 [tilespmem:s31], [sflag:$0xB], $0x40, s30, s30, $0xb8;
	[tilespmem:$0x1E500] =	vst v63  }
0xf7: {  	_ =	swait.ge [sflag:s23], $0x2000  }
0xf8: {  	p0 =	seq.s32 s25, $0x960;
	[sflag:s23] =	ssyncset.done $0x0  }
0xf9: {  	s0 =	simm.s32 @p0 $0x7;
	[sflag:s23] =	ssyncadd.s32 $0xFFFFE000  }
0xfa: {  	_ =	swait.ge @p0 [sflag:s0], $0x2000  }
0xfb: {  	s14 =	simm.s32 @p0 $0x180;
	[sflag:s0] =	ssyncset.done @p0 $0x0  }
0xfc: {  	s15 =	simm.s32 @p0 $0x2500;
	[sflag:s0] =	ssyncadd.s32 @p0 $0xFFFFE000;
	s0 =	simm.s32 @p0 $0x80  }
0xfd: {  	[spmem:s3] =	stream.indirect.scatter.add.f32 @p0 [tilespmem:s15], [sflag:$0xB], $0x40, s14, s0, $0xb8;
	[tilespmem:$0x1E500] =	vst v63  }
0xfe: {  	s0 =	simm.s32 @p0 $0xB  }
0xff: {  	_ =	swait.ge @p0 [sflag:s0], $0x2000  }
0x100: {  	s14 =	sadd.s32 @!p0 s25, s21;
	[sflag:s0] =	ssyncset.done @p0 $0x0  }
0x101: {  	s15 =	simm.s32 @!p0 $0x0;
	[sflag:s0] =	ssyncadd.s32 @p0 $0xFFFFE000;
	s0 =	sadd.s32 @!p0 $0xA0, s14  }
0x102: {  	[tilespmem:s15], [sflag:$0x1] =	stream.linear.gather @!p0 [hbm4b:s0+s15], $0x100, $0x38;
	[tilespmem:$0x1E500] =	vst v63  }
0x103: {  	s0 =	simm.s32 @!p0 $0x1  }
0x104: {  	_ =	swait.ge @!p0 [sflag:s0], $0x100  }
0x105: {  	[sflag:s0] =	ssyncset.done @!p0 $0x0  }
0x106: {  	s22 =	simm.s32 @!p0 $0x500;
	[sflag:s0] =	ssyncadd.s32 @!p0 $0xFFFFFF00;
	s0 =	simm.s32 @!p0 $0x80  }
0x107: {  	[tilespmem:s22], [sflag:$0x6] =	stream.indirect.gather @!p0 [spmem:s2], $0x40, s15, s0, $0xb8;
	[tilespmem:$0x1E500] =	vst v63  }
0x108: {  	s22 =	simm.s32 @!p0 $0x7  }
0x109: {  	_ =	swait.ge @!p0 [sflag:s22], $0x2000  }
0x10a: {  	[sflag:s22] =	ssyncset.done @!p0 $0x0  }
0x10b: {  	s24 =	simm.s32 @!p0 $0x2500;
	[sflag:s22] =	ssyncadd.s32 @!p0 $0xFFFFE000;
	s22 =	simm.s32 @!p0 $0x180  }
0x10c: {  	[spmem:s3] =	stream.indirect.scatter.add.f32 @!p0 [tilespmem:s24], [sflag:$0xB], $0x40, s22, s0, $0xb8;
	[tilespmem:$0x1E500] =	vst v63  }
0x10d: {  	s22 =	simm.s32 @!p0 $0xB  }
0x10e: {  	_ =	swait.ge @!p0 [sflag:s22], $0x2000  }
0x10f: {  	[sflag:s22] =	ssyncset.done @!p0 $0x0  }
0x110: {  	s14 =	sadd.s32 @!p0 $0xC0, s14;
	[sflag:s22] =	ssyncadd.s32 @!p0 $0xFFFFE000;
	s22 =	simm.s32 @!p0 $0x100  }
0x111: {  	[tilespmem:s22], [sflag:$0x2] =	stream.linear.gather @!p0 [hbm4b:s14+s15], $0x100, $0x38;
	[tilespmem:$0x1E500] =	vst v63  }
0x112: {  	s14 =	simm.s32 @!p0 $0x2  }
0x113: {  	_ =	swait.ge @!p0 [sflag:s14], $0x100  }
0x114: {  	[sflag:s14] =	ssyncset.done @!p0 $0x0  }
0x115: {  	[sflag:s14] =	ssyncadd.s32 @!p0 $0xFFFFFF00  }
0x116: {  	[tilespmem:s24], [sflag:$0x7] =	stream.indirect.gather @!p0 [spmem:s2], $0x40, s22, s0, $0xb8;
	[tilespmem:$0x1E500] =	vst v63  }
0x117: {  	_ =	swait.ge [sflag:s20], $0x2000  }
0x118: {  	[sflag:s20] =	ssyncset.done $0x0  }
.Ltmp4:
0x119: {  	s24 =	simm.s32 $0x280;
	[sflag:s20] =	ssyncadd.s32 $0xFFFFE000;
	(pc) =	sbr.rel @p0 .LBB2_7-.Ltmp4, $4  }
0x11a: {  	[spmem:s3] =	stream.indirect.scatter.add.f32 [tilespmem:s7], [sflag:$0xB], $0x40, s24, s30, $0xb8;
	[tilespmem:$0x1E500] =	vst v63  }
0x11b: {  	_ =	swait.ge [sflag:s23], $0x2000  }
0x11c: {  	[sflag:s23] =	ssyncset.done $0x0  }
0x11d: {  	[sflag:s23] =	ssyncadd.s32 $0xFFFFE000  }
0x11e: {  	s0 =	smov.u32 s11  }
0x11f: {  	s0 =	simm.s32 @p0 $0x4D  }
0x120: {  	s0 =	sadd.s32 s5, s0  }
0x121: {  	s0 =	sshll.u32 s0, $0x5  }
0x122: {  	s0 =	sadd.s32 s0, s16  }
0x123: {  	[tilespmem:s26], [sflag:$0x3] =	stream.linear.gather [hbm4b:s0+s4], $0x100, $0x38;
	[tilespmem:$0x1E500] =	vst v63  }
0x124: {  	_ =	swait.ge [sflag:s1], $0x100  }
0x125: {  	[sflag:s1] =	ssyncset.done $0x0  }
0x126: {  	[sflag:s1] =	ssyncadd.s32 $0xFFFFFF00  }
0x127: {  	[tilespmem:s7], [sflag:$0x8] =	stream.indirect.gather [spmem:s2], $0x40, s26, s30, $0xb8;
	[tilespmem:$0x1E500] =	vst v63  }
0x128: {  	_ =	swait.ge [sflag:s8], $0x2000  }
0x129: {  	[sflag:s8] =	ssyncset.done $0x0  }
0x12a: {  	[sflag:s8] =	ssyncadd.s32 $0xFFFFE000  }
0x12b: {  	[spmem:s3] =	stream.indirect.scatter.add.f32 [tilespmem:s6], [sflag:$0xB], $0x40, s10, s30, $0xb8;
	[tilespmem:$0x1E500] =	vst v63  }
0x12c: {  	_ =	swait.ge [sflag:s23], $0x2000  }
0x12d: {  	s24 =	sadd.s32 s25, s21;
	[sflag:s23] =	ssyncset.done $0x0  }
0x12e: {  	s14 =	sadd.s32 $0x100, s24;
	[sflag:s23] =	ssyncadd.s32 $0xFFFFE000  }
0x12f: {  	[tilespmem:s28], [sflag:$0x4] =	stream.linear.gather [hbm4b:s14+s4], $0x100, $0x38;
	[tilespmem:$0x1E500] =	vst v63  }
0x130: {  	_ =	swait.ge [sflag:s9], $0x100  }
0x131: {  	[sflag:s9] =	ssyncset.done $0x0  }
0x132: {  	[sflag:s9] =	ssyncadd.s32 $0xFFFFFF00  }
0x133: {  	[tilespmem:s6], [sflag:$0x9] =	stream.indirect.gather [spmem:s2], $0x40, s28, s30, $0xb8;
	[tilespmem:$0x1E500] =	vst v63  }
0x134: {  	_ =	swait.ge [sflag:s12], $0x2000  }
0x135: {  	[sflag:s12] =	ssyncset.done $0x0  }
0x136: {  	[sflag:s12] =	ssyncadd.s32 $0xFFFFE000  }
0x137: {  	[spmem:s3] =	stream.indirect.scatter.add.f32 [tilespmem:s18], [sflag:$0xB], $0x40, s13, s30, $0xb8;
	[tilespmem:$0x1E500] =	vst v63  }
.Ltmp5:
0x138: {  	_ = 	snop;
	(pc) =	sbr.rel .LBB2_5-.Ltmp5, $4  }
0x139: {  	_ =	swait.ge [sflag:s23], $0x2000  }
0x13a: {  	s25 =	sadd.s32 $0xA0, s25;
	[sflag:s23] =	ssyncset.done $0x0  }
0x13b: {  	s11 =	sadd.s32 $0x5, s11;
	s0 =	sadd.s32 $0x120, s24;
	[sflag:s23] =	ssyncadd.s32 $0xFFFFE000  }
0x13c: {  	[tilespmem:s29], [sflag:$0x5] =	stream.linear.gather [hbm4b:s0+s4], $0x100, $0x38;
	[tilespmem:$0x1E500] =	vst v63  }
.LBB2_8:
0x13d: {  	_ =	sfence.sel $0x180000  }
0x13e: {  	[bflag:$0x0] =	sbarrier.arrive $0xFFFF  }
0x13f: {  	_ =	strace $0x9000004A  }
0x140: {  	s0 =	stileid.u32;
	[bflag:$0x2] =	sbarrier.arrive $0xFFFF  }
0x141: {  	p0 =	sne.s32 s0, $0x0;
	s0 =	rddreg [dreg:$0x3]  }
0x142: {  	s0 =	sadd.s32 @!p0 $0x100000, s0  }
0x143: {  	[sflag:s0] =	ssyncadd.tile.s32 @!p0 $0x1;
	_ =	shalt  }
.Lfunc_end2:
_tile_overlayer_lowered:
.L_overlay_start_2:
0x144: {  	(tag) =	ssettag $0x2  }
0x145: {  	s0 =	rddreg [dreg:$0x0];
	s2 =	stileid.u32  }
0x146: {  	s1 =	rddreg [dreg:$0x1];
	p0 =	sne.s32 s2, $0x0  }
0x147: {  	s3 =	rddreg [dreg:$0x2];
	[bflag:$0x3] =	sbarrier.arrive $0xFFFF;
	s2 =	simm.s32 @!p0 $0x1C0B  }
0x148: {  	[timem:s3], [sflag:s2] =	dma.local @!p0 [hbm:s0], s1  }
0x149: {  	s0 =	simm.s32 @!p0 $0xB  }
0x14a: {  	_ =	swait.ge @!p0 [sflag:s0], s1  }
0x14b: {  	s1 =	ssub.s32 @!p0 $0x0, s1;
	[sflag:s0] =	ssyncset.done @!p0 $0x0  }
0x14c: {  	[sflag:s0] =	ssyncadd.s32 @!p0 s1  }
0x14d: {  	[bflag:$0x3] =	sbarrier.arrive $0xFFFF  }
0x14e: {  	_ =	shalt  }

// kernel: kernel.15.cloned.1.call-start
scs
__scs_entry_jumppad:
0x0: {  	(pc) =	sbr.rel $0x88, $3  }
0x1: {  	(tag) =	ssettag $0x0;
	lr =	simm.s32 $0x1  }
0x2: {  	[smem:$0x3F9B] =	sst lr;
	_ =	strace $0xD0000000  }
0x3: {  	_ = 	snop  }
0x4: {  	_ = 	snop  }
0x5: {  	_ = 	snop  }
0x6: {  	_ = 	snop  }
0x7: {  	_ = 	snop  }
__scs_overlays_trampoline_lowered:
0x8: {  	[smem:$0x3FAA] =	sst s0  }
0x9: {  	[smem:$0x3FAB] =	sst s1  }
0xa: {  	[smem:$0x3FAC] =	sst s2  }
0xb: {  	[smem:$0x3FAD] =	sst s3  }
0xc: {  	[smem:$0x3FAE] =	sst s4  }
0xd: {  	[smem:$0x3FAF] =	sst s5  }
0xe: {  	[smem:$0x3FB0] =	sst s6  }
0xf: {  	[smem:$0x3FB1] =	sst s7  }
0x10: {  	[smem:$0x3FB2] =	sst s8  }
0x11: {  	[smem:$0x3FB3] =	sst s9;
	s0 =	simm.s32 @!p0 $0x0  }
0x12: {  	s1 =	sld [smem:$0x3F99];
	s0 =	simm.s32 @p0 $0x1  }
0x13: {  	[smem:$0x3FB4] =	sst s0;
	s0 =	simm.s32 @!p1 $0x0  }
0x14: {  	s2 =	sld [smem:$0x3F98];
	s0 =	simm.s32 @p1 $0x1  }
0x15: {  	[smem:$0x3FB5] =	sst s0;
	s0 =	simm.s32 @!p2 $0x0  }
0x16: {  	s3 =	sld [smem:$0x3FDB];
	s0 =	simm.s32 @p2 $0x1  }
0x17: {  	s4 =	simm.s32 $0x1BF5;
	[smem:$0x3FB7] =	sst s0  }
0x18: {  	s0 =	sld [smem:$0x3F9A];
	_ =	swait.ge [sflag:s4], $0x0  }
0x19: {  	s7 =	sld [smem:$0x3F9B]  }
0x1a: {  	s8 =	sadd.s32 $0xFFFFE003, lr  }
0x1b: {  	s9 =	sadd.s32 $0xFFFFFEF7, lr;
	s5 =	simm.s32 $0xFFFFFFFF;
	p2 =	slt.u32 s8, $0xFFFFF086  }
0x1c: {  	p1 =	slt.u32 s9, $0xF7A;
	s5 =	simm.s32 @!p2 $0x0  }
0x1d: {  	s5 =	simm.s32 @p1 $0x1;
	p0 =	seq.s32 s7, s2  }
0x1e: {  	s7 =	smul.u32 @!p0 $0xF7A, s2;
	p2 =	seq.s32 @!p0 s5, $0x0  }
0x1f: {  	s9 =	smul.u32 $0xF7A, s1;
	s8 =	simm.s32 @!p0 $0x1BF5;
	p2 =	por !p2, p0  }
0x20: {  	[sflag:s8] =	ssyncset.s32 @!p0 $0xFFFFF086;
	s6 =	sadd.s32 @!p0 s3, s7;
	s7 =	simm.s32 @!p0 $0x108  }
0x21: {  	s3 =	sadd.s32 s3, s9;
	s6 =	sadd.s32 @!p0 $0x88, s6;
	s7 =	simm.s32 @p2 $0x1082  }
0x22: {  	[simem:s7], [sflag:s8] =	dma.local @!p0 [hbm:s6], $0xF7A  }
0x23: {  	s9 =	sor.u32 $0xD0000000, s2;
	s6 =	simm.s32 $0x108;
	_ =	swait.ge @!p0 [sflag:s8], $0x0  }
0x24: {  	s3 =	sadd.s32 $0x88, s3;
	s6 =	simm.s32 @!p1 $0x1082;
	[sflag:s4] =	ssyncset.s32 $0xFFFFF086  }
0x25: {  	[simem:s6], [sflag:s4] =	dma.local [hbm:s3], $0xF7A  }
0x26: {  	[smem:$0x3F9B] =	sst s1;
	(tag) =	ssettag s2;
	_ =	strace s9  }
0x27: {  	s1 =	sld [smem:$0x3FAB]  }
0x28: {  	s2 =	sld [smem:$0x3FAC]  }
0x29: {  	s4 =	sld [smem:$0x3FAE]  }
0x2a: {  	p0 =	seq.s32 s5, $0x0;
	s5 =	sld [smem:$0x3FAF]  }
0x2b: {  	s6 =	sld [smem:$0x3FB0]  }
0x2c: {  	s7 =	sld [smem:$0x3FB1]  }
0x2d: {  	s3 =	simm.s32 $0x108;
	s8 =	sld [smem:$0x3FB2]  }
0x2e: {  	s3 =	simm.s32 @!p0 $0x1082;
	s9 =	sld [smem:$0x3FB3]  }
0x2f: {  	lr =	sadd.s32 s0, s3;
	s0 =	sld [smem:$0x3FAA]  }
0x30: {  	s3 =	sld [smem:$0x3FAD]  }
0x31: {  	[smem:$0x3FB6] =	sst s10  }
0x32: {  	s10 =	sld [smem:$0x3FB4];
	_ =	sdelay $0x3  }
0x33: {  	p0 =	seq.s32 s10, $0x1;
	s10 =	sld [smem:$0x3FB6];
	_ =	sdelay $0x3  }
0x34: {  	[smem:$0x3FB6] =	sst s10  }
0x35: {  	s10 =	sld [smem:$0x3FB5];
	_ =	sdelay $0x3  }
0x36: {  	p1 =	seq.s32 s10, $0x1;
	s10 =	sld [smem:$0x3FB6];
	_ =	sdelay $0x3  }
0x37: {  	[smem:$0x3FB6] =	sst s10  }
0x38: {  	s10 =	sld [smem:$0x3FB7]  }
0x39: {  	_ = 	snop;
	(pc) =	sbr.ind lr, $3  }
0x3a: {  	_ = 	snop  }
0x3b: {  	_ = 	snop  }
0x3c: {  	p2 =	seq.s32 s10, $0x1;
	s10 =	sld [smem:$0x3FB6]  }
0x3d: {  	_ =	shalt  }
0x3e: {  	_ =	shalt  }
0x3f: {  	_ =	shalt  }
0x40: {  	_ =	shalt  }
0x41: {  	_ =	shalt  }
0x42: {  	_ =	shalt  }
0x43: {  	_ =	shalt  }
0x44: {  	_ =	shalt  }
0x45: {  	_ =	shalt  }
0x46: {  	_ =	shalt  }
0x47: {  	_ =	shalt  }
0x48: {  	_ =	shalt  }
0x49: {  	_ =	shalt  }
0x4a: {  	_ =	shalt  }
0x4b: {  	_ =	shalt  }
0x4c: {  	_ =	shalt  }
0x4d: {  	_ =	shalt  }
0x4e: {  	_ =	shalt  }
0x4f: {  	_ =	shalt  }
0x50: {  	_ =	shalt  }
0x51: {  	_ =	shalt  }
0x52: {  	_ =	shalt  }
0x53: {  	_ =	shalt  }
0x54: {  	_ =	shalt  }
0x55: {  	_ =	shalt  }
0x56: {  	_ =	shalt  }
0x57: {  	_ =	shalt  }
0x58: {  	_ =	shalt  }
0x59: {  	_ =	shalt  }
0x5a: {  	_ =	shalt  }
0x5b: {  	_ =	shalt  }
0x5c: {  	_ =	shalt  }
0x5d: {  	_ =	shalt  }
0x5e: {  	_ =	shalt  }
0x5f: {  	_ =	shalt  }
0x60: {  	_ =	shalt  }
0x61: {  	_ =	shalt  }
0x62: {  	_ =	shalt  }
0x63: {  	_ =	shalt  }
0x64: {  	_ =	shalt  }
0x65: {  	_ =	shalt  }
0x66: {  	_ =	shalt  }
0x67: {  	_ =	shalt  }
0x68: {  	_ =	shalt  }
0x69: {  	_ =	shalt  }
0x6a: {  	_ =	shalt  }
0x6b: {  	_ =	shalt  }
0x6c: {  	_ =	shalt  }
0x6d: {  	_ =	shalt  }
0x6e: {  	_ =	shalt  }
0x6f: {  	_ =	shalt  }
0x70: {  	_ =	shalt  }
0x71: {  	_ =	shalt  }
0x72: {  	_ =	shalt  }
0x73: {  	_ =	shalt  }
0x74: {  	_ =	shalt  }
0x75: {  	_ =	shalt  }
0x76: {  	_ =	shalt  }
0x77: {  	_ =	shalt  }
0x78: {  	_ =	shalt  }
0x79: {  	_ =	shalt  }
0x7a: {  	_ =	shalt  }
0x7b: {  	_ =	shalt  }
0x7c: {  	_ =	shalt  }
0x7d: {  	_ =	shalt  }
0x7e: {  	_ =	shalt  }
0x7f: {  	_ =	shalt  }
0x80: {  	_ =	shalt  }
0x81: {  	_ =	shalt  }
0x82: {  	_ =	shalt  }
0x83: {  	_ =	shalt  }
0x84: {  	_ =	shalt  }
0x85: {  	_ =	shalt  }
0x86: {  	_ =	shalt  }
0x87: {  	_ =	shalt  }
.Lfunc_end0:
.L_simem_size_0:
called_computation.2_lowered:
.L_overlay_start_0:
0x88: {  	s2 =	sld [smem:$0x3FD9]  }
0x89: {  	s3 =	sld [smem:$0x3FFE];
	_ =	sdelay $0x1  }
0x8a: {  	s1 =	srdreg.scid  }
0x8b: {  	s0 =	sand.u32 $0x1, s1  }
0x8c: {  	s16 =	sshll.u32 s0, $0xA;
	s2 =	sadd.s32 s3, s2  }
0x8d: {  	s2 =	sadd.s32 s2, s16  }
0x8e: {  	[smem:$0x3FC2] =	sst s2  }
0x8f: {  	_ = 	snop  }
0x90: {  	(tm) =	ssettm $0x1  }
0x91: {  	s17 =	sld [smem:$0x3FFB];
	_ =	sdelay $0x3  }
0x92: {  	_ =	strace s17  }
0x93: {  	s2 =	sld [smem:$0x3FFC];
	_ =	sdelay $0x3  }
0x94: {  	_ =	strace s2  }
0x95: {  	s2 =	sld [smem:$0x3FFD];
	_ =	sdelay $0x3  }
0x96: {  	_ =	strace s2  }
0x97: {  	_ =	strace $0x8FFFFFFF  }
0x98: {  	s18 =	sld [smem:$0x3FDB];
	_ =	sdelay $0x1  }
0x99: {  	s19 =	simm.s32 $_scs_section_size  }
0x9a: {  	s4 =	simm.s32 $_size__tile_overlayer_lowered;
	s5 =	simm.s32 $_tile_overlayer_lowered  }
0x9b: {  	s22 =	simm.s32 $0x1BFF;
	s21 =	sshll.u32 s5, $0x1;
	s2 =	sadd.s32 s19, s18  }
0x9c: {  	s6 =	simm.s32 $0x0;
	s20 =	sshll.u32 s4, $0x1;
	s4 =	sadd.s32 s21, s2  }
0x9d: {  	[timem:s6], [sflag:s22] =	dma.local [hbm:s4], s20  }
0x9e: {  	_ =	swait.ge [sflag:s22], s20  }
0x9f: {  	s3 =	ssub.s32 $0x0, s20;
	[sflag:s22] =	ssyncset.done $0x0  }
0xa0: {  	[sflag:s22] =	ssyncadd.s32 s3;
	_ =	sdelay $0x1  }
0xa1: {  	s23 =	simm.s32 $0x1B8B  }
0xa2: {  	_ =	swait.ge [sflag:s23], $0x1  }
0xa3: {  	[sflag:s23] =	ssyncset.done $0x0  }
0xa4: {  	s25 =	simm.s32 $0x1B8E;
	s24 =	sld [smem:$0x3FFE];
	[sflag:s23] =	ssyncadd.s32 $0xFFFFFFFF  }
0xa5: {  	s26 =	simm.s32 $execute0_lowered;
	[smem:$0x3FD2] =	sst s25  }
0xa6: {  	s4 =	sshll.u32 s26, $0x1;
	_ =	strace $0x8000004C;
	[dreg:$0x1] =	wrdreg $0xFFFFFFFF  }
0xa7: {  	s28 =	simm.s32 $_size_execute0_lowered;
	s2 =	sadd.s32 s2, s4;
	[dreg:$0x0] =	wrdreg $0x0  }
0xa8: {  	s4 =	sshll.u32 s28, $0x1;
	[dreg:$0x2] =	wrdreg s2  }
0xa9: {  	[dreg:$0x3] =	wrdreg s4  }
0xaa: {  	[dreg:$0x4] =	wrdreg $0xC0  }
0xab: {  	_ =	task [dreg:s6], $0x5FFFF  }
0xac: {  	[dreg:$0x1] =	wrdreg $0xFFFFFFFF  }
0xad: {  	[dreg:$0x0] =	wrdreg $0x60  }
0xae: {  	[dreg:$0x2] =	wrdreg s24  }
0xaf: {  	[dreg:$0x3] =	wrdreg $0xA5000  }
0xb0: {  	[dreg:$0x4] =	wrdreg $0x145000  }
0xb1: {  	[dreg:$0x5] =	wrdreg $0x9  }
0xb2: {  	_ =	task.clear_ibuf [dreg:s6], $0x6FFFF;
	_ =	strace $0x9000004C  }
0xb3: {  	s29 =	simm.s32 $0x9;
	_ =	strace $0x8000004E  }
0xb4: {  	_ =	swait.ge [sflag:s29], $0x1  }
0xb5: {  	[sflag:s29] =	ssyncadd.s32 $0xFFFFFFFF  }
0xb6: {  	_ =	strace $0x9000004E  }
0xb7: {  	_ =	sfence  }
0xb8: {  	s30 =	sld [smem:$0x0];
	_ =	sdelay $0x2  }
0xb9: {  	s31 =	sshll.u32 s1, $0xD;
	s1 =	sshrl.u32 s1, $0x2  }
0xba: {  	s3 =	sand.u32 $0x4000, s31;
	s1 =	sadd.s32 s1, s30  }
0xbb: {  	s0 =	sor.u32 s3, s0;
	s1 =	sshll.u32 s1, $0x11  }
0xbc: {  	s0 =	sor.u32 s1, s0  }
0xbd: {  	s0 =	sadd.s32 $0x8F2B, s0  }
0xbe: {  	[sflag:s0] =	ssyncadd.remote.s32 $0x1  }
0xbf: {  	_ =	sfence.sel $0xFFFF  }
0xc0: {  	[dreg:$0x0] =	wrdreg $0xFFFFFFFF;
	(pc) =	sbr.abs _section_cstart, $3  }
0xc1: {  	[dreg:$0x1] =	wrdreg $0xFFFFFFFF  }
0xc2: {  	_ =	task.clear_ibuf [dreg:s6], $0x2FFFF;
	_ =	strace $0x9FFFFFFF  }
0xc3: {  	(tm) =	ssettm $0x7FFFFFFF  }
tec
execute0_lowered:
.L_overlay_start_1:
0x0: {  	(tag) =	ssettag $0x1  }
0x1: {  	s0 =	rddreg [dreg:$0x0]  }
0x2: {  	s2 =	rddreg [dreg:$0x1]  }
0x3: {  	s3 =	rddreg [dreg:$0x2];
	s4 =	simm.s32 $0x0;
	s16 =	stileid.u32  }
0x4: {  	s5 =	srdreg.scid;
	s28 =	simm.s32 $0x300;
	s29 =	simm.s32 $0x400  }
0x5: {  	s30 =	simm.s32 $0x80;
	s31 =	simm.s32 $0x500;
	[smem:$0x7FF] =	sst s4  }
0x6: {  	s1 =	smul.u32 $0xA000, s16;
	s6 =	sadd.s32 $0xDC00, s0;
	s9 =	sadd.s32 $0x111C00, s0  }
0x7: {  	s10 =	sand.u32 $0x1, s5;
	s11 =	sadd.s32 $0xFDC00, s0;
	s12 =	sshll.u32 s16, $0x1  }
0x8: {  	s13 =	sadd.s32 $0xE9C00, s0;
	s15 =	sadd.s32 $0xD5C00, s0;
	s18 =	sshll.u32 s16, $0x6  }
0x9: {  	s20 =	smul.u32 $0x1400, s16;
	s16 =	sadd.s32 $0xDCA0, s0;
	_ =	strace $0x8000004D  }
0xa: {  	s5 =	ssub.s32 $0x2, s10;
	s12 =	sor.u32 s10, s12;
	[dreg:$0x4] =	wrdreg s18  }
0xb: {  	s18 =	sor.u32 $0x1C01, s18;
	p0 =	seq.s32 s10, $0x0;
	s22 =	smul.u32 $0xA00, s10  }
0xc: {  	s10 =	simm.s32 $0x380;
	s7 =	sshrl.u32 s1, $0x3;
	s14 =	sshrl.u32 s5, $0x1  }
0xd: {  	s17 =	sadd.s32 s1, s2;
	[dreg:$0x6] =	wrdreg s18;
	s1 =	sadd.s32 s1, s3  }
0xe: {  	s13 =	smov.u32 @p0 s9;
	s15 =	smov.u32 @p0 s11;
	s9 =	simm.s32 $0x4  }
0xf: {  	s11 =	simm.s32 $0x0;
	s8 =	sadd.s32 s7, s0;
	s14 =	ssub.s32 s5, s14  }
0x10: {  	s5 =	smul.u32 $0x50, s12;
	[dreg:$0x7] =	wrdreg s1;
	s24 =	sadd.s32 s13, s7  }
0x11: {  	s12 =	smul.u32 $0xA00, s12;
	s19 =	sadd.s32 $0xADC00, s8;
	[dreg:$0x10] =	wrdreg s24  }
0x12: {  	s1 =	sadd.s32 s20, s6;
	s25 =	sadd.s32 $0xC1C00, s8;
	[dreg:$0x5] =	wrdreg s19  }
0x13: {  	s20 =	simm.s32 $0x8;
	s8 =	sadd.s32 $0x99C00, s8;
	[dreg:$0x8] =	wrdreg s25  }
0x14: {  	s13 =	simm.s32 $0x480;
	s23 =	smax.u32 s14, $0x1;
	[dreg:$0xe] =	wrdreg s8  }
0x15: {  	s12 =	sadd.s32 s6, s12;
	[dreg:$0xf] =	wrdreg s23;
	s25 =	sadd.s32 s15, s7  }
0x16: {  	s23 =	simm.s32 $0xB;
	s7 =	simm.s32 $0x4500;
	[dreg:$0x9] =	wrdreg s12  }
0x17: {  	s6 =	simm.s32 $0x6500;
	s26 =	sadd.s32 $0x20, s12;
	[dreg:$0x11] =	wrdreg s25  }
0x18: {  	s8 =	simm.s32 $0x9;
	s18 =	sadd.s32 $0x40, s12;
	[dreg:$0xa] =	wrdreg s26  }
.Ltmp0:
0x19: {  	s19 =	sadd.s32 $0x60, s12;
	[dreg:$0xb] =	wrdreg s18;
	(pc) =	sbr.rel .LBB2_1-.Ltmp0, $4  }
0x1a: {  	s21 =	sadd.s32 $0x80, s12;
	s12 =	simm.s32 $0xA;
	[dreg:$0xc] =	wrdreg s19  }
0x1b: {  	[dreg:$0xd] =	wrdreg s21;
	s21 =	sadd.s32 s22, s1;
	s26 =	sshrl.u32 s17, $0x3  }
0x1c: {  	s1 =	simm.s32 $0x3;
	s17 =	simm.s32 $0x5;
	s18 =	simm.s32 $0x8500  }
0x1d: {  	s19 =	simm.s32 $0x6;
	[dreg:$0x12] =	wrdreg s26;
	s26 =	simm.s32 $0x200  }
.LBB2_7:
0x1e: {  	_ =	swait.ge [sflag:s8], $0x2000  }
0x1f: {  	[sflag:s8] =	ssyncset.done $0x0  }
0x20: {  	[sflag:s8] =	ssyncadd.s32 $0xFFFFE000  }
0x21: {  	[spmem:s3] =	stream.indirect.scatter.add.f32 [tilespmem:s6], [sflag:$0xB], $0x40, s10, s30, $0xb8;
	[tilespmem:$0x1E500] =	vst v63  }
0x22: {  	_ =	swait.ge [sflag:s23], $0x2000  }
0x23: {  	[sflag:s23] =	ssyncset.done $0x0  }
0x24: {  	[sflag:s23] =	ssyncadd.s32 $0xFFFFE000  }
0x25: {  	_ =	swait.ge [sflag:s12], $0x2000  }
0x26: {  	[sflag:s12] =	ssyncset.done $0x0  }
0x27: {  	[sflag:s12] =	ssyncadd.s32 $0xFFFFE000  }
0x28: {  	[spmem:s3] =	stream.indirect.scatter.add.f32 [tilespmem:s18], [sflag:$0xB], $0x40, s13, s30, $0xb8;
	[tilespmem:$0x1E500] =	vst v63  }
0x29: {  	_ =	swait.ge [sflag:s23], $0x2000  }
0x2a: {  	[sflag:s23] =	ssyncset.done $0x0  }
0x2b: {  	[sflag:s23] =	ssyncadd.s32 $0xFFFFE000  }
0x2c: {  	[bflag:$0x0] =	sbarrier.arrive $0xFFFF  }
0x2d: {  	s0 =	rddreg [dreg:$0x11]  }
0x2e: {  	s11 =	rddreg [dreg:$0x14]  }
0x2f: {  	s14 =	rddreg [dreg:$0x15]  }
0x30: {  	[hbm:s0], [sflag:s11] =	dma.local [spmem:s14], $0x1400  }
0x31: {  	_ =	swait.ge [sflag:s23], $0x1400  }
0x32: {  	s24 =	rddreg [dreg:$0x13]  }
0x33: {  	s25 =	rddreg [dreg:$0xf];
	s11 =	sadd.s32 $0x1, s24  }
0x34: {  	p0 =	sne.s32 s11, s25  }
.Ltmp1:
0x35: {  	_ = 	snop;
	(pc) =	sbr.rel @!p0 .LBB2_8-.Ltmp1, $3  }
0x36: {  	[sflag:s23] =	ssyncset.done $0x0  }
0x37: {  	[sflag:s23] =	ssyncadd.s32 $0xFFFFEC00  }
0x38: {  	[bflag:$0x0] =	sbarrier.arrive $0xFFFF;
	_ =	sdelay $0x1  }
.LBB2_1:
0x39: {  	[dreg:$0x13] =	wrdreg s11  }
0x3a: {  	s0 =	rddreg [dreg:$0x5]  }
0x3b: {  	s22 =	rddreg [dreg:$0x6]  }
0x3c: {  	s14 =	rddreg [dreg:$0x12]  }
0x3d: {  	[spmem:s14], [sflag:s22] =	dma.local [hbm:s0], $0x1400  }
0x3e: {  	s0 =	rddreg [dreg:$0x4]  }
0x3f: {  	s25 =	rddreg [dreg:$0x7]  }
0x40: {  	s15 =	rddreg [dreg:$0x8];
	s24 =	sor.u32 $0x1C0B, s0  }
0x41: {  	s0 =	sshrl.u32 s25, $0x3;
	[dreg:$0x14] =	wrdreg s24  }
0x42: {  	[dreg:$0x15] =	wrdreg s0  }
0x43: {  	[spmem:s0], [sflag:s24] =	dma.local [hbm:s15], $0x1400  }
0x44: {  	_ =	swait.ge [sflag:s23], $0x1400  }
0x45: {  	[sflag:s23] =	ssyncset.done $0x0  }
0x46: {  	s11 =	simm.s32 $0x1;
	[sflag:s23] =	ssyncadd.s32 $0xFFFFEC00  }
0x47: {  	_ =	swait.ge [sflag:s11], $0x1400  }
0x48: {  	[sflag:s11] =	ssyncset.done $0x0  }
0x49: {  	s22 =	rddreg [dreg:$0x9];
	[sflag:s11] =	ssyncadd.s32 $0xFFFFEC00  }
0x4a: {  	[tilespmem:s4], [sflag:$0x1] =	stream.linear.gather [hbm4b:s22+s4], $0x100, $0x38;
	[tilespmem:$0x1E500] =	vst v63  }
0x4b: {  	s14 =	simm.s32 $0x100;
	s24 =	rddreg [dreg:$0xa]  }
0x4c: {  	[tilespmem:s14], [sflag:$0x2] =	stream.linear.gather [hbm4b:s24+s4], $0x100, $0x38;
	[tilespmem:$0x1E500] =	vst v63  }
0x4d: {  	s25 =	rddreg [dreg:$0xb]  }
0x4e: {  	[tilespmem:s26], [sflag:$0x3] =	stream.linear.gather [hbm4b:s25+s4], $0x100, $0x38;
	[tilespmem:$0x1E500] =	vst v63  }
0x4f: {  	s15 =	rddreg [dreg:$0xc]  }
0x50: {  	[tilespmem:s28], [sflag:$0x4] =	stream.linear.gather [hbm4b:s15+s4], $0x100, $0x38;
	[tilespmem:$0x1E500] =	vst v63  }
0x51: {  	s22 =	rddreg [dreg:$0xd]  }
0x52: {  	[tilespmem:s29], [sflag:$0x5] =	stream.linear.gather [hbm4b:s22+s4], $0x100, $0x38;
	[tilespmem:$0x1E500] =	vst v63  }
0x53: {  	[bflag:$0x0] =	sbarrier.arrive $0xFFFF  }
0x54: {  	_ =	swait.ge [sflag:s11], $0x100  }
0x55: {  	[sflag:s11] =	ssyncset.done $0x0  }
0x56: {  	s25 =	simm.s32 $0x2;
	[sflag:s11] =	ssyncadd.s32 $0xFFFFFF00  }
0x57: {  	[tilespmem:s31], [sflag:$0x6] =	stream.indirect.gather [spmem:s2], $0x40, s4, s30, $0xb8;
	[tilespmem:$0x1E500] =	vst v63  }
0x58: {  	_ =	swait.ge [sflag:s25], $0x100  }
0x59: {  	[sflag:s25] =	ssyncset.done $0x0  }
0x5a: {  	s24 =	simm.s32 $0x2500;
	[sflag:s25] =	ssyncadd.s32 $0xFFFFFF00  }
0x5b: {  	[tilespmem:s24], [sflag:$0x7] =	stream.indirect.gather [spmem:s2], $0x40, s14, s30, $0xb8;
	[tilespmem:$0x1E500] =	vst v63  }
0x5c: {  	_ =	swait.ge [sflag:s1], $0x100  }
0x5d: {  	[sflag:s1] =	ssyncset.done $0x0  }
0x5e: {  	[sflag:s1] =	ssyncadd.s32 $0xFFFFFF00  }
0x5f: {  	[tilespmem:s7], [sflag:$0x8] =	stream.indirect.gather [spmem:s2], $0x40, s26, s30, $0xb8;
	[tilespmem:$0x1E500] =	vst v63  }
0x60: {  	_ =	swait.ge [sflag:s9], $0x100  }
0x61: {  	[sflag:s9] =	ssyncset.done $0x0  }
0x62: {  	s11 =	simm.s32 $0x0;
	[sflag:s9] =	ssyncadd.s32 $0xFFFFFF00  }
0x63: {  	[tilespmem:s6], [sflag:$0x9] =	stream.indirect.gather [spmem:s2], $0x40, s28, s30, $0xb8;
	[tilespmem:$0x1E500] =	vst v63  }
.LBB2_2:
0x64: {  	_ =	swait.ge [sflag:s17], $0x100  }
0x65: {  	[sflag:s17] =	ssyncset.done $0x0  }
0x66: {  	[sflag:s17] =	ssyncadd.s32 $0xFFFFFF00  }
0x67: {  	[tilespmem:s18], [sflag:$0xA] =	stream.indirect.gather [spmem:s2], $0x40, s29, s30, $0xb8;
	[tilespmem:$0x1E500] =	vst v63  }
0x68: {  	_ =	swait.ge [sflag:s19], $0x2000  }
0x69: {  	[sflag:s19] =	ssyncset.done $0x0  }
0x6a: {  	[sflag:s19] =	ssyncadd.s32 $0xFFFFE000  }
0x6b: {  	[spmem:s3] =	stream.indirect.scatter.add.f32 [tilespmem:s31], [sflag:$0xB], $0x40, s30, s30, $0xb8;
	[tilespmem:$0x1E500] =	vst v63  }
0x6c: {  	_ =	swait.ge [sflag:s23], $0x2000  }
0x6d: {  	p0 =	seq.s32 s11, $0x960;
	[sflag:s23] =	ssyncset.done $0x0  }
0x6e: {  	s15 =	simm.s32 @p0 $0x7;
	[sflag:s23] =	ssyncadd.s32 $0xFFFFE000  }
0x6f: {  	_ =	swait.ge @p0 [sflag:s15], $0x2000  }
0x70: {  	s22 =	simm.s32 @p0 $0x180;
	[sflag:s15] =	ssyncset.done @p0 $0x0  }
0x71: {  	s24 =	simm.s32 @p0 $0x2500;
	[sflag:s15] =	ssyncadd.s32 @p0 $0xFFFFE000;
	s15 =	simm.s32 @p0 $0x80  }
0x72: {  	[spmem:s3] =	stream.indirect.scatter.add.f32 @p0 [tilespmem:s24], [sflag:$0xB], $0x40, s22, s15, $0xb8;
	[tilespmem:$0x1E500] =	vst v63  }
0x73: {  	s15 =	simm.s32 @p0 $0xB  }
0x74: {  	_ =	swait.ge @p0 [sflag:s15], $0x2000  }
0x75: {  	s22 =	sadd.s32 @!p0 s11, s21;
	[sflag:s15] =	ssyncset.done @p0 $0x0  }
0x76: {  	s24 =	simm.s32 @!p0 $0x0;
	[sflag:s15] =	ssyncadd.s32 @p0 $0xFFFFE000;
	s15 =	sadd.s32 @!p0 $0xA0, s22  }
0x77: {  	[tilespmem:s24], [sflag:$0x1] =	stream.linear.gather @!p0 [hbm4b:s15+s24], $0x100, $0x38;
	[tilespmem:$0x1E500] =	vst v63  }
0x78: {  	s15 =	simm.s32 @!p0 $0x1  }
0x79: {  	_ =	swait.ge @!p0 [sflag:s15], $0x100  }
0x7a: {  	[sflag:s15] =	ssyncset.done @!p0 $0x0  }
0x7b: {  	s14 =	simm.s32 @!p0 $0x500;
	[sflag:s15] =	ssyncadd.s32 @!p0 $0xFFFFFF00;
	s15 =	simm.s32 @!p0 $0x80  }
0x7c: {  	[tilespmem:s14], [sflag:$0x6] =	stream.indirect.gather @!p0 [spmem:s2], $0x40, s24, s15, $0xb8;
	[tilespmem:$0x1E500] =	vst v63  }
0x7d: {  	s14 =	simm.s32 @!p0 $0x7  }
0x7e: {  	_ =	swait.ge @!p0 [sflag:s14], $0x2000  }
0x7f: {  	[sflag:s14] =	ssyncset.done @!p0 $0x0  }
0x80: {  	s0 =	simm.s32 @!p0 $0x2500;
	[sflag:s14] =	ssyncadd.s32 @!p0 $0xFFFFE000;
	s14 =	simm.s32 @!p0 $0x180  }
0x81: {  	[spmem:s3] =	stream.indirect.scatter.add.f32 @!p0 [tilespmem:s0], [sflag:$0xB], $0x40, s14, s15, $0xb8;
	[tilespmem:$0x1E500] =	vst v63  }
0x82: {  	s14 =	simm.s32 @!p0 $0xB  }
0x83: {  	_ =	swait.ge @!p0 [sflag:s14], $0x2000  }
0x84: {  	[sflag:s14] =	ssyncset.done @!p0 $0x0  }
0x85: {  	[sflag:s14] =	ssyncadd.s32 @!p0 $0xFFFFE000;
	s14 =	sadd.s32 @!p0 $0xC0, s22;
	s22 =	simm.s32 @!p0 $0x100  }
0x86: {  	[tilespmem:s22], [sflag:$0x2] =	stream.linear.gather @!p0 [hbm4b:s14+s24], $0x100, $0x38;
	[tilespmem:$0x1E500] =	vst v63  }
0x87: {  	s14 =	simm.s32 @!p0 $0x2  }
0x88: {  	_ =	swait.ge @!p0 [sflag:s14], $0x100  }
0x89: {  	[sflag:s14] =	ssyncset.done @!p0 $0x0  }
0x8a: {  	[sflag:s14] =	ssyncadd.s32 @!p0 $0xFFFFFF00  }
0x8b: {  	[tilespmem:s0], [sflag:$0x7] =	stream.indirect.gather @!p0 [spmem:s2], $0x40, s22, s15, $0xb8;
	[tilespmem:$0x1E500] =	vst v63  }
0x8c: {  	_ =	swait.ge [sflag:s20], $0x2000  }
0x8d: {  	[sflag:s20] =	ssyncset.done $0x0  }
.Ltmp2:
0x8e: {  	s24 =	simm.s32 $0x280;
	[sflag:s20] =	ssyncadd.s32 $0xFFFFE000;
	(pc) =	sbr.rel @p0 .LBB2_4-.Ltmp2, $4  }
0x8f: {  	[spmem:s3] =	stream.indirect.scatter.add.f32 [tilespmem:s7], [sflag:$0xB], $0x40, s24, s30, $0xb8;
	[tilespmem:$0x1E500] =	vst v63  }
0x90: {  	_ =	swait.ge [sflag:s23], $0x2000  }
0x91: {  	[sflag:s23] =	ssyncset.done $0x0  }
0x92: {  	[sflag:s23] =	ssyncadd.s32 $0xFFFFE000  }
0x93: {  	s0 =	smov.u32 s25  }
0x94: {  	s0 =	simm.s32 @p0 $0x4D  }
0x95: {  	s0 =	sadd.s32 s5, s0  }
0x96: {  	s0 =	sshll.u32 s0, $0x5  }
0x97: {  	s0 =	sadd.s32 s0, s16  }
0x98: {  	[tilespmem:s26], [sflag:$0x3] =	stream.linear.gather [hbm4b:s0+s4], $0x100, $0x38;
	[tilespmem:$0x1E500] =	vst v63  }
0x99: {  	_ =	swait.ge [sflag:s1], $0x100  }
0x9a: {  	[sflag:s1] =	ssyncset.done $0x0  }
0x9b: {  	[sflag:s1] =	ssyncadd.s32 $0xFFFFFF00  }
0x9c: {  	[tilespmem:s7], [sflag:$0x8] =	stream.indirect.gather [spmem:s2], $0x40, s26, s30, $0xb8;
	[tilespmem:$0x1E500] =	vst v63  }
0x9d: {  	_ =	swait.ge [sflag:s8], $0x2000  }
0x9e: {  	[sflag:s8] =	ssyncset.done $0x0  }
0x9f: {  	[sflag:s8] =	ssyncadd.s32 $0xFFFFE000  }
0xa0: {  	[spmem:s3] =	stream.indirect.scatter.add.f32 [tilespmem:s6], [sflag:$0xB], $0x40, s10, s30, $0xb8;
	[tilespmem:$0x1E500] =	vst v63  }
0xa1: {  	_ =	swait.ge [sflag:s23], $0x2000  }
0xa2: {  	s24 =	sadd.s32 s11, s21;
	[sflag:s23] =	ssyncset.done $0x0  }
0xa3: {  	s14 =	sadd.s32 $0x100, s24;
	[sflag:s23] =	ssyncadd.s32 $0xFFFFE000  }
0xa4: {  	[tilespmem:s28], [sflag:$0x4] =	stream.linear.gather [hbm4b:s14+s4], $0x100, $0x38;
	[tilespmem:$0x1E500] =	vst v63  }
0xa5: {  	_ =	swait.ge [sflag:s9], $0x100  }
0xa6: {  	[sflag:s9] =	ssyncset.done $0x0  }
0xa7: {  	[sflag:s9] =	ssyncadd.s32 $0xFFFFFF00  }
0xa8: {  	[tilespmem:s6], [sflag:$0x9] =	stream.indirect.gather [spmem:s2], $0x40, s28, s30, $0xb8;
	[tilespmem:$0x1E500] =	vst v63  }
0xa9: {  	_ =	swait.ge [sflag:s12], $0x2000  }
0xaa: {  	[sflag:s12] =	ssyncset.done $0x0  }
0xab: {  	[sflag:s12] =	ssyncadd.s32 $0xFFFFE000  }
0xac: {  	[spmem:s3] =	stream.indirect.scatter.add.f32 [tilespmem:s18], [sflag:$0xB], $0x40, s13, s30, $0xb8;
	[tilespmem:$0x1E500] =	vst v63  }
.Ltmp3:
0xad: {  	_ = 	snop;
	(pc) =	sbr.rel .LBB2_2-.Ltmp3, $4  }
0xae: {  	_ =	swait.ge [sflag:s23], $0x2000  }
0xaf: {  	s11 =	sadd.s32 $0xA0, s11;
	[sflag:s23] =	ssyncset.done $0x0  }
0xb0: {  	s25 =	sadd.s32 $0x5, s25;
	s0 =	sadd.s32 $0x120, s24;
	[sflag:s23] =	ssyncadd.s32 $0xFFFFE000  }
0xb1: {  	[tilespmem:s29], [sflag:$0x5] =	stream.linear.gather [hbm4b:s0+s4], $0x100, $0x38;
	[tilespmem:$0x1E500] =	vst v63  }
.LBB2_4:
0xb2: {  	_ =	swait.ge [sflag:s8], $0x2000  }
0xb3: {  	[sflag:s8] =	ssyncset.done $0x0  }
0xb4: {  	[sflag:s8] =	ssyncadd.s32 $0xFFFFE000  }
0xb5: {  	[spmem:s3] =	stream.indirect.scatter.add.f32 [tilespmem:s6], [sflag:$0xB], $0x40, s10, s30, $0xb8;
	[tilespmem:$0x1E500] =	vst v63  }
0xb6: {  	_ =	swait.ge [sflag:s23], $0x2000  }
0xb7: {  	[sflag:s23] =	ssyncset.done $0x0  }
0xb8: {  	[sflag:s23] =	ssyncadd.s32 $0xFFFFE000  }
0xb9: {  	_ =	swait.ge [sflag:s12], $0x2000  }
0xba: {  	[sflag:s12] =	ssyncset.done $0x0  }
0xbb: {  	[sflag:s12] =	ssyncadd.s32 $0xFFFFE000  }
0xbc: {  	[spmem:s3] =	stream.indirect.scatter.add.f32 [tilespmem:s18], [sflag:$0xB], $0x40, s13, s30, $0xb8;
	[tilespmem:$0x1E500] =	vst v63  }
0xbd: {  	_ =	swait.ge [sflag:s23], $0x2000  }
0xbe: {  	[sflag:s23] =	ssyncset.done $0x0  }
0xbf: {  	[sflag:s23] =	ssyncadd.s32 $0xFFFFE000  }
0xc0: {  	[bflag:$0x0] =	sbarrier.arrive $0xFFFF  }
0xc1: {  	s0 =	rddreg [dreg:$0x10]  }
0xc2: {  	s15 =	rddreg [dreg:$0x14]  }
0xc3: {  	s22 =	rddreg [dreg:$0x15]  }
0xc4: {  	[hbm:s0], [sflag:s15] =	dma.local [spmem:s22], $0x1400  }
0xc5: {  	_ =	swait.ge [sflag:s23], $0x1400  }
0xc6: {  	[sflag:s23] =	ssyncset.done $0x0  }
0xc7: {  	[sflag:s23] =	ssyncadd.s32 $0xFFFFEC00  }
0xc8: {  	[bflag:$0x0] =	sbarrier.arrive $0xFFFF  }
0xc9: {  	s25 =	rddreg [dreg:$0x6]  }
0xca: {  	s11 =	rddreg [dreg:$0xe]  }
0xcb: {  	s14 =	rddreg [dreg:$0x12]  }
0xcc: {  	[spmem:s14], [sflag:s25] =	dma.local [hbm:s11], $0x1400  }
0xcd: {  	s0 =	rddreg [dreg:$0x8]  }
0xce: {  	[spmem:s22], [sflag:s15] =	dma.local [hbm:s0], $0x1400  }
0xcf: {  	_ =	swait.ge [sflag:s23], $0x1400  }
0xd0: {  	[sflag:s23] =	ssyncset.done $0x0  }
0xd1: {  	s11 =	simm.s32 $0x1;
	[sflag:s23] =	ssyncadd.s32 $0xFFFFEC00  }
0xd2: {  	_ =	swait.ge [sflag:s11], $0x1400  }
0xd3: {  	[sflag:s11] =	ssyncset.done $0x0  }
0xd4: {  	s25 =	simm.s32 $0x0;
	s15 =	rddreg [dreg:$0x9];
	[sflag:s11] =	ssyncadd.s32 $0xFFFFEC00  }
0xd5: {  	[tilespmem:s25], [sflag:$0x1] =	stream.linear.gather [hbm4b:s15+s25], $0x100, $0x38;
	[tilespmem:$0x1E500] =	vst v63  }
0xd6: {  	s14 =	simm.s32 $0x100;
	s22 =	rddreg [dreg:$0xa]  }
0xd7: {  	[tilespmem:s14], [sflag:$0x2] =	stream.linear.gather [hbm4b:s22+s25], $0x100, $0x38;
	[tilespmem:$0x1E500] =	vst v63  }
0xd8: {  	s24 =	rddreg [dreg:$0xb]  }
0xd9: {  	[tilespmem:s26], [sflag:$0x3] =	stream.linear.gather [hbm4b:s24+s25], $0x100, $0x38;
	[tilespmem:$0x1E500] =	vst v63  }
0xda: {  	s15 =	rddreg [dreg:$0xc]  }
0xdb: {  	[tilespmem:s28], [sflag:$0x4] =	stream.linear.gather [hbm4b:s15+s25], $0x100, $0x38;
	[tilespmem:$0x1E500] =	vst v63  }
0xdc: {  	s22 =	rddreg [dreg:$0xd]  }
0xdd: {  	[tilespmem:s29], [sflag:$0x5] =	stream.linear.gather [hbm4b:s22+s25], $0x100, $0x38;
	[tilespmem:$0x1E500] =	vst v63  }
0xde: {  	[bflag:$0x0] =	sbarrier.arrive $0xFFFF  }
0xdf: {  	_ =	swait.ge [sflag:s11], $0x100  }
0xe0: {  	[sflag:s11] =	ssyncset.done $0x0  }
0xe1: {  	[sflag:s11] =	ssyncadd.s32 $0xFFFFFF00;
	s11 =	simm.s32 $0x2  }
0xe2: {  	[tilespmem:s31], [sflag:$0x6] =	stream.indirect.gather [spmem:s2], $0x40, s25, s30, $0xb8;
	[tilespmem:$0x1E500] =	vst v63  }
0xe3: {  	_ =	swait.ge [sflag:s11], $0x100  }
0xe4: {  	[sflag:s11] =	ssyncset.done $0x0  }
0xe5: {  	s24 =	simm.s32 $0x2500;
	[sflag:s11] =	ssyncadd.s32 $0xFFFFFF00  }
0xe6: {  	[tilespmem:s24], [sflag:$0x7] =	stream.indirect.gather [spmem:s2], $0x40, s14, s30, $0xb8;
	[tilespmem:$0x1E500] =	vst v63  }
0xe7: {  	_ =	swait.ge [sflag:s1], $0x100  }
0xe8: {  	[sflag:s1] =	ssyncset.done $0x0  }
0xe9: {  	[sflag:s1] =	ssyncadd.s32 $0xFFFFFF00  }
0xea: {  	[tilespmem:s7], [sflag:$0x8] =	stream.indirect.gather [spmem:s2], $0x40, s26, s30, $0xb8;
	[tilespmem:$0x1E500] =	vst v63  }
0xeb: {  	_ =	swait.ge [sflag:s9], $0x100  }
0xec: {  	[sflag:s9] =	ssyncset.done $0x0  }
0xed: {  	[sflag:s9] =	ssyncadd.s32 $0xFFFFFF00  }
0xee: {  	[tilespmem:s6], [sflag:$0x9] =	stream.indirect.gather [spmem:s2], $0x40, s28, s30, $0xb8;
	[tilespmem:$0x1E500] =	vst v63  }
.LBB2_5:
0xef: {  	_ =	swait.ge [sflag:s17], $0x100  }
0xf0: {  	[sflag:s17] =	ssyncset.done $0x0  }
0xf1: {  	[sflag:s17] =	ssyncadd.s32 $0xFFFFFF00  }
0xf2: {  	[tilespmem:s18], [sflag:$0xA] =	stream.indirect.gather [spmem:s2], $0x40, s29, s30, $0xb8;
	[tilespmem:$0x1E500] =	vst v63  }
0xf3: {  	_ =	swait.ge [sflag:s19], $0x2000  }
0xf4: {  	[sflag:s19] =	ssyncset.done $0x0  }
0xf5: {  	[sflag:s19] =	ssyncadd.s32 $0xFFFFE000  }
0xf6: {  	[spmem:s3] =	stream.indirect.scatter.add.f32 [tilespmem:s31], [sflag:$0xB], $0x40, s30, s30, $0xb8;
	[tilespmem:$0x1E500] =	vst v63  }
0xf7: {  	_ =	swait.ge [sflag:s23], $0x2000  }
0xf8: {  	p0 =	seq.s32 s25, $0x960;
	[sflag:s23] =	ssyncset.done $0x0  }
0xf9: {  	s0 =	simm.s32 @p0 $0x7;
	[sflag:s23] =	ssyncadd.s32 $0xFFFFE000  }
0xfa: {  	_ =	swait.ge @p0 [sflag:s0], $0x2000  }
0xfb: {  	s14 =	simm.s32 @p0 $0x180;
	[sflag:s0] =	ssyncset.done @p0 $0x0  }
0xfc: {  	s15 =	simm.s32 @p0 $0x2500;
	[sflag:s0] =	ssyncadd.s32 @p0 $0xFFFFE000;
	s0 =	simm.s32 @p0 $0x80  }
0xfd: {  	[spmem:s3] =	stream.indirect.scatter.add.f32 @p0 [tilespmem:s15], [sflag:$0xB], $0x40, s14, s0, $0xb8;
	[tilespmem:$0x1E500] =	vst v63  }
0xfe: {  	s0 =	simm.s32 @p0 $0xB  }
0xff: {  	_ =	swait.ge @p0 [sflag:s0], $0x2000  }
0x100: {  	s14 =	sadd.s32 @!p0 s25, s21;
	[sflag:s0] =	ssyncset.done @p0 $0x0  }
0x101: {  	s15 =	simm.s32 @!p0 $0x0;
	[sflag:s0] =	ssyncadd.s32 @p0 $0xFFFFE000;
	s0 =	sadd.s32 @!p0 $0xA0, s14  }
0x102: {  	[tilespmem:s15], [sflag:$0x1] =	stream.linear.gather @!p0 [hbm4b:s0+s15], $0x100, $0x38;
	[tilespmem:$0x1E500] =	vst v63  }
0x103: {  	s0 =	simm.s32 @!p0 $0x1  }
0x104: {  	_ =	swait.ge @!p0 [sflag:s0], $0x100  }
0x105: {  	[sflag:s0] =	ssyncset.done @!p0 $0x0  }
0x106: {  	s22 =	simm.s32 @!p0 $0x500;
	[sflag:s0] =	ssyncadd.s32 @!p0 $0xFFFFFF00;
	s0 =	simm.s32 @!p0 $0x80  }
0x107: {  	[tilespmem:s22], [sflag:$0x6] =	stream.indirect.gather @!p0 [spmem:s2], $0x40, s15, s0, $0xb8;
	[tilespmem:$0x1E500] =	vst v63  }
0x108: {  	s22 =	simm.s32 @!p0 $0x7  }
0x109: {  	_ =	swait.ge @!p0 [sflag:s22], $0x2000  }
0x10a: {  	[sflag:s22] =	ssyncset.done @!p0 $0x0  }
0x10b: {  	s24 =	simm.s32 @!p0 $0x2500;
	[sflag:s22] =	ssyncadd.s32 @!p0 $0xFFFFE000;
	s22 =	simm.s32 @!p0 $0x180  }
0x10c: {  	[spmem:s3] =	stream.indirect.scatter.add.f32 @!p0 [tilespmem:s24], [sflag:$0xB], $0x40, s22, s0, $0xb8;
	[tilespmem:$0x1E500] =	vst v63  }
0x10d: {  	s22 =	simm.s32 @!p0 $0xB  }
0x10e: {  	_ =	swait.ge @!p0 [sflag:s22], $0x2000  }
0x10f: {  	[sflag:s22] =	ssyncset.done @!p0 $0x0  }
0x110: {  	s14 =	sadd.s32 @!p0 $0xC0, s14;
	[sflag:s22] =	ssyncadd.s32 @!p0 $0xFFFFE000;
	s22 =	simm.s32 @!p0 $0x100  }
0x111: {  	[tilespmem:s22], [sflag:$0x2] =	stream.linear.gather @!p0 [hbm4b:s14+s15], $0x100, $0x38;
	[tilespmem:$0x1E500] =	vst v63  }
0x112: {  	s14 =	simm.s32 @!p0 $0x2  }
0x113: {  	_ =	swait.ge @!p0 [sflag:s14], $0x100  }
0x114: {  	[sflag:s14] =	ssyncset.done @!p0 $0x0  }
0x115: {  	[sflag:s14] =	ssyncadd.s32 @!p0 $0xFFFFFF00  }
0x116: {  	[tilespmem:s24], [sflag:$0x7] =	stream.indirect.gather @!p0 [spmem:s2], $0x40, s22, s0, $0xb8;
	[tilespmem:$0x1E500] =	vst v63  }
0x117: {  	_ =	swait.ge [sflag:s20], $0x2000  }
0x118: {  	[sflag:s20] =	ssyncset.done $0x0  }
.Ltmp4:
0x119: {  	s24 =	simm.s32 $0x280;
	[sflag:s20] =	ssyncadd.s32 $0xFFFFE000;
	(pc) =	sbr.rel @p0 .LBB2_7-.Ltmp4, $4  }
0x11a: {  	[spmem:s3] =	stream.indirect.scatter.add.f32 [tilespmem:s7], [sflag:$0xB], $0x40, s24, s30, $0xb8;
	[tilespmem:$0x1E500] =	vst v63  }
0x11b: {  	_ =	swait.ge [sflag:s23], $0x2000  }
0x11c: {  	[sflag:s23] =	ssyncset.done $0x0  }
0x11d: {  	[sflag:s23] =	ssyncadd.s32 $0xFFFFE000  }
0x11e: {  	s0 =	smov.u32 s11  }
0x11f: {  	s0 =	simm.s32 @p0 $0x4D  }
0x120: {  	s0 =	sadd.s32 s5, s0  }
0x121: {  	s0 =	sshll.u32 s0, $0x5  }
0x122: {  	s0 =	sadd.s32 s0, s16  }
0x123: {  	[tilespmem:s26], [sflag:$0x3] =	stream.linear.gather [hbm4b:s0+s4], $0x100, $0x38;
	[tilespmem:$0x1E500] =	vst v63  }
0x124: {  	_ =	swait.ge [sflag:s1], $0x100  }
0x125: {  	[sflag:s1] =	ssyncset.done $0x0  }
0x126: {  	[sflag:s1] =	ssyncadd.s32 $0xFFFFFF00  }
0x127: {  	[tilespmem:s7], [sflag:$0x8] =	stream.indirect.gather [spmem:s2], $0x40, s26, s30, $0xb8;
	[tilespmem:$0x1E500] =	vst v63  }
0x128: {  	_ =	swait.ge [sflag:s8], $0x2000  }
0x129: {  	[sflag:s8] =	ssyncset.done $0x0  }
0x12a: {  	[sflag:s8] =	ssyncadd.s32 $0xFFFFE000  }
0x12b: {  	[spmem:s3] =	stream.indirect.scatter.add.f32 [tilespmem:s6], [sflag:$0xB], $0x40, s10, s30, $0xb8;
	[tilespmem:$0x1E500] =	vst v63  }
0x12c: {  	_ =	swait.ge [sflag:s23], $0x2000  }
0x12d: {  	s24 =	sadd.s32 s25, s21;
	[sflag:s23] =	ssyncset.done $0x0  }
0x12e: {  	s14 =	sadd.s32 $0x100, s24;
	[sflag:s23] =	ssyncadd.s32 $0xFFFFE000  }
0x12f: {  	[tilespmem:s28], [sflag:$0x4] =	stream.linear.gather [hbm4b:s14+s4], $0x100, $0x38;
	[tilespmem:$0x1E500] =	vst v63  }
0x130: {  	_ =	swait.ge [sflag:s9], $0x100  }
0x131: {  	[sflag:s9] =	ssyncset.done $0x0  }
0x132: {  	[sflag:s9] =	ssyncadd.s32 $0xFFFFFF00  }
0x133: {  	[tilespmem:s6], [sflag:$0x9] =	stream.indirect.gather [spmem:s2], $0x40, s28, s30, $0xb8;
	[tilespmem:$0x1E500] =	vst v63  }
0x134: {  	_ =	swait.ge [sflag:s12], $0x2000  }
0x135: {  	[sflag:s12] =	ssyncset.done $0x0  }
0x136: {  	[sflag:s12] =	ssyncadd.s32 $0xFFFFE000  }
0x137: {  	[spmem:s3] =	stream.indirect.scatter.add.f32 [tilespmem:s18], [sflag:$0xB], $0x40, s13, s30, $0xb8;
	[tilespmem:$0x1E500] =	vst v63  }
.Ltmp5:
0x138: {  	_ = 	snop;
	(pc) =	sbr.rel .LBB2_5-.Ltmp5, $4  }
0x139: {  	_ =	swait.ge [sflag:s23], $0x2000  }
0x13a: {  	s25 =	sadd.s32 $0xA0, s25;
	[sflag:s23] =	ssyncset.done $0x0  }
0x13b: {  	s11 =	sadd.s32 $0x5, s11;
	s0 =	sadd.s32 $0x120, s24;
	[sflag:s23] =	ssyncadd.s32 $0xFFFFE000  }
0x13c: {  	[tilespmem:s29], [sflag:$0x5] =	stream.linear.gather [hbm4b:s0+s4], $0x100, $0x38;
	[tilespmem:$0x1E500] =	vst v63  }
.LBB2_8:
0x13d: {  	_ =	sfence.sel $0x180000  }
0x13e: {  	[bflag:$0x0] =	sbarrier.arrive $0xFFFF  }
0x13f: {  	_ =	strace $0x9000004D  }
0x140: {  	s0 =	stileid.u32;
	[bflag:$0x2] =	sbarrier.arrive $0xFFFF  }
0x141: {  	p0 =	sne.s32 s0, $0x0;
	s0 =	rddreg [dreg:$0x3]  }
0x142: {  	s0 =	sadd.s32 @!p0 $0x100000, s0  }
0x143: {  	[sflag:s0] =	ssyncadd.tile.s32 @!p0 $0x1;
	_ =	shalt  }
.Lfunc_end2:
_tile_overlayer_lowered:
.L_overlay_start_2:
0x144: {  	(tag) =	ssettag $0x2  }
0x145: {  	s0 =	rddreg [dreg:$0x0];
	s2 =	stileid.u32  }
0x146: {  	s1 =	rddreg [dreg:$0x1];
	p0 =	sne.s32 s2, $0x0  }
0x147: {  	s3 =	rddreg [dreg:$0x2];
	[bflag:$0x3] =	sbarrier.arrive $0xFFFF;
	s2 =	simm.s32 @!p0 $0x1C0B  }
0x148: {  	[timem:s3], [sflag:s2] =	dma.local @!p0 [hbm:s0], s1  }
0x149: {  	s0 =	simm.s32 @!p0 $0xB  }
0x14a: {  	_ =	swait.ge @!p0 [sflag:s0], s1  }
0x14b: {  	s1 =	ssub.s32 @!p0 $0x0, s1;
	[sflag:s0] =	ssyncset.done @!p0 $0x0  }
0x14c: {  	[sflag:s0] =	ssyncadd.s32 @!p0 s1  }
0x14d: {  	[bflag:$0x3] =	sbarrier.arrive $0xFFFF  }
0x14e: {  	_ =	shalt  }

// kernel: kernel.9.cloned.1.call-start
scs
__scs_entry_jumppad:
0x0: {  	(pc) =	sbr.rel $0x88, $3  }
0x1: {  	(tag) =	ssettag $0x0;
	lr =	simm.s32 $0x1  }
0x2: {  	[smem:$0x3F9B] =	sst lr;
	_ =	strace $0xD0000000  }
0x3: {  	_ = 	snop  }
0x4: {  	_ = 	snop  }
0x5: {  	_ = 	snop  }
0x6: {  	_ = 	snop  }
0x7: {  	_ = 	snop  }
__scs_overlays_trampoline_lowered:
0x8: {  	[smem:$0x3FAA] =	sst s0  }
0x9: {  	[smem:$0x3FAB] =	sst s1  }
0xa: {  	[smem:$0x3FAC] =	sst s2  }
0xb: {  	[smem:$0x3FAD] =	sst s3  }
0xc: {  	[smem:$0x3FAE] =	sst s4  }
0xd: {  	[smem:$0x3FAF] =	sst s5  }
0xe: {  	[smem:$0x3FB0] =	sst s6  }
0xf: {  	[smem:$0x3FB1] =	sst s7  }
0x10: {  	[smem:$0x3FB2] =	sst s8  }
0x11: {  	[smem:$0x3FB3] =	sst s9;
	s0 =	simm.s32 @!p0 $0x0  }
0x12: {  	s1 =	sld [smem:$0x3F99];
	s0 =	simm.s32 @p0 $0x1  }
0x13: {  	[smem:$0x3FB4] =	sst s0;
	s0 =	simm.s32 @!p1 $0x0  }
0x14: {  	s2 =	sld [smem:$0x3F98];
	s0 =	simm.s32 @p1 $0x1  }
0x15: {  	[smem:$0x3FB5] =	sst s0;
	s0 =	simm.s32 @!p2 $0x0  }
0x16: {  	s3 =	sld [smem:$0x3FDB];
	s0 =	simm.s32 @p2 $0x1  }
0x17: {  	s4 =	simm.s32 $0x1BF5;
	[smem:$0x3FB7] =	sst s0  }
0x18: {  	s0 =	sld [smem:$0x3F9A];
	_ =	swait.ge [sflag:s4], $0x0  }
0x19: {  	s7 =	sld [smem:$0x3F9B]  }
0x1a: {  	s8 =	sadd.s32 $0xFFFFE003, lr  }
0x1b: {  	s9 =	sadd.s32 $0xFFFFFEF7, lr;
	s5 =	simm.s32 $0xFFFFFFFF;
	p2 =	slt.u32 s8, $0xFFFFF086  }
0x1c: {  	p1 =	slt.u32 s9, $0xF7A;
	s5 =	simm.s32 @!p2 $0x0  }
0x1d: {  	s5 =	simm.s32 @p1 $0x1;
	p0 =	seq.s32 s7, s2  }
0x1e: {  	s7 =	smul.u32 @!p0 $0xF7A, s2;
	p2 =	seq.s32 @!p0 s5, $0x0  }
0x1f: {  	s9 =	smul.u32 $0xF7A, s1;
	s8 =	simm.s32 @!p0 $0x1BF5;
	p2 =	por !p2, p0  }
0x20: {  	[sflag:s8] =	ssyncset.s32 @!p0 $0xFFFFF086;
	s6 =	sadd.s32 @!p0 s3, s7;
	s7 =	simm.s32 @!p0 $0x108  }
0x21: {  	s3 =	sadd.s32 s3, s9;
	s6 =	sadd.s32 @!p0 $0x88, s6;
	s7 =	simm.s32 @p2 $0x1082  }
0x22: {  	[simem:s7], [sflag:s8] =	dma.local @!p0 [hbm:s6], $0xF7A  }
0x23: {  	s9 =	sor.u32 $0xD0000000, s2;
	s6 =	simm.s32 $0x108;
	_ =	swait.ge @!p0 [sflag:s8], $0x0  }
0x24: {  	s3 =	sadd.s32 $0x88, s3;
	s6 =	simm.s32 @!p1 $0x1082;
	[sflag:s4] =	ssyncset.s32 $0xFFFFF086  }
0x25: {  	[simem:s6], [sflag:s4] =	dma.local [hbm:s3], $0xF7A  }
0x26: {  	[smem:$0x3F9B] =	sst s1;
	(tag) =	ssettag s2;
	_ =	strace s9  }
0x27: {  	s1 =	sld [smem:$0x3FAB]  }
0x28: {  	s2 =	sld [smem:$0x3FAC]  }
0x29: {  	s4 =	sld [smem:$0x3FAE]  }
0x2a: {  	p0 =	seq.s32 s5, $0x0;
	s5 =	sld [smem:$0x3FAF]  }
0x2b: {  	s6 =	sld [smem:$0x3FB0]  }
0x2c: {  	s7 =	sld [smem:$0x3FB1]  }
0x2d: {  	s3 =	simm.s32 $0x108;
	s8 =	sld [smem:$0x3FB2]  }
0x2e: {  	s3 =	simm.s32 @!p0 $0x1082;
	s9 =	sld [smem:$0x3FB3]  }
0x2f: {  	lr =	sadd.s32 s0, s3;
	s0 =	sld [smem:$0x3FAA]  }
0x30: {  	s3 =	sld [smem:$0x3FAD]  }
0x31: {  	[smem:$0x3FB6] =	sst s10  }
0x32: {  	s10 =	sld [smem:$0x3FB4];
	_ =	sdelay $0x3  }
0x33: {  	p0 =	seq.s32 s10, $0x1;
	s10 =	sld [smem:$0x3FB6];
	_ =	sdelay $0x3  }
0x34: {  	[smem:$0x3FB6] =	sst s10  }
0x35: {  	s10 =	sld [smem:$0x3FB5];
	_ =	sdelay $0x3  }
0x36: {  	p1 =	seq.s32 s10, $0x1;
	s10 =	sld [smem:$0x3FB6];
	_ =	sdelay $0x3  }
0x37: {  	[smem:$0x3FB6] =	sst s10  }
0x38: {  	s10 =	sld [smem:$0x3FB7]  }
0x39: {  	_ = 	snop;
	(pc) =	sbr.ind lr, $3  }
0x3a: {  	_ = 	snop  }
0x3b: {  	_ = 	snop  }
0x3c: {  	p2 =	seq.s32 s10, $0x1;
	s10 =	sld [smem:$0x3FB6]  }
0x3d: {  	_ =	shalt  }
0x3e: {  	_ =	shalt  }
0x3f: {  	_ =	shalt  }
0x40: {  	_ =	shalt  }
0x41: {  	_ =	shalt  }
0x42: {  	_ =	shalt  }
0x43: {  	_ =	shalt  }
0x44: {  	_ =	shalt  }
0x45: {  	_ =	shalt  }
0x46: {  	_ =	shalt  }
0x47: {  	_ =	shalt  }
0x48: {  	_ =	shalt  }
0x49: {  	_ =	shalt  }
0x4a: {  	_ =	shalt  }
0x4b: {  	_ =	shalt  }
0x4c: {  	_ =	shalt  }
0x4d: {  	_ =	shalt  }
0x4e: {  	_ =	shalt  }
0x4f: {  	_ =	shalt  }
0x50: {  	_ =	shalt  }
0x51: {  	_ =	shalt  }
0x52: {  	_ =	shalt  }
0x53: {  	_ =	shalt  }
0x54: {  	_ =	shalt  }
0x55: {  	_ =	shalt  }
0x56: {  	_ =	shalt  }
0x57: {  	_ =	shalt  }
0x58: {  	_ =	shalt  }
0x59: {  	_ =	shalt  }
0x5a: {  	_ =	shalt  }
0x5b: {  	_ =	shalt  }
0x5c: {  	_ =	shalt  }
0x5d: {  	_ =	shalt  }
0x5e: {  	_ =	shalt  }
0x5f: {  	_ =	shalt  }
0x60: {  	_ =	shalt  }
0x61: {  	_ =	shalt  }
0x62: {  	_ =	shalt  }
0x63: {  	_ =	shalt  }
0x64: {  	_ =	shalt  }
0x65: {  	_ =	shalt  }
0x66: {  	_ =	shalt  }
0x67: {  	_ =	shalt  }
0x68: {  	_ =	shalt  }
0x69: {  	_ =	shalt  }
0x6a: {  	_ =	shalt  }
0x6b: {  	_ =	shalt  }
0x6c: {  	_ =	shalt  }
0x6d: {  	_ =	shalt  }
0x6e: {  	_ =	shalt  }
0x6f: {  	_ =	shalt  }
0x70: {  	_ =	shalt  }
0x71: {  	_ =	shalt  }
0x72: {  	_ =	shalt  }
0x73: {  	_ =	shalt  }
0x74: {  	_ =	shalt  }
0x75: {  	_ =	shalt  }
0x76: {  	_ =	shalt  }
0x77: {  	_ =	shalt  }
0x78: {  	_ =	shalt  }
0x79: {  	_ =	shalt  }
0x7a: {  	_ =	shalt  }
0x7b: {  	_ =	shalt  }
0x7c: {  	_ =	shalt  }
0x7d: {  	_ =	shalt  }
0x7e: {  	_ =	shalt  }
0x7f: {  	_ =	shalt  }
0x80: {  	_ =	shalt  }
0x81: {  	_ =	shalt  }
0x82: {  	_ =	shalt  }
0x83: {  	_ =	shalt  }
0x84: {  	_ =	shalt  }
0x85: {  	_ =	shalt  }
0x86: {  	_ =	shalt  }
0x87: {  	_ =	shalt  }
.Lfunc_end0:
.L_simem_size_0:
called_computation_lowered:
.L_overlay_start_0:
0x88: {  	s2 =	sld [smem:$0x3FD9]  }
0x89: {  	s3 =	sld [smem:$0x3FFE];
	_ =	sdelay $0x1  }
0x8a: {  	s1 =	srdreg.scid  }
0x8b: {  	s0 =	sand.u32 $0x1, s1  }
0x8c: {  	s17 =	sshll.u32 s0, $0xA;
	s2 =	sadd.s32 s3, s2  }
0x8d: {  	s2 =	sadd.s32 s2, s17  }
0x8e: {  	[smem:$0x3FC2] =	sst s2  }
0x8f: {  	_ = 	snop  }
0x90: {  	s2 =	sld [smem:$0x3FD0];
	(tm) =	ssettm $0x1  }
0x91: {  	s18 =	sld [smem:$0x3FFB];
	_ =	sdelay $0x3  }
0x92: {  	_ =	strace s18  }
0x93: {  	s3 =	sld [smem:$0x3FFC];
	_ =	sdelay $0x3  }
0x94: {  	_ =	strace s3  }
0x95: {  	s3 =	sld [smem:$0x3FFD];
	_ =	sdelay $0x3  }
0x96: {  	_ =	strace s3  }
0x97: {  	_ =	strace $0x8FFFFFFF  }
0x98: {  	s19 =	sld [smem:$0x3FDB];
	_ =	sdelay $0x1  }
0x99: {  	s4 =	simm.s32 $_scs_section_size  }
0x9a: {  	s5 =	simm.s32 $_size__tile_overlayer_lowered;
	s6 =	simm.s32 $_tile_overlayer_lowered  }
0x9b: {  	s22 =	simm.s32 $0x1BFF;
	s21 =	sshll.u32 s6, $0x1;
	s3 =	sadd.s32 s4, s19  }
0x9c: {  	s7 =	simm.s32 $0x0;
	s20 =	sshll.u32 s5, $0x1;
	s5 =	sadd.s32 s21, s3  }
0x9d: {  	[timem:s7], [sflag:s22] =	dma.local [hbm:s5], s20  }
0x9e: {  	_ =	swait.ge [sflag:s22], s20  }
0x9f: {  	s4 =	ssub.s32 $0x0, s20;
	[sflag:s22] =	ssyncset.done $0x0  }
0xa0: {  	[sflag:s22] =	ssyncadd.s32 s4;
	_ =	sdelay $0x1  }
0xa1: {  	s23 =	simm.s32 $0x1B8B  }
0xa2: {  	_ =	swait.ge [sflag:s23], $0x1  }
0xa3: {  	[sflag:s23] =	ssyncset.done $0x0  }
0xa4: {  	s25 =	simm.s32 $0x1B8E;
	s24 =	sld [smem:$0x3FFE];
	[sflag:s23] =	ssyncadd.s32 $0xFFFFFFFF  }
0xa5: {  	s26 =	simm.s32 $execute0_lowered;
	[smem:$0x3FD2] =	sst s25  }
0xa6: {  	s5 =	sshll.u32 s26, $0x1;
	_ =	strace $0x80000046;
	[dreg:$0x1] =	wrdreg $0xFFFFFFFF  }
0xa7: {  	s28 =	simm.s32 $_size_execute0_lowered;
	s3 =	sadd.s32 s3, s5;
	[dreg:$0x0] =	wrdreg $0x0  }
0xa8: {  	s5 =	sshll.u32 s28, $0x1;
	[dreg:$0x2] =	wrdreg s3  }
0xa9: {  	[dreg:$0x3] =	wrdreg s5  }
0xaa: {  	[dreg:$0x4] =	wrdreg $0xC0  }
0xab: {  	_ =	task [dreg:s7], $0x5FFFF  }
0xac: {  	[dreg:$0x1] =	wrdreg $0xFFFFFFFF  }
0xad: {  	[dreg:$0x0] =	wrdreg $0x60  }
0xae: {  	[dreg:$0x2] =	wrdreg s2  }
0xaf: {  	[dreg:$0x3] =	wrdreg s24  }
0xb0: {  	[dreg:$0x4] =	wrdreg $0x9  }
0xb1: {  	_ =	task.clear_ibuf [dreg:s7], $0x5FFFF;
	_ =	strace $0x90000046  }
0xb2: {  	s29 =	simm.s32 $0x9;
	_ =	strace $0x80000048  }
0xb3: {  	_ =	swait.ge [sflag:s29], $0x1  }
0xb4: {  	[sflag:s29] =	ssyncadd.s32 $0xFFFFFFFF  }
0xb5: {  	_ =	strace $0x90000048  }
0xb6: {  	_ =	sfence  }
0xb7: {  	s30 =	sld [smem:$0x0];
	_ =	sdelay $0x2  }
0xb8: {  	s31 =	sshll.u32 s1, $0xD;
	s1 =	sshrl.u32 s1, $0x2  }
0xb9: {  	s3 =	sand.u32 $0x4000, s31;
	s1 =	sadd.s32 s1, s30  }
0xba: {  	s0 =	sor.u32 s3, s0;
	s1 =	sshll.u32 s1, $0x11  }
0xbb: {  	s0 =	sor.u32 s1, s0  }
0xbc: {  	s0 =	sadd.s32 $0x8F2B, s0  }
0xbd: {  	[sflag:s0] =	ssyncadd.remote.s32 $0x1  }
0xbe: {  	_ =	sfence.sel $0xFFFF  }
0xbf: {  	[dreg:$0x0] =	wrdreg $0xFFFFFFFF;
	(pc) =	sbr.abs _section_cstart, $3  }
0xc0: {  	[dreg:$0x1] =	wrdreg $0xFFFFFFFF  }
0xc1: {  	_ =	task.clear_ibuf [dreg:s7], $0x2FFFF;
	_ =	strace $0x9FFFFFFF  }
0xc2: {  	(tm) =	ssettm $0x7FFFFFFF  }
0xc3: {  	_ =	shalt  }
tec
execute0_lowered:
.L_overlay_start_1:
0x0: {  	(tag) =	ssettag $0x1  }
0x1: {  	s3 =	rddreg [dreg:$0x0];
	s1 =	srdreg.scid  }
0x2: {  	s0 =	stileid.u32;
	s4 =	rddreg [dreg:$0x1]  }
0x3: {  	s8 =	simm.s32 $0x0;
	s5 =	sand.u32 $0x1, s1;
	s2 =	sshll.u32 s0, $0x1  }
0x4: {  	s6 =	sor.u32 s5, s2;
	s2 =	simm.s32 $0x0;
	s5 =	ssub.s32 $0x2, s5  }
0x5: {  	s6 =	smul.u32 $0x500, s6;
	[smem:$0x7FF] =	sst s2;
	s7 =	sshrl.u32 s5, $0x1  }
0x6: {  	s1 =	rddreg [dreg:$0x2];
	_ =	strace $0x80000047;
	s5 =	ssub.s32 s5, s7  }
0x7: {  	s7 =	simm.s32 $0x1;
	s4 =	sadd.s32 s6, s4;
	s3 =	sadd.s32 s3, s6  }
0x8: {  	v0 =	vimm.f32 $0.0e+00;
	v1 =	vimm.f32 $1.000000000e+00;
	s5 =	smax.u32 s5, $0x1;
	s6 =	simm.s32 $0x2800;
	s4 =	sadd.s32 $0x3C00, s4  }
.LBB2_1:
0x9: {  	s9 =	simm.s32 $0x40;
	s10 =	simm.s32 $0x0  }
.LBB2_2:
0xa: {  	p0 =	sne.s32 s9, $0x9FC0;
	[tilespmem:s10+$0x0] =	vst v0;
	s10 =	smov.u32 s9;
	s9 =	sadd.s32 $0x40, s9  }
.Ltmp0:
0xb: {  	(pc) =	sbr.rel @p0 .LBB2_2-.Ltmp0, $2  }
0xc: {  	_ =	sdelay $0x2  }
0xd: {  	s10 =	sshra.s32 s10, $0x2  }
0xe: {  	[tilespmem:s10+$0x0] =	vst v0;
	s9 =	simm.s32 $0x0  }
0xf: {  	[tilespmem:s6], [sflag:$0x1] =	stream.linear.gather [hbm4b:s3+s9], $0x2800, $0x38;
	[tilespmem:$0x5000] =	vst v63  }
0x10: {  	_ =	swait.ge [sflag:s7], $0x2800  }
0x11: {  	[sflag:s7] =	ssyncset.done $0x0  }
0x12: {  	s10 =	simm.s32 $0x0;
	s9 =	simm.s32 $0x40;
	[sflag:s7] =	ssyncadd.s32 $0xFFFFD800  }
.LBB2_4:
0x13: {  	p0 =	sne.s32 s9, $0x9FC0;
	v2 =	vld [tilespmem:s10+$0x2800];
	_ =	sdelay $0x3  }
.Ltmp1:
0x14: {  	(pc) =	sbr.rel @p0 .LBB2_4-.Ltmp1, $2  }
0x15: {  	_ =	sdelay $0x2  }
0x16: {  	s10 =	sshra.s32 s9, $0x2;
	s9 =	sadd.s32 $0x40, s9;
	[tilespmem:v2+s2+$0x0] =	vst.idx.add.f32.msk $0xffff, v1  }
0x17: {  	v2 =	vld [tilespmem:s10+$0x2800];
	_ =	sdelay $0x5  }
0x18: {  	s8 =	sadd.s32 $0x1, s8  }
0x19: {  	p0 =	sne.s32 s8, s5  }
.Ltmp2:
0x1a: {  	[tilespmem:v2+s2+$0x0] =	vst.idx.add.f32.msk $0xffff, v1;
	(pc) =	sbr.rel @p0 .LBB2_1-.Ltmp2, $4  }
0x1b: {  	[hbm4b:s4+s2] =	stream.linear.scatter [tilespmem:s2], [sflag:$0x1], $0x2800, $0x38;
	[tilespmem:$0x5000] =	vst v63  }
0x1c: {  	_ =	swait.ge [sflag:s7], $0x2800  }
0x1d: {  	[sflag:s7] =	ssyncset.done $0x0  }
0x1e: {  	[sflag:s7] =	ssyncadd.s32 $0xFFFFD800  }
0x1f: {  	_ =	sfence.sel $0x180000  }
0x20: {  	[bflag:$0x0] =	sbarrier.arrive $0xFFFF  }
0x21: {  	p0 =	sne.s32 s0, $0x0;
	_ =	strace $0x90000047  }
0x22: {  	s0 =	sadd.s32 @!p0 $0x100000, s1;
	[bflag:$0x2] =	sbarrier.arrive $0xFFFF  }
0x23: {  	[sflag:s0] =	ssyncadd.tile.s32 @!p0 $0x1;
	_ =	shalt  }
.Lfunc_end2:
_tile_overlayer_lowered:
.L_overlay_start_2:
0x24: {  	(tag) =	ssettag $0x2  }
0x25: {  	s0 =	rddreg [dreg:$0x0];
	s2 =	stileid.u32  }
0x26: {  	s1 =	rddreg [dreg:$0x1];
	p0 =	sne.s32 s2, $0x0  }
0x27: {  	s3 =	rddreg [dreg:$0x2];
	[bflag:$0x3] =	sbarrier.arrive $0xFFFF;
	s2 =	simm.s32 @!p0 $0x1C01  }
0x28: {  	[timem:s3], [sflag:s2] =	dma.local @!p0 [hbm:s0], s1  }
0x29: {  	s0 =	simm.s32 @!p0 $0x1  }
0x2a: {  	_ =	swait.ge @!p0 [sflag:s0], s1  }
0x2b: {  	s1 =	ssub.s32 @!p0 $0x0, s1;
	[sflag:s0] =	ssyncset.done @!p0 $0x0  }
0x2c: {  	[sflag:s0] =	ssyncadd.s32 @!p0 s1  }
0x2d: {  	[bflag:$0x3] =	sbarrier.arrive $0xFFFF  }
0x2e: {  	_ =	shalt  }

</sc_bundles>
